<compile_context>
chip_gen: v7x
topology: tpu7x:2x2x1
jax: 0.10.2.dev20260603
libtpu: 0.0.44.dev20260713+nightly
codegen_flags: <defaults>
</compile_context>

<pallas_src>
import functools

import jax
import jax.numpy as jnp
from jax import lax
from jax.experimental import pallas as pl
from jax.experimental.pallas import tpu as pltpu
from jax.experimental.pallas import tpu_sc as plsc

N = 10000
H = 128
E = 320000
NC = 2
NS = 16
B = 80
C = E // (NC * NS * B)
NP = 10240
RPT = NP // NS
DW = 8
HALF = NP // 2
ACCR = HALF + 8
RPC = HALF // NS

_mesh = plsc.VectorSubcoreMesh(core_axis_name="c", subcore_axis_name="s")



C2 = E // (NS * B)


def _sc_degree_body(idx_hbm, out_hbm, hist, idx_v):
    c = lax.axis_index("c")
    s = lax.axis_index("s")

    def per_array(t, _):
        def zfill(i, __):
            hist[pl.ds(i * 16, 16)] = jnp.zeros((16,), jnp.float32)
            return __
        lax.fori_loop(0, NP // 16, zfill, 0)

        pltpu.sync_copy(idx_hbm.at[2 * c + t].at[s], idx_v)
        ones16 = jnp.ones((16,), jnp.float32)

        def count(i, __):
            j = i // (B // 16)
            k = i % (B // 16)
            v = idx_v[j, pl.ds(k * 16, 16)]
            plsc.addupdate_scatter(hist, [v], ones16)
            return __
        lax.fori_loop(0, C2 * (B // 16), count, 0)
        pltpu.sync_copy(hist, out_hbm.at[2 * c + t].at[s])
        return _
    lax.fori_loop(0, 2, per_array, 0)


@functools.partial(
    pl.kernel,
    out_type=jax.ShapeDtypeStruct((4, NS, NP), jnp.float32),
    mesh=_mesh,
    scratch_types=[
        pltpu.VMEM((NP,), jnp.float32),
        pltpu.VMEM((C2, B), jnp.int32),
    ],
    compiler_params=pltpu.CompilerParams(needs_layout_passes=False),
)
def _sc_degrees(idx_hbm, out_hbm, hist, idx_v):
    _sc_degree_body(idx_hbm, out_hbm, hist, idx_v)


def _degscale_body(dh_ref, i_ref, o_ref):
    d = jnp.sum(dh_ref[...], axis=1)
    sc = lax.rsqrt(jnp.maximum(d, 1.0))
    eye = i_ref[...]
    for a in range(4):
        col = lax.dot_general(eye, sc[a:a + 1, :], (((1,), (1,)), ((), ())),
                              preferred_element_type=jnp.float32)
        o_ref[a] = jnp.broadcast_to(col, (128, DW))


def _tc_degscale(dh, eye):
    return pl.pallas_call(
        _degscale_body,
        grid=(NP // 128,),
        in_specs=[
            pl.BlockSpec((4, NS, 128), lambda i: (0, 0, i)),
            pl.BlockSpec((128, 128), lambda i: (0, 0)),
        ],
        out_specs=pl.BlockSpec((4, 128, DW), lambda i: (0, i, 0)),
        out_shape=jax.ShapeDtypeStruct((4, NP, DW), jnp.float32),
    )(dh, eye)


ZR = 8


EPT = E // (NC * NS)
BL = 128
LB = 10496


def _sc_conv_body(table_hbm, src_hbm, dst_hbm, out_hbm, idx_s, idx_d,
                  src_c, dst_c, rows, zb, gsem, ssem, acc):
    c = lax.axis_index("c")
    s = lax.axis_index("s")
    base = s * RPC

    def zr(r, _):
        def zc(k, __):
            zb[r, pl.ds(k * 16, 16)] = jnp.zeros((16,), jnp.float32)
            return __
        return lax.fori_loop(0, H // 16, zc, _)
    lax.fori_loop(0, ZR, zr, 0)

    pltpu.sync_copy(src_hbm.at[c].at[s], idx_s)
    pltpu.sync_copy(dst_hbm.at[c].at[s], idx_d)

    def pfill(i, _):
        src_c[pl.ds(i * 16, 16)] = jnp.zeros((16,), jnp.int32)
        dst_c[pl.ds(i * 16, 16)] = jnp.full((16,), HALF, jnp.int32)
        return _
    lax.fori_loop(0, LB // 16, pfill, 0)

    def cnt(i, off):
        j = i // (B // 16)
        k = i % (B // 16)
        dv = idx_d[j, pl.ds(k * 16, 16)]
        return off + jnp.sum((dv < HALF).astype(jnp.int32))
    n_lo = lax.fori_loop(0, C * (B // 16), cnt, 0)
    hb = pl.multiple_of(((n_lo + 16 + BL - 1) // BL) * BL, BL)

    def compact(i, offs):
        off_lo, off_hi = offs
        j = i // (B // 16)
        k = i % (B // 16)
        sv = idx_s[j, pl.ds(k * 16, 16)]
        dv = idx_d[j, pl.ds(k * 16, 16)]
        m_lo = dv < HALF
        plsc.store_compressed(src_c.at[pl.ds(off_lo, 16)], sv, mask=m_lo)
        plsc.store_compressed(dst_c.at[pl.ds(off_lo, 16)], dv, mask=m_lo)
        m_hi = jnp.logical_not(m_lo)
        plsc.store_compressed(src_c.at[pl.ds(off_hi, 16)], sv, mask=m_hi)
        plsc.store_compressed(dst_c.at[pl.ds(off_hi, 16)], dv - HALF,
                              mask=m_hi)
        n = jnp.sum(m_lo.astype(jnp.int32))
        return off_lo + n, off_hi + (16 - n)
    off_lo_f, off_hi_f = lax.fori_loop(0, C * (B // 16), compact, (0, hb))
    n_hi = off_hi_f - hb

    @pl.when(off_lo_f < hb)
    def _pt1():
        src_c[pl.ds(off_lo_f, 16)] = jnp.zeros((16,), jnp.int32)
        dst_c[pl.ds(off_lo_f, 16)] = jnp.full((16,), HALF, jnp.int32)

    src_c[pl.ds(off_hi_f, 16)] = jnp.zeros((16,), jnp.int32)
    dst_c[pl.ds(off_hi_f, 16)] = jnp.full((16,), HALF, jnp.int32)

    for p, nb in ((0, jnp.int32(0)), (1, hb)):
        n_p = jnp.where(p == 0, n_lo, n_hi)
        def zcp(k, __):
            pltpu.sync_copy(zb, acc.at[pl.ds(base + k * ZR, ZR)])
            return __
        lax.fori_loop(0, RPC // ZR, zcp, 0)

        @pl.when(s == 0)
        def _zt():
            pltpu.sync_copy(zb.at[pl.ds(0, 8)], acc.at[pl.ds(HALF, 8)])
        plsc.subcore_barrier()

        n_chunks = (n_p + BL - 1) // BL

        def gwin(j):
            return pl.multiple_of(nb + j * BL, BL)

        def g_cp(j, slot):
            return pltpu.make_async_copy(
                table_hbm.at[src_c.at[pl.ds(gwin(j), BL)]],
                rows.at[slot], gsem)

        def s_cp(j, slot):
            return pltpu.make_async_copy(
                rows.at[slot],
                acc.at[dst_c.at[pl.ds(gwin(j), BL)]], ssem)

        @pl.when(n_chunks > 0)
        def _pro0():
            g_cp(0, 0).start()

        def chunk(j, __):
            slot = lax.rem(j, 2)
            g_cp(j, slot).wait()
            pltpu.async_copy(rows.at[slot],
                             acc.at[dst_c.at[pl.ds(gwin(j), BL)]], ssem,
                             add=True)

            @pl.when(j >= 1)
            def _ws():
                s_cp(j - 1, lax.rem(j - 1, 2)).wait()

            @pl.when(j + 1 < n_chunks)
            def _nx():
                g_cp(j + 1, lax.rem(j + 1, 2)).start()
            return __
        lax.fori_loop(0, n_chunks, chunk, 0)

        @pl.when(n_chunks > 0)
        def _wlast():
            s_cp(n_chunks - 1, lax.rem(n_chunks - 1, 2)).wait()
        plsc.subcore_barrier()

        pltpu.sync_copy(acc.at[pl.ds(base, RPC)],
                        out_hbm.at[c].at[pl.ds(p * HALF + base, RPC)])
        plsc.subcore_barrier()


@functools.partial(
    pl.kernel,
    out_type=jax.ShapeDtypeStruct((NC, NP, H), jnp.float32),
    mesh=_mesh,
    scratch_types=[
        pltpu.VMEM((C, B), jnp.int32),
        pltpu.VMEM((C, B), jnp.int32),
        pltpu.VMEM((LB,), jnp.int32),
        pltpu.VMEM((LB,), jnp.int32),
        pltpu.VMEM((2, BL, H), jnp.float32),
        pltpu.VMEM((ZR, H), jnp.float32),
        pltpu.SemaphoreType.DMA,
        pltpu.SemaphoreType.DMA,
        pltpu.VMEM_SHARED((ACCR, H), jnp.float32),
    ],
    compiler_params=pltpu.CompilerParams(needs_layout_passes=False),
)
def _sc_conv(table_hbm, src_hbm, dst_hbm, out_hbm, idx_s, idx_d, src_c,
             dst_c, rows, zb, gsem, ssem, acc):
    _sc_conv_body(table_hbm, src_hbm, dst_hbm, out_hbm, idx_s, idx_d,
                  src_c, dst_c, rows, zb, gsem, ssem, acc)



_INV_SQRT2 = 0.7071067811865476


def _gelu(x):
    return 0.5 * x * (1.0 + lax.erf(x * _INV_SQRT2))


def _ln(x, g, b):
    mu = jnp.mean(x, axis=-1, keepdims=True)
    d = x - mu
    var = jnp.mean(d * d, axis=-1, keepdims=True)
    return d * lax.rsqrt(var + 1e-5) * g + b


def _scale_col(d_ref):
    return d_ref[:, :1]


NB = 2000


def _prep_body(x_ref, d_ref, o_ref):
    o_ref[...] = x_ref[...] * _scale_col(d_ref)


def _tc_prep(x, d_so):
    return pl.pallas_call(
        _prep_body,
        grid=(N // NB,),
        in_specs=[
            pl.BlockSpec((NB, H), lambda i: (i, 0)),
            pl.BlockSpec((NB, DW), lambda i: (i, 0)),
        ],
        out_specs=pl.BlockSpec((NB, H), lambda i: (i, 0)),
        out_shape=jax.ShapeDtypeStruct((N, H), jnp.float32),
    )(x, d_so)


def _mid_body(p_ref, dsi_ref, dso_ref, w_ref, b_ref, g_ref, be_ref, o_ref):
    agg = (p_ref[0] + p_ref[1]) * _scale_col(dsi_ref)
    z = jnp.dot(agg, w_ref[...], preferred_element_type=jnp.float32)
    y = _ln(_gelu(z + b_ref[...]), g_ref[...], be_ref[...])
    o_ref[...] = y * _scale_col(dso_ref)


def _tc_mid(p, d_si, d_so, w, b, g, be):
    vec = pl.BlockSpec((1, H), lambda i: (0, 0))
    deg = pl.BlockSpec((NB, DW), lambda i: (i, 0))
    return pl.pallas_call(
        _mid_body,
        grid=(N // NB,),
        in_specs=[
            pl.BlockSpec((NC, NB, H), lambda i: (0, i, 0)),
            deg,
            deg,
            pl.BlockSpec((H, H), lambda i: (0, 0)),
            vec, vec, vec,
        ],
        out_specs=pl.BlockSpec((NB, H), lambda i: (i, 0)),
        out_shape=jax.ShapeDtypeStruct((N, H), jnp.float32),
    )(p, d_si, d_so, w, b, g, be)


def _head_body(p_ref, dsi_ref, w2_ref, b2_ref, g_ref, be_ref, bg_ref, bb_ref,
               w3_ref, b3_ref, w4_ref, b4_ref, o_ref):
    agg = (p_ref[0] + p_ref[1]) * _scale_col(dsi_ref)
    z = jnp.dot(agg, w2_ref[...], preferred_element_type=jnp.float32)
    c2 = _ln(_gelu(z + b2_ref[...]), g_ref[...], be_ref[...])
    mu = jnp.mean(c2, axis=0, keepdims=True)
    d = c2 - mu
    var = jnp.mean(d * d, axis=0, keepdims=True)
    h = d * lax.rsqrt(var + 1e-5) * bg_ref[...] + bb_ref[...]
    h = _gelu(jnp.dot(h, w3_ref[...], preferred_element_type=jnp.float32)
              + b3_ref[...])
    o_ref[...] = (jnp.dot(h, w4_ref[...], preferred_element_type=jnp.float32)
                  + b4_ref[...])


def _tc_head(p, d_si, w2, b2, g, be, bg, bb, w3, b3, w4, b4):
    return pl.pallas_call(
        _head_body,
        out_shape=jax.ShapeDtypeStruct((N, H), jnp.float32),
    )(p, d_si, w2, b2, g, be, bg, bb, w3, b3, w4, b4)



def kernel(x_claim, x_user, edge_u2c, edge_c2u, W1_u2c, b1_u2c, W1_c2u,
           b1_c2u, W2_u2c, b2_u2c, W2_c2u, b2_c2u, ln_g, ln_b, bn_g, bn_b,
           lin1_W, lin1_b, lin2_W, lin2_b):
    e_u2c = edge_u2c.astype(jnp.int32)
    e_c2u = edge_c2u.astype(jnp.int32)

    idx4 = jnp.stack([e_c2u[0], e_c2u[1], e_u2c[0], e_u2c[1]])
    idx4 = idx4.reshape(4, NS, C2, B)
    dh = _sc_degrees(idx4)
    scales = _tc_degscale(dh, jnp.eye(128, dtype=jnp.float32))
    d_so_c = scales[0, :N]
    d_si_u = scales[1, :N]
    d_so_u = scales[2, :N]
    d_si_c = scales[3, :N]

    row = lambda v: v.reshape(1, H)

    h1 = _tc_prep(x_claim, d_so_c)
    p1 = _sc_conv(h1, e_c2u[0].reshape(NC, NS, C, B),
                  e_c2u[1].reshape(NC, NS, C, B))[:, :N]
    h2 = _tc_mid(p1, d_si_u, d_so_u, W1_c2u, row(b1_c2u), row(ln_g),
                 row(ln_b))

    p2 = _sc_conv(h2, e_u2c[0].reshape(NC, NS, C, B),
                  e_u2c[1].reshape(NC, NS, C, B))[:, :N]
    w4 = jnp.pad(lin2_W, ((0, 0), (0, H - 1)))
    b4 = jnp.pad(lin2_b, (0, H - 1)).reshape(1, H)
    out = _tc_head(p2, d_si_c, W2_u2c, row(b2_u2c), row(ln_g), row(ln_b),
                   row(bn_g), row(bn_b), lin1_W, row(lin1_b), w4, b4)
    return out[:, :1]

# --- scband reference (transcript-rebuilt; emitter-appended) ---
"""Pipeline reference for scband-hetero-graph-gcn-33208687133107 (READ-ONLY COPY).

The authoritative reference and input builder live on the scoring server;
editing this copy changes nothing except your own understanding.
"""

import jax, jax.numpy as jnp
import numpy as np

N_CLAIM = 10000
N_USER = 10000
E = 320000
H = 128


def _layer_norm(x, g, b, eps=1e-5):
    mu = jnp.mean(x, axis=-1, keepdims=True)
    var = jnp.var(x, axis=-1, keepdims=True)
    return (x - mu) / jnp.sqrt(var + eps) * g + b


def _batch_norm(x, g, b, eps=1e-5):
    mu = jnp.mean(x, axis=0)
    var = jnp.var(x, axis=0)
    return (x - mu) / jnp.sqrt(var + eps) * g + b


def _graph_conv(x_src, src, dst, n_src, n_dst, W, b):
    # DGL GraphConv with norm='both' and GELU activation
    deg_out = jnp.maximum(jnp.bincount(src, length=n_src), 1).astype(x_src.dtype)
    h = x_src * (deg_out ** -0.5)[:, None]
    agg = jax.ops.segment_sum(h[src], dst, num_segments=n_dst)
    deg_in = jnp.maximum(jnp.bincount(dst, length=n_dst), 1).astype(x_src.dtype)
    agg = agg * (deg_in ** -0.5)[:, None]
    return jax.nn.gelu(agg @ W + b, approximate=False)


def setup_inputs(seed: int = 0):
    key = jax.random.key(seed)
    ks = jax.random.split(key, 12)
    s = 1.0 / np.sqrt(H)
    inp = {}
    inp['x_claim'] = jax.random.normal(ks[0], (N_CLAIM, H), jnp.float32)
    inp['x_user'] = jax.random.normal(ks[1], (N_USER, H), jnp.float32)
    # row 0 = src ids (in src-type range), row 1 = dst ids (in dst-type range)
    inp['edge_u2c'] = jax.random.randint(ks[2], (2, E), 0, N_USER)
    inp['edge_c2u'] = jax.random.randint(ks[3], (2, E), 0, N_CLAIM)
    inp['W1_u2c'] = jax.random.normal(ks[4], (H, H), jnp.float32) * s
    inp['b1_u2c'] = jnp.zeros((H,), jnp.float32)
    inp['W1_c2u'] = jax.random.normal(ks[5], (H, H), jnp.float32) * s
    inp['b1_c2u'] = jnp.zeros((H,), jnp.float32)
    inp['W2_u2c'] = jax.random.normal(ks[6], (H, H), jnp.float32) * s
    inp['b2_u2c'] = jnp.zeros((H,), jnp.float32)
    inp['W2_c2u'] = jax.random.normal(ks[7], (H, H), jnp.float32) * s
    inp['b2_c2u'] = jnp.zeros((H,), jnp.float32)
    inp['ln_g'] = jnp.ones((H,), jnp.float32)
    inp['ln_b'] = jnp.zeros((H,), jnp.float32)
    inp['bn_g'] = jnp.ones((H,), jnp.float32)
    inp['bn_b'] = jnp.zeros((H,), jnp.float32)
    inp['lin1_W'] = jax.random.normal(ks[8], (H, H), jnp.float32) * s
    inp['lin1_b'] = jnp.zeros((H,), jnp.float32)
    inp['lin2_W'] = jax.random.normal(ks[9], (H, 1), jnp.float32) * s
    inp['lin2_b'] = jnp.zeros((1,), jnp.float32)
    return inp


def reference(x_claim, x_user, edge_u2c, edge_c2u, W1_u2c, b1_u2c, W1_c2u, b1_c2u, W2_u2c, b2_u2c, W2_c2u, b2_c2u, ln_g, ln_b, bn_g, bn_b, lin1_W, lin1_b, lin2_W, lin2_b):
    # AdaptiveMaxPool1d(H) on [N, H] input with L == H is the identity
    h_claim, h_user = x_claim, x_user
    # layer 1: HeteroGraphConv, aggregate='sum' (one relation per dst type here)
    c1 = _graph_conv(h_user, edge_u2c[0], edge_u2c[1], N_USER, N_CLAIM, W1_u2c, b1_u2c)
    u1 = _graph_conv(h_claim, edge_c2u[0], edge_c2u[1], N_CLAIM, N_USER, W1_c2u, b1_c2u)
    c1 = _layer_norm(c1, ln_g, ln_b)
    u1 = _layer_norm(u1, ln_g, ln_b)
    # layer 2
    c2 = _graph_conv(u1, edge_u2c[0], edge_u2c[1], N_USER, N_CLAIM, W2_u2c, b2_u2c)
    u2 = _graph_conv(c1, edge_c2u[0], edge_c2u[1], N_CLAIM, N_USER, W2_c2u, b2_c2u)
    c2 = _layer_norm(c2, ln_g, ln_b)
    # classifier head on task='claim' (dropout is identity in eval)
    h = _batch_norm(c2, bn_g, bn_b)
    h = jax.nn.gelu(h @ lin1_W + lin1_b, approximate=False)
    return h @ lin2_W + lin2_b

if __name__ == "__main__":
    import jax
    _d = setup_inputs()
    print(jax.jit(kernel)(*tuple(_d.values())))

</pallas_src>

<mosaic_0001>
#map = affine_map<(d0, d1) -> (0, 0, 0, 0)>
#map1 = affine_map<(d0, d1) -> (0, 0, 0)>
module attributes {stable_mosaic.version = 14 : i64} {
  func.func @_sc_degrees(%arg0: i32, %arg1: i32, %arg2: memref<4x16x250x80xi32, #tpu.memory_space<hbm>>, %arg3: memref<4x16x10240xf32, #tpu.memory_space<hbm>>, %arg4: memref<10240xf32, #tpu.memory_space<vmem>>, %arg5: memref<250x80xi32, #tpu.memory_space<vmem>>) attributes {dimension_semantics = [#tpu.dimension_semantics<core_parallel>, #tpu.dimension_semantics<subcore_parallel>], iteration_bounds = array<i64: 2, 16>, scalar_prefetch = 0 : i64, scratch_operands = 2 : i64, tpu.core_type = #tpu.core_type<sc_vector_subcore>, window_params = [{transform_indices = #map}, {transform_indices = #map1}]} {
    %scan3A = arith.constant 0 : i32
    %scan3A_0 = arith.constant 0 : i32
    %scan3A_1 = arith.constant 2 : i32
    %scan3A_2 = arith.addi %scan3A_0, %scan3A_1 : i32
    %scan3A_3 = arith.constant 1 : i32
    scf.for %scan3A_5 = %scan3A_0 to %scan3A_2 step %scan3A_3  : i32 {
      %scan3A_6 = arith.constant 0 : i32
      %scan3A_7 = arith.constant 0 : i32
      %scan3A_8 = arith.constant 640 : i32
      %scan3A_9 = arith.addi %scan3A_7, %scan3A_8 : i32
      %scan3A_10 = arith.constant 1 : i32
      scf.for %scan3A_23 = %scan3A_7 to %scan3A_9 step %scan3A_10  : i32 {
        %broadcast_in_dim3A_24 = arith.constant 0.000000e+00 : f32
        %broadcast_in_dim3A_25 = vector.broadcast %broadcast_in_dim3A_24 : f32 to vector<16xf32>
        %mul3A_26 = arith.constant 16 : i32
        %mul3A_27 = arith.muli %scan3A_23, %mul3A_26 : i32
        %swap3A = arith.index_cast %mul3A_27 : i32 to index
        %swap3A_28 = tpu.vector_load %arg4[%swap3A] {strides = array<i32>} : memref<10240xf32, #tpu.memory_space<vmem>>, vector<16xf32>,
        tpu.vector_store %arg4[%swap3A], %broadcast_in_dim3A_25 {strides = array<i32>} : memref<10240xf32, #tpu.memory_space<vmem>>, vector<16xf32>,
      }
      %scan3A_11 = arith.constant 640 : i32
      %mul3A = arith.constant 2 : i32
      %mul3A_12 = arith.muli %mul3A, %arg0 : i32
      %add3A = arith.addi %mul3A_12, %scan3A_5 : i32
      "tpu.region"() ({
        %run_scoped3A = tpu.sem_alloc : memref<!tpu.dma_semaphore, #tpu.memory_space<semaphore_mem>>
        %dma_start3A = arith.constant 0 : i32
        %dma_start3A_23 = arith.constant 0 : i32
        %dma_start3A_24 = arith.constant 0 : i32
        %dma_start3A_25 = tpu.memref_slice %arg2[%add3A, %dma_start3A, %dma_start3A_23, %dma_start3A_24] : memref<4x16x250x80xi32, #tpu.memory_space<hbm>> -> memref<1x16x250x80xi32, #tpu.memory_space<hbm>>
        %dma_start3A_26 = tpu.memref_squeeze %dma_start3A_25 : memref<1x16x250x80xi32, #tpu.memory_space<hbm>> -> memref<16x250x80xi32, #tpu.memory_space<hbm>>
        %dma_start3A_27 = arith.constant 0 : i32
        %dma_start3A_28 = arith.constant 0 : i32
        %dma_start3A_29 = tpu.memref_slice %dma_start3A_26[%arg1, %dma_start3A_27, %dma_start3A_28] : memref<16x250x80xi32, #tpu.memory_space<hbm>> -> memref<1x250x80xi32, #tpu.memory_space<hbm>>
        %dma_start3A_30 = tpu.memref_squeeze %dma_start3A_29 : memref<1x250x80xi32, #tpu.memory_space<hbm>> -> memref<250x80xi32, #tpu.memory_space<hbm>>
        %dma_start3A_31 = arith.constant 0 : i32
        %dma_start3A_32 = arith.constant 0 : i32
        %dma_start3A_33 = arith.constant 0 : i32
        %dma_start3A_34 = tpu.memref_slice %arg2[%add3A, %dma_start3A_31, %dma_start3A_32, %dma_start3A_33] : memref<4x16x250x80xi32, #tpu.memory_space<hbm>> -> memref<1x16x250x80xi32, #tpu.memory_space<hbm>>
        %dma_start3A_35 = tpu.memref_squeeze %dma_start3A_34 : memref<1x16x250x80xi32, #tpu.memory_space<hbm>> -> memref<16x250x80xi32, #tpu.memory_space<hbm>>
        %dma_start3A_36 = arith.constant 0 : i32
        %dma_start3A_37 = arith.constant 0 : i32
        %dma_start3A_38 = tpu.memref_slice %dma_start3A_35[%arg1, %dma_start3A_36, %dma_start3A_37] : memref<16x250x80xi32, #tpu.memory_space<hbm>> -> memref<1x250x80xi32, #tpu.memory_space<hbm>>
        %dma_start3A_39 = tpu.memref_squeeze %dma_start3A_38 : memref<1x250x80xi32, #tpu.memory_space<hbm>> -> memref<250x80xi32, #tpu.memory_space<hbm>>
        tpu.enqueue_dma source(%dma_start3A_39 : memref<250x80xi32, #tpu.memory_space<hbm>>) target(%arg5 : memref<250x80xi32, #tpu.memory_space<vmem>>) target_semaphore(%run_scoped3A : memref<!tpu.dma_semaphore, #tpu.memory_space<semaphore_mem>>)
        %dma_wait3A = arith.constant 0 : i32
        %dma_wait3A_40 = arith.constant 0 : i32
        %dma_wait3A_41 = arith.constant 0 : i32
        %dma_wait3A_42 = tpu.memref_slice %arg2[%add3A, %dma_wait3A, %dma_wait3A_40, %dma_wait3A_41] : memref<4x16x250x80xi32, #tpu.memory_space<hbm>> -> memref<1x16x250x80xi32, #tpu.memory_space<hbm>>
        %dma_wait3A_43 = tpu.memref_squeeze %dma_wait3A_42 : memref<1x16x250x80xi32, #tpu.memory_space<hbm>> -> memref<16x250x80xi32, #tpu.memory_space<hbm>>
        %dma_wait3A_44 = arith.constant 0 : i32
        %dma_wait3A_45 = arith.constant 0 : i32
        %dma_wait3A_46 = tpu.memref_slice %dma_wait3A_43[%arg1, %dma_wait3A_44, %dma_wait3A_45] : memref<16x250x80xi32, #tpu.memory_space<hbm>> -> memref<1x250x80xi32, #tpu.memory_space<hbm>>
        %dma_wait3A_47 = tpu.memref_squeeze %dma_wait3A_46 : memref<1x250x80xi32, #tpu.memory_space<hbm>> -> memref<250x80xi32, #tpu.memory_space<hbm>>
        %dma_wait3A_48 = arith.constant 0 : i32
        %dma_wait3A_49 = arith.constant 0 : i32
        %dma_wait3A_50 = arith.constant 0 : i32
        %dma_wait3A_51 = tpu.memref_slice %arg2[%add3A, %dma_wait3A_48, %dma_wait3A_49, %dma_wait3A_50] : memref<4x16x250x80xi32, #tpu.memory_space<hbm>> -> memref<1x16x250x80xi32, #tpu.memory_space<hbm>>
        %dma_wait3A_52 = tpu.memref_squeeze %dma_wait3A_51 : memref<1x16x250x80xi32, #tpu.memory_space<hbm>> -> memref<16x250x80xi32, #tpu.memory_space<hbm>>
        %dma_wait3A_53 = arith.constant 0 : i32
        %dma_wait3A_54 = arith.constant 0 : i32
        %dma_wait3A_55 = tpu.memref_slice %dma_wait3A_52[%arg1, %dma_wait3A_53, %dma_wait3A_54] : memref<16x250x80xi32, #tpu.memory_space<hbm>> -> memref<1x250x80xi32, #tpu.memory_space<hbm>>
        %dma_wait3A_56 = tpu.memref_squeeze %dma_wait3A_55 : memref<1x250x80xi32, #tpu.memory_space<hbm>> -> memref<250x80xi32, #tpu.memory_space<hbm>>
        tpu.wait_dma2 semaphore(%run_scoped3A : memref<!tpu.dma_semaphore, #tpu.memory_space<semaphore_mem>>) src(%dma_wait3A_56 : memref<250x80xi32, #tpu.memory_space<hbm>>) dst(%arg5 : memref<250x80xi32, #tpu.memory_space<vmem>>)
        tpu.yield
      }) : () -> ()
      %broadcast_in_dim3A = arith.constant 1.000000e+00 : f32
      %broadcast_in_dim3A_13 = vector.broadcast %broadcast_in_dim3A : f32 to vector<16xf32>
      %scan3A_14 = arith.constant 0 : i32
      %scan3A_15 = arith.constant 0 : i32
      %scan3A_16 = arith.constant 1250 : i32
      %scan3A_17 = arith.addi %scan3A_15, %scan3A_16 : i32
      %scan3A_18 = arith.constant 1 : i32
      scf.for %scan3A_23 = %scan3A_15 to %scan3A_17 step %scan3A_18  : i32 {
        %jit3A = arith.constant 5 : i32
        %div3A = arith.divsi %scan3A_23, %jit3A : i32
        %sign3A = arith.constant 0 : i32
        %sign3A_24 = arith.cmpi sgt, %scan3A_23, %sign3A : i32
        %sign3A_25 = arith.extui %sign3A_24 : i1 to i32
        %sign3A_26 = arith.constant 0 : i32
        %sign3A_27 = arith.cmpi slt, %scan3A_23, %sign3A_26 : i32
        %sign3A_28 = arith.extui %sign3A_27 : i1 to i32
        %sign3A_29 = arith.subi %sign3A_25, %sign3A_28 : i32
        %sign3A_30 = arith.constant 0 : i32
        %sign3A_31 = arith.cmpi sgt, %jit3A, %sign3A_30 : i32
        %sign3A_32 = arith.extui %sign3A_31 : i1 to i32
        %sign3A_33 = arith.constant 0 : i32
        %sign3A_34 = arith.cmpi slt, %jit3A, %sign3A_33 : i32
        %sign3A_35 = arith.extui %sign3A_34 : i1 to i32
        %sign3A_36 = arith.subi %sign3A_32, %sign3A_35 : i32
        %ne3A = arith.cmpi ne, %sign3A_29, %sign3A_36 : i32
        %rem3A = arith.remsi %scan3A_23, %jit3A : i32
        %ne3A_37 = arith.constant 0 : i32
        %ne3A_38 = arith.cmpi ne, %rem3A, %ne3A_37 : i32
        %and3A = arith.andi %ne3A, %ne3A_38 : i1
        %sub3A = arith.constant 1 : i32
        %sub3A_39 = arith.subi %div3A, %sub3A : i32
        %select_n3A = arith.select %and3A, %sub3A_39, %div3A : i32
        %jit3A_40 = arith.constant 5 : i32
        %eq3A = arith.constant 0 : i32
        %eq3A_41 = arith.cmpi eq, %jit3A_40, %eq3A : i32
        %jit3A_42 = arith.constant 1 : i32
        %select_n3A_43 = arith.select %eq3A_41, %jit3A_42, %jit3A_40 : i32
        %rem3A_44 = arith.remsi %scan3A_23, %select_n3A_43 : i32
        %ne3A_45 = arith.constant 0 : i32
        %ne3A_46 = arith.cmpi ne, %rem3A_44, %ne3A_45 : i32
        %lt3A = arith.constant 0 : i32
        %lt3A_47 = arith.cmpi slt, %rem3A_44, %lt3A : i32
        %lt3A_48 = arith.constant 0 : i32
        %lt3A_49 = arith.cmpi slt, %select_n3A_43, %lt3A_48 : i32
        %ne3A_50 = arith.xori %lt3A_47, %lt3A_49 : i1
        %and3A_51 = arith.andi %ne3A_50, %ne3A_46 : i1
        %add3A_52 = arith.addi %rem3A_44, %select_n3A_43 : i32
        %select_n3A_53 = arith.select %and3A_51, %add3A_52, %rem3A_44 : i32
        %mul3A_54 = arith.constant 16 : i32
        %mul3A_55 = arith.muli %select_n3A_53, %mul3A_54 : i32
        %get3A = arith.index_cast %select_n3A : i32 to index
        %get3A_56 = arith.index_cast %mul3A_55 : i32 to index
        %get3A_57 = tpu.vector_load %arg5[%get3A, %get3A_56] {strides = array<i32>} : memref<250x80xi32, #tpu.memory_space<vmem>>, vector<16xi32>,
        tpu.vector_store_idx %arg4[%get3A_57], %broadcast_in_dim3A_13 {add = true} : memref<10240xf32, #tpu.memory_space<vmem>>[vector<16xi32>], vector<16xf32>,
      }
      %scan3A_19 = arith.constant 1250 : i32
      %mul3A_20 = arith.constant 2 : i32
      %mul3A_21 = arith.muli %mul3A_20, %arg0 : i32
      %add3A_22 = arith.addi %mul3A_21, %scan3A_5 : i32
      "tpu.region"() ({
        %run_scoped3A = tpu.sem_alloc : memref<!tpu.dma_semaphore, #tpu.memory_space<semaphore_mem>>
        %dma_start3A = arith.constant 0 : i32
        %dma_start3A_23 = arith.constant 0 : i32
        %dma_start3A_24 = tpu.memref_slice %arg3[%add3A_22, %dma_start3A, %dma_start3A_23] : memref<4x16x10240xf32, #tpu.memory_space<hbm>> -> memref<1x16x10240xf32, #tpu.memory_space<hbm>>
        %dma_start3A_25 = tpu.memref_squeeze %dma_start3A_24 : memref<1x16x10240xf32, #tpu.memory_space<hbm>> -> memref<16x10240xf32, #tpu.memory_space<hbm>>
        %dma_start3A_26 = arith.constant 0 : i32
        %dma_start3A_27 = tpu.memref_slice %dma_start3A_25[%arg1, %dma_start3A_26] : memref<16x10240xf32, #tpu.memory_space<hbm>> -> memref<1x10240xf32, #tpu.memory_space<hbm>>
        %dma_start3A_28 = tpu.memref_squeeze %dma_start3A_27 : memref<1x10240xf32, #tpu.memory_space<hbm>> -> memref<10240xf32, #tpu.memory_space<hbm>>
        %dma_start3A_29 = arith.constant 0 : i32
        %dma_start3A_30 = arith.constant 0 : i32
        %dma_start3A_31 = tpu.memref_slice %arg3[%add3A_22, %dma_start3A_29, %dma_start3A_30] : memref<4x16x10240xf32, #tpu.memory_space<hbm>> -> memref<1x16x10240xf32, #tpu.memory_space<hbm>>
        %dma_start3A_32 = tpu.memref_squeeze %dma_start3A_31 : memref<1x16x10240xf32, #tpu.memory_space<hbm>> -> memref<16x10240xf32, #tpu.memory_space<hbm>>
        %dma_start3A_33 = arith.constant 0 : i32
        %dma_start3A_34 = tpu.memref_slice %dma_start3A_32[%arg1, %dma_start3A_33] : memref<16x10240xf32, #tpu.memory_space<hbm>> -> memref<1x10240xf32, #tpu.memory_space<hbm>>
        %dma_start3A_35 = tpu.memref_squeeze %dma_start3A_34 : memref<1x10240xf32, #tpu.memory_space<hbm>> -> memref<10240xf32, #tpu.memory_space<hbm>>
        tpu.enqueue_dma source(%arg4 : memref<10240xf32, #tpu.memory_space<vmem>>) target(%dma_start3A_35 : memref<10240xf32, #tpu.memory_space<hbm>>) target_semaphore(%run_scoped3A : memref<!tpu.dma_semaphore, #tpu.memory_space<semaphore_mem>>)
        %dma_wait3A = arith.constant 0 : i32
        %dma_wait3A_36 = arith.constant 0 : i32
        %dma_wait3A_37 = tpu.memref_slice %arg3[%add3A_22, %dma_wait3A, %dma_wait3A_36] : memref<4x16x10240xf32, #tpu.memory_space<hbm>> -> memref<1x16x10240xf32, #tpu.memory_space<hbm>>
        %dma_wait3A_38 = tpu.memref_squeeze %dma_wait3A_37 : memref<1x16x10240xf32, #tpu.memory_space<hbm>> -> memref<16x10240xf32, #tpu.memory_space<hbm>>
        %dma_wait3A_39 = arith.constant 0 : i32
        %dma_wait3A_40 = tpu.memref_slice %dma_wait3A_38[%arg1, %dma_wait3A_39] : memref<16x10240xf32, #tpu.memory_space<hbm>> -> memref<1x10240xf32, #tpu.memory_space<hbm>>
        %dma_wait3A_41 = tpu.memref_squeeze %dma_wait3A_40 : memref<1x10240xf32, #tpu.memory_space<hbm>> -> memref<10240xf32, #tpu.memory_space<hbm>>
        %dma_wait3A_42 = arith.constant 0 : i32
        %dma_wait3A_43 = arith.constant 0 : i32
        %dma_wait3A_44 = tpu.memref_slice %arg3[%add3A_22, %dma_wait3A_42, %dma_wait3A_43] : memref<4x16x10240xf32, #tpu.memory_space<hbm>> -> memref<1x16x10240xf32, #tpu.memory_space<hbm>>
        %dma_wait3A_45 = tpu.memref_squeeze %dma_wait3A_44 : memref<1x16x10240xf32, #tpu.memory_space<hbm>> -> memref<16x10240xf32, #tpu.memory_space<hbm>>
        %dma_wait3A_46 = arith.constant 0 : i32
        %dma_wait3A_47 = tpu.memref_slice %dma_wait3A_45[%arg1, %dma_wait3A_46] : memref<16x10240xf32, #tpu.memory_space<hbm>> -> memref<1x10240xf32, #tpu.memory_space<hbm>>
        %dma_wait3A_48 = tpu.memref_squeeze %dma_wait3A_47 : memref<1x10240xf32, #tpu.memory_space<hbm>> -> memref<10240xf32, #tpu.memory_space<hbm>>
        tpu.wait_dma2 semaphore(%run_scoped3A : memref<!tpu.dma_semaphore, #tpu.memory_space<semaphore_mem>>) src(%arg4 : memref<10240xf32, #tpu.memory_space<vmem>>) dst(%dma_wait3A_48 : memref<10240xf32, #tpu.memory_space<hbm>>)
        tpu.yield
      }) : () -> ()
    }
    %scan3A_4 = arith.constant 2 : i32
    return
  }
}

#map = affine_map<(d0, d1) -> (0, 0)>
#map1 = affine_map<(d0, d1) -> (0, 0, 0, 0)>
#map2 = affine_map<(d0, d1) -> (0, 0, 0)>
module attributes {stable_mosaic.version = 14 : i64} {
  func.func @_sc_conv(%arg0: i32, %arg1: i32, %arg2: memref<10000x128xf32, #tpu.memory_space<hbm>>, %arg3: memref<2x16x125x80xi32, #tpu.memory_space<hbm>>, %arg4: memref<2x16x125x80xi32, #tpu.memory_space<hbm>>, %arg5: memref<2x10240x128xf32, #tpu.memory_space<hbm>>, %arg6: memref<125x80xi32, #tpu.memory_space<vmem>>, %arg7: memref<125x80xi32, #tpu.memory_space<vmem>>, %arg8: memref<10496xi32, #tpu.memory_space<vmem>>, %arg9: memref<10496xi32, #tpu.memory_space<vmem>>, %arg10: memref<2x128x128xf32, #tpu.memory_space<vmem>>, %arg11: memref<8x128xf32, #tpu.memory_space<vmem>>, %arg12: memref<!tpu.dma_semaphore, #tpu.memory_space<semaphore_mem>>, %arg13: memref<!tpu.dma_semaphore, #tpu.memory_space<semaphore_mem>>, %arg14: memref<5128x128xf32, #tpu.memory_space<vmem_shared>>) attributes {dimension_semantics = [#tpu.dimension_semantics<core_parallel>, #tpu.dimension_semantics<subcore_parallel>], iteration_bounds = array<i64: 2, 16>, scalar_prefetch = 0 : i64, scratch_operands = 9 : i64, tpu.core_type = #tpu.core_type<sc_vector_subcore>, window_params = [{transform_indices = #map}, {transform_indices = #map1}, {transform_indices = #map1}, {transform_indices = #map2}]} {
    %mul3A = arith.constant 320 : i32
    %mul3A_0 = arith.muli %arg1, %mul3A : i32
    %scan3A = arith.constant 0 : i32
    %scan3A_1 = arith.constant 0 : i32
    %scan3A_2 = arith.constant 8 : i32
    %scan3A_3 = arith.addi %scan3A_1, %scan3A_2 : i32
    %scan3A_4 = arith.constant 1 : i32
    scf.for %scan3A_188 = %scan3A_1 to %scan3A_3 step %scan3A_4  : i32 {
      %scan3A_189 = arith.constant 0 : i32
      %scan3A_190 = arith.constant 8 : i32
      %scan3A_191 = arith.addi %scan3A_189, %scan3A_190 : i32
      %scan3A_192 = arith.constant 1 : i32
      scf.for %scan3A_194 = %scan3A_189 to %scan3A_191 step %scan3A_192  : i32 {
        %broadcast_in_dim3A_195 = arith.constant 0.000000e+00 : f32
        %broadcast_in_dim3A_196 = vector.broadcast %broadcast_in_dim3A_195 : f32 to vector<16xf32>
        %mul3A_197 = arith.constant 16 : i32
        %mul3A_198 = arith.muli %scan3A_194, %mul3A_197 : i32
        %swap3A_199 = arith.index_cast %scan3A_188 : i32 to index
        %swap3A_200 = arith.index_cast %mul3A_198 : i32 to index
        %swap3A_201 = tpu.vector_load %arg11[%swap3A_199, %swap3A_200] {strides = array<i32>} : memref<8x128xf32, #tpu.memory_space<vmem>>, vector<16xf32>,
        tpu.vector_store %arg11[%swap3A_199, %swap3A_200], %broadcast_in_dim3A_196 {strides = array<i32>} : memref<8x128xf32, #tpu.memory_space<vmem>>, vector<16xf32>,
      }
      %scan3A_193 = arith.constant 8 : i32
    }
    %scan3A_5 = arith.constant 8 : i32
    "tpu.region"() ({
      %run_scoped3A = tpu.sem_alloc : memref<!tpu.dma_semaphore, #tpu.memory_space<semaphore_mem>>
      %dma_start3A = arith.constant 0 : i32
      %dma_start3A_188 = arith.constant 0 : i32
      %dma_start3A_189 = arith.constant 0 : i32
      %dma_start3A_190 = tpu.memref_slice %arg3[%arg0, %dma_start3A, %dma_start3A_188, %dma_start3A_189] : memref<2x16x125x80xi32, #tpu.memory_space<hbm>> -> memref<1x16x125x80xi32, #tpu.memory_space<hbm>>
      %dma_start3A_191 = tpu.memref_squeeze %dma_start3A_190 : memref<1x16x125x80xi32, #tpu.memory_space<hbm>> -> memref<16x125x80xi32, #tpu.memory_space<hbm>>
      %dma_start3A_192 = arith.constant 0 : i32
      %dma_start3A_193 = arith.constant 0 : i32
      %dma_start3A_194 = tpu.memref_slice %dma_start3A_191[%arg1, %dma_start3A_192, %dma_start3A_193] : memref<16x125x80xi32, #tpu.memory_space<hbm>> -> memref<1x125x80xi32, #tpu.memory_space<hbm>>
      %dma_start3A_195 = tpu.memref_squeeze %dma_start3A_194 : memref<1x125x80xi32, #tpu.memory_space<hbm>> -> memref<125x80xi32, #tpu.memory_space<hbm>>
      %dma_start3A_196 = arith.constant 0 : i32
      %dma_start3A_197 = arith.constant 0 : i32
      %dma_start3A_198 = arith.constant 0 : i32
      %dma_start3A_199 = tpu.memref_slice %arg3[%arg0, %dma_start3A_196, %dma_start3A_197, %dma_start3A_198] : memref<2x16x125x80xi32, #tpu.memory_space<hbm>> -> memref<1x16x125x80xi32, #tpu.memory_space<hbm>>
      %dma_start3A_200 = tpu.memref_squeeze %dma_start3A_199 : memref<1x16x125x80xi32, #tpu.memory_space<hbm>> -> memref<16x125x80xi32, #tpu.memory_space<hbm>>
      %dma_start3A_201 = arith.constant 0 : i32
      %dma_start3A_202 = arith.constant 0 : i32
      %dma_start3A_203 = tpu.memref_slice %dma_start3A_200[%arg1, %dma_start3A_201, %dma_start3A_202] : memref<16x125x80xi32, #tpu.memory_space<hbm>> -> memref<1x125x80xi32, #tpu.memory_space<hbm>>
      %dma_start3A_204 = tpu.memref_squeeze %dma_start3A_203 : memref<1x125x80xi32, #tpu.memory_space<hbm>> -> memref<125x80xi32, #tpu.memory_space<hbm>>
      tpu.enqueue_dma source(%dma_start3A_204 : memref<125x80xi32, #tpu.memory_space<hbm>>) target(%arg6 : memref<125x80xi32, #tpu.memory_space<vmem>>) target_semaphore(%run_scoped3A : memref<!tpu.dma_semaphore, #tpu.memory_space<semaphore_mem>>)
      %dma_wait3A = arith.constant 0 : i32
      %dma_wait3A_205 = arith.constant 0 : i32
      %dma_wait3A_206 = arith.constant 0 : i32
      %dma_wait3A_207 = tpu.memref_slice %arg3[%arg0, %dma_wait3A, %dma_wait3A_205, %dma_wait3A_206] : memref<2x16x125x80xi32, #tpu.memory_space<hbm>> -> memref<1x16x125x80xi32, #tpu.memory_space<hbm>>
      %dma_wait3A_208 = tpu.memref_squeeze %dma_wait3A_207 : memref<1x16x125x80xi32, #tpu.memory_space<hbm>> -> memref<16x125x80xi32, #tpu.memory_space<hbm>>
      %dma_wait3A_209 = arith.constant 0 : i32
      %dma_wait3A_210 = arith.constant 0 : i32
      %dma_wait3A_211 = tpu.memref_slice %dma_wait3A_208[%arg1, %dma_wait3A_209, %dma_wait3A_210] : memref<16x125x80xi32, #tpu.memory_space<hbm>> -> memref<1x125x80xi32, #tpu.memory_space<hbm>>
      %dma_wait3A_212 = tpu.memref_squeeze %dma_wait3A_211 : memref<1x125x80xi32, #tpu.memory_space<hbm>> -> memref<125x80xi32, #tpu.memory_space<hbm>>
      %dma_wait3A_213 = arith.constant 0 : i32
      %dma_wait3A_214 = arith.constant 0 : i32
      %dma_wait3A_215 = arith.constant 0 : i32
      %dma_wait3A_216 = tpu.memref_slice %arg3[%arg0, %dma_wait3A_213, %dma_wait3A_214, %dma_wait3A_215] : memref<2x16x125x80xi32, #tpu.memory_space<hbm>> -> memref<1x16x125x80xi32, #tpu.memory_space<hbm>>
      %dma_wait3A_217 = tpu.memref_squeeze %dma_wait3A_216 : memref<1x16x125x80xi32, #tpu.memory_space<hbm>> -> memref<16x125x80xi32, #tpu.memory_space<hbm>>
      %dma_wait3A_218 = arith.constant 0 : i32
      %dma_wait3A_219 = arith.constant 0 : i32
      %dma_wait3A_220 = tpu.memref_slice %dma_wait3A_217[%arg1, %dma_wait3A_218, %dma_wait3A_219] : memref<16x125x80xi32, #tpu.memory_space<hbm>> -> memref<1x125x80xi32, #tpu.memory_space<hbm>>
      %dma_wait3A_221 = tpu.memref_squeeze %dma_wait3A_220 : memref<1x125x80xi32, #tpu.memory_space<hbm>> -> memref<125x80xi32, #tpu.memory_space<hbm>>
      tpu.wait_dma2 semaphore(%run_scoped3A : memref<!tpu.dma_semaphore, #tpu.memory_space<semaphore_mem>>) src(%dma_wait3A_221 : memref<125x80xi32, #tpu.memory_space<hbm>>) dst(%arg6 : memref<125x80xi32, #tpu.memory_space<vmem>>)
      tpu.yield
    }) : () -> ()
    "tpu.region"() ({
      %run_scoped3A = tpu.sem_alloc : memref<!tpu.dma_semaphore, #tpu.memory_space<semaphore_mem>>
      %dma_start3A = arith.constant 0 : i32
      %dma_start3A_188 = arith.constant 0 : i32
      %dma_start3A_189 = arith.constant 0 : i32
      %dma_start3A_190 = tpu.memref_slice %arg4[%arg0, %dma_start3A, %dma_start3A_188, %dma_start3A_189] : memref<2x16x125x80xi32, #tpu.memory_space<hbm>> -> memref<1x16x125x80xi32, #tpu.memory_space<hbm>>
      %dma_start3A_191 = tpu.memref_squeeze %dma_start3A_190 : memref<1x16x125x80xi32, #tpu.memory_space<hbm>> -> memref<16x125x80xi32, #tpu.memory_space<hbm>>
      %dma_start3A_192 = arith.constant 0 : i32
      %dma_start3A_193 = arith.constant 0 : i32
      %dma_start3A_194 = tpu.memref_slice %dma_start3A_191[%arg1, %dma_start3A_192, %dma_start3A_193] : memref<16x125x80xi32, #tpu.memory_space<hbm>> -> memref<1x125x80xi32, #tpu.memory_space<hbm>>
      %dma_start3A_195 = tpu.memref_squeeze %dma_start3A_194 : memref<1x125x80xi32, #tpu.memory_space<hbm>> -> memref<125x80xi32, #tpu.memory_space<hbm>>
      %dma_start3A_196 = arith.constant 0 : i32
      %dma_start3A_197 = arith.constant 0 : i32
      %dma_start3A_198 = arith.constant 0 : i32
      %dma_start3A_199 = tpu.memref_slice %arg4[%arg0, %dma_start3A_196, %dma_start3A_197, %dma_start3A_198] : memref<2x16x125x80xi32, #tpu.memory_space<hbm>> -> memref<1x16x125x80xi32, #tpu.memory_space<hbm>>
      %dma_start3A_200 = tpu.memref_squeeze %dma_start3A_199 : memref<1x16x125x80xi32, #tpu.memory_space<hbm>> -> memref<16x125x80xi32, #tpu.memory_space<hbm>>
      %dma_start3A_201 = arith.constant 0 : i32
      %dma_start3A_202 = arith.constant 0 : i32
      %dma_start3A_203 = tpu.memref_slice %dma_start3A_200[%arg1, %dma_start3A_201, %dma_start3A_202] : memref<16x125x80xi32, #tpu.memory_space<hbm>> -> memref<1x125x80xi32, #tpu.memory_space<hbm>>
      %dma_start3A_204 = tpu.memref_squeeze %dma_start3A_203 : memref<1x125x80xi32, #tpu.memory_space<hbm>> -> memref<125x80xi32, #tpu.memory_space<hbm>>
      tpu.enqueue_dma source(%dma_start3A_204 : memref<125x80xi32, #tpu.memory_space<hbm>>) target(%arg7 : memref<125x80xi32, #tpu.memory_space<vmem>>) target_semaphore(%run_scoped3A : memref<!tpu.dma_semaphore, #tpu.memory_space<semaphore_mem>>)
      %dma_wait3A = arith.constant 0 : i32
      %dma_wait3A_205 = arith.constant 0 : i32
      %dma_wait3A_206 = arith.constant 0 : i32
      %dma_wait3A_207 = tpu.memref_slice %arg4[%arg0, %dma_wait3A, %dma_wait3A_205, %dma_wait3A_206] : memref<2x16x125x80xi32, #tpu.memory_space<hbm>> -> memref<1x16x125x80xi32, #tpu.memory_space<hbm>>
      %dma_wait3A_208 = tpu.memref_squeeze %dma_wait3A_207 : memref<1x16x125x80xi32, #tpu.memory_space<hbm>> -> memref<16x125x80xi32, #tpu.memory_space<hbm>>
      %dma_wait3A_209 = arith.constant 0 : i32
      %dma_wait3A_210 = arith.constant 0 : i32
      %dma_wait3A_211 = tpu.memref_slice %dma_wait3A_208[%arg1, %dma_wait3A_209, %dma_wait3A_210] : memref<16x125x80xi32, #tpu.memory_space<hbm>> -> memref<1x125x80xi32, #tpu.memory_space<hbm>>
      %dma_wait3A_212 = tpu.memref_squeeze %dma_wait3A_211 : memref<1x125x80xi32, #tpu.memory_space<hbm>> -> memref<125x80xi32, #tpu.memory_space<hbm>>
      %dma_wait3A_213 = arith.constant 0 : i32
      %dma_wait3A_214 = arith.constant 0 : i32
      %dma_wait3A_215 = arith.constant 0 : i32
      %dma_wait3A_216 = tpu.memref_slice %arg4[%arg0, %dma_wait3A_213, %dma_wait3A_214, %dma_wait3A_215] : memref<2x16x125x80xi32, #tpu.memory_space<hbm>> -> memref<1x16x125x80xi32, #tpu.memory_space<hbm>>
      %dma_wait3A_217 = tpu.memref_squeeze %dma_wait3A_216 : memref<1x16x125x80xi32, #tpu.memory_space<hbm>> -> memref<16x125x80xi32, #tpu.memory_space<hbm>>
      %dma_wait3A_218 = arith.constant 0 : i32
      %dma_wait3A_219 = arith.constant 0 : i32
      %dma_wait3A_220 = tpu.memref_slice %dma_wait3A_217[%arg1, %dma_wait3A_218, %dma_wait3A_219] : memref<16x125x80xi32, #tpu.memory_space<hbm>> -> memref<1x125x80xi32, #tpu.memory_space<hbm>>
      %dma_wait3A_221 = tpu.memref_squeeze %dma_wait3A_220 : memref<1x125x80xi32, #tpu.memory_space<hbm>> -> memref<125x80xi32, #tpu.memory_space<hbm>>
      tpu.wait_dma2 semaphore(%run_scoped3A : memref<!tpu.dma_semaphore, #tpu.memory_space<semaphore_mem>>) src(%dma_wait3A_221 : memref<125x80xi32, #tpu.memory_space<hbm>>) dst(%arg7 : memref<125x80xi32, #tpu.memory_space<vmem>>)
      tpu.yield
    }) : () -> ()
    %scan3A_6 = arith.constant 0 : i32
    %scan3A_7 = arith.constant 0 : i32
    %scan3A_8 = arith.constant 656 : i32
    %scan3A_9 = arith.addi %scan3A_7, %scan3A_8 : i32
    %scan3A_10 = arith.constant 1 : i32
    scf.for %scan3A_188 = %scan3A_7 to %scan3A_9 step %scan3A_10  : i32 {
      %broadcast_in_dim3A_189 = arith.constant 0 : i32
      %broadcast_in_dim3A_190 = vector.broadcast %broadcast_in_dim3A_189 : i32 to vector<16xi32>
      %mul3A_191 = arith.constant 16 : i32
      %mul3A_192 = arith.muli %scan3A_188, %mul3A_191 : i32
      %swap3A_193 = arith.index_cast %mul3A_192 : i32 to index
      %swap3A_194 = tpu.vector_load %arg8[%swap3A_193] {strides = array<i32>} : memref<10496xi32, #tpu.memory_space<vmem>>, vector<16xi32>,
      tpu.vector_store %arg8[%swap3A_193], %broadcast_in_dim3A_190 {strides = array<i32>} : memref<10496xi32, #tpu.memory_space<vmem>>, vector<16xi32>,
      %broadcast_in_dim3A_195 = arith.constant 5120 : i32
      %broadcast_in_dim3A_196 = vector.broadcast %broadcast_in_dim3A_195 : i32 to vector<16xi32>
      %mul3A_197 = arith.constant 16 : i32
      %mul3A_198 = arith.muli %scan3A_188, %mul3A_197 : i32
      %swap3A_199 = arith.index_cast %mul3A_198 : i32 to index
      %swap3A_200 = tpu.vector_load %arg9[%swap3A_199] {strides = array<i32>} : memref<10496xi32, #tpu.memory_space<vmem>>, vector<16xi32>,
      tpu.vector_store %arg9[%swap3A_199], %broadcast_in_dim3A_196 {strides = array<i32>} : memref<10496xi32, #tpu.memory_space<vmem>>, vector<16xi32>,
    }
    %scan3A_11 = arith.constant 656 : i32
    %scan3A_12 = arith.constant 0 : i32
    %scan3A_13 = arith.constant 0 : i32
    %scan3A_14 = arith.constant 625 : i32
    %scan3A_15 = arith.addi %scan3A_13, %scan3A_14 : i32
    %scan3A_16 = arith.constant 1 : i32
    %scan3A_17 = scf.for %scan3A_188 = %scan3A_13 to %scan3A_15 step %scan3A_16 iter_args(%scan3A_189 = %scan3A_12) -> (i32)  : i32 {
      %jit3A_190 = arith.constant 5 : i32
      %div3A_191 = arith.divsi %scan3A_188, %jit3A_190 : i32
      %sign3A_192 = arith.constant 0 : i32
      %sign3A_193 = arith.cmpi sgt, %scan3A_188, %sign3A_192 : i32
      %sign3A_194 = arith.extui %sign3A_193 : i1 to i32
      %sign3A_195 = arith.constant 0 : i32
      %sign3A_196 = arith.cmpi slt, %scan3A_188, %sign3A_195 : i32
      %sign3A_197 = arith.extui %sign3A_196 : i1 to i32
      %sign3A_198 = arith.subi %sign3A_194, %sign3A_197 : i32
      %sign3A_199 = arith.constant 0 : i32
      %sign3A_200 = arith.cmpi sgt, %jit3A_190, %sign3A_199 : i32
      %sign3A_201 = arith.extui %sign3A_200 : i1 to i32
      %sign3A_202 = arith.constant 0 : i32
      %sign3A_203 = arith.cmpi slt, %jit3A_190, %sign3A_202 : i32
      %sign3A_204 = arith.extui %sign3A_203 : i1 to i32
      %sign3A_205 = arith.subi %sign3A_201, %sign3A_204 : i32
      %ne3A_206 = arith.cmpi ne, %sign3A_198, %sign3A_205 : i32
      %rem3A_207 = arith.remsi %scan3A_188, %jit3A_190 : i32
      %ne3A_208 = arith.constant 0 : i32
      %ne3A_209 = arith.cmpi ne, %rem3A_207, %ne3A_208 : i32
      %and3A_210 = arith.andi %ne3A_206, %ne3A_209 : i1
      %sub3A_211 = arith.constant 1 : i32
      %sub3A_212 = arith.subi %div3A_191, %sub3A_211 : i32
      %select_n3A_213 = arith.select %and3A_210, %sub3A_212, %div3A_191 : i32
      %jit3A_214 = arith.constant 5 : i32
      %eq3A_215 = arith.constant 0 : i32
      %eq3A_216 = arith.cmpi eq, %jit3A_214, %eq3A_215 : i32
      %jit3A_217 = arith.constant 1 : i32
      %select_n3A_218 = arith.select %eq3A_216, %jit3A_217, %jit3A_214 : i32
      %rem3A_219 = arith.remsi %scan3A_188, %select_n3A_218 : i32
      %ne3A_220 = arith.constant 0 : i32
      %ne3A_221 = arith.cmpi ne, %rem3A_219, %ne3A_220 : i32
      %lt3A_222 = arith.constant 0 : i32
      %lt3A_223 = arith.cmpi slt, %rem3A_219, %lt3A_222 : i32
      %lt3A_224 = arith.constant 0 : i32
      %lt3A_225 = arith.cmpi slt, %select_n3A_218, %lt3A_224 : i32
      %ne3A_226 = arith.xori %lt3A_223, %lt3A_225 : i1
      %and3A_227 = arith.andi %ne3A_226, %ne3A_221 : i1
      %add3A_228 = arith.addi %rem3A_219, %select_n3A_218 : i32
      %select_n3A_229 = arith.select %and3A_227, %add3A_228, %rem3A_219 : i32
      %mul3A_230 = arith.constant 16 : i32
      %mul3A_231 = arith.muli %select_n3A_229, %mul3A_230 : i32
      %get3A = arith.index_cast %select_n3A_213 : i32 to index
      %get3A_232 = arith.index_cast %mul3A_231 : i32 to index
      %get3A_233 = tpu.vector_load %arg7[%get3A, %get3A_232] {strides = array<i32>} : memref<125x80xi32, #tpu.memory_space<vmem>>, vector<16xi32>,
      %lt3A_234 = arith.constant 5120 : i32
      %lt3A_235 = vector.broadcast %lt3A_234 : i32 to vector<16xi32>
      %lt3A_236 = arith.cmpi slt, %get3A_233, %lt3A_235 : vector<16xi32>
      %convert_element_type3A_237 = arith.extui %lt3A_236 : vector<16xi1> to vector<16xi32>
      %reduce_sum3A = arith.constant true
      %reduce_sum3A_238 = vector.broadcast %reduce_sum3A : i1 to vector<16xi1>
      %reduce_sum3A_239 = tpu.scan <sum>, %convert_element_type3A_237 masked %reduce_sum3A_238 : vector<16xi32>, vector<16xi1> -> vector<16xi32>
      %reduce_sum3A_240 = vector.extract %reduce_sum3A_239[15] : i32 from vector<16xi32>
      %add3A_241 = arith.addi %scan3A_189, %reduce_sum3A_240 : i32
      scf.yield %add3A_241 : i32
    }
    %scan3A_18 = arith.constant 625 : i32
    %add3A = arith.constant 16 : i32
    %add3A_19 = arith.addi %scan3A_17, %add3A : i32
    %add3A_20 = arith.constant 128 : i32
    %add3A_21 = arith.addi %add3A_19, %add3A_20 : i32
    %sub3A = arith.constant 1 : i32
    %sub3A_22 = arith.subi %add3A_21, %sub3A : i32
    %jit3A = arith.constant 128 : i32
    %div3A = arith.divsi %sub3A_22, %jit3A : i32
    %sign3A = arith.constant 0 : i32
    %sign3A_23 = arith.cmpi sgt, %sub3A_22, %sign3A : i32
    %sign3A_24 = arith.extui %sign3A_23 : i1 to i32
    %sign3A_25 = arith.constant 0 : i32
    %sign3A_26 = arith.cmpi slt, %sub3A_22, %sign3A_25 : i32
    %sign3A_27 = arith.extui %sign3A_26 : i1 to i32
    %sign3A_28 = arith.subi %sign3A_24, %sign3A_27 : i32
    %sign3A_29 = arith.constant 0 : i32
    %sign3A_30 = arith.cmpi sgt, %jit3A, %sign3A_29 : i32
    %sign3A_31 = arith.extui %sign3A_30 : i1 to i32
    %sign3A_32 = arith.constant 0 : i32
    %sign3A_33 = arith.cmpi slt, %jit3A, %sign3A_32 : i32
    %sign3A_34 = arith.extui %sign3A_33 : i1 to i32
    %sign3A_35 = arith.subi %sign3A_31, %sign3A_34 : i32
    %ne3A = arith.cmpi ne, %sign3A_28, %sign3A_35 : i32
    %rem3A = arith.remsi %sub3A_22, %jit3A : i32
    %ne3A_36 = arith.constant 0 : i32
    %ne3A_37 = arith.cmpi ne, %rem3A, %ne3A_36 : i32
    %and3A = arith.andi %ne3A, %ne3A_37 : i1
    %sub3A_38 = arith.constant 1 : i32
    %sub3A_39 = arith.subi %div3A, %sub3A_38 : i32
    %select_n3A = arith.select %and3A, %sub3A_39, %div3A : i32
    %mul3A_40 = arith.constant 128 : i32
    %mul3A_41 = arith.muli %select_n3A, %mul3A_40 : i32
    %multiple_of3A = tpu.assume_multiple %mul3A_41, 128 : i32
    %scan3A_42 = arith.constant 0 : i32
    %scan3A_43 = arith.constant 0 : i32
    %scan3A_44 = arith.constant 625 : i32
    %scan3A_45 = arith.addi %scan3A_43, %scan3A_44 : i32
    %scan3A_46 = arith.constant 1 : i32
    %scan3A_47:2 = scf.for %scan3A_188 = %scan3A_43 to %scan3A_45 step %scan3A_46 iter_args(%scan3A_189 = %scan3A_42, %scan3A_190 = %multiple_of3A) -> (i32, i32)  : i32 {
      %jit3A_191 = arith.constant 5 : i32
      %div3A_192 = arith.divsi %scan3A_188, %jit3A_191 : i32
      %sign3A_193 = arith.constant 0 : i32
      %sign3A_194 = arith.cmpi sgt, %scan3A_188, %sign3A_193 : i32
      %sign3A_195 = arith.extui %sign3A_194 : i1 to i32
      %sign3A_196 = arith.constant 0 : i32
      %sign3A_197 = arith.cmpi slt, %scan3A_188, %sign3A_196 : i32
      %sign3A_198 = arith.extui %sign3A_197 : i1 to i32
      %sign3A_199 = arith.subi %sign3A_195, %sign3A_198 : i32
      %sign3A_200 = arith.constant 0 : i32
      %sign3A_201 = arith.cmpi sgt, %jit3A_191, %sign3A_200 : i32
      %sign3A_202 = arith.extui %sign3A_201 : i1 to i32
      %sign3A_203 = arith.constant 0 : i32
      %sign3A_204 = arith.cmpi slt, %jit3A_191, %sign3A_203 : i32
      %sign3A_205 = arith.extui %sign3A_204 : i1 to i32
      %sign3A_206 = arith.subi %sign3A_202, %sign3A_205 : i32
      %ne3A_207 = arith.cmpi ne, %sign3A_199, %sign3A_206 : i32
      %rem3A_208 = arith.remsi %scan3A_188, %jit3A_191 : i32
      %ne3A_209 = arith.constant 0 : i32
      %ne3A_210 = arith.cmpi ne, %rem3A_208, %ne3A_209 : i32
      %and3A_211 = arith.andi %ne3A_207, %ne3A_210 : i1
      %sub3A_212 = arith.constant 1 : i32
      %sub3A_213 = arith.subi %div3A_192, %sub3A_212 : i32
      %select_n3A_214 = arith.select %and3A_211, %sub3A_213, %div3A_192 : i32
      %jit3A_215 = arith.constant 5 : i32
      %eq3A_216 = arith.constant 0 : i32
      %eq3A_217 = arith.cmpi eq, %jit3A_215, %eq3A_216 : i32
      %jit3A_218 = arith.constant 1 : i32
      %select_n3A_219 = arith.select %eq3A_217, %jit3A_218, %jit3A_215 : i32
      %rem3A_220 = arith.remsi %scan3A_188, %select_n3A_219 : i32
      %ne3A_221 = arith.constant 0 : i32
      %ne3A_222 = arith.cmpi ne, %rem3A_220, %ne3A_221 : i32
      %lt3A_223 = arith.constant 0 : i32
      %lt3A_224 = arith.cmpi slt, %rem3A_220, %lt3A_223 : i32
      %lt3A_225 = arith.constant 0 : i32
      %lt3A_226 = arith.cmpi slt, %select_n3A_219, %lt3A_225 : i32
      %ne3A_227 = arith.xori %lt3A_224, %lt3A_226 : i1
      %and3A_228 = arith.andi %ne3A_227, %ne3A_222 : i1
      %add3A_229 = arith.addi %rem3A_220, %select_n3A_219 : i32
      %select_n3A_230 = arith.select %and3A_228, %add3A_229, %rem3A_220 : i32
      %mul3A_231 = arith.constant 16 : i32
      %mul3A_232 = arith.muli %select_n3A_230, %mul3A_231 : i32
      %get3A = arith.index_cast %select_n3A_214 : i32 to index
      %get3A_233 = arith.index_cast %mul3A_232 : i32 to index
      %get3A_234 = tpu.vector_load %arg6[%get3A, %get3A_233] {strides = array<i32>} : memref<125x80xi32, #tpu.memory_space<vmem>>, vector<16xi32>,
      %mul3A_235 = arith.constant 16 : i32
      %mul3A_236 = arith.muli %select_n3A_230, %mul3A_235 : i32
      %get3A_237 = arith.index_cast %select_n3A_214 : i32 to index
      %get3A_238 = arith.index_cast %mul3A_236 : i32 to index
      %get3A_239 = tpu.vector_load %arg7[%get3A_237, %get3A_238] {strides = array<i32>} : memref<125x80xi32, #tpu.memory_space<vmem>>, vector<16xi32>,
      %lt3A_240 = arith.constant 5120 : i32
      %lt3A_241 = vector.broadcast %lt3A_240 : i32 to vector<16xi32>
      %lt3A_242 = arith.cmpi slt, %get3A_239, %lt3A_241 : vector<16xi32>
      %swap3A_243 = arith.index_cast %scan3A_189 : i32 to index
      %swap3A_244 = tpu.vector_load %arg8[%swap3A_243] masked %lt3A_242 {strides = array<i32>} : memref<10496xi32, #tpu.memory_space<vmem>>, vector<16xi32>, vector<16xi1>
      tpu.vector_store %arg8[%swap3A_243], %get3A_234 masked %lt3A_242 {strides = array<i32>} : memref<10496xi32, #tpu.memory_space<vmem>>, vector<16xi32>, vector<16xi1>
      %swap3A_245 = arith.index_cast %scan3A_189 : i32 to index
      %swap3A_246 = tpu.vector_load %arg9[%swap3A_245] masked %lt3A_242 {strides = array<i32>} : memref<10496xi32, #tpu.memory_space<vmem>>, vector<16xi32>, vector<16xi1>
      tpu.vector_store %arg9[%swap3A_245], %get3A_239 masked %lt3A_242 {strides = array<i32>} : memref<10496xi32, #tpu.memory_space<vmem>>, vector<16xi32>, vector<16xi1>
      %not3A = arith.constant dense<true> : vector<16xi1>
      %not3A_247 = arith.xori %lt3A_242, %not3A : vector<16xi1>
      %swap3A_248 = arith.index_cast %scan3A_190 : i32 to index
      %swap3A_249 = tpu.vector_load %arg8[%swap3A_248] masked %not3A_247 {strides = array<i32>} : memref<10496xi32, #tpu.memory_space<vmem>>, vector<16xi32>, vector<16xi1>
      tpu.vector_store %arg8[%swap3A_248], %get3A_234 masked %not3A_247 {strides = array<i32>} : memref<10496xi32, #tpu.memory_space<vmem>>, vector<16xi32>, vector<16xi1>
      %sub3A_250 = arith.constant 5120 : i32
      %sub3A_251 = vector.broadcast %sub3A_250 : i32 to vector<16xi32>
      %sub3A_252 = arith.subi %get3A_239, %sub3A_251 : vector<16xi32>
      %swap3A_253 = arith.index_cast %scan3A_190 : i32 to index
      %swap3A_254 = tpu.vector_load %arg9[%swap3A_253] masked %not3A_247 {strides = array<i32>} : memref<10496xi32, #tpu.memory_space<vmem>>, vector<16xi32>, vector<16xi1>
      tpu.vector_store %arg9[%swap3A_253], %sub3A_252 masked %not3A_247 {strides = array<i32>} : memref<10496xi32, #tpu.memory_space<vmem>>, vector<16xi32>, vector<16xi1>
      %convert_element_type3A_255 = arith.extui %lt3A_242 : vector<16xi1> to vector<16xi32>
      %reduce_sum3A = arith.constant true
      %reduce_sum3A_256 = vector.broadcast %reduce_sum3A : i1 to vector<16xi1>
      %reduce_sum3A_257 = tpu.scan <sum>, %convert_element_type3A_255 masked %reduce_sum3A_256 : vector<16xi32>, vector<16xi1> -> vector<16xi32>
      %reduce_sum3A_258 = vector.extract %reduce_sum3A_257[15] : i32 from vector<16xi32>
      %add3A_259 = arith.addi %scan3A_189, %reduce_sum3A_258 : i32
      %sub3A_260 = arith.constant 16 : i32
      %sub3A_261 = arith.subi %sub3A_260, %reduce_sum3A_258 : i32
      %add3A_262 = arith.addi %scan3A_190, %sub3A_261 : i32
      scf.yield %add3A_259, %add3A_262 : i32, i32
    }
    %scan3A_48 = arith.constant 625 : i32
    %sub3A_49 = arith.subi %scan3A_47#1, %multiple_of3A : i32
    %lt3A = arith.cmpi slt, %scan3A_47#0, %multiple_of3A : i32
    %convert_element_type3A = arith.extui %lt3A : i1 to i32
    %cond3A = arith.constant 0 : i32
    %cond3A_50 = arith.cmpi ne, %convert_element_type3A, %cond3A : i32
    scf.if %cond3A_50 {
      %broadcast_in_dim3A_188 = arith.constant 0 : i32
      %broadcast_in_dim3A_189 = vector.broadcast %broadcast_in_dim3A_188 : i32 to vector<16xi32>
      %swap3A_190 = arith.index_cast %scan3A_47#0 : i32 to index
      %swap3A_191 = tpu.vector_load %arg8[%swap3A_190] {strides = array<i32>} : memref<10496xi32, #tpu.memory_space<vmem>>, vector<16xi32>,
      tpu.vector_store %arg8[%swap3A_190], %broadcast_in_dim3A_189 {strides = array<i32>} : memref<10496xi32, #tpu.memory_space<vmem>>, vector<16xi32>,
      %broadcast_in_dim3A_192 = arith.constant 5120 : i32
      %broadcast_in_dim3A_193 = vector.broadcast %broadcast_in_dim3A_192 : i32 to vector<16xi32>
      %swap3A_194 = arith.index_cast %scan3A_47#0 : i32 to index
      %swap3A_195 = tpu.vector_load %arg9[%swap3A_194] {strides = array<i32>} : memref<10496xi32, #tpu.memory_space<vmem>>, vector<16xi32>,
      tpu.vector_store %arg9[%swap3A_194], %broadcast_in_dim3A_193 {strides = array<i32>} : memref<10496xi32, #tpu.memory_space<vmem>>, vector<16xi32>,
    } else {
    }
    %broadcast_in_dim3A = arith.constant 0 : i32
    %broadcast_in_dim3A_51 = vector.broadcast %broadcast_in_dim3A : i32 to vector<16xi32>
    %swap3A = arith.index_cast %scan3A_47#1 : i32 to index
    %swap3A_52 = tpu.vector_load %arg8[%swap3A] {strides = array<i32>} : memref<10496xi32, #tpu.memory_space<vmem>>, vector<16xi32>,
    tpu.vector_store %arg8[%swap3A], %broadcast_in_dim3A_51 {strides = array<i32>} : memref<10496xi32, #tpu.memory_space<vmem>>, vector<16xi32>,
    %broadcast_in_dim3A_53 = arith.constant 5120 : i32
    %broadcast_in_dim3A_54 = vector.broadcast %broadcast_in_dim3A_53 : i32 to vector<16xi32>
    %swap3A_55 = arith.index_cast %scan3A_47#1 : i32 to index
    %swap3A_56 = tpu.vector_load %arg9[%swap3A_55] {strides = array<i32>} : memref<10496xi32, #tpu.memory_space<vmem>>, vector<16xi32>,
    tpu.vector_store %arg9[%swap3A_55], %broadcast_in_dim3A_54 {strides = array<i32>} : memref<10496xi32, #tpu.memory_space<vmem>>, vector<16xi32>,
    %jit3A_57 = arith.constant true
    %select_n3A_58 = arith.select %jit3A_57, %scan3A_17, %sub3A_49 : i32
    %scan3A_59 = arith.constant 0 : i32
    %scan3A_60 = arith.constant 0 : i32
    %scan3A_61 = arith.constant 40 : i32
    %scan3A_62 = arith.addi %scan3A_60, %scan3A_61 : i32
    %scan3A_63 = arith.constant 1 : i32
    scf.for %scan3A_188 = %scan3A_60 to %scan3A_62 step %scan3A_63  : i32 {
      %mul3A_189 = arith.constant 8 : i32
      %mul3A_190 = arith.muli %scan3A_188, %mul3A_189 : i32
      %add3A_191 = arith.addi %mul3A_0, %mul3A_190 : i32
      "tpu.region"() ({
        %run_scoped3A = tpu.sem_alloc : memref<!tpu.dma_semaphore, #tpu.memory_space<semaphore_mem>>
        %dma_start3A = arith.constant 0 : i32
        %dma_start3A_192 = tpu.memref_slice %arg14[%add3A_191, %dma_start3A] : memref<5128x128xf32, #tpu.memory_space<vmem_shared>> -> memref<8x128xf32, #tpu.memory_space<vmem_shared>>
        %dma_start3A_193 = arith.constant 0 : i32
        %dma_start3A_194 = tpu.memref_slice %arg14[%add3A_191, %dma_start3A_193] : memref<5128x128xf32, #tpu.memory_space<vmem_shared>> -> memref<8x128xf32, #tpu.memory_space<vmem_shared>>
        tpu.enqueue_dma source(%arg11 : memref<8x128xf32, #tpu.memory_space<vmem>>) target(%dma_start3A_194 : memref<8x128xf32, #tpu.memory_space<vmem_shared>>) target_semaphore(%run_scoped3A : memref<!tpu.dma_semaphore, #tpu.memory_space<semaphore_mem>>)
        %dma_wait3A = arith.constant 0 : i32
        %dma_wait3A_195 = tpu.memref_slice %arg14[%add3A_191, %dma_wait3A] : memref<5128x128xf32, #tpu.memory_space<vmem_shared>> -> memref<8x128xf32, #tpu.memory_space<vmem_shared>>
        %dma_wait3A_196 = arith.constant 0 : i32
        %dma_wait3A_197 = tpu.memref_slice %arg14[%add3A_191, %dma_wait3A_196] : memref<5128x128xf32, #tpu.memory_space<vmem_shared>> -> memref<8x128xf32, #tpu.memory_space<vmem_shared>>
        tpu.wait_dma2 semaphore(%run_scoped3A : memref<!tpu.dma_semaphore, #tpu.memory_space<semaphore_mem>>) src(%arg11 : memref<8x128xf32, #tpu.memory_space<vmem>>) dst(%dma_wait3A_197 : memref<8x128xf32, #tpu.memory_space<vmem_shared>>)
        tpu.yield
      }) : () -> ()
    }
    %scan3A_64 = arith.constant 40 : i32
    %eq3A = arith.constant 0 : i32
    %eq3A_65 = arith.cmpi eq, %arg1, %eq3A : i32
    %convert_element_type3A_66 = arith.extui %eq3A_65 : i1 to i32
    %cond3A_67 = arith.constant 0 : i32
    %cond3A_68 = arith.cmpi ne, %convert_element_type3A_66, %cond3A_67 : i32
    scf.if %cond3A_68 {
      "tpu.region"() ({
        %run_scoped3A = tpu.sem_alloc : memref<!tpu.dma_semaphore, #tpu.memory_space<semaphore_mem>>
        %dma_start3A = arith.constant 0 : i32
        %dma_start3A_188 = arith.constant 0 : i32
        %dma_start3A_189 = tpu.memref_slice %arg11[%dma_start3A, %dma_start3A_188] : memref<8x128xf32, #tpu.memory_space<vmem>> -> memref<8x128xf32, #tpu.memory_space<vmem>>
        %dma_start3A_190 = arith.constant 5120 : i32
        %dma_start3A_191 = arith.constant 0 : i32
        %dma_start3A_192 = tpu.memref_slice %arg14[%dma_start3A_190, %dma_start3A_191] : memref<5128x128xf32, #tpu.memory_space<vmem_shared>> -> memref<8x128xf32, #tpu.memory_space<vmem_shared>>
        %dma_start3A_193 = arith.constant 5120 : i32
        %dma_start3A_194 = arith.constant 0 : i32
        %dma_start3A_195 = tpu.memref_slice %arg14[%dma_start3A_193, %dma_start3A_194] : memref<5128x128xf32, #tpu.memory_space<vmem_shared>> -> memref<8x128xf32, #tpu.memory_space<vmem_shared>>
        %dma_start3A_196 = arith.constant 0 : i32
        %dma_start3A_197 = arith.constant 0 : i32
        %dma_start3A_198 = tpu.memref_slice %arg11[%dma_start3A_196, %dma_start3A_197] : memref<8x128xf32, #tpu.memory_space<vmem>> -> memref<8x128xf32, #tpu.memory_space<vmem>>
        tpu.enqueue_dma source(%dma_start3A_198 : memref<8x128xf32, #tpu.memory_space<vmem>>) target(%dma_start3A_195 : memref<8x128xf32, #tpu.memory_space<vmem_shared>>) target_semaphore(%run_scoped3A : memref<!tpu.dma_semaphore, #tpu.memory_space<semaphore_mem>>)
        %dma_wait3A = arith.constant 0 : i32
        %dma_wait3A_199 = arith.constant 0 : i32
        %dma_wait3A_200 = tpu.memref_slice %arg11[%dma_wait3A, %dma_wait3A_199] : memref<8x128xf32, #tpu.memory_space<vmem>> -> memref<8x128xf32, #tpu.memory_space<vmem>>
        %dma_wait3A_201 = arith.constant 5120 : i32
        %dma_wait3A_202 = arith.constant 0 : i32
        %dma_wait3A_203 = tpu.memref_slice %arg14[%dma_wait3A_201, %dma_wait3A_202] : memref<5128x128xf32, #tpu.memory_space<vmem_shared>> -> memref<8x128xf32, #tpu.memory_space<vmem_shared>>
        %dma_wait3A_204 = arith.constant 5120 : i32
        %dma_wait3A_205 = arith.constant 0 : i32
        %dma_wait3A_206 = tpu.memref_slice %arg14[%dma_wait3A_204, %dma_wait3A_205] : memref<5128x128xf32, #tpu.memory_space<vmem_shared>> -> memref<8x128xf32, #tpu.memory_space<vmem_shared>>
        %dma_wait3A_207 = arith.constant 0 : i32
        %dma_wait3A_208 = arith.constant 0 : i32
        %dma_wait3A_209 = tpu.memref_slice %arg11[%dma_wait3A_207, %dma_wait3A_208] : memref<8x128xf32, #tpu.memory_space<vmem>> -> memref<8x128xf32, #tpu.memory_space<vmem>>
        tpu.wait_dma2 semaphore(%run_scoped3A : memref<!tpu.dma_semaphore, #tpu.memory_space<semaphore_mem>>) src(%dma_wait3A_209 : memref<8x128xf32, #tpu.memory_space<vmem>>) dst(%dma_wait3A_206 : memref<8x128xf32, #tpu.memory_space<vmem_shared>>)
        tpu.yield
      }) : () -> ()
    } else {
    }
    %barrier3A = arith.constant 0 : index
    tpu.barrier barrier_id(%barrier3A)
    %add3A_69 = arith.constant 128 : i32
    %add3A_70 = arith.addi %select_n3A_58, %add3A_69 : i32
    %sub3A_71 = arith.constant 1 : i32
    %sub3A_72 = arith.subi %add3A_70, %sub3A_71 : i32
    %jit3A_73 = arith.constant 128 : i32
    %div3A_74 = arith.divsi %sub3A_72, %jit3A_73 : i32
    %sign3A_75 = arith.constant 0 : i32
    %sign3A_76 = arith.cmpi sgt, %sub3A_72, %sign3A_75 : i32
    %sign3A_77 = arith.extui %sign3A_76 : i1 to i32
    %sign3A_78 = arith.constant 0 : i32
    %sign3A_79 = arith.cmpi slt, %sub3A_72, %sign3A_78 : i32
    %sign3A_80 = arith.extui %sign3A_79 : i1 to i32
    %sign3A_81 = arith.subi %sign3A_77, %sign3A_80 : i32
    %sign3A_82 = arith.constant 0 : i32
    %sign3A_83 = arith.cmpi sgt, %jit3A_73, %sign3A_82 : i32
    %sign3A_84 = arith.extui %sign3A_83 : i1 to i32
    %sign3A_85 = arith.constant 0 : i32
    %sign3A_86 = arith.cmpi slt, %jit3A_73, %sign3A_85 : i32
    %sign3A_87 = arith.extui %sign3A_86 : i1 to i32
    %sign3A_88 = arith.subi %sign3A_84, %sign3A_87 : i32
    %ne3A_89 = arith.cmpi ne, %sign3A_81, %sign3A_88 : i32
    %rem3A_90 = arith.remsi %sub3A_72, %jit3A_73 : i32
    %ne3A_91 = arith.constant 0 : i32
    %ne3A_92 = arith.cmpi ne, %rem3A_90, %ne3A_91 : i32
    %and3A_93 = arith.andi %ne3A_89, %ne3A_92 : i1
    %sub3A_94 = arith.constant 1 : i32
    %sub3A_95 = arith.subi %div3A_74, %sub3A_94 : i32
    %select_n3A_96 = arith.select %and3A_93, %sub3A_95, %div3A_74 : i32
    %gt3A = arith.constant 0 : i32
    %gt3A_97 = arith.cmpi sgt, %select_n3A_96, %gt3A : i32
    %convert_element_type3A_98 = arith.extui %gt3A_97 : i1 to i32
    %cond3A_99 = arith.constant 0 : i32
    %cond3A_100 = arith.constant 0 : i32
    %cond3A_101 = arith.cmpi ne, %convert_element_type3A_98, %cond3A_100 : i32
    scf.if %cond3A_101 {
      %add3A_188 = arith.constant 0 : i32
      %add3A_189 = arith.addi %cond3A_99, %add3A_188 : i32
      %multiple_of3A_190 = tpu.assume_multiple %add3A_189, 128 : i32
      %dma_start3A = arith.constant 0 : i32
      %dma_start3A_191 = arith.constant 0 : i32
      %dma_start3A_192 = arith.constant 0 : i32
      %dma_start3A_193 = tpu.memref_slice %arg10[%dma_start3A, %dma_start3A_191, %dma_start3A_192] : memref<2x128x128xf32, #tpu.memory_space<vmem>> -> memref<1x128x128xf32, #tpu.memory_space<vmem>>
      %dma_start3A_194 = tpu.memref_squeeze %dma_start3A_193 : memref<1x128x128xf32, #tpu.memory_space<vmem>> -> memref<128x128xf32, #tpu.memory_space<vmem>>
      %dma_start3A_195 = tpu.memref_slice %arg8[%multiple_of3A_190] : memref<10496xi32, #tpu.memory_space<vmem>> -> memref<128xi32, #tpu.memory_space<vmem>>
      %dma_start3A_196 = arith.constant 0 : i32
      %dma_start3A_197 = arith.constant 0 : i32
      %dma_start3A_198 = tpu.memref_slice %arg2[%dma_start3A_196, %dma_start3A_197] : memref<10000x128xf32, #tpu.memory_space<hbm>> -> memref<10000x128xf32, #tpu.memory_space<hbm>>
      tpu.enqueue_indirect_dma source(%dma_start3A_198 : memref<10000x128xf32, #tpu.memory_space<hbm>>) target(%dma_start3A_194 : memref<128x128xf32, #tpu.memory_space<vmem>>) offsets(%dma_start3A_195 : memref<128xi32, #tpu.memory_space<vmem>>) semaphore(%arg12 : memref<!tpu.dma_semaphore, #tpu.memory_space<semaphore_mem>>)
    } else {
    }
    %while3A = arith.constant 0 : i32
    %while3A_102 = arith.constant 0 : i32
    %while3A_103 = arith.constant 0 : i32
    %while3A_104 = arith.subi %select_n3A_96, %while3A_103 : i32
    %while3A_105 = arith.addi %while3A_103, %while3A_104 : i32
    %while3A_106 = arith.constant 1 : i32
    %while3A_107 = arith.divsi %while3A_104, %while3A_106 : i32
    %while3A_108 = arith.muli %while3A_107, %while3A_106 : i32
    %while3A_109 = arith.addi %while3A_103, %while3A_108 : i32
    %while3A_110 = arith.constant 1 : i32
    scf.for %while3A_188 = %while3A_103 to %while3A_109 step %while3A_110  : i32 {
      %rem3A_189 = arith.constant 2 : i32
      %rem3A_190 = arith.remsi %while3A_188, %rem3A_189 : i32
      %mul3A_191 = arith.constant 128 : i32
      %mul3A_192 = arith.muli %while3A_188, %mul3A_191 : i32
      %add3A_193 = arith.addi %while3A_102, %mul3A_192 : i32
      %multiple_of3A_194 = tpu.assume_multiple %add3A_193, 128 : i32
      %dma_wait3A = arith.constant 0 : i32
      %dma_wait3A_195 = arith.constant 0 : i32
      %dma_wait3A_196 = tpu.memref_slice %arg10[%rem3A_190, %dma_wait3A, %dma_wait3A_195] : memref<2x128x128xf32, #tpu.memory_space<vmem>> -> memref<1x128x128xf32, #tpu.memory_space<vmem>>
      %dma_wait3A_197 = tpu.memref_squeeze %dma_wait3A_196 : memref<1x128x128xf32, #tpu.memory_space<vmem>> -> memref<128x128xf32, #tpu.memory_space<vmem>>
      %dma_wait3A_198 = tpu.memref_slice %arg8[%multiple_of3A_194] : memref<10496xi32, #tpu.memory_space<vmem>> -> memref<128xi32, #tpu.memory_space<vmem>>
      %dma_wait3A_199 = arith.constant 0 : i32
      %dma_wait3A_200 = arith.constant 0 : i32
      %dma_wait3A_201 = tpu.memref_slice %arg2[%dma_wait3A_199, %dma_wait3A_200] : memref<10000x128xf32, #tpu.memory_space<hbm>> -> memref<10000x128xf32, #tpu.memory_space<hbm>>
      tpu.wait_indirect_dma semaphore(%arg12 : memref<!tpu.dma_semaphore, #tpu.memory_space<semaphore_mem>>) src(%dma_wait3A_201 : memref<10000x128xf32, #tpu.memory_space<hbm>>) dst(%dma_wait3A_197 : memref<128x128xf32, #tpu.memory_space<vmem>>)
      %mul3A_202 = arith.constant 128 : i32
      %mul3A_203 = arith.muli %while3A_188, %mul3A_202 : i32
      %add3A_204 = arith.addi %while3A_102, %mul3A_203 : i32
      %multiple_of3A_205 = tpu.assume_multiple %add3A_204, 128 : i32
      %dma_start3A = arith.constant 0 : i32
      %dma_start3A_206 = arith.constant 0 : i32
      %dma_start3A_207 = tpu.memref_slice %arg10[%rem3A_190, %dma_start3A, %dma_start3A_206] : memref<2x128x128xf32, #tpu.memory_space<vmem>> -> memref<1x128x128xf32, #tpu.memory_space<vmem>>
      %dma_start3A_208 = tpu.memref_squeeze %dma_start3A_207 : memref<1x128x128xf32, #tpu.memory_space<vmem>> -> memref<128x128xf32, #tpu.memory_space<vmem>>
      %dma_start3A_209 = tpu.memref_slice %arg9[%multiple_of3A_205] : memref<10496xi32, #tpu.memory_space<vmem>> -> memref<128xi32, #tpu.memory_space<vmem>>
      %dma_start3A_210 = arith.constant 0 : i32
      %dma_start3A_211 = arith.constant 0 : i32
      %dma_start3A_212 = tpu.memref_slice %arg14[%dma_start3A_210, %dma_start3A_211] : memref<5128x128xf32, #tpu.memory_space<vmem_shared>> -> memref<5128x128xf32, #tpu.memory_space<vmem_shared>>
      tpu.enqueue_indirect_dma source(%dma_start3A_208 : memref<128x128xf32, #tpu.memory_space<vmem>>) target(%dma_start3A_212 : memref<5128x128xf32, #tpu.memory_space<vmem_shared>>) offsets(%dma_start3A_209 : memref<128xi32, #tpu.memory_space<vmem>>) semaphore(%arg13 : memref<!tpu.dma_semaphore, #tpu.memory_space<semaphore_mem>>) {add = true}
      %ge3A = arith.constant 1 : i32
      %ge3A_213 = arith.cmpi sge, %while3A_188, %ge3A : i32
      %convert_element_type3A_214 = arith.extui %ge3A_213 : i1 to i32
      %cond3A_215 = arith.constant 0 : i32
      %cond3A_216 = arith.cmpi ne, %convert_element_type3A_214, %cond3A_215 : i32
      scf.if %cond3A_216 {
        %sub3A_223 = arith.constant 1 : i32
        %sub3A_224 = arith.subi %while3A_188, %sub3A_223 : i32
        %sub3A_225 = arith.constant 1 : i32
        %sub3A_226 = arith.subi %while3A_188, %sub3A_225 : i32
        %rem3A_227 = arith.constant 2 : i32
        %rem3A_228 = arith.remsi %sub3A_226, %rem3A_227 : i32
        %mul3A_229 = arith.constant 128 : i32
        %mul3A_230 = arith.muli %sub3A_224, %mul3A_229 : i32
        %add3A_231 = arith.addi %while3A_102, %mul3A_230 : i32
        %multiple_of3A_232 = tpu.assume_multiple %add3A_231, 128 : i32
        %dma_wait3A_233 = arith.constant 0 : i32
        %dma_wait3A_234 = arith.constant 0 : i32
        %dma_wait3A_235 = tpu.memref_slice %arg10[%rem3A_228, %dma_wait3A_233, %dma_wait3A_234] : memref<2x128x128xf32, #tpu.memory_space<vmem>> -> memref<1x128x128xf32, #tpu.memory_space<vmem>>
        %dma_wait3A_236 = tpu.memref_squeeze %dma_wait3A_235 : memref<1x128x128xf32, #tpu.memory_space<vmem>> -> memref<128x128xf32, #tpu.memory_space<vmem>>
        %dma_wait3A_237 = tpu.memref_slice %arg9[%multiple_of3A_232] : memref<10496xi32, #tpu.memory_space<vmem>> -> memref<128xi32, #tpu.memory_space<vmem>>
        %dma_wait3A_238 = arith.constant 0 : i32
        %dma_wait3A_239 = arith.constant 0 : i32
        %dma_wait3A_240 = tpu.memref_slice %arg14[%dma_wait3A_238, %dma_wait3A_239] : memref<5128x128xf32, #tpu.memory_space<vmem_shared>> -> memref<5128x128xf32, #tpu.memory_space<vmem_shared>>
        tpu.wait_indirect_dma semaphore(%arg13 : memref<!tpu.dma_semaphore, #tpu.memory_space<semaphore_mem>>) src(%dma_wait3A_236 : memref<128x128xf32, #tpu.memory_space<vmem>>) dst(%dma_wait3A_240 : memref<5128x128xf32, #tpu.memory_space<vmem_shared>>)
      } else {
      }
      %add3A_217 = arith.constant 1 : i32
      %add3A_218 = arith.addi %while3A_188, %add3A_217 : i32
      %lt3A_219 = arith.cmpi slt, %add3A_218, %select_n3A_96 : i32
      %convert_element_type3A_220 = arith.extui %lt3A_219 : i1 to i32
      %cond3A_221 = arith.constant 0 : i32
      %cond3A_222 = arith.cmpi ne, %convert_element_type3A_220, %cond3A_221 : i32
      scf.if %cond3A_222 {
        %add3A_223 = arith.constant 1 : i32
        %add3A_224 = arith.addi %while3A_188, %add3A_223 : i32
        %add3A_225 = arith.constant 1 : i32
        %add3A_226 = arith.addi %while3A_188, %add3A_225 : i32
        %rem3A_227 = arith.constant 2 : i32
        %rem3A_228 = arith.remsi %add3A_226, %rem3A_227 : i32
        %mul3A_229 = arith.constant 128 : i32
        %mul3A_230 = arith.muli %add3A_224, %mul3A_229 : i32
        %add3A_231 = arith.addi %while3A_102, %mul3A_230 : i32
        %multiple_of3A_232 = tpu.assume_multiple %add3A_231, 128 : i32
        %dma_start3A_233 = arith.constant 0 : i32
        %dma_start3A_234 = arith.constant 0 : i32
        %dma_start3A_235 = tpu.memref_slice %arg10[%rem3A_228, %dma_start3A_233, %dma_start3A_234] : memref<2x128x128xf32, #tpu.memory_space<vmem>> -> memref<1x128x128xf32, #tpu.memory_space<vmem>>
        %dma_start3A_236 = tpu.memref_squeeze %dma_start3A_235 : memref<1x128x128xf32, #tpu.memory_space<vmem>> -> memref<128x128xf32, #tpu.memory_space<vmem>>
        %dma_start3A_237 = tpu.memref_slice %arg8[%multiple_of3A_232] : memref<10496xi32, #tpu.memory_space<vmem>> -> memref<128xi32, #tpu.memory_space<vmem>>
        %dma_start3A_238 = arith.constant 0 : i32
        %dma_start3A_239 = arith.constant 0 : i32
        %dma_start3A_240 = tpu.memref_slice %arg2[%dma_start3A_238, %dma_start3A_239] : memref<10000x128xf32, #tpu.memory_space<hbm>> -> memref<10000x128xf32, #tpu.memory_space<hbm>>
        tpu.enqueue_indirect_dma source(%dma_start3A_240 : memref<10000x128xf32, #tpu.memory_space<hbm>>) target(%dma_start3A_236 : memref<128x128xf32, #tpu.memory_space<vmem>>) offsets(%dma_start3A_237 : memref<128xi32, #tpu.memory_space<vmem>>) semaphore(%arg12 : memref<!tpu.dma_semaphore, #tpu.memory_space<semaphore_mem>>)
      } else {
      }
    }
    %while3A_111 = arith.constant 1 : i32
    scf.for %while3A_188 = %while3A_109 to %while3A_105 step %while3A_111  : i32 {
      %rem3A_189 = arith.constant 2 : i32
      %rem3A_190 = arith.remsi %while3A_188, %rem3A_189 : i32
      %mul3A_191 = arith.constant 128 : i32
      %mul3A_192 = arith.muli %while3A_188, %mul3A_191 : i32
      %add3A_193 = arith.addi %while3A_102, %mul3A_192 : i32
      %multiple_of3A_194 = tpu.assume_multiple %add3A_193, 128 : i32
      %dma_wait3A = arith.constant 0 : i32
      %dma_wait3A_195 = arith.constant 0 : i32
      %dma_wait3A_196 = tpu.memref_slice %arg10[%rem3A_190, %dma_wait3A, %dma_wait3A_195] : memref<2x128x128xf32, #tpu.memory_space<vmem>> -> memref<1x128x128xf32, #tpu.memory_space<vmem>>
      %dma_wait3A_197 = tpu.memref_squeeze %dma_wait3A_196 : memref<1x128x128xf32, #tpu.memory_space<vmem>> -> memref<128x128xf32, #tpu.memory_space<vmem>>
      %dma_wait3A_198 = tpu.memref_slice %arg8[%multiple_of3A_194] : memref<10496xi32, #tpu.memory_space<vmem>> -> memref<128xi32, #tpu.memory_space<vmem>>
      %dma_wait3A_199 = arith.constant 0 : i32
      %dma_wait3A_200 = arith.constant 0 : i32
      %dma_wait3A_201 = tpu.memref_slice %arg2[%dma_wait3A_199, %dma_wait3A_200] : memref<10000x128xf32, #tpu.memory_space<hbm>> -> memref<10000x128xf32, #tpu.memory_space<hbm>>
      tpu.wait_indirect_dma semaphore(%arg12 : memref<!tpu.dma_semaphore, #tpu.memory_space<semaphore_mem>>) src(%dma_wait3A_201 : memref<10000x128xf32, #tpu.memory_space<hbm>>) dst(%dma_wait3A_197 : memref<128x128xf32, #tpu.memory_space<vmem>>)
      %mul3A_202 = arith.constant 128 : i32
      %mul3A_203 = arith.muli %while3A_188, %mul3A_202 : i32
      %add3A_204 = arith.addi %while3A_102, %mul3A_203 : i32
      %multiple_of3A_205 = tpu.assume_multiple %add3A_204, 128 : i32
      %dma_start3A = arith.constant 0 : i32
      %dma_start3A_206 = arith.constant 0 : i32
      %dma_start3A_207 = tpu.memref_slice %arg10[%rem3A_190, %dma_start3A, %dma_start3A_206] : memref<2x128x128xf32, #tpu.memory_space<vmem>> -> memref<1x128x128xf32, #tpu.memory_space<vmem>>
      %dma_start3A_208 = tpu.memref_squeeze %dma_start3A_207 : memref<1x128x128xf32, #tpu.memory_space<vmem>> -> memref<128x128xf32, #tpu.memory_space<vmem>>
      %dma_start3A_209 = tpu.memref_slice %arg9[%multiple_of3A_205] : memref<10496xi32, #tpu.memory_space<vmem>> -> memref<128xi32, #tpu.memory_space<vmem>>
      %dma_start3A_210 = arith.constant 0 : i32
      %dma_start3A_211 = arith.constant 0 : i32
      %dma_start3A_212 = tpu.memref_slice %arg14[%dma_start3A_210, %dma_start3A_211] : memref<5128x128xf32, #tpu.memory_space<vmem_shared>> -> memref<5128x128xf32, #tpu.memory_space<vmem_shared>>
      tpu.enqueue_indirect_dma source(%dma_start3A_208 : memref<128x128xf32, #tpu.memory_space<vmem>>) target(%dma_start3A_212 : memref<5128x128xf32, #tpu.memory_space<vmem_shared>>) offsets(%dma_start3A_209 : memref<128xi32, #tpu.memory_space<vmem>>) semaphore(%arg13 : memref<!tpu.dma_semaphore, #tpu.memory_space<semaphore_mem>>) {add = true}
      %ge3A = arith.constant 1 : i32
      %ge3A_213 = arith.cmpi sge, %while3A_188, %ge3A : i32
      %convert_element_type3A_214 = arith.extui %ge3A_213 : i1 to i32
      %cond3A_215 = arith.constant 0 : i32
      %cond3A_216 = arith.cmpi ne, %convert_element_type3A_214, %cond3A_215 : i32
      scf.if %cond3A_216 {
        %sub3A_223 = arith.constant 1 : i32
        %sub3A_224 = arith.subi %while3A_188, %sub3A_223 : i32
        %sub3A_225 = arith.constant 1 : i32
        %sub3A_226 = arith.subi %while3A_188, %sub3A_225 : i32
        %rem3A_227 = arith.constant 2 : i32
        %rem3A_228 = arith.remsi %sub3A_226, %rem3A_227 : i32
        %mul3A_229 = arith.constant 128 : i32
        %mul3A_230 = arith.muli %sub3A_224, %mul3A_229 : i32
        %add3A_231 = arith.addi %while3A_102, %mul3A_230 : i32
        %multiple_of3A_232 = tpu.assume_multiple %add3A_231, 128 : i32
        %dma_wait3A_233 = arith.constant 0 : i32
        %dma_wait3A_234 = arith.constant 0 : i32
        %dma_wait3A_235 = tpu.memref_slice %arg10[%rem3A_228, %dma_wait3A_233, %dma_wait3A_234] : memref<2x128x128xf32, #tpu.memory_space<vmem>> -> memref<1x128x128xf32, #tpu.memory_space<vmem>>
        %dma_wait3A_236 = tpu.memref_squeeze %dma_wait3A_235 : memref<1x128x128xf32, #tpu.memory_space<vmem>> -> memref<128x128xf32, #tpu.memory_space<vmem>>
        %dma_wait3A_237 = tpu.memref_slice %arg9[%multiple_of3A_232] : memref<10496xi32, #tpu.memory_space<vmem>> -> memref<128xi32, #tpu.memory_space<vmem>>
        %dma_wait3A_238 = arith.constant 0 : i32
        %dma_wait3A_239 = arith.constant 0 : i32
        %dma_wait3A_240 = tpu.memref_slice %arg14[%dma_wait3A_238, %dma_wait3A_239] : memref<5128x128xf32, #tpu.memory_space<vmem_shared>> -> memref<5128x128xf32, #tpu.memory_space<vmem_shared>>
        tpu.wait_indirect_dma semaphore(%arg13 : memref<!tpu.dma_semaphore, #tpu.memory_space<semaphore_mem>>) src(%dma_wait3A_236 : memref<128x128xf32, #tpu.memory_space<vmem>>) dst(%dma_wait3A_240 : memref<5128x128xf32, #tpu.memory_space<vmem_shared>>)
      } else {
      }
      %add3A_217 = arith.constant 1 : i32
      %add3A_218 = arith.addi %while3A_188, %add3A_217 : i32
      %lt3A_219 = arith.cmpi slt, %add3A_218, %select_n3A_96 : i32
      %convert_element_type3A_220 = arith.extui %lt3A_219 : i1 to i32
      %cond3A_221 = arith.constant 0 : i32
      %cond3A_222 = arith.cmpi ne, %convert_element_type3A_220, %cond3A_221 : i32
      scf.if %cond3A_222 {
        %add3A_223 = arith.constant 1 : i32
        %add3A_224 = arith.addi %while3A_188, %add3A_223 : i32
        %add3A_225 = arith.constant 1 : i32
        %add3A_226 = arith.addi %while3A_188, %add3A_225 : i32
        %rem3A_227 = arith.constant 2 : i32
        %rem3A_228 = arith.remsi %add3A_226, %rem3A_227 : i32
        %mul3A_229 = arith.constant 128 : i32
        %mul3A_230 = arith.muli %add3A_224, %mul3A_229 : i32
        %add3A_231 = arith.addi %while3A_102, %mul3A_230 : i32
        %multiple_of3A_232 = tpu.assume_multiple %add3A_231, 128 : i32
        %dma_start3A_233 = arith.constant 0 : i32
        %dma_start3A_234 = arith.constant 0 : i32
        %dma_start3A_235 = tpu.memref_slice %arg10[%rem3A_228, %dma_start3A_233, %dma_start3A_234] : memref<2x128x128xf32, #tpu.memory_space<vmem>> -> memref<1x128x128xf32, #tpu.memory_space<vmem>>
        %dma_start3A_236 = tpu.memref_squeeze %dma_start3A_235 : memref<1x128x128xf32, #tpu.memory_space<vmem>> -> memref<128x128xf32, #tpu.memory_space<vmem>>
        %dma_start3A_237 = tpu.memref_slice %arg8[%multiple_of3A_232] : memref<10496xi32, #tpu.memory_space<vmem>> -> memref<128xi32, #tpu.memory_space<vmem>>
        %dma_start3A_238 = arith.constant 0 : i32
        %dma_start3A_239 = arith.constant 0 : i32
        %dma_start3A_240 = tpu.memref_slice %arg2[%dma_start3A_238, %dma_start3A_239] : memref<10000x128xf32, #tpu.memory_space<hbm>> -> memref<10000x128xf32, #tpu.memory_space<hbm>>
        tpu.enqueue_indirect_dma source(%dma_start3A_240 : memref<10000x128xf32, #tpu.memory_space<hbm>>) target(%dma_start3A_236 : memref<128x128xf32, #tpu.memory_space<vmem>>) offsets(%dma_start3A_237 : memref<128xi32, #tpu.memory_space<vmem>>) semaphore(%arg12 : memref<!tpu.dma_semaphore, #tpu.memory_space<semaphore_mem>>)
      } else {
      }
    }
    %gt3A_112 = arith.constant 0 : i32
    %gt3A_113 = arith.cmpi sgt, %select_n3A_96, %gt3A_112 : i32
    %convert_element_type3A_114 = arith.extui %gt3A_113 : i1 to i32
    %cond3A_115 = arith.constant 0 : i32
    %cond3A_116 = arith.constant 0 : i32
    %cond3A_117 = arith.cmpi ne, %convert_element_type3A_114, %cond3A_116 : i32
    scf.if %cond3A_117 {
      %sub3A_188 = arith.constant 1 : i32
      %sub3A_189 = arith.subi %select_n3A_96, %sub3A_188 : i32
      %sub3A_190 = arith.constant 1 : i32
      %sub3A_191 = arith.subi %select_n3A_96, %sub3A_190 : i32
      %rem3A_192 = arith.constant 2 : i32
      %rem3A_193 = arith.remsi %sub3A_191, %rem3A_192 : i32
      %mul3A_194 = arith.constant 128 : i32
      %mul3A_195 = arith.muli %sub3A_189, %mul3A_194 : i32
      %add3A_196 = arith.addi %cond3A_115, %mul3A_195 : i32
      %multiple_of3A_197 = tpu.assume_multiple %add3A_196, 128 : i32
      %dma_wait3A = arith.constant 0 : i32
      %dma_wait3A_198 = arith.constant 0 : i32
      %dma_wait3A_199 = tpu.memref_slice %arg10[%rem3A_193, %dma_wait3A, %dma_wait3A_198] : memref<2x128x128xf32, #tpu.memory_space<vmem>> -> memref<1x128x128xf32, #tpu.memory_space<vmem>>
      %dma_wait3A_200 = tpu.memref_squeeze %dma_wait3A_199 : memref<1x128x128xf32, #tpu.memory_space<vmem>> -> memref<128x128xf32, #tpu.memory_space<vmem>>
      %dma_wait3A_201 = tpu.memref_slice %arg9[%multiple_of3A_197] : memref<10496xi32, #tpu.memory_space<vmem>> -> memref<128xi32, #tpu.memory_space<vmem>>
      %dma_wait3A_202 = arith.constant 0 : i32
      %dma_wait3A_203 = arith.constant 0 : i32
      %dma_wait3A_204 = tpu.memref_slice %arg14[%dma_wait3A_202, %dma_wait3A_203] : memref<5128x128xf32, #tpu.memory_space<vmem_shared>> -> memref<5128x128xf32, #tpu.memory_space<vmem_shared>>
      tpu.wait_indirect_dma semaphore(%arg13 : memref<!tpu.dma_semaphore, #tpu.memory_space<semaphore_mem>>) src(%dma_wait3A_200 : memref<128x128xf32, #tpu.memory_space<vmem>>) dst(%dma_wait3A_204 : memref<5128x128xf32, #tpu.memory_space<vmem_shared>>)
    } else {
    }
    %barrier3A_118 = arith.constant 0 : index
    tpu.barrier barrier_id(%barrier3A_118)
    %add3A_119 = arith.constant 0 : i32
    %add3A_120 = arith.addi %add3A_119, %mul3A_0 : i32
    "tpu.region"() ({
      %run_scoped3A = tpu.sem_alloc : memref<!tpu.dma_semaphore, #tpu.memory_space<semaphore_mem>>
      %dma_start3A = arith.constant 0 : i32
      %dma_start3A_188 = arith.constant 0 : i32
      %dma_start3A_189 = tpu.memref_slice %arg5[%arg0, %dma_start3A, %dma_start3A_188] : memref<2x10240x128xf32, #tpu.memory_space<hbm>> -> memref<1x10240x128xf32, #tpu.memory_space<hbm>>
      %dma_start3A_190 = tpu.memref_squeeze %dma_start3A_189 : memref<1x10240x128xf32, #tpu.memory_space<hbm>> -> memref<10240x128xf32, #tpu.memory_space<hbm>>
      %dma_start3A_191 = arith.constant 0 : i32
      %dma_start3A_192 = tpu.memref_slice %dma_start3A_190[%add3A_120, %dma_start3A_191] : memref<10240x128xf32, #tpu.memory_space<hbm>> -> memref<320x128xf32, #tpu.memory_space<hbm>>
      %dma_start3A_193 = arith.constant 0 : i32
      %dma_start3A_194 = tpu.memref_slice %arg14[%mul3A_0, %dma_start3A_193] : memref<5128x128xf32, #tpu.memory_space<vmem_shared>> -> memref<320x128xf32, #tpu.memory_space<vmem_shared>>
      tpu.enqueue_dma source(%dma_start3A_194 : memref<320x128xf32, #tpu.memory_space<vmem_shared>>) target(%dma_start3A_192 : memref<320x128xf32, #tpu.memory_space<hbm>>) target_semaphore(%run_scoped3A : memref<!tpu.dma_semaphore, #tpu.memory_space<semaphore_mem>>)
      %dma_wait3A = arith.constant 0 : i32
      %dma_wait3A_195 = arith.constant 0 : i32
      %dma_wait3A_196 = tpu.memref_slice %arg5[%arg0, %dma_wait3A, %dma_wait3A_195] : memref<2x10240x128xf32, #tpu.memory_space<hbm>> -> memref<1x10240x128xf32, #tpu.memory_space<hbm>>
      %dma_wait3A_197 = tpu.memref_squeeze %dma_wait3A_196 : memref<1x10240x128xf32, #tpu.memory_space<hbm>> -> memref<10240x128xf32, #tpu.memory_space<hbm>>
      %dma_wait3A_198 = arith.constant 0 : i32
      %dma_wait3A_199 = tpu.memref_slice %dma_wait3A_197[%add3A_120, %dma_wait3A_198] : memref<10240x128xf32, #tpu.memory_space<hbm>> -> memref<320x128xf32, #tpu.memory_space<hbm>>
      %dma_wait3A_200 = arith.constant 0 : i32
      %dma_wait3A_201 = tpu.memref_slice %arg14[%mul3A_0, %dma_wait3A_200] : memref<5128x128xf32, #tpu.memory_space<vmem_shared>> -> memref<320x128xf32, #tpu.memory_space<vmem_shared>>
      tpu.wait_dma2 semaphore(%run_scoped3A : memref<!tpu.dma_semaphore, #tpu.memory_space<semaphore_mem>>) src(%dma_wait3A_201 : memref<320x128xf32, #tpu.memory_space<vmem_shared>>) dst(%dma_wait3A_199 : memref<320x128xf32, #tpu.memory_space<hbm>>)
      tpu.yield
    }) : () -> ()
    %barrier3A_121 = arith.constant 0 : index
    tpu.barrier barrier_id(%barrier3A_121)
    %jit3A_122 = arith.constant false
    %select_n3A_123 = arith.select %jit3A_122, %scan3A_17, %sub3A_49 : i32
    %scan3A_124 = arith.constant 0 : i32
    %scan3A_125 = arith.constant 0 : i32
    %scan3A_126 = arith.constant 40 : i32
    %scan3A_127 = arith.addi %scan3A_125, %scan3A_126 : i32
    %scan3A_128 = arith.constant 1 : i32
    scf.for %scan3A_188 = %scan3A_125 to %scan3A_127 step %scan3A_128  : i32 {
      %mul3A_189 = arith.constant 8 : i32
      %mul3A_190 = arith.muli %scan3A_188, %mul3A_189 : i32
      %add3A_191 = arith.addi %mul3A_0, %mul3A_190 : i32
      "tpu.region"() ({
        %run_scoped3A = tpu.sem_alloc : memref<!tpu.dma_semaphore, #tpu.memory_space<semaphore_mem>>
        %dma_start3A = arith.constant 0 : i32
        %dma_start3A_192 = tpu.memref_slice %arg14[%add3A_191, %dma_start3A] : memref<5128x128xf32, #tpu.memory_space<vmem_shared>> -> memref<8x128xf32, #tpu.memory_space<vmem_shared>>
        %dma_start3A_193 = arith.constant 0 : i32
        %dma_start3A_194 = tpu.memref_slice %arg14[%add3A_191, %dma_start3A_193] : memref<5128x128xf32, #tpu.memory_space<vmem_shared>> -> memref<8x128xf32, #tpu.memory_space<vmem_shared>>
        tpu.enqueue_dma source(%arg11 : memref<8x128xf32, #tpu.memory_space<vmem>>) target(%dma_start3A_194 : memref<8x128xf32, #tpu.memory_space<vmem_shared>>) target_semaphore(%run_scoped3A : memref<!tpu.dma_semaphore, #tpu.memory_space<semaphore_mem>>)
        %dma_wait3A = arith.constant 0 : i32
        %dma_wait3A_195 = tpu.memref_slice %arg14[%add3A_191, %dma_wait3A] : memref<5128x128xf32, #tpu.memory_space<vmem_shared>> -> memref<8x128xf32, #tpu.memory_space<vmem_shared>>
        %dma_wait3A_196 = arith.constant 0 : i32
        %dma_wait3A_197 = tpu.memref_slice %arg14[%add3A_191, %dma_wait3A_196] : memref<5128x128xf32, #tpu.memory_space<vmem_shared>> -> memref<8x128xf32, #tpu.memory_space<vmem_shared>>
        tpu.wait_dma2 semaphore(%run_scoped3A : memref<!tpu.dma_semaphore, #tpu.memory_space<semaphore_mem>>) src(%arg11 : memref<8x128xf32, #tpu.memory_space<vmem>>) dst(%dma_wait3A_197 : memref<8x128xf32, #tpu.memory_space<vmem_shared>>)
        tpu.yield
      }) : () -> ()
    }
    %scan3A_129 = arith.constant 40 : i32
    %eq3A_130 = arith.constant 0 : i32
    %eq3A_131 = arith.cmpi eq, %arg1, %eq3A_130 : i32
    %convert_element_type3A_132 = arith.extui %eq3A_131 : i1 to i32
    %cond3A_133 = arith.constant 0 : i32
    %cond3A_134 = arith.cmpi ne, %convert_element_type3A_132, %cond3A_133 : i32
    scf.if %cond3A_134 {
      "tpu.region"() ({
        %run_scoped3A = tpu.sem_alloc : memref<!tpu.dma_semaphore, #tpu.memory_space<semaphore_mem>>
        %dma_start3A = arith.constant 0 : i32
        %dma_start3A_188 = arith.constant 0 : i32
        %dma_start3A_189 = tpu.memref_slice %arg11[%dma_start3A, %dma_start3A_188] : memref<8x128xf32, #tpu.memory_space<vmem>> -> memref<8x128xf32, #tpu.memory_space<vmem>>
        %dma_start3A_190 = arith.constant 5120 : i32
        %dma_start3A_191 = arith.constant 0 : i32
        %dma_start3A_192 = tpu.memref_slice %arg14[%dma_start3A_190, %dma_start3A_191] : memref<5128x128xf32, #tpu.memory_space<vmem_shared>> -> memref<8x128xf32, #tpu.memory_space<vmem_shared>>
        %dma_start3A_193 = arith.constant 5120 : i32
        %dma_start3A_194 = arith.constant 0 : i32
        %dma_start3A_195 = tpu.memref_slice %arg14[%dma_start3A_193, %dma_start3A_194] : memref<5128x128xf32, #tpu.memory_space<vmem_shared>> -> memref<8x128xf32, #tpu.memory_space<vmem_shared>>
        %dma_start3A_196 = arith.constant 0 : i32
        %dma_start3A_197 = arith.constant 0 : i32
        %dma_start3A_198 = tpu.memref_slice %arg11[%dma_start3A_196, %dma_start3A_197] : memref<8x128xf32, #tpu.memory_space<vmem>> -> memref<8x128xf32, #tpu.memory_space<vmem>>
        tpu.enqueue_dma source(%dma_start3A_198 : memref<8x128xf32, #tpu.memory_space<vmem>>) target(%dma_start3A_195 : memref<8x128xf32, #tpu.memory_space<vmem_shared>>) target_semaphore(%run_scoped3A : memref<!tpu.dma_semaphore, #tpu.memory_space<semaphore_mem>>)
        %dma_wait3A = arith.constant 0 : i32
        %dma_wait3A_199 = arith.constant 0 : i32
        %dma_wait3A_200 = tpu.memref_slice %arg11[%dma_wait3A, %dma_wait3A_199] : memref<8x128xf32, #tpu.memory_space<vmem>> -> memref<8x128xf32, #tpu.memory_space<vmem>>
        %dma_wait3A_201 = arith.constant 5120 : i32
        %dma_wait3A_202 = arith.constant 0 : i32
        %dma_wait3A_203 = tpu.memref_slice %arg14[%dma_wait3A_201, %dma_wait3A_202] : memref<5128x128xf32, #tpu.memory_space<vmem_shared>> -> memref<8x128xf32, #tpu.memory_space<vmem_shared>>
        %dma_wait3A_204 = arith.constant 5120 : i32
        %dma_wait3A_205 = arith.constant 0 : i32
        %dma_wait3A_206 = tpu.memref_slice %arg14[%dma_wait3A_204, %dma_wait3A_205] : memref<5128x128xf32, #tpu.memory_space<vmem_shared>> -> memref<8x128xf32, #tpu.memory_space<vmem_shared>>
        %dma_wait3A_207 = arith.constant 0 : i32
        %dma_wait3A_208 = arith.constant 0 : i32
        %dma_wait3A_209 = tpu.memref_slice %arg11[%dma_wait3A_207, %dma_wait3A_208] : memref<8x128xf32, #tpu.memory_space<vmem>> -> memref<8x128xf32, #tpu.memory_space<vmem>>
        tpu.wait_dma2 semaphore(%run_scoped3A : memref<!tpu.dma_semaphore, #tpu.memory_space<semaphore_mem>>) src(%dma_wait3A_209 : memref<8x128xf32, #tpu.memory_space<vmem>>) dst(%dma_wait3A_206 : memref<8x128xf32, #tpu.memory_space<vmem_shared>>)
        tpu.yield
      }) : () -> ()
    } else {
    }
    %barrier3A_135 = arith.constant 0 : index
    tpu.barrier barrier_id(%barrier3A_135)
    %add3A_136 = arith.constant 128 : i32
    %add3A_137 = arith.addi %select_n3A_123, %add3A_136 : i32
    %sub3A_138 = arith.constant 1 : i32
    %sub3A_139 = arith.subi %add3A_137, %sub3A_138 : i32
    %jit3A_140 = arith.constant 128 : i32
    %div3A_141 = arith.divsi %sub3A_139, %jit3A_140 : i32
    %sign3A_142 = arith.constant 0 : i32
    %sign3A_143 = arith.cmpi sgt, %sub3A_139, %sign3A_142 : i32
    %sign3A_144 = arith.extui %sign3A_143 : i1 to i32
    %sign3A_145 = arith.constant 0 : i32
    %sign3A_146 = arith.cmpi slt, %sub3A_139, %sign3A_145 : i32
    %sign3A_147 = arith.extui %sign3A_146 : i1 to i32
    %sign3A_148 = arith.subi %sign3A_144, %sign3A_147 : i32
    %sign3A_149 = arith.constant 0 : i32
    %sign3A_150 = arith.cmpi sgt, %jit3A_140, %sign3A_149 : i32
    %sign3A_151 = arith.extui %sign3A_150 : i1 to i32
    %sign3A_152 = arith.constant 0 : i32
    %sign3A_153 = arith.cmpi slt, %jit3A_140, %sign3A_152 : i32
    %sign3A_154 = arith.extui %sign3A_153 : i1 to i32
    %sign3A_155 = arith.subi %sign3A_151, %sign3A_154 : i32
    %ne3A_156 = arith.cmpi ne, %sign3A_148, %sign3A_155 : i32
    %rem3A_157 = arith.remsi %sub3A_139, %jit3A_140 : i32
    %ne3A_158 = arith.constant 0 : i32
    %ne3A_159 = arith.cmpi ne, %rem3A_157, %ne3A_158 : i32
    %and3A_160 = arith.andi %ne3A_156, %ne3A_159 : i1
    %sub3A_161 = arith.constant 1 : i32
    %sub3A_162 = arith.subi %div3A_141, %sub3A_161 : i32
    %select_n3A_163 = arith.select %and3A_160, %sub3A_162, %div3A_141 : i32
    %gt3A_164 = arith.constant 0 : i32
    %gt3A_165 = arith.cmpi sgt, %select_n3A_163, %gt3A_164 : i32
    %convert_element_type3A_166 = arith.extui %gt3A_165 : i1 to i32
    %cond3A_167 = arith.constant 0 : i32
    %cond3A_168 = arith.cmpi ne, %convert_element_type3A_166, %cond3A_167 : i32
    scf.if %cond3A_168 {
      %add3A_188 = arith.constant 0 : i32
      %add3A_189 = arith.addi %multiple_of3A, %add3A_188 : i32
      %multiple_of3A_190 = tpu.assume_multiple %add3A_189, 128 : i32
      %dma_start3A = arith.constant 0 : i32
      %dma_start3A_191 = arith.constant 0 : i32
      %dma_start3A_192 = arith.constant 0 : i32
      %dma_start3A_193 = tpu.memref_slice %arg10[%dma_start3A, %dma_start3A_191, %dma_start3A_192] : memref<2x128x128xf32, #tpu.memory_space<vmem>> -> memref<1x128x128xf32, #tpu.memory_space<vmem>>
      %dma_start3A_194 = tpu.memref_squeeze %dma_start3A_193 : memref<1x128x128xf32, #tpu.memory_space<vmem>> -> memref<128x128xf32, #tpu.memory_space<vmem>>
      %dma_start3A_195 = tpu.memref_slice %arg8[%multiple_of3A_190] : memref<10496xi32, #tpu.memory_space<vmem>> -> memref<128xi32, #tpu.memory_space<vmem>>
      %dma_start3A_196 = arith.constant 0 : i32
      %dma_start3A_197 = arith.constant 0 : i32
      %dma_start3A_198 = tpu.memref_slice %arg2[%dma_start3A_196, %dma_start3A_197] : memref<10000x128xf32, #tpu.memory_space<hbm>> -> memref<10000x128xf32, #tpu.memory_space<hbm>>
      tpu.enqueue_indirect_dma source(%dma_start3A_198 : memref<10000x128xf32, #tpu.memory_space<hbm>>) target(%dma_start3A_194 : memref<128x128xf32, #tpu.memory_space<vmem>>) offsets(%dma_start3A_195 : memref<128xi32, #tpu.memory_space<vmem>>) semaphore(%arg12 : memref<!tpu.dma_semaphore, #tpu.memory_space<semaphore_mem>>)
    } else {
    }
    %while3A_169 = arith.constant 0 : i32
    %while3A_170 = arith.constant 0 : i32
    %while3A_171 = arith.subi %select_n3A_163, %while3A_170 : i32
    %while3A_172 = arith.addi %while3A_170, %while3A_171 : i32
    %while3A_173 = arith.constant 1 : i32
    %while3A_174 = arith.divsi %while3A_171, %while3A_173 : i32
    %while3A_175 = arith.muli %while3A_174, %while3A_173 : i32
    %while3A_176 = arith.addi %while3A_170, %while3A_175 : i32
    %while3A_177 = arith.constant 1 : i32
    scf.for %while3A_188 = %while3A_170 to %while3A_176 step %while3A_177  : i32 {
      %rem3A_189 = arith.constant 2 : i32
      %rem3A_190 = arith.remsi %while3A_188, %rem3A_189 : i32
      %mul3A_191 = arith.constant 128 : i32
      %mul3A_192 = arith.muli %while3A_188, %mul3A_191 : i32
      %add3A_193 = arith.addi %multiple_of3A, %mul3A_192 : i32
      %multiple_of3A_194 = tpu.assume_multiple %add3A_193, 128 : i32
      %dma_wait3A = arith.constant 0 : i32
      %dma_wait3A_195 = arith.constant 0 : i32
      %dma_wait3A_196 = tpu.memref_slice %arg10[%rem3A_190, %dma_wait3A, %dma_wait3A_195] : memref<2x128x128xf32, #tpu.memory_space<vmem>> -> memref<1x128x128xf32, #tpu.memory_space<vmem>>
      %dma_wait3A_197 = tpu.memref_squeeze %dma_wait3A_196 : memref<1x128x128xf32, #tpu.memory_space<vmem>> -> memref<128x128xf32, #tpu.memory_space<vmem>>
      %dma_wait3A_198 = tpu.memref_slice %arg8[%multiple_of3A_194] : memref<10496xi32, #tpu.memory_space<vmem>> -> memref<128xi32, #tpu.memory_space<vmem>>
      %dma_wait3A_199 = arith.constant 0 : i32
      %dma_wait3A_200 = arith.constant 0 : i32
      %dma_wait3A_201 = tpu.memref_slice %arg2[%dma_wait3A_199, %dma_wait3A_200] : memref<10000x128xf32, #tpu.memory_space<hbm>> -> memref<10000x128xf32, #tpu.memory_space<hbm>>
      tpu.wait_indirect_dma semaphore(%arg12 : memref<!tpu.dma_semaphore, #tpu.memory_space<semaphore_mem>>) src(%dma_wait3A_201 : memref<10000x128xf32, #tpu.memory_space<hbm>>) dst(%dma_wait3A_197 : memref<128x128xf32, #tpu.memory_space<vmem>>)
      %mul3A_202 = arith.constant 128 : i32
      %mul3A_203 = arith.muli %while3A_188, %mul3A_202 : i32
      %add3A_204 = arith.addi %multiple_of3A, %mul3A_203 : i32
      %multiple_of3A_205 = tpu.assume_multiple %add3A_204, 128 : i32
      %dma_start3A = arith.constant 0 : i32
      %dma_start3A_206 = arith.constant 0 : i32
      %dma_start3A_207 = tpu.memref_slice %arg10[%rem3A_190, %dma_start3A, %dma_start3A_206] : memref<2x128x128xf32, #tpu.memory_space<vmem>> -> memref<1x128x128xf32, #tpu.memory_space<vmem>>
      %dma_start3A_208 = tpu.memref_squeeze %dma_start3A_207 : memref<1x128x128xf32, #tpu.memory_space<vmem>> -> memref<128x128xf32, #tpu.memory_space<vmem>>
      %dma_start3A_209 = tpu.memref_slice %arg9[%multiple_of3A_205] : memref<10496xi32, #tpu.memory_space<vmem>> -> memref<128xi32, #tpu.memory_space<vmem>>
      %dma_start3A_210 = arith.constant 0 : i32
      %dma_start3A_211 = arith.constant 0 : i32
      %dma_start3A_212 = tpu.memref_slice %arg14[%dma_start3A_210, %dma_start3A_211] : memref<5128x128xf32, #tpu.memory_space<vmem_shared>> -> memref<5128x128xf32, #tpu.memory_space<vmem_shared>>
      tpu.enqueue_indirect_dma source(%dma_start3A_208 : memref<128x128xf32, #tpu.memory_space<vmem>>) target(%dma_start3A_212 : memref<5128x128xf32, #tpu.memory_space<vmem_shared>>) offsets(%dma_start3A_209 : memref<128xi32, #tpu.memory_space<vmem>>) semaphore(%arg13 : memref<!tpu.dma_semaphore, #tpu.memory_space<semaphore_mem>>) {add = true}
      %ge3A = arith.constant 1 : i32
      %ge3A_213 = arith.cmpi sge, %while3A_188, %ge3A : i32
      %convert_element_type3A_214 = arith.extui %ge3A_213 : i1 to i32
      %cond3A_215 = arith.constant 0 : i32
      %cond3A_216 = arith.cmpi ne, %convert_element_type3A_214, %cond3A_215 : i32
      scf.if %cond3A_216 {
        %sub3A_223 = arith.constant 1 : i32
        %sub3A_224 = arith.subi %while3A_188, %sub3A_223 : i32
        %sub3A_225 = arith.constant 1 : i32
        %sub3A_226 = arith.subi %while3A_188, %sub3A_225 : i32
        %rem3A_227 = arith.constant 2 : i32
        %rem3A_228 = arith.remsi %sub3A_226, %rem3A_227 : i32
        %mul3A_229 = arith.constant 128 : i32
        %mul3A_230 = arith.muli %sub3A_224, %mul3A_229 : i32
        %add3A_231 = arith.addi %multiple_of3A, %mul3A_230 : i32
        %multiple_of3A_232 = tpu.assume_multiple %add3A_231, 128 : i32
        %dma_wait3A_233 = arith.constant 0 : i32
        %dma_wait3A_234 = arith.constant 0 : i32
        %dma_wait3A_235 = tpu.memref_slice %arg10[%rem3A_228, %dma_wait3A_233, %dma_wait3A_234] : memref<2x128x128xf32, #tpu.memory_space<vmem>> -> memref<1x128x128xf32, #tpu.memory_space<vmem>>
        %dma_wait3A_236 = tpu.memref_squeeze %dma_wait3A_235 : memref<1x128x128xf32, #tpu.memory_space<vmem>> -> memref<128x128xf32, #tpu.memory_space<vmem>>
        %dma_wait3A_237 = tpu.memref_slice %arg9[%multiple_of3A_232] : memref<10496xi32, #tpu.memory_space<vmem>> -> memref<128xi32, #tpu.memory_space<vmem>>
        %dma_wait3A_238 = arith.constant 0 : i32
        %dma_wait3A_239 = arith.constant 0 : i32
        %dma_wait3A_240 = tpu.memref_slice %arg14[%dma_wait3A_238, %dma_wait3A_239] : memref<5128x128xf32, #tpu.memory_space<vmem_shared>> -> memref<5128x128xf32, #tpu.memory_space<vmem_shared>>
        tpu.wait_indirect_dma semaphore(%arg13 : memref<!tpu.dma_semaphore, #tpu.memory_space<semaphore_mem>>) src(%dma_wait3A_236 : memref<128x128xf32, #tpu.memory_space<vmem>>) dst(%dma_wait3A_240 : memref<5128x128xf32, #tpu.memory_space<vmem_shared>>)
      } else {
      }
      %add3A_217 = arith.constant 1 : i32
      %add3A_218 = arith.addi %while3A_188, %add3A_217 : i32
      %lt3A_219 = arith.cmpi slt, %add3A_218, %select_n3A_163 : i32
      %convert_element_type3A_220 = arith.extui %lt3A_219 : i1 to i32
      %cond3A_221 = arith.constant 0 : i32
      %cond3A_222 = arith.cmpi ne, %convert_element_type3A_220, %cond3A_221 : i32
      scf.if %cond3A_222 {
        %add3A_223 = arith.constant 1 : i32
        %add3A_224 = arith.addi %while3A_188, %add3A_223 : i32
        %add3A_225 = arith.constant 1 : i32
        %add3A_226 = arith.addi %while3A_188, %add3A_225 : i32
        %rem3A_227 = arith.constant 2 : i32
        %rem3A_228 = arith.remsi %add3A_226, %rem3A_227 : i32
        %mul3A_229 = arith.constant 128 : i32
        %mul3A_230 = arith.muli %add3A_224, %mul3A_229 : i32
        %add3A_231 = arith.addi %multiple_of3A, %mul3A_230 : i32
        %multiple_of3A_232 = tpu.assume_multiple %add3A_231, 128 : i32
        %dma_start3A_233 = arith.constant 0 : i32
        %dma_start3A_234 = arith.constant 0 : i32
        %dma_start3A_235 = tpu.memref_slice %arg10[%rem3A_228, %dma_start3A_233, %dma_start3A_234] : memref<2x128x128xf32, #tpu.memory_space<vmem>> -> memref<1x128x128xf32, #tpu.memory_space<vmem>>
        %dma_start3A_236 = tpu.memref_squeeze %dma_start3A_235 : memref<1x128x128xf32, #tpu.memory_space<vmem>> -> memref<128x128xf32, #tpu.memory_space<vmem>>
        %dma_start3A_237 = tpu.memref_slice %arg8[%multiple_of3A_232] : memref<10496xi32, #tpu.memory_space<vmem>> -> memref<128xi32, #tpu.memory_space<vmem>>
        %dma_start3A_238 = arith.constant 0 : i32
        %dma_start3A_239 = arith.constant 0 : i32
        %dma_start3A_240 = tpu.memref_slice %arg2[%dma_start3A_238, %dma_start3A_239] : memref<10000x128xf32, #tpu.memory_space<hbm>> -> memref<10000x128xf32, #tpu.memory_space<hbm>>
        tpu.enqueue_indirect_dma source(%dma_start3A_240 : memref<10000x128xf32, #tpu.memory_space<hbm>>) target(%dma_start3A_236 : memref<128x128xf32, #tpu.memory_space<vmem>>) offsets(%dma_start3A_237 : memref<128xi32, #tpu.memory_space<vmem>>) semaphore(%arg12 : memref<!tpu.dma_semaphore, #tpu.memory_space<semaphore_mem>>)
      } else {
      }
    }
    %while3A_178 = arith.constant 1 : i32
    scf.for %while3A_188 = %while3A_176 to %while3A_172 step %while3A_178  : i32 {
      %rem3A_189 = arith.constant 2 : i32
      %rem3A_190 = arith.remsi %while3A_188, %rem3A_189 : i32
      %mul3A_191 = arith.constant 128 : i32
      %mul3A_192 = arith.muli %while3A_188, %mul3A_191 : i32
      %add3A_193 = arith.addi %multiple_of3A, %mul3A_192 : i32
      %multiple_of3A_194 = tpu.assume_multiple %add3A_193, 128 : i32
      %dma_wait3A = arith.constant 0 : i32
      %dma_wait3A_195 = arith.constant 0 : i32
      %dma_wait3A_196 = tpu.memref_slice %arg10[%rem3A_190, %dma_wait3A, %dma_wait3A_195] : memref<2x128x128xf32, #tpu.memory_space<vmem>> -> memref<1x128x128xf32, #tpu.memory_space<vmem>>
      %dma_wait3A_197 = tpu.memref_squeeze %dma_wait3A_196 : memref<1x128x128xf32, #tpu.memory_space<vmem>> -> memref<128x128xf32, #tpu.memory_space<vmem>>
      %dma_wait3A_198 = tpu.memref_slice %arg8[%multiple_of3A_194] : memref<10496xi32, #tpu.memory_space<vmem>> -> memref<128xi32, #tpu.memory_space<vmem>>
      %dma_wait3A_199 = arith.constant 0 : i32
      %dma_wait3A_200 = arith.constant 0 : i32
      %dma_wait3A_201 = tpu.memref_slice %arg2[%dma_wait3A_199, %dma_wait3A_200] : memref<10000x128xf32, #tpu.memory_space<hbm>> -> memref<10000x128xf32, #tpu.memory_space<hbm>>
      tpu.wait_indirect_dma semaphore(%arg12 : memref<!tpu.dma_semaphore, #tpu.memory_space<semaphore_mem>>) src(%dma_wait3A_201 : memref<10000x128xf32, #tpu.memory_space<hbm>>) dst(%dma_wait3A_197 : memref<128x128xf32, #tpu.memory_space<vmem>>)
      %mul3A_202 = arith.constant 128 : i32
      %mul3A_203 = arith.muli %while3A_188, %mul3A_202 : i32
      %add3A_204 = arith.addi %multiple_of3A, %mul3A_203 : i32
      %multiple_of3A_205 = tpu.assume_multiple %add3A_204, 128 : i32
      %dma_start3A = arith.constant 0 : i32
      %dma_start3A_206 = arith.constant 0 : i32
      %dma_start3A_207 = tpu.memref_slice %arg10[%rem3A_190, %dma_start3A, %dma_start3A_206] : memref<2x128x128xf32, #tpu.memory_space<vmem>> -> memref<1x128x128xf32, #tpu.memory_space<vmem>>
      %dma_start3A_208 = tpu.memref_squeeze %dma_start3A_207 : memref<1x128x128xf32, #tpu.memory_space<vmem>> -> memref<128x128xf32, #tpu.memory_space<vmem>>
      %dma_start3A_209 = tpu.memref_slice %arg9[%multiple_of3A_205] : memref<10496xi32, #tpu.memory_space<vmem>> -> memref<128xi32, #tpu.memory_space<vmem>>
      %dma_start3A_210 = arith.constant 0 : i32
      %dma_start3A_211 = arith.constant 0 : i32
      %dma_start3A_212 = tpu.memref_slice %arg14[%dma_start3A_210, %dma_start3A_211] : memref<5128x128xf32, #tpu.memory_space<vmem_shared>> -> memref<5128x128xf32, #tpu.memory_space<vmem_shared>>
      tpu.enqueue_indirect_dma source(%dma_start3A_208 : memref<128x128xf32, #tpu.memory_space<vmem>>) target(%dma_start3A_212 : memref<5128x128xf32, #tpu.memory_space<vmem_shared>>) offsets(%dma_start3A_209 : memref<128xi32, #tpu.memory_space<vmem>>) semaphore(%arg13 : memref<!tpu.dma_semaphore, #tpu.memory_space<semaphore_mem>>) {add = true}
      %ge3A = arith.constant 1 : i32
      %ge3A_213 = arith.cmpi sge, %while3A_188, %ge3A : i32
      %convert_element_type3A_214 = arith.extui %ge3A_213 : i1 to i32
      %cond3A_215 = arith.constant 0 : i32
      %cond3A_216 = arith.cmpi ne, %convert_element_type3A_214, %cond3A_215 : i32
      scf.if %cond3A_216 {
        %sub3A_223 = arith.constant 1 : i32
        %sub3A_224 = arith.subi %while3A_188, %sub3A_223 : i32
        %sub3A_225 = arith.constant 1 : i32
        %sub3A_226 = arith.subi %while3A_188, %sub3A_225 : i32
        %rem3A_227 = arith.constant 2 : i32
        %rem3A_228 = arith.remsi %sub3A_226, %rem3A_227 : i32
        %mul3A_229 = arith.constant 128 : i32
        %mul3A_230 = arith.muli %sub3A_224, %mul3A_229 : i32
        %add3A_231 = arith.addi %multiple_of3A, %mul3A_230 : i32
        %multiple_of3A_232 = tpu.assume_multiple %add3A_231, 128 : i32
        %dma_wait3A_233 = arith.constant 0 : i32
        %dma_wait3A_234 = arith.constant 0 : i32
        %dma_wait3A_235 = tpu.memref_slice %arg10[%rem3A_228, %dma_wait3A_233, %dma_wait3A_234] : memref<2x128x128xf32, #tpu.memory_space<vmem>> -> memref<1x128x128xf32, #tpu.memory_space<vmem>>
        %dma_wait3A_236 = tpu.memref_squeeze %dma_wait3A_235 : memref<1x128x128xf32, #tpu.memory_space<vmem>> -> memref<128x128xf32, #tpu.memory_space<vmem>>
        %dma_wait3A_237 = tpu.memref_slice %arg9[%multiple_of3A_232] : memref<10496xi32, #tpu.memory_space<vmem>> -> memref<128xi32, #tpu.memory_space<vmem>>
        %dma_wait3A_238 = arith.constant 0 : i32
        %dma_wait3A_239 = arith.constant 0 : i32
        %dma_wait3A_240 = tpu.memref_slice %arg14[%dma_wait3A_238, %dma_wait3A_239] : memref<5128x128xf32, #tpu.memory_space<vmem_shared>> -> memref<5128x128xf32, #tpu.memory_space<vmem_shared>>
        tpu.wait_indirect_dma semaphore(%arg13 : memref<!tpu.dma_semaphore, #tpu.memory_space<semaphore_mem>>) src(%dma_wait3A_236 : memref<128x128xf32, #tpu.memory_space<vmem>>) dst(%dma_wait3A_240 : memref<5128x128xf32, #tpu.memory_space<vmem_shared>>)
      } else {
      }
      %add3A_217 = arith.constant 1 : i32
      %add3A_218 = arith.addi %while3A_188, %add3A_217 : i32
      %lt3A_219 = arith.cmpi slt, %add3A_218, %select_n3A_163 : i32
      %convert_element_type3A_220 = arith.extui %lt3A_219 : i1 to i32
      %cond3A_221 = arith.constant 0 : i32
      %cond3A_222 = arith.cmpi ne, %convert_element_type3A_220, %cond3A_221 : i32
      scf.if %cond3A_222 {
        %add3A_223 = arith.constant 1 : i32
        %add3A_224 = arith.addi %while3A_188, %add3A_223 : i32
        %add3A_225 = arith.constant 1 : i32
        %add3A_226 = arith.addi %while3A_188, %add3A_225 : i32
        %rem3A_227 = arith.constant 2 : i32
        %rem3A_228 = arith.remsi %add3A_226, %rem3A_227 : i32
        %mul3A_229 = arith.constant 128 : i32
        %mul3A_230 = arith.muli %add3A_224, %mul3A_229 : i32
        %add3A_231 = arith.addi %multiple_of3A, %mul3A_230 : i32
        %multiple_of3A_232 = tpu.assume_multiple %add3A_231, 128 : i32
        %dma_start3A_233 = arith.constant 0 : i32
        %dma_start3A_234 = arith.constant 0 : i32
        %dma_start3A_235 = tpu.memref_slice %arg10[%rem3A_228, %dma_start3A_233, %dma_start3A_234] : memref<2x128x128xf32, #tpu.memory_space<vmem>> -> memref<1x128x128xf32, #tpu.memory_space<vmem>>
        %dma_start3A_236 = tpu.memref_squeeze %dma_start3A_235 : memref<1x128x128xf32, #tpu.memory_space<vmem>> -> memref<128x128xf32, #tpu.memory_space<vmem>>
        %dma_start3A_237 = tpu.memref_slice %arg8[%multiple_of3A_232] : memref<10496xi32, #tpu.memory_space<vmem>> -> memref<128xi32, #tpu.memory_space<vmem>>
        %dma_start3A_238 = arith.constant 0 : i32
        %dma_start3A_239 = arith.constant 0 : i32
        %dma_start3A_240 = tpu.memref_slice %arg2[%dma_start3A_238, %dma_start3A_239] : memref<10000x128xf32, #tpu.memory_space<hbm>> -> memref<10000x128xf32, #tpu.memory_space<hbm>>
        tpu.enqueue_indirect_dma source(%dma_start3A_240 : memref<10000x128xf32, #tpu.memory_space<hbm>>) target(%dma_start3A_236 : memref<128x128xf32, #tpu.memory_space<vmem>>) offsets(%dma_start3A_237 : memref<128xi32, #tpu.memory_space<vmem>>) semaphore(%arg12 : memref<!tpu.dma_semaphore, #tpu.memory_space<semaphore_mem>>)
      } else {
      }
    }
    %gt3A_179 = arith.constant 0 : i32
    %gt3A_180 = arith.cmpi sgt, %select_n3A_163, %gt3A_179 : i32
    %convert_element_type3A_181 = arith.extui %gt3A_180 : i1 to i32
    %cond3A_182 = arith.constant 0 : i32
    %cond3A_183 = arith.cmpi ne, %convert_element_type3A_181, %cond3A_182 : i32
    scf.if %cond3A_183 {
      %sub3A_188 = arith.constant 1 : i32
      %sub3A_189 = arith.subi %select_n3A_163, %sub3A_188 : i32
      %sub3A_190 = arith.constant 1 : i32
      %sub3A_191 = arith.subi %select_n3A_163, %sub3A_190 : i32
      %rem3A_192 = arith.constant 2 : i32
      %rem3A_193 = arith.remsi %sub3A_191, %rem3A_192 : i32
      %mul3A_194 = arith.constant 128 : i32
      %mul3A_195 = arith.muli %sub3A_189, %mul3A_194 : i32
      %add3A_196 = arith.addi %multiple_of3A, %mul3A_195 : i32
      %multiple_of3A_197 = tpu.assume_multiple %add3A_196, 128 : i32
      %dma_wait3A = arith.constant 0 : i32
      %dma_wait3A_198 = arith.constant 0 : i32
      %dma_wait3A_199 = tpu.memref_slice %arg10[%rem3A_193, %dma_wait3A, %dma_wait3A_198] : memref<2x128x128xf32, #tpu.memory_space<vmem>> -> memref<1x128x128xf32, #tpu.memory_space<vmem>>
      %dma_wait3A_200 = tpu.memref_squeeze %dma_wait3A_199 : memref<1x128x128xf32, #tpu.memory_space<vmem>> -> memref<128x128xf32, #tpu.memory_space<vmem>>
      %dma_wait3A_201 = tpu.memref_slice %arg9[%multiple_of3A_197] : memref<10496xi32, #tpu.memory_space<vmem>> -> memref<128xi32, #tpu.memory_space<vmem>>
      %dma_wait3A_202 = arith.constant 0 : i32
      %dma_wait3A_203 = arith.constant 0 : i32
      %dma_wait3A_204 = tpu.memref_slice %arg14[%dma_wait3A_202, %dma_wait3A_203] : memref<5128x128xf32, #tpu.memory_space<vmem_shared>> -> memref<5128x128xf32, #tpu.memory_space<vmem_shared>>
      tpu.wait_indirect_dma semaphore(%arg13 : memref<!tpu.dma_semaphore, #tpu.memory_space<semaphore_mem>>) src(%dma_wait3A_200 : memref<128x128xf32, #tpu.memory_space<vmem>>) dst(%dma_wait3A_204 : memref<5128x128xf32, #tpu.memory_space<vmem_shared>>)
    } else {
    }
    %barrier3A_184 = arith.constant 0 : index
    tpu.barrier barrier_id(%barrier3A_184)
    %add3A_185 = arith.constant 5120 : i32
    %add3A_186 = arith.addi %add3A_185, %mul3A_0 : i32
    "tpu.region"() ({
      %run_scoped3A = tpu.sem_alloc : memref<!tpu.dma_semaphore, #tpu.memory_space<semaphore_mem>>
      %dma_start3A = arith.constant 0 : i32
      %dma_start3A_188 = arith.constant 0 : i32
      %dma_start3A_189 = tpu.memref_slice %arg5[%arg0, %dma_start3A, %dma_start3A_188] : memref<2x10240x128xf32, #tpu.memory_space<hbm>> -> memref<1x10240x128xf32, #tpu.memory_space<hbm>>
      %dma_start3A_190 = tpu.memref_squeeze %dma_start3A_189 : memref<1x10240x128xf32, #tpu.memory_space<hbm>> -> memref<10240x128xf32, #tpu.memory_space<hbm>>
      %dma_start3A_191 = arith.constant 0 : i32
      %dma_start3A_192 = tpu.memref_slice %dma_start3A_190[%add3A_186, %dma_start3A_191] : memref<10240x128xf32, #tpu.memory_space<hbm>> -> memref<320x128xf32, #tpu.memory_space<hbm>>
      %dma_start3A_193 = arith.constant 0 : i32
      %dma_start3A_194 = tpu.memref_slice %arg14[%mul3A_0, %dma_start3A_193] : memref<5128x128xf32, #tpu.memory_space<vmem_shared>> -> memref<320x128xf32, #tpu.memory_space<vmem_shared>>
      tpu.enqueue_dma source(%dma_start3A_194 : memref<320x128xf32, #tpu.memory_space<vmem_shared>>) target(%dma_start3A_192 : memref<320x128xf32, #tpu.memory_space<hbm>>) target_semaphore(%run_scoped3A : memref<!tpu.dma_semaphore, #tpu.memory_space<semaphore_mem>>)
      %dma_wait3A = arith.constant 0 : i32
      %dma_wait3A_195 = arith.constant 0 : i32
      %dma_wait3A_196 = tpu.memref_slice %arg5[%arg0, %dma_wait3A, %dma_wait3A_195] : memref<2x10240x128xf32, #tpu.memory_space<hbm>> -> memref<1x10240x128xf32, #tpu.memory_space<hbm>>
      %dma_wait3A_197 = tpu.memref_squeeze %dma_wait3A_196 : memref<1x10240x128xf32, #tpu.memory_space<hbm>> -> memref<10240x128xf32, #tpu.memory_space<hbm>>
      %dma_wait3A_198 = arith.constant 0 : i32
      %dma_wait3A_199 = tpu.memref_slice %dma_wait3A_197[%add3A_186, %dma_wait3A_198] : memref<10240x128xf32, #tpu.memory_space<hbm>> -> memref<320x128xf32, #tpu.memory_space<hbm>>
      %dma_wait3A_200 = arith.constant 0 : i32
      %dma_wait3A_201 = tpu.memref_slice %arg14[%mul3A_0, %dma_wait3A_200] : memref<5128x128xf32, #tpu.memory_space<vmem_shared>> -> memref<320x128xf32, #tpu.memory_space<vmem_shared>>
      tpu.wait_dma2 semaphore(%run_scoped3A : memref<!tpu.dma_semaphore, #tpu.memory_space<semaphore_mem>>) src(%dma_wait3A_201 : memref<320x128xf32, #tpu.memory_space<vmem_shared>>) dst(%dma_wait3A_199 : memref<320x128xf32, #tpu.memory_space<hbm>>)
      tpu.yield
    }) : () -> ()
    %barrier3A_187 = arith.constant 0 : index
    tpu.barrier barrier_id(%barrier3A_187)
    return
  }
}

#map = affine_map<(d0, d1) -> (0, 0)>
#map1 = affine_map<(d0, d1) -> (0, 0, 0, 0)>
#map2 = affine_map<(d0, d1) -> (0, 0, 0)>
module attributes {stable_mosaic.version = 14 : i64} {
  func.func @_sc_conv(%arg0: i32, %arg1: i32, %arg2: memref<10000x128xf32, #tpu.memory_space<hbm>>, %arg3: memref<2x16x125x80xi32, #tpu.memory_space<hbm>>, %arg4: memref<2x16x125x80xi32, #tpu.memory_space<hbm>>, %arg5: memref<2x10240x128xf32, #tpu.memory_space<hbm>>, %arg6: memref<125x80xi32, #tpu.memory_space<vmem>>, %arg7: memref<125x80xi32, #tpu.memory_space<vmem>>, %arg8: memref<10496xi32, #tpu.memory_space<vmem>>, %arg9: memref<10496xi32, #tpu.memory_space<vmem>>, %arg10: memref<2x128x128xf32, #tpu.memory_space<vmem>>, %arg11: memref<8x128xf32, #tpu.memory_space<vmem>>, %arg12: memref<!tpu.dma_semaphore, #tpu.memory_space<semaphore_mem>>, %arg13: memref<!tpu.dma_semaphore, #tpu.memory_space<semaphore_mem>>, %arg14: memref<5128x128xf32, #tpu.memory_space<vmem_shared>>) attributes {dimension_semantics = [#tpu.dimension_semantics<core_parallel>, #tpu.dimension_semantics<subcore_parallel>], iteration_bounds = array<i64: 2, 16>, scalar_prefetch = 0 : i64, scratch_operands = 9 : i64, tpu.core_type = #tpu.core_type<sc_vector_subcore>, window_params = [{transform_indices = #map}, {transform_indices = #map1}, {transform_indices = #map1}, {transform_indices = #map2}]} {
    %mul3A = arith.constant 320 : i32
    %mul3A_0 = arith.muli %arg1, %mul3A : i32
    %scan3A = arith.constant 0 : i32
    %scan3A_1 = arith.constant 0 : i32
    %scan3A_2 = arith.constant 8 : i32
    %scan3A_3 = arith.addi %scan3A_1, %scan3A_2 : i32
    %scan3A_4 = arith.constant 1 : i32
    scf.for %scan3A_188 = %scan3A_1 to %scan3A_3 step %scan3A_4  : i32 {
      %scan3A_189 = arith.constant 0 : i32
      %scan3A_190 = arith.constant 8 : i32
      %scan3A_191 = arith.addi %scan3A_189, %scan3A_190 : i32
      %scan3A_192 = arith.constant 1 : i32
      scf.for %scan3A_194 = %scan3A_189 to %scan3A_191 step %scan3A_192  : i32 {
        %broadcast_in_dim3A_195 = arith.constant 0.000000e+00 : f32
        %broadcast_in_dim3A_196 = vector.broadcast %broadcast_in_dim3A_195 : f32 to vector<16xf32>
        %mul3A_197 = arith.constant 16 : i32
        %mul3A_198 = arith.muli %scan3A_194, %mul3A_197 : i32
        %swap3A_199 = arith.index_cast %scan3A_188 : i32 to index
        %swap3A_200 = arith.index_cast %mul3A_198 : i32 to index
        %swap3A_201 = tpu.vector_load %arg11[%swap3A_199, %swap3A_200] {strides = array<i32>} : memref<8x128xf32, #tpu.memory_space<vmem>>, vector<16xf32>,
        tpu.vector_store %arg11[%swap3A_199, %swap3A_200], %broadcast_in_dim3A_196 {strides = array<i32>} : memref<8x128xf32, #tpu.memory_space<vmem>>, vector<16xf32>,
      }
      %scan3A_193 = arith.constant 8 : i32
    }
    %scan3A_5 = arith.constant 8 : i32
    "tpu.region"() ({
      %run_scoped3A = tpu.sem_alloc : memref<!tpu.dma_semaphore, #tpu.memory_space<semaphore_mem>>
      %dma_start3A = arith.constant 0 : i32
      %dma_start3A_188 = arith.constant 0 : i32
      %dma_start3A_189 = arith.constant 0 : i32
      %dma_start3A_190 = tpu.memref_slice %arg3[%arg0, %dma_start3A, %dma_start3A_188, %dma_start3A_189] : memref<2x16x125x80xi32, #tpu.memory_space<hbm>> -> memref<1x16x125x80xi32, #tpu.memory_space<hbm>>
      %dma_start3A_191 = tpu.memref_squeeze %dma_start3A_190 : memref<1x16x125x80xi32, #tpu.memory_space<hbm>> -> memref<16x125x80xi32, #tpu.memory_space<hbm>>
      %dma_start3A_192 = arith.constant 0 : i32
      %dma_start3A_193 = arith.constant 0 : i32
      %dma_start3A_194 = tpu.memref_slice %dma_start3A_191[%arg1, %dma_start3A_192, %dma_start3A_193] : memref<16x125x80xi32, #tpu.memory_space<hbm>> -> memref<1x125x80xi32, #tpu.memory_space<hbm>>
      %dma_start3A_195 = tpu.memref_squeeze %dma_start3A_194 : memref<1x125x80xi32, #tpu.memory_space<hbm>> -> memref<125x80xi32, #tpu.memory_space<hbm>>
      %dma_start3A_196 = arith.constant 0 : i32
      %dma_start3A_197 = arith.constant 0 : i32
      %dma_start3A_198 = arith.constant 0 : i32
      %dma_start3A_199 = tpu.memref_slice %arg3[%arg0, %dma_start3A_196, %dma_start3A_197, %dma_start3A_198] : memref<2x16x125x80xi32, #tpu.memory_space<hbm>> -> memref<1x16x125x80xi32, #tpu.memory_space<hbm>>
      %dma_start3A_200 = tpu.memref_squeeze %dma_start3A_199 : memref<1x16x125x80xi32, #tpu.memory_space<hbm>> -> memref<16x125x80xi32, #tpu.memory_space<hbm>>
      %dma_start3A_201 = arith.constant 0 : i32
      %dma_start3A_202 = arith.constant 0 : i32
      %dma_start3A_203 = tpu.memref_slice %dma_start3A_200[%arg1, %dma_start3A_201, %dma_start3A_202] : memref<16x125x80xi32, #tpu.memory_space<hbm>> -> memref<1x125x80xi32, #tpu.memory_space<hbm>>
      %dma_start3A_204 = tpu.memref_squeeze %dma_start3A_203 : memref<1x125x80xi32, #tpu.memory_space<hbm>> -> memref<125x80xi32, #tpu.memory_space<hbm>>
      tpu.enqueue_dma source(%dma_start3A_204 : memref<125x80xi32, #tpu.memory_space<hbm>>) target(%arg6 : memref<125x80xi32, #tpu.memory_space<vmem>>) target_semaphore(%run_scoped3A : memref<!tpu.dma_semaphore, #tpu.memory_space<semaphore_mem>>)
      %dma_wait3A = arith.constant 0 : i32
      %dma_wait3A_205 = arith.constant 0 : i32
      %dma_wait3A_206 = arith.constant 0 : i32
      %dma_wait3A_207 = tpu.memref_slice %arg3[%arg0, %dma_wait3A, %dma_wait3A_205, %dma_wait3A_206] : memref<2x16x125x80xi32, #tpu.memory_space<hbm>> -> memref<1x16x125x80xi32, #tpu.memory_space<hbm>>
      %dma_wait3A_208 = tpu.memref_squeeze %dma_wait3A_207 : memref<1x16x125x80xi32, #tpu.memory_space<hbm>> -> memref<16x125x80xi32, #tpu.memory_space<hbm>>
      %dma_wait3A_209 = arith.constant 0 : i32
      %dma_wait3A_210 = arith.constant 0 : i32
      %dma_wait3A_211 = tpu.memref_slice %dma_wait3A_208[%arg1, %dma_wait3A_209, %dma_wait3A_210] : memref<16x125x80xi32, #tpu.memory_space<hbm>> -> memref<1x125x80xi32, #tpu.memory_space<hbm>>
      %dma_wait3A_212 = tpu.memref_squeeze %dma_wait3A_211 : memref<1x125x80xi32, #tpu.memory_space<hbm>> -> memref<125x80xi32, #tpu.memory_space<hbm>>
      %dma_wait3A_213 = arith.constant 0 : i32
      %dma_wait3A_214 = arith.constant 0 : i32
      %dma_wait3A_215 = arith.constant 0 : i32
      %dma_wait3A_216 = tpu.memref_slice %arg3[%arg0, %dma_wait3A_213, %dma_wait3A_214, %dma_wait3A_215] : memref<2x16x125x80xi32, #tpu.memory_space<hbm>> -> memref<1x16x125x80xi32, #tpu.memory_space<hbm>>
      %dma_wait3A_217 = tpu.memref_squeeze %dma_wait3A_216 : memref<1x16x125x80xi32, #tpu.memory_space<hbm>> -> memref<16x125x80xi32, #tpu.memory_space<hbm>>
      %dma_wait3A_218 = arith.constant 0 : i32
      %dma_wait3A_219 = arith.constant 0 : i32
      %dma_wait3A_220 = tpu.memref_slice %dma_wait3A_217[%arg1, %dma_wait3A_218, %dma_wait3A_219] : memref<16x125x80xi32, #tpu.memory_space<hbm>> -> memref<1x125x80xi32, #tpu.memory_space<hbm>>
      %dma_wait3A_221 = tpu.memref_squeeze %dma_wait3A_220 : memref<1x125x80xi32, #tpu.memory_space<hbm>> -> memref<125x80xi32, #tpu.memory_space<hbm>>
      tpu.wait_dma2 semaphore(%run_scoped3A : memref<!tpu.dma_semaphore, #tpu.memory_space<semaphore_mem>>) src(%dma_wait3A_221 : memref<125x80xi32, #tpu.memory_space<hbm>>) dst(%arg6 : memref<125x80xi32, #tpu.memory_space<vmem>>)
      tpu.yield
    }) : () -> ()
    "tpu.region"() ({
      %run_scoped3A = tpu.sem_alloc : memref<!tpu.dma_semaphore, #tpu.memory_space<semaphore_mem>>
      %dma_start3A = arith.constant 0 : i32
      %dma_start3A_188 = arith.constant 0 : i32
      %dma_start3A_189 = arith.constant 0 : i32
      %dma_start3A_190 = tpu.memref_slice %arg4[%arg0, %dma_start3A, %dma_start3A_188, %dma_start3A_189] : memref<2x16x125x80xi32, #tpu.memory_space<hbm>> -> memref<1x16x125x80xi32, #tpu.memory_space<hbm>>
      %dma_start3A_191 = tpu.memref_squeeze %dma_start3A_190 : memref<1x16x125x80xi32, #tpu.memory_space<hbm>> -> memref<16x125x80xi32, #tpu.memory_space<hbm>>
      %dma_start3A_192 = arith.constant 0 : i32
      %dma_start3A_193 = arith.constant 0 : i32
      %dma_start3A_194 = tpu.memref_slice %dma_start3A_191[%arg1, %dma_start3A_192, %dma_start3A_193] : memref<16x125x80xi32, #tpu.memory_space<hbm>> -> memref<1x125x80xi32, #tpu.memory_space<hbm>>
      %dma_start3A_195 = tpu.memref_squeeze %dma_start3A_194 : memref<1x125x80xi32, #tpu.memory_space<hbm>> -> memref<125x80xi32, #tpu.memory_space<hbm>>
      %dma_start3A_196 = arith.constant 0 : i32
      %dma_start3A_197 = arith.constant 0 : i32
      %dma_start3A_198 = arith.constant 0 : i32
      %dma_start3A_199 = tpu.memref_slice %arg4[%arg0, %dma_start3A_196, %dma_start3A_197, %dma_start3A_198] : memref<2x16x125x80xi32, #tpu.memory_space<hbm>> -> memref<1x16x125x80xi32, #tpu.memory_space<hbm>>
      %dma_start3A_200 = tpu.memref_squeeze %dma_start3A_199 : memref<1x16x125x80xi32, #tpu.memory_space<hbm>> -> memref<16x125x80xi32, #tpu.memory_space<hbm>>
      %dma_start3A_201 = arith.constant 0 : i32
      %dma_start3A_202 = arith.constant 0 : i32
      %dma_start3A_203 = tpu.memref_slice %dma_start3A_200[%arg1, %dma_start3A_201, %dma_start3A_202] : memref<16x125x80xi32, #tpu.memory_space<hbm>> -> memref<1x125x80xi32, #tpu.memory_space<hbm>>
      %dma_start3A_204 = tpu.memref_squeeze %dma_start3A_203 : memref<1x125x80xi32, #tpu.memory_space<hbm>> -> memref<125x80xi32, #tpu.memory_space<hbm>>
      tpu.enqueue_dma source(%dma_start3A_204 : memref<125x80xi32, #tpu.memory_space<hbm>>) target(%arg7 : memref<125x80xi32, #tpu.memory_space<vmem>>) target_semaphore(%run_scoped3A : memref<!tpu.dma_semaphore, #tpu.memory_space<semaphore_mem>>)
      %dma_wait3A = arith.constant 0 : i32
      %dma_wait3A_205 = arith.constant 0 : i32
      %dma_wait3A_206 = arith.constant 0 : i32
      %dma_wait3A_207 = tpu.memref_slice %arg4[%arg0, %dma_wait3A, %dma_wait3A_205, %dma_wait3A_206] : memref<2x16x125x80xi32, #tpu.memory_space<hbm>> -> memref<1x16x125x80xi32, #tpu.memory_space<hbm>>
      %dma_wait3A_208 = tpu.memref_squeeze %dma_wait3A_207 : memref<1x16x125x80xi32, #tpu.memory_space<hbm>> -> memref<16x125x80xi32, #tpu.memory_space<hbm>>
      %dma_wait3A_209 = arith.constant 0 : i32
      %dma_wait3A_210 = arith.constant 0 : i32
      %dma_wait3A_211 = tpu.memref_slice %dma_wait3A_208[%arg1, %dma_wait3A_209, %dma_wait3A_210] : memref<16x125x80xi32, #tpu.memory_space<hbm>> -> memref<1x125x80xi32, #tpu.memory_space<hbm>>
      %dma_wait3A_212 = tpu.memref_squeeze %dma_wait3A_211 : memref<1x125x80xi32, #tpu.memory_space<hbm>> -> memref<125x80xi32, #tpu.memory_space<hbm>>
      %dma_wait3A_213 = arith.constant 0 : i32
      %dma_wait3A_214 = arith.constant 0 : i32
      %dma_wait3A_215 = arith.constant 0 : i32
      %dma_wait3A_216 = tpu.memref_slice %arg4[%arg0, %dma_wait3A_213, %dma_wait3A_214, %dma_wait3A_215] : memref<2x16x125x80xi32, #tpu.memory_space<hbm>> -> memref<1x16x125x80xi32, #tpu.memory_space<hbm>>
      %dma_wait3A_217 = tpu.memref_squeeze %dma_wait3A_216 : memref<1x16x125x80xi32, #tpu.memory_space<hbm>> -> memref<16x125x80xi32, #tpu.memory_space<hbm>>
      %dma_wait3A_218 = arith.constant 0 : i32
      %dma_wait3A_219 = arith.constant 0 : i32
      %dma_wait3A_220 = tpu.memref_slice %dma_wait3A_217[%arg1, %dma_wait3A_218, %dma_wait3A_219] : memref<16x125x80xi32, #tpu.memory_space<hbm>> -> memref<1x125x80xi32, #tpu.memory_space<hbm>>
      %dma_wait3A_221 = tpu.memref_squeeze %dma_wait3A_220 : memref<1x125x80xi32, #tpu.memory_space<hbm>> -> memref<125x80xi32, #tpu.memory_space<hbm>>
      tpu.wait_dma2 semaphore(%run_scoped3A : memref<!tpu.dma_semaphore, #tpu.memory_space<semaphore_mem>>) src(%dma_wait3A_221 : memref<125x80xi32, #tpu.memory_space<hbm>>) dst(%arg7 : memref<125x80xi32, #tpu.memory_space<vmem>>)
      tpu.yield
    }) : () -> ()
    %scan3A_6 = arith.constant 0 : i32
    %scan3A_7 = arith.constant 0 : i32
    %scan3A_8 = arith.constant 656 : i32
    %scan3A_9 = arith.addi %scan3A_7, %scan3A_8 : i32
    %scan3A_10 = arith.constant 1 : i32
    scf.for %scan3A_188 = %scan3A_7 to %scan3A_9 step %scan3A_10  : i32 {
      %broadcast_in_dim3A_189 = arith.constant 0 : i32
      %broadcast_in_dim3A_190 = vector.broadcast %broadcast_in_dim3A_189 : i32 to vector<16xi32>
      %mul3A_191 = arith.constant 16 : i32
      %mul3A_192 = arith.muli %scan3A_188, %mul3A_191 : i32
      %swap3A_193 = arith.index_cast %mul3A_192 : i32 to index
      %swap3A_194 = tpu.vector_load %arg8[%swap3A_193] {strides = array<i32>} : memref<10496xi32, #tpu.memory_space<vmem>>, vector<16xi32>,
      tpu.vector_store %arg8[%swap3A_193], %broadcast_in_dim3A_190 {strides = array<i32>} : memref<10496xi32, #tpu.memory_space<vmem>>, vector<16xi32>,
      %broadcast_in_dim3A_195 = arith.constant 5120 : i32
      %broadcast_in_dim3A_196 = vector.broadcast %broadcast_in_dim3A_195 : i32 to vector<16xi32>
      %mul3A_197 = arith.constant 16 : i32
      %mul3A_198 = arith.muli %scan3A_188, %mul3A_197 : i32
      %swap3A_199 = arith.index_cast %mul3A_198 : i32 to index
      %swap3A_200 = tpu.vector_load %arg9[%swap3A_199] {strides = array<i32>} : memref<10496xi32, #tpu.memory_space<vmem>>, vector<16xi32>,
      tpu.vector_store %arg9[%swap3A_199], %broadcast_in_dim3A_196 {strides = array<i32>} : memref<10496xi32, #tpu.memory_space<vmem>>, vector<16xi32>,
    }
    %scan3A_11 = arith.constant 656 : i32
    %scan3A_12 = arith.constant 0 : i32
    %scan3A_13 = arith.constant 0 : i32
    %scan3A_14 = arith.constant 625 : i32
    %scan3A_15 = arith.addi %scan3A_13, %scan3A_14 : i32
    %scan3A_16 = arith.constant 1 : i32
    %scan3A_17 = scf.for %scan3A_188 = %scan3A_13 to %scan3A_15 step %scan3A_16 iter_args(%scan3A_189 = %scan3A_12) -> (i32)  : i32 {
      %jit3A_190 = arith.constant 5 : i32
      %div3A_191 = arith.divsi %scan3A_188, %jit3A_190 : i32
      %sign3A_192 = arith.constant 0 : i32
      %sign3A_193 = arith.cmpi sgt, %scan3A_188, %sign3A_192 : i32
      %sign3A_194 = arith.extui %sign3A_193 : i1 to i32
      %sign3A_195 = arith.constant 0 : i32
      %sign3A_196 = arith.cmpi slt, %scan3A_188, %sign3A_195 : i32
      %sign3A_197 = arith.extui %sign3A_196 : i1 to i32
      %sign3A_198 = arith.subi %sign3A_194, %sign3A_197 : i32
      %sign3A_199 = arith.constant 0 : i32
      %sign3A_200 = arith.cmpi sgt, %jit3A_190, %sign3A_199 : i32
      %sign3A_201 = arith.extui %sign3A_200 : i1 to i32
      %sign3A_202 = arith.constant 0 : i32
      %sign3A_203 = arith.cmpi slt, %jit3A_190, %sign3A_202 : i32
      %sign3A_204 = arith.extui %sign3A_203 : i1 to i32
      %sign3A_205 = arith.subi %sign3A_201, %sign3A_204 : i32
      %ne3A_206 = arith.cmpi ne, %sign3A_198, %sign3A_205 : i32
      %rem3A_207 = arith.remsi %scan3A_188, %jit3A_190 : i32
      %ne3A_208 = arith.constant 0 : i32
      %ne3A_209 = arith.cmpi ne, %rem3A_207, %ne3A_208 : i32
      %and3A_210 = arith.andi %ne3A_206, %ne3A_209 : i1
      %sub3A_211 = arith.constant 1 : i32
      %sub3A_212 = arith.subi %div3A_191, %sub3A_211 : i32
      %select_n3A_213 = arith.select %and3A_210, %sub3A_212, %div3A_191 : i32
      %jit3A_214 = arith.constant 5 : i32
      %eq3A_215 = arith.constant 0 : i32
      %eq3A_216 = arith.cmpi eq, %jit3A_214, %eq3A_215 : i32
      %jit3A_217 = arith.constant 1 : i32
      %select_n3A_218 = arith.select %eq3A_216, %jit3A_217, %jit3A_214 : i32
      %rem3A_219 = arith.remsi %scan3A_188, %select_n3A_218 : i32
      %ne3A_220 = arith.constant 0 : i32
      %ne3A_221 = arith.cmpi ne, %rem3A_219, %ne3A_220 : i32
      %lt3A_222 = arith.constant 0 : i32
      %lt3A_223 = arith.cmpi slt, %rem3A_219, %lt3A_222 : i32
      %lt3A_224 = arith.constant 0 : i32
      %lt3A_225 = arith.cmpi slt, %select_n3A_218, %lt3A_224 : i32
      %ne3A_226 = arith.xori %lt3A_223, %lt3A_225 : i1
      %and3A_227 = arith.andi %ne3A_226, %ne3A_221 : i1
      %add3A_228 = arith.addi %rem3A_219, %select_n3A_218 : i32
      %select_n3A_229 = arith.select %and3A_227, %add3A_228, %rem3A_219 : i32
      %mul3A_230 = arith.constant 16 : i32
      %mul3A_231 = arith.muli %select_n3A_229, %mul3A_230 : i32
      %get3A = arith.index_cast %select_n3A_213 : i32 to index
      %get3A_232 = arith.index_cast %mul3A_231 : i32 to index
      %get3A_233 = tpu.vector_load %arg7[%get3A, %get3A_232] {strides = array<i32>} : memref<125x80xi32, #tpu.memory_space<vmem>>, vector<16xi32>,
      %lt3A_234 = arith.constant 5120 : i32
      %lt3A_235 = vector.broadcast %lt3A_234 : i32 to vector<16xi32>
      %lt3A_236 = arith.cmpi slt, %get3A_233, %lt3A_235 : vector<16xi32>
      %convert_element_type3A_237 = arith.extui %lt3A_236 : vector<16xi1> to vector<16xi32>
      %reduce_sum3A = arith.constant true
      %reduce_sum3A_238 = vector.broadcast %reduce_sum3A : i1 to vector<16xi1>
      %reduce_sum3A_239 = tpu.scan <sum>, %convert_element_type3A_237 masked %reduce_sum3A_238 : vector<16xi32>, vector<16xi1> -> vector<16xi32>
      %reduce_sum3A_240 = vector.extract %reduce_sum3A_239[15] : i32 from vector<16xi32>
      %add3A_241 = arith.addi %scan3A_189, %reduce_sum3A_240 : i32
      scf.yield %add3A_241 : i32
    }
    %scan3A_18 = arith.constant 625 : i32
    %add3A = arith.constant 16 : i32
    %add3A_19 = arith.addi %scan3A_17, %add3A : i32
    %add3A_20 = arith.constant 128 : i32
    %add3A_21 = arith.addi %add3A_19, %add3A_20 : i32
    %sub3A = arith.constant 1 : i32
    %sub3A_22 = arith.subi %add3A_21, %sub3A : i32
    %jit3A = arith.constant 128 : i32
    %div3A = arith.divsi %sub3A_22, %jit3A : i32
    %sign3A = arith.constant 0 : i32
    %sign3A_23 = arith.cmpi sgt, %sub3A_22, %sign3A : i32
    %sign3A_24 = arith.extui %sign3A_23 : i1 to i32
    %sign3A_25 = arith.constant 0 : i32
    %sign3A_26 = arith.cmpi slt, %sub3A_22, %sign3A_25 : i32
    %sign3A_27 = arith.extui %sign3A_26 : i1 to i32
    %sign3A_28 = arith.subi %sign3A_24, %sign3A_27 : i32
    %sign3A_29 = arith.constant 0 : i32
    %sign3A_30 = arith.cmpi sgt, %jit3A, %sign3A_29 : i32
    %sign3A_31 = arith.extui %sign3A_30 : i1 to i32
    %sign3A_32 = arith.constant 0 : i32
    %sign3A_33 = arith.cmpi slt, %jit3A, %sign3A_32 : i32
    %sign3A_34 = arith.extui %sign3A_33 : i1 to i32
    %sign3A_35 = arith.subi %sign3A_31, %sign3A_34 : i32
    %ne3A = arith.cmpi ne, %sign3A_28, %sign3A_35 : i32
    %rem3A = arith.remsi %sub3A_22, %jit3A : i32
    %ne3A_36 = arith.constant 0 : i32
    %ne3A_37 = arith.cmpi ne, %rem3A, %ne3A_36 : i32
    %and3A = arith.andi %ne3A, %ne3A_37 : i1
    %sub3A_38 = arith.constant 1 : i32
    %sub3A_39 = arith.subi %div3A, %sub3A_38 : i32
    %select_n3A = arith.select %and3A, %sub3A_39, %div3A : i32
    %mul3A_40 = arith.constant 128 : i32
    %mul3A_41 = arith.muli %select_n3A, %mul3A_40 : i32
    %multiple_of3A = tpu.assume_multiple %mul3A_41, 128 : i32
    %scan3A_42 = arith.constant 0 : i32
    %scan3A_43 = arith.constant 0 : i32
    %scan3A_44 = arith.constant 625 : i32
    %scan3A_45 = arith.addi %scan3A_43, %scan3A_44 : i32
    %scan3A_46 = arith.constant 1 : i32
    %scan3A_47:2 = scf.for %scan3A_188 = %scan3A_43 to %scan3A_45 step %scan3A_46 iter_args(%scan3A_189 = %scan3A_42, %scan3A_190 = %multiple_of3A) -> (i32, i32)  : i32 {
      %jit3A_191 = arith.constant 5 : i32
      %div3A_192 = arith.divsi %scan3A_188, %jit3A_191 : i32
      %sign3A_193 = arith.constant 0 : i32
      %sign3A_194 = arith.cmpi sgt, %scan3A_188, %sign3A_193 : i32
      %sign3A_195 = arith.extui %sign3A_194 : i1 to i32
      %sign3A_196 = arith.constant 0 : i32
      %sign3A_197 = arith.cmpi slt, %scan3A_188, %sign3A_196 : i32
      %sign3A_198 = arith.extui %sign3A_197 : i1 to i32
      %sign3A_199 = arith.subi %sign3A_195, %sign3A_198 : i32
      %sign3A_200 = arith.constant 0 : i32
      %sign3A_201 = arith.cmpi sgt, %jit3A_191, %sign3A_200 : i32
      %sign3A_202 = arith.extui %sign3A_201 : i1 to i32
      %sign3A_203 = arith.constant 0 : i32
      %sign3A_204 = arith.cmpi slt, %jit3A_191, %sign3A_203 : i32
      %sign3A_205 = arith.extui %sign3A_204 : i1 to i32
      %sign3A_206 = arith.subi %sign3A_202, %sign3A_205 : i32
      %ne3A_207 = arith.cmpi ne, %sign3A_199, %sign3A_206 : i32
      %rem3A_208 = arith.remsi %scan3A_188, %jit3A_191 : i32
      %ne3A_209 = arith.constant 0 : i32
      %ne3A_210 = arith.cmpi ne, %rem3A_208, %ne3A_209 : i32
      %and3A_211 = arith.andi %ne3A_207, %ne3A_210 : i1
      %sub3A_212 = arith.constant 1 : i32
      %sub3A_213 = arith.subi %div3A_192, %sub3A_212 : i32
      %select_n3A_214 = arith.select %and3A_211, %sub3A_213, %div3A_192 : i32
      %jit3A_215 = arith.constant 5 : i32
      %eq3A_216 = arith.constant 0 : i32
      %eq3A_217 = arith.cmpi eq, %jit3A_215, %eq3A_216 : i32
      %jit3A_218 = arith.constant 1 : i32
      %select_n3A_219 = arith.select %eq3A_217, %jit3A_218, %jit3A_215 : i32
      %rem3A_220 = arith.remsi %scan3A_188, %select_n3A_219 : i32
      %ne3A_221 = arith.constant 0 : i32
      %ne3A_222 = arith.cmpi ne, %rem3A_220, %ne3A_221 : i32
      %lt3A_223 = arith.constant 0 : i32
      %lt3A_224 = arith.cmpi slt, %rem3A_220, %lt3A_223 : i32
      %lt3A_225 = arith.constant 0 : i32
      %lt3A_226 = arith.cmpi slt, %select_n3A_219, %lt3A_225 : i32
      %ne3A_227 = arith.xori %lt3A_224, %lt3A_226 : i1
      %and3A_228 = arith.andi %ne3A_227, %ne3A_222 : i1
      %add3A_229 = arith.addi %rem3A_220, %select_n3A_219 : i32
      %select_n3A_230 = arith.select %and3A_228, %add3A_229, %rem3A_220 : i32
      %mul3A_231 = arith.constant 16 : i32
      %mul3A_232 = arith.muli %select_n3A_230, %mul3A_231 : i32
      %get3A = arith.index_cast %select_n3A_214 : i32 to index
      %get3A_233 = arith.index_cast %mul3A_232 : i32 to index
      %get3A_234 = tpu.vector_load %arg6[%get3A, %get3A_233] {strides = array<i32>} : memref<125x80xi32, #tpu.memory_space<vmem>>, vector<16xi32>,
      %mul3A_235 = arith.constant 16 : i32
      %mul3A_236 = arith.muli %select_n3A_230, %mul3A_235 : i32
      %get3A_237 = arith.index_cast %select_n3A_214 : i32 to index
      %get3A_238 = arith.index_cast %mul3A_236 : i32 to index
      %get3A_239 = tpu.vector_load %arg7[%get3A_237, %get3A_238] {strides = array<i32>} : memref<125x80xi32, #tpu.memory_space<vmem>>, vector<16xi32>,
      %lt3A_240 = arith.constant 5120 : i32
      %lt3A_241 = vector.broadcast %lt3A_240 : i32 to vector<16xi32>
      %lt3A_242 = arith.cmpi slt, %get3A_239, %lt3A_241 : vector<16xi32>
      %swap3A_243 = arith.index_cast %scan3A_189 : i32 to index
      %swap3A_244 = tpu.vector_load %arg8[%swap3A_243] masked %lt3A_242 {strides = array<i32>} : memref<10496xi32, #tpu.memory_space<vmem>>, vector<16xi32>, vector<16xi1>
      tpu.vector_store %arg8[%swap3A_243], %get3A_234 masked %lt3A_242 {strides = array<i32>} : memref<10496xi32, #tpu.memory_space<vmem>>, vector<16xi32>, vector<16xi1>
      %swap3A_245 = arith.index_cast %scan3A_189 : i32 to index
      %swap3A_246 = tpu.vector_load %arg9[%swap3A_245] masked %lt3A_242 {strides = array<i32>} : memref<10496xi32, #tpu.memory_space<vmem>>, vector<16xi32>, vector<16xi1>
      tpu.vector_store %arg9[%swap3A_245], %get3A_239 masked %lt3A_242 {strides = array<i32>} : memref<10496xi32, #tpu.memory_space<vmem>>, vector<16xi32>, vector<16xi1>
      %not3A = arith.constant dense<true> : vector<16xi1>
      %not3A_247 = arith.xori %lt3A_242, %not3A : vector<16xi1>
      %swap3A_248 = arith.index_cast %scan3A_190 : i32 to index
      %swap3A_249 = tpu.vector_load %arg8[%swap3A_248] masked %not3A_247 {strides = array<i32>} : memref<10496xi32, #tpu.memory_space<vmem>>, vector<16xi32>, vector<16xi1>
      tpu.vector_store %arg8[%swap3A_248], %get3A_234 masked %not3A_247 {strides = array<i32>} : memref<10496xi32, #tpu.memory_space<vmem>>, vector<16xi32>, vector<16xi1>
      %sub3A_250 = arith.constant 5120 : i32
      %sub3A_251 = vector.broadcast %sub3A_250 : i32 to vector<16xi32>
      %sub3A_252 = arith.subi %get3A_239, %sub3A_251 : vector<16xi32>
      %swap3A_253 = arith.index_cast %scan3A_190 : i32 to index
      %swap3A_254 = tpu.vector_load %arg9[%swap3A_253] masked %not3A_247 {strides = array<i32>} : memref<10496xi32, #tpu.memory_space<vmem>>, vector<16xi32>, vector<16xi1>
      tpu.vector_store %arg9[%swap3A_253], %sub3A_252 masked %not3A_247 {strides = array<i32>} : memref<10496xi32, #tpu.memory_space<vmem>>, vector<16xi32>, vector<16xi1>
      %convert_element_type3A_255 = arith.extui %lt3A_242 : vector<16xi1> to vector<16xi32>
      %reduce_sum3A = arith.constant true
      %reduce_sum3A_256 = vector.broadcast %reduce_sum3A : i1 to vector<16xi1>
      %reduce_sum3A_257 = tpu.scan <sum>, %convert_element_type3A_255 masked %reduce_sum3A_256 : vector<16xi32>, vector<16xi1> -> vector<16xi32>
      %reduce_sum3A_258 = vector.extract %reduce_sum3A_257[15] : i32 from vector<16xi32>
      %add3A_259 = arith.addi %scan3A_189, %reduce_sum3A_258 : i32
      %sub3A_260 = arith.constant 16 : i32
      %sub3A_261 = arith.subi %sub3A_260, %reduce_sum3A_258 : i32
      %add3A_262 = arith.addi %scan3A_190, %sub3A_261 : i32
      scf.yield %add3A_259, %add3A_262 : i32, i32
    }
    %scan3A_48 = arith.constant 625 : i32
    %sub3A_49 = arith.subi %scan3A_47#1, %multiple_of3A : i32
    %lt3A = arith.cmpi slt, %scan3A_47#0, %multiple_of3A : i32
    %convert_element_type3A = arith.extui %lt3A : i1 to i32
    %cond3A = arith.constant 0 : i32
    %cond3A_50 = arith.cmpi ne, %convert_element_type3A, %cond3A : i32
    scf.if %cond3A_50 {
      %broadcast_in_dim3A_188 = arith.constant 0 : i32
      %broadcast_in_dim3A_189 = vector.broadcast %broadcast_in_dim3A_188 : i32 to vector<16xi32>
      %swap3A_190 = arith.index_cast %scan3A_47#0 : i32 to index
      %swap3A_191 = tpu.vector_load %arg8[%swap3A_190] {strides = array<i32>} : memref<10496xi32, #tpu.memory_space<vmem>>, vector<16xi32>,
      tpu.vector_store %arg8[%swap3A_190], %broadcast_in_dim3A_189 {strides = array<i32>} : memref<10496xi32, #tpu.memory_space<vmem>>, vector<16xi32>,
      %broadcast_in_dim3A_192 = arith.constant 5120 : i32
      %broadcast_in_dim3A_193 = vector.broadcast %broadcast_in_dim3A_192 : i32 to vector<16xi32>
      %swap3A_194 = arith.index_cast %scan3A_47#0 : i32 to index
      %swap3A_195 = tpu.vector_load %arg9[%swap3A_194] {strides = array<i32>} : memref<10496xi32, #tpu.memory_space<vmem>>, vector<16xi32>,
      tpu.vector_store %arg9[%swap3A_194], %broadcast_in_dim3A_193 {strides = array<i32>} : memref<10496xi32, #tpu.memory_space<vmem>>, vector<16xi32>,
    } else {
    }
    %broadcast_in_dim3A = arith.constant 0 : i32
    %broadcast_in_dim3A_51 = vector.broadcast %broadcast_in_dim3A : i32 to vector<16xi32>
    %swap3A = arith.index_cast %scan3A_47#1 : i32 to index
    %swap3A_52 = tpu.vector_load %arg8[%swap3A] {strides = array<i32>} : memref<10496xi32, #tpu.memory_space<vmem>>, vector<16xi32>,
    tpu.vector_store %arg8[%swap3A], %broadcast_in_dim3A_51 {strides = array<i32>} : memref<10496xi32, #tpu.memory_space<vmem>>, vector<16xi32>,
    %broadcast_in_dim3A_53 = arith.constant 5120 : i32
    %broadcast_in_dim3A_54 = vector.broadcast %broadcast_in_dim3A_53 : i32 to vector<16xi32>
    %swap3A_55 = arith.index_cast %scan3A_47#1 : i32 to index
    %swap3A_56 = tpu.vector_load %arg9[%swap3A_55] {strides = array<i32>} : memref<10496xi32, #tpu.memory_space<vmem>>, vector<16xi32>,
    tpu.vector_store %arg9[%swap3A_55], %broadcast_in_dim3A_54 {strides = array<i32>} : memref<10496xi32, #tpu.memory_space<vmem>>, vector<16xi32>,
    %jit3A_57 = arith.constant true
    %select_n3A_58 = arith.select %jit3A_57, %scan3A_17, %sub3A_49 : i32
    %scan3A_59 = arith.constant 0 : i32
    %scan3A_60 = arith.constant 0 : i32
    %scan3A_61 = arith.constant 40 : i32
    %scan3A_62 = arith.addi %scan3A_60, %scan3A_61 : i32
    %scan3A_63 = arith.constant 1 : i32
    scf.for %scan3A_188 = %scan3A_60 to %scan3A_62 step %scan3A_63  : i32 {
      %mul3A_189 = arith.constant 8 : i32
      %mul3A_190 = arith.muli %scan3A_188, %mul3A_189 : i32
      %add3A_191 = arith.addi %mul3A_0, %mul3A_190 : i32
      "tpu.region"() ({
        %run_scoped3A = tpu.sem_alloc : memref<!tpu.dma_semaphore, #tpu.memory_space<semaphore_mem>>
        %dma_start3A = arith.constant 0 : i32
        %dma_start3A_192 = tpu.memref_slice %arg14[%add3A_191, %dma_start3A] : memref<5128x128xf32, #tpu.memory_space<vmem_shared>> -> memref<8x128xf32, #tpu.memory_space<vmem_shared>>
        %dma_start3A_193 = arith.constant 0 : i32
        %dma_start3A_194 = tpu.memref_slice %arg14[%add3A_191, %dma_start3A_193] : memref<5128x128xf32, #tpu.memory_space<vmem_shared>> -> memref<8x128xf32, #tpu.memory_space<vmem_shared>>
        tpu.enqueue_dma source(%arg11 : memref<8x128xf32, #tpu.memory_space<vmem>>) target(%dma_start3A_194 : memref<8x128xf32, #tpu.memory_space<vmem_shared>>) target_semaphore(%run_scoped3A : memref<!tpu.dma_semaphore, #tpu.memory_space<semaphore_mem>>)
        %dma_wait3A = arith.constant 0 : i32
        %dma_wait3A_195 = tpu.memref_slice %arg14[%add3A_191, %dma_wait3A] : memref<5128x128xf32, #tpu.memory_space<vmem_shared>> -> memref<8x128xf32, #tpu.memory_space<vmem_shared>>
        %dma_wait3A_196 = arith.constant 0 : i32
        %dma_wait3A_197 = tpu.memref_slice %arg14[%add3A_191, %dma_wait3A_196] : memref<5128x128xf32, #tpu.memory_space<vmem_shared>> -> memref<8x128xf32, #tpu.memory_space<vmem_shared>>
        tpu.wait_dma2 semaphore(%run_scoped3A : memref<!tpu.dma_semaphore, #tpu.memory_space<semaphore_mem>>) src(%arg11 : memref<8x128xf32, #tpu.memory_space<vmem>>) dst(%dma_wait3A_197 : memref<8x128xf32, #tpu.memory_space<vmem_shared>>)
        tpu.yield
      }) : () -> ()
    }
    %scan3A_64 = arith.constant 40 : i32
    %eq3A = arith.constant 0 : i32
    %eq3A_65 = arith.cmpi eq, %arg1, %eq3A : i32
    %convert_element_type3A_66 = arith.extui %eq3A_65 : i1 to i32
    %cond3A_67 = arith.constant 0 : i32
    %cond3A_68 = arith.cmpi ne, %convert_element_type3A_66, %cond3A_67 : i32
    scf.if %cond3A_68 {
      "tpu.region"() ({
        %run_scoped3A = tpu.sem_alloc : memref<!tpu.dma_semaphore, #tpu.memory_space<semaphore_mem>>
        %dma_start3A = arith.constant 0 : i32
        %dma_start3A_188 = arith.constant 0 : i32
        %dma_start3A_189 = tpu.memref_slice %arg11[%dma_start3A, %dma_start3A_188] : memref<8x128xf32, #tpu.memory_space<vmem>> -> memref<8x128xf32, #tpu.memory_space<vmem>>
        %dma_start3A_190 = arith.constant 5120 : i32
        %dma_start3A_191 = arith.constant 0 : i32
        %dma_start3A_192 = tpu.memref_slice %arg14[%dma_start3A_190, %dma_start3A_191] : memref<5128x128xf32, #tpu.memory_space<vmem_shared>> -> memref<8x128xf32, #tpu.memory_space<vmem_shared>>
        %dma_start3A_193 = arith.constant 5120 : i32
        %dma_start3A_194 = arith.constant 0 : i32
        %dma_start3A_195 = tpu.memref_slice %arg14[%dma_start3A_193, %dma_start3A_194] : memref<5128x128xf32, #tpu.memory_space<vmem_shared>> -> memref<8x128xf32, #tpu.memory_space<vmem_shared>>
        %dma_start3A_196 = arith.constant 0 : i32
        %dma_start3A_197 = arith.constant 0 : i32
        %dma_start3A_198 = tpu.memref_slice %arg11[%dma_start3A_196, %dma_start3A_197] : memref<8x128xf32, #tpu.memory_space<vmem>> -> memref<8x128xf32, #tpu.memory_space<vmem>>
        tpu.enqueue_dma source(%dma_start3A_198 : memref<8x128xf32, #tpu.memory_space<vmem>>) target(%dma_start3A_195 : memref<8x128xf32, #tpu.memory_space<vmem_shared>>) target_semaphore(%run_scoped3A : memref<!tpu.dma_semaphore, #tpu.memory_space<semaphore_mem>>)
        %dma_wait3A = arith.constant 0 : i32
        %dma_wait3A_199 = arith.constant 0 : i32
        %dma_wait3A_200 = tpu.memref_slice %arg11[%dma_wait3A, %dma_wait3A_199] : memref<8x128xf32, #tpu.memory_space<vmem>> -> memref<8x128xf32, #tpu.memory_space<vmem>>
        %dma_wait3A_201 = arith.constant 5120 : i32
        %dma_wait3A_202 = arith.constant 0 : i32
        %dma_wait3A_203 = tpu.memref_slice %arg14[%dma_wait3A_201, %dma_wait3A_202] : memref<5128x128xf32, #tpu.memory_space<vmem_shared>> -> memref<8x128xf32, #tpu.memory_space<vmem_shared>>
        %dma_wait3A_204 = arith.constant 5120 : i32
        %dma_wait3A_205 = arith.constant 0 : i32
        %dma_wait3A_206 = tpu.memref_slice %arg14[%dma_wait3A_204, %dma_wait3A_205] : memref<5128x128xf32, #tpu.memory_space<vmem_shared>> -> memref<8x128xf32, #tpu.memory_space<vmem_shared>>
        %dma_wait3A_207 = arith.constant 0 : i32
        %dma_wait3A_208 = arith.constant 0 : i32
        %dma_wait3A_209 = tpu.memref_slice %arg11[%dma_wait3A_207, %dma_wait3A_208] : memref<8x128xf32, #tpu.memory_space<vmem>> -> memref<8x128xf32, #tpu.memory_space<vmem>>
        tpu.wait_dma2 semaphore(%run_scoped3A : memref<!tpu.dma_semaphore, #tpu.memory_space<semaphore_mem>>) src(%dma_wait3A_209 : memref<8x128xf32, #tpu.memory_space<vmem>>) dst(%dma_wait3A_206 : memref<8x128xf32, #tpu.memory_space<vmem_shared>>)
        tpu.yield
      }) : () -> ()
    } else {
    }
    %barrier3A = arith.constant 0 : index
    tpu.barrier barrier_id(%barrier3A)
    %add3A_69 = arith.constant 128 : i32
    %add3A_70 = arith.addi %select_n3A_58, %add3A_69 : i32
    %sub3A_71 = arith.constant 1 : i32
    %sub3A_72 = arith.subi %add3A_70, %sub3A_71 : i32
    %jit3A_73 = arith.constant 128 : i32
    %div3A_74 = arith.divsi %sub3A_72, %jit3A_73 : i32
    %sign3A_75 = arith.constant 0 : i32
    %sign3A_76 = arith.cmpi sgt, %sub3A_72, %sign3A_75 : i32
    %sign3A_77 = arith.extui %sign3A_76 : i1 to i32
    %sign3A_78 = arith.constant 0 : i32
    %sign3A_79 = arith.cmpi slt, %sub3A_72, %sign3A_78 : i32
    %sign3A_80 = arith.extui %sign3A_79 : i1 to i32
    %sign3A_81 = arith.subi %sign3A_77, %sign3A_80 : i32
    %sign3A_82 = arith.constant 0 : i32
    %sign3A_83 = arith.cmpi sgt, %jit3A_73, %sign3A_82 : i32
    %sign3A_84 = arith.extui %sign3A_83 : i1 to i32
    %sign3A_85 = arith.constant 0 : i32
    %sign3A_86 = arith.cmpi slt, %jit3A_73, %sign3A_85 : i32
    %sign3A_87 = arith.extui %sign3A_86 : i1 to i32
    %sign3A_88 = arith.subi %sign3A_84, %sign3A_87 : i32
    %ne3A_89 = arith.cmpi ne, %sign3A_81, %sign3A_88 : i32
    %rem3A_90 = arith.remsi %sub3A_72, %jit3A_73 : i32
    %ne3A_91 = arith.constant 0 : i32
    %ne3A_92 = arith.cmpi ne, %rem3A_90, %ne3A_91 : i32
    %and3A_93 = arith.andi %ne3A_89, %ne3A_92 : i1
    %sub3A_94 = arith.constant 1 : i32
    %sub3A_95 = arith.subi %div3A_74, %sub3A_94 : i32
    %select_n3A_96 = arith.select %and3A_93, %sub3A_95, %div3A_74 : i32
    %gt3A = arith.constant 0 : i32
    %gt3A_97 = arith.cmpi sgt, %select_n3A_96, %gt3A : i32
    %convert_element_type3A_98 = arith.extui %gt3A_97 : i1 to i32
    %cond3A_99 = arith.constant 0 : i32
    %cond3A_100 = arith.constant 0 : i32
    %cond3A_101 = arith.cmpi ne, %convert_element_type3A_98, %cond3A_100 : i32
    scf.if %cond3A_101 {
      %add3A_188 = arith.constant 0 : i32
      %add3A_189 = arith.addi %cond3A_99, %add3A_188 : i32
      %multiple_of3A_190 = tpu.assume_multiple %add3A_189, 128 : i32
      %dma_start3A = arith.constant 0 : i32
      %dma_start3A_191 = arith.constant 0 : i32
      %dma_start3A_192 = arith.constant 0 : i32
      %dma_start3A_193 = tpu.memref_slice %arg10[%dma_start3A, %dma_start3A_191, %dma_start3A_192] : memref<2x128x128xf32, #tpu.memory_space<vmem>> -> memref<1x128x128xf32, #tpu.memory_space<vmem>>
      %dma_start3A_194 = tpu.memref_squeeze %dma_start3A_193 : memref<1x128x128xf32, #tpu.memory_space<vmem>> -> memref<128x128xf32, #tpu.memory_space<vmem>>
      %dma_start3A_195 = tpu.memref_slice %arg8[%multiple_of3A_190] : memref<10496xi32, #tpu.memory_space<vmem>> -> memref<128xi32, #tpu.memory_space<vmem>>
      %dma_start3A_196 = arith.constant 0 : i32
      %dma_start3A_197 = arith.constant 0 : i32
      %dma_start3A_198 = tpu.memref_slice %arg2[%dma_start3A_196, %dma_start3A_197] : memref<10000x128xf32, #tpu.memory_space<hbm>> -> memref<10000x128xf32, #tpu.memory_space<hbm>>
      tpu.enqueue_indirect_dma source(%dma_start3A_198 : memref<10000x128xf32, #tpu.memory_space<hbm>>) target(%dma_start3A_194 : memref<128x128xf32, #tpu.memory_space<vmem>>) offsets(%dma_start3A_195 : memref<128xi32, #tpu.memory_space<vmem>>) semaphore(%arg12 : memref<!tpu.dma_semaphore, #tpu.memory_space<semaphore_mem>>)
    } else {
    }
    %while3A = arith.constant 0 : i32
    %while3A_102 = arith.constant 0 : i32
    %while3A_103 = arith.constant 0 : i32
    %while3A_104 = arith.subi %select_n3A_96, %while3A_103 : i32
    %while3A_105 = arith.addi %while3A_103, %while3A_104 : i32
    %while3A_106 = arith.constant 1 : i32
    %while3A_107 = arith.divsi %while3A_104, %while3A_106 : i32
    %while3A_108 = arith.muli %while3A_107, %while3A_106 : i32
    %while3A_109 = arith.addi %while3A_103, %while3A_108 : i32
    %while3A_110 = arith.constant 1 : i32
    scf.for %while3A_188 = %while3A_103 to %while3A_109 step %while3A_110  : i32 {
      %rem3A_189 = arith.constant 2 : i32
      %rem3A_190 = arith.remsi %while3A_188, %rem3A_189 : i32
      %mul3A_191 = arith.constant 128 : i32
      %mul3A_192 = arith.muli %while3A_188, %mul3A_191 : i32
      %add3A_193 = arith.addi %while3A_102, %mul3A_192 : i32
      %multiple_of3A_194 = tpu.assume_multiple %add3A_193, 128 : i32
      %dma_wait3A = arith.constant 0 : i32
      %dma_wait3A_195 = arith.constant 0 : i32
      %dma_wait3A_196 = tpu.memref_slice %arg10[%rem3A_190, %dma_wait3A, %dma_wait3A_195] : memref<2x128x128xf32, #tpu.memory_space<vmem>> -> memref<1x128x128xf32, #tpu.memory_space<vmem>>
      %dma_wait3A_197 = tpu.memref_squeeze %dma_wait3A_196 : memref<1x128x128xf32, #tpu.memory_space<vmem>> -> memref<128x128xf32, #tpu.memory_space<vmem>>
      %dma_wait3A_198 = tpu.memref_slice %arg8[%multiple_of3A_194] : memref<10496xi32, #tpu.memory_space<vmem>> -> memref<128xi32, #tpu.memory_space<vmem>>
      %dma_wait3A_199 = arith.constant 0 : i32
      %dma_wait3A_200 = arith.constant 0 : i32
      %dma_wait3A_201 = tpu.memref_slice %arg2[%dma_wait3A_199, %dma_wait3A_200] : memref<10000x128xf32, #tpu.memory_space<hbm>> -> memref<10000x128xf32, #tpu.memory_space<hbm>>
      tpu.wait_indirect_dma semaphore(%arg12 : memref<!tpu.dma_semaphore, #tpu.memory_space<semaphore_mem>>) src(%dma_wait3A_201 : memref<10000x128xf32, #tpu.memory_space<hbm>>) dst(%dma_wait3A_197 : memref<128x128xf32, #tpu.memory_space<vmem>>)
      %mul3A_202 = arith.constant 128 : i32
      %mul3A_203 = arith.muli %while3A_188, %mul3A_202 : i32
      %add3A_204 = arith.addi %while3A_102, %mul3A_203 : i32
      %multiple_of3A_205 = tpu.assume_multiple %add3A_204, 128 : i32
      %dma_start3A = arith.constant 0 : i32
      %dma_start3A_206 = arith.constant 0 : i32
      %dma_start3A_207 = tpu.memref_slice %arg10[%rem3A_190, %dma_start3A, %dma_start3A_206] : memref<2x128x128xf32, #tpu.memory_space<vmem>> -> memref<1x128x128xf32, #tpu.memory_space<vmem>>
      %dma_start3A_208 = tpu.memref_squeeze %dma_start3A_207 : memref<1x128x128xf32, #tpu.memory_space<vmem>> -> memref<128x128xf32, #tpu.memory_space<vmem>>
      %dma_start3A_209 = tpu.memref_slice %arg9[%multiple_of3A_205] : memref<10496xi32, #tpu.memory_space<vmem>> -> memref<128xi32, #tpu.memory_space<vmem>>
      %dma_start3A_210 = arith.constant 0 : i32
      %dma_start3A_211 = arith.constant 0 : i32
      %dma_start3A_212 = tpu.memref_slice %arg14[%dma_start3A_210, %dma_start3A_211] : memref<5128x128xf32, #tpu.memory_space<vmem_shared>> -> memref<5128x128xf32, #tpu.memory_space<vmem_shared>>
      tpu.enqueue_indirect_dma source(%dma_start3A_208 : memref<128x128xf32, #tpu.memory_space<vmem>>) target(%dma_start3A_212 : memref<5128x128xf32, #tpu.memory_space<vmem_shared>>) offsets(%dma_start3A_209 : memref<128xi32, #tpu.memory_space<vmem>>) semaphore(%arg13 : memref<!tpu.dma_semaphore, #tpu.memory_space<semaphore_mem>>) {add = true}
      %ge3A = arith.constant 1 : i32
      %ge3A_213 = arith.cmpi sge, %while3A_188, %ge3A : i32
      %convert_element_type3A_214 = arith.extui %ge3A_213 : i1 to i32
      %cond3A_215 = arith.constant 0 : i32
      %cond3A_216 = arith.cmpi ne, %convert_element_type3A_214, %cond3A_215 : i32
      scf.if %cond3A_216 {
        %sub3A_223 = arith.constant 1 : i32
        %sub3A_224 = arith.subi %while3A_188, %sub3A_223 : i32
        %sub3A_225 = arith.constant 1 : i32
        %sub3A_226 = arith.subi %while3A_188, %sub3A_225 : i32
        %rem3A_227 = arith.constant 2 : i32
        %rem3A_228 = arith.remsi %sub3A_226, %rem3A_227 : i32
        %mul3A_229 = arith.constant 128 : i32
        %mul3A_230 = arith.muli %sub3A_224, %mul3A_229 : i32
        %add3A_231 = arith.addi %while3A_102, %mul3A_230 : i32
        %multiple_of3A_232 = tpu.assume_multiple %add3A_231, 128 : i32
        %dma_wait3A_233 = arith.constant 0 : i32
        %dma_wait3A_234 = arith.constant 0 : i32
        %dma_wait3A_235 = tpu.memref_slice %arg10[%rem3A_228, %dma_wait3A_233, %dma_wait3A_234] : memref<2x128x128xf32, #tpu.memory_space<vmem>> -> memref<1x128x128xf32, #tpu.memory_space<vmem>>
        %dma_wait3A_236 = tpu.memref_squeeze %dma_wait3A_235 : memref<1x128x128xf32, #tpu.memory_space<vmem>> -> memref<128x128xf32, #tpu.memory_space<vmem>>
        %dma_wait3A_237 = tpu.memref_slice %arg9[%multiple_of3A_232] : memref<10496xi32, #tpu.memory_space<vmem>> -> memref<128xi32, #tpu.memory_space<vmem>>
        %dma_wait3A_238 = arith.constant 0 : i32
        %dma_wait3A_239 = arith.constant 0 : i32
        %dma_wait3A_240 = tpu.memref_slice %arg14[%dma_wait3A_238, %dma_wait3A_239] : memref<5128x128xf32, #tpu.memory_space<vmem_shared>> -> memref<5128x128xf32, #tpu.memory_space<vmem_shared>>
        tpu.wait_indirect_dma semaphore(%arg13 : memref<!tpu.dma_semaphore, #tpu.memory_space<semaphore_mem>>) src(%dma_wait3A_236 : memref<128x128xf32, #tpu.memory_space<vmem>>) dst(%dma_wait3A_240 : memref<5128x128xf32, #tpu.memory_space<vmem_shared>>)
      } else {
      }
      %add3A_217 = arith.constant 1 : i32
      %add3A_218 = arith.addi %while3A_188, %add3A_217 : i32
      %lt3A_219 = arith.cmpi slt, %add3A_218, %select_n3A_96 : i32
      %convert_element_type3A_220 = arith.extui %lt3A_219 : i1 to i32
      %cond3A_221 = arith.constant 0 : i32
      %cond3A_222 = arith.cmpi ne, %convert_element_type3A_220, %cond3A_221 : i32
      scf.if %cond3A_222 {
        %add3A_223 = arith.constant 1 : i32
        %add3A_224 = arith.addi %while3A_188, %add3A_223 : i32
        %add3A_225 = arith.constant 1 : i32
        %add3A_226 = arith.addi %while3A_188, %add3A_225 : i32
        %rem3A_227 = arith.constant 2 : i32
        %rem3A_228 = arith.remsi %add3A_226, %rem3A_227 : i32
        %mul3A_229 = arith.constant 128 : i32
        %mul3A_230 = arith.muli %add3A_224, %mul3A_229 : i32
        %add3A_231 = arith.addi %while3A_102, %mul3A_230 : i32
        %multiple_of3A_232 = tpu.assume_multiple %add3A_231, 128 : i32
        %dma_start3A_233 = arith.constant 0 : i32
        %dma_start3A_234 = arith.constant 0 : i32
        %dma_start3A_235 = tpu.memref_slice %arg10[%rem3A_228, %dma_start3A_233, %dma_start3A_234] : memref<2x128x128xf32, #tpu.memory_space<vmem>> -> memref<1x128x128xf32, #tpu.memory_space<vmem>>
        %dma_start3A_236 = tpu.memref_squeeze %dma_start3A_235 : memref<1x128x128xf32, #tpu.memory_space<vmem>> -> memref<128x128xf32, #tpu.memory_space<vmem>>
        %dma_start3A_237 = tpu.memref_slice %arg8[%multiple_of3A_232] : memref<10496xi32, #tpu.memory_space<vmem>> -> memref<128xi32, #tpu.memory_space<vmem>>
        %dma_start3A_238 = arith.constant 0 : i32
        %dma_start3A_239 = arith.constant 0 : i32
        %dma_start3A_240 = tpu.memref_slice %arg2[%dma_start3A_238, %dma_start3A_239] : memref<10000x128xf32, #tpu.memory_space<hbm>> -> memref<10000x128xf32, #tpu.memory_space<hbm>>
        tpu.enqueue_indirect_dma source(%dma_start3A_240 : memref<10000x128xf32, #tpu.memory_space<hbm>>) target(%dma_start3A_236 : memref<128x128xf32, #tpu.memory_space<vmem>>) offsets(%dma_start3A_237 : memref<128xi32, #tpu.memory_space<vmem>>) semaphore(%arg12 : memref<!tpu.dma_semaphore, #tpu.memory_space<semaphore_mem>>)
      } else {
      }
    }
    %while3A_111 = arith.constant 1 : i32
    scf.for %while3A_188 = %while3A_109 to %while3A_105 step %while3A_111  : i32 {
      %rem3A_189 = arith.constant 2 : i32
      %rem3A_190 = arith.remsi %while3A_188, %rem3A_189 : i32
      %mul3A_191 = arith.constant 128 : i32
      %mul3A_192 = arith.muli %while3A_188, %mul3A_191 : i32
      %add3A_193 = arith.addi %while3A_102, %mul3A_192 : i32
      %multiple_of3A_194 = tpu.assume_multiple %add3A_193, 128 : i32
      %dma_wait3A = arith.constant 0 : i32
      %dma_wait3A_195 = arith.constant 0 : i32
      %dma_wait3A_196 = tpu.memref_slice %arg10[%rem3A_190, %dma_wait3A, %dma_wait3A_195] : memref<2x128x128xf32, #tpu.memory_space<vmem>> -> memref<1x128x128xf32, #tpu.memory_space<vmem>>
      %dma_wait3A_197 = tpu.memref_squeeze %dma_wait3A_196 : memref<1x128x128xf32, #tpu.memory_space<vmem>> -> memref<128x128xf32, #tpu.memory_space<vmem>>
      %dma_wait3A_198 = tpu.memref_slice %arg8[%multiple_of3A_194] : memref<10496xi32, #tpu.memory_space<vmem>> -> memref<128xi32, #tpu.memory_space<vmem>>
      %dma_wait3A_199 = arith.constant 0 : i32
      %dma_wait3A_200 = arith.constant 0 : i32
      %dma_wait3A_201 = tpu.memref_slice %arg2[%dma_wait3A_199, %dma_wait3A_200] : memref<10000x128xf32, #tpu.memory_space<hbm>> -> memref<10000x128xf32, #tpu.memory_space<hbm>>
      tpu.wait_indirect_dma semaphore(%arg12 : memref<!tpu.dma_semaphore, #tpu.memory_space<semaphore_mem>>) src(%dma_wait3A_201 : memref<10000x128xf32, #tpu.memory_space<hbm>>) dst(%dma_wait3A_197 : memref<128x128xf32, #tpu.memory_space<vmem>>)
      %mul3A_202 = arith.constant 128 : i32
      %mul3A_203 = arith.muli %while3A_188, %mul3A_202 : i32
      %add3A_204 = arith.addi %while3A_102, %mul3A_203 : i32
      %multiple_of3A_205 = tpu.assume_multiple %add3A_204, 128 : i32
      %dma_start3A = arith.constant 0 : i32
      %dma_start3A_206 = arith.constant 0 : i32
      %dma_start3A_207 = tpu.memref_slice %arg10[%rem3A_190, %dma_start3A, %dma_start3A_206] : memref<2x128x128xf32, #tpu.memory_space<vmem>> -> memref<1x128x128xf32, #tpu.memory_space<vmem>>
      %dma_start3A_208 = tpu.memref_squeeze %dma_start3A_207 : memref<1x128x128xf32, #tpu.memory_space<vmem>> -> memref<128x128xf32, #tpu.memory_space<vmem>>
      %dma_start3A_209 = tpu.memref_slice %arg9[%multiple_of3A_205] : memref<10496xi32, #tpu.memory_space<vmem>> -> memref<128xi32, #tpu.memory_space<vmem>>
      %dma_start3A_210 = arith.constant 0 : i32
      %dma_start3A_211 = arith.constant 0 : i32
      %dma_start3A_212 = tpu.memref_slice %arg14[%dma_start3A_210, %dma_start3A_211] : memref<5128x128xf32, #tpu.memory_space<vmem_shared>> -> memref<5128x128xf32, #tpu.memory_space<vmem_shared>>
      tpu.enqueue_indirect_dma source(%dma_start3A_208 : memref<128x128xf32, #tpu.memory_space<vmem>>) target(%dma_start3A_212 : memref<5128x128xf32, #tpu.memory_space<vmem_shared>>) offsets(%dma_start3A_209 : memref<128xi32, #tpu.memory_space<vmem>>) semaphore(%arg13 : memref<!tpu.dma_semaphore, #tpu.memory_space<semaphore_mem>>) {add = true}
      %ge3A = arith.constant 1 : i32
      %ge3A_213 = arith.cmpi sge, %while3A_188, %ge3A : i32
      %convert_element_type3A_214 = arith.extui %ge3A_213 : i1 to i32
      %cond3A_215 = arith.constant 0 : i32
      %cond3A_216 = arith.cmpi ne, %convert_element_type3A_214, %cond3A_215 : i32
      scf.if %cond3A_216 {
        %sub3A_223 = arith.constant 1 : i32
        %sub3A_224 = arith.subi %while3A_188, %sub3A_223 : i32
        %sub3A_225 = arith.constant 1 : i32
        %sub3A_226 = arith.subi %while3A_188, %sub3A_225 : i32
        %rem3A_227 = arith.constant 2 : i32
        %rem3A_228 = arith.remsi %sub3A_226, %rem3A_227 : i32
        %mul3A_229 = arith.constant 128 : i32
        %mul3A_230 = arith.muli %sub3A_224, %mul3A_229 : i32
        %add3A_231 = arith.addi %while3A_102, %mul3A_230 : i32
        %multiple_of3A_232 = tpu.assume_multiple %add3A_231, 128 : i32
        %dma_wait3A_233 = arith.constant 0 : i32
        %dma_wait3A_234 = arith.constant 0 : i32
        %dma_wait3A_235 = tpu.memref_slice %arg10[%rem3A_228, %dma_wait3A_233, %dma_wait3A_234] : memref<2x128x128xf32, #tpu.memory_space<vmem>> -> memref<1x128x128xf32, #tpu.memory_space<vmem>>
        %dma_wait3A_236 = tpu.memref_squeeze %dma_wait3A_235 : memref<1x128x128xf32, #tpu.memory_space<vmem>> -> memref<128x128xf32, #tpu.memory_space<vmem>>
        %dma_wait3A_237 = tpu.memref_slice %arg9[%multiple_of3A_232] : memref<10496xi32, #tpu.memory_space<vmem>> -> memref<128xi32, #tpu.memory_space<vmem>>
        %dma_wait3A_238 = arith.constant 0 : i32
        %dma_wait3A_239 = arith.constant 0 : i32
        %dma_wait3A_240 = tpu.memref_slice %arg14[%dma_wait3A_238, %dma_wait3A_239] : memref<5128x128xf32, #tpu.memory_space<vmem_shared>> -> memref<5128x128xf32, #tpu.memory_space<vmem_shared>>
        tpu.wait_indirect_dma semaphore(%arg13 : memref<!tpu.dma_semaphore, #tpu.memory_space<semaphore_mem>>) src(%dma_wait3A_236 : memref<128x128xf32, #tpu.memory_space<vmem>>) dst(%dma_wait3A_240 : memref<5128x128xf32, #tpu.memory_space<vmem_shared>>)
      } else {
      }
      %add3A_217 = arith.constant 1 : i32
      %add3A_218 = arith.addi %while3A_188, %add3A_217 : i32
      %lt3A_219 = arith.cmpi slt, %add3A_218, %select_n3A_96 : i32
      %convert_element_type3A_220 = arith.extui %lt3A_219 : i1 to i32
      %cond3A_221 = arith.constant 0 : i32
      %cond3A_222 = arith.cmpi ne, %convert_element_type3A_220, %cond3A_221 : i32
      scf.if %cond3A_222 {
        %add3A_223 = arith.constant 1 : i32
        %add3A_224 = arith.addi %while3A_188, %add3A_223 : i32
        %add3A_225 = arith.constant 1 : i32
        %add3A_226 = arith.addi %while3A_188, %add3A_225 : i32
        %rem3A_227 = arith.constant 2 : i32
        %rem3A_228 = arith.remsi %add3A_226, %rem3A_227 : i32
        %mul3A_229 = arith.constant 128 : i32
        %mul3A_230 = arith.muli %add3A_224, %mul3A_229 : i32
        %add3A_231 = arith.addi %while3A_102, %mul3A_230 : i32
        %multiple_of3A_232 = tpu.assume_multiple %add3A_231, 128 : i32
        %dma_start3A_233 = arith.constant 0 : i32
        %dma_start3A_234 = arith.constant 0 : i32
        %dma_start3A_235 = tpu.memref_slice %arg10[%rem3A_228, %dma_start3A_233, %dma_start3A_234] : memref<2x128x128xf32, #tpu.memory_space<vmem>> -> memref<1x128x128xf32, #tpu.memory_space<vmem>>
        %dma_start3A_236 = tpu.memref_squeeze %dma_start3A_235 : memref<1x128x128xf32, #tpu.memory_space<vmem>> -> memref<128x128xf32, #tpu.memory_space<vmem>>
        %dma_start3A_237 = tpu.memref_slice %arg8[%multiple_of3A_232] : memref<10496xi32, #tpu.memory_space<vmem>> -> memref<128xi32, #tpu.memory_space<vmem>>
        %dma_start3A_238 = arith.constant 0 : i32
        %dma_start3A_239 = arith.constant 0 : i32
        %dma_start3A_240 = tpu.memref_slice %arg2[%dma_start3A_238, %dma_start3A_239] : memref<10000x128xf32, #tpu.memory_space<hbm>> -> memref<10000x128xf32, #tpu.memory_space<hbm>>
        tpu.enqueue_indirect_dma source(%dma_start3A_240 : memref<10000x128xf32, #tpu.memory_space<hbm>>) target(%dma_start3A_236 : memref<128x128xf32, #tpu.memory_space<vmem>>) offsets(%dma_start3A_237 : memref<128xi32, #tpu.memory_space<vmem>>) semaphore(%arg12 : memref<!tpu.dma_semaphore, #tpu.memory_space<semaphore_mem>>)
      } else {
      }
    }
    %gt3A_112 = arith.constant 0 : i32
    %gt3A_113 = arith.cmpi sgt, %select_n3A_96, %gt3A_112 : i32
    %convert_element_type3A_114 = arith.extui %gt3A_113 : i1 to i32
    %cond3A_115 = arith.constant 0 : i32
    %cond3A_116 = arith.constant 0 : i32
    %cond3A_117 = arith.cmpi ne, %convert_element_type3A_114, %cond3A_116 : i32
    scf.if %cond3A_117 {
      %sub3A_188 = arith.constant 1 : i32
      %sub3A_189 = arith.subi %select_n3A_96, %sub3A_188 : i32
      %sub3A_190 = arith.constant 1 : i32
      %sub3A_191 = arith.subi %select_n3A_96, %sub3A_190 : i32
      %rem3A_192 = arith.constant 2 : i32
      %rem3A_193 = arith.remsi %sub3A_191, %rem3A_192 : i32
      %mul3A_194 = arith.constant 128 : i32
      %mul3A_195 = arith.muli %sub3A_189, %mul3A_194 : i32
      %add3A_196 = arith.addi %cond3A_115, %mul3A_195 : i32
      %multiple_of3A_197 = tpu.assume_multiple %add3A_196, 128 : i32
      %dma_wait3A = arith.constant 0 : i32
      %dma_wait3A_198 = arith.constant 0 : i32
      %dma_wait3A_199 = tpu.memref_slice %arg10[%rem3A_193, %dma_wait3A, %dma_wait3A_198] : memref<2x128x128xf32, #tpu.memory_space<vmem>> -> memref<1x128x128xf32, #tpu.memory_space<vmem>>
      %dma_wait3A_200 = tpu.memref_squeeze %dma_wait3A_199 : memref<1x128x128xf32, #tpu.memory_space<vmem>> -> memref<128x128xf32, #tpu.memory_space<vmem>>
      %dma_wait3A_201 = tpu.memref_slice %arg9[%multiple_of3A_197] : memref<10496xi32, #tpu.memory_space<vmem>> -> memref<128xi32, #tpu.memory_space<vmem>>
      %dma_wait3A_202 = arith.constant 0 : i32
      %dma_wait3A_203 = arith.constant 0 : i32
      %dma_wait3A_204 = tpu.memref_slice %arg14[%dma_wait3A_202, %dma_wait3A_203] : memref<5128x128xf32, #tpu.memory_space<vmem_shared>> -> memref<5128x128xf32, #tpu.memory_space<vmem_shared>>
      tpu.wait_indirect_dma semaphore(%arg13 : memref<!tpu.dma_semaphore, #tpu.memory_space<semaphore_mem>>) src(%dma_wait3A_200 : memref<128x128xf32, #tpu.memory_space<vmem>>) dst(%dma_wait3A_204 : memref<5128x128xf32, #tpu.memory_space<vmem_shared>>)
    } else {
    }
    %barrier3A_118 = arith.constant 0 : index
    tpu.barrier barrier_id(%barrier3A_118)
    %add3A_119 = arith.constant 0 : i32
    %add3A_120 = arith.addi %add3A_119, %mul3A_0 : i32
    "tpu.region"() ({
      %run_scoped3A = tpu.sem_alloc : memref<!tpu.dma_semaphore, #tpu.memory_space<semaphore_mem>>
      %dma_start3A = arith.constant 0 : i32
      %dma_start3A_188 = arith.constant 0 : i32
      %dma_start3A_189 = tpu.memref_slice %arg5[%arg0, %dma_start3A, %dma_start3A_188] : memref<2x10240x128xf32, #tpu.memory_space<hbm>> -> memref<1x10240x128xf32, #tpu.memory_space<hbm>>
      %dma_start3A_190 = tpu.memref_squeeze %dma_start3A_189 : memref<1x10240x128xf32, #tpu.memory_space<hbm>> -> memref<10240x128xf32, #tpu.memory_space<hbm>>
      %dma_start3A_191 = arith.constant 0 : i32
      %dma_start3A_192 = tpu.memref_slice %dma_start3A_190[%add3A_120, %dma_start3A_191] : memref<10240x128xf32, #tpu.memory_space<hbm>> -> memref<320x128xf32, #tpu.memory_space<hbm>>
      %dma_start3A_193 = arith.constant 0 : i32
      %dma_start3A_194 = tpu.memref_slice %arg14[%mul3A_0, %dma_start3A_193] : memref<5128x128xf32, #tpu.memory_space<vmem_shared>> -> memref<320x128xf32, #tpu.memory_space<vmem_shared>>
      tpu.enqueue_dma source(%dma_start3A_194 : memref<320x128xf32, #tpu.memory_space<vmem_shared>>) target(%dma_start3A_192 : memref<320x128xf32, #tpu.memory_space<hbm>>) target_semaphore(%run_scoped3A : memref<!tpu.dma_semaphore, #tpu.memory_space<semaphore_mem>>)
      %dma_wait3A = arith.constant 0 : i32
      %dma_wait3A_195 = arith.constant 0 : i32
      %dma_wait3A_196 = tpu.memref_slice %arg5[%arg0, %dma_wait3A, %dma_wait3A_195] : memref<2x10240x128xf32, #tpu.memory_space<hbm>> -> memref<1x10240x128xf32, #tpu.memory_space<hbm>>
      %dma_wait3A_197 = tpu.memref_squeeze %dma_wait3A_196 : memref<1x10240x128xf32, #tpu.memory_space<hbm>> -> memref<10240x128xf32, #tpu.memory_space<hbm>>
      %dma_wait3A_198 = arith.constant 0 : i32
      %dma_wait3A_199 = tpu.memref_slice %dma_wait3A_197[%add3A_120, %dma_wait3A_198] : memref<10240x128xf32, #tpu.memory_space<hbm>> -> memref<320x128xf32, #tpu.memory_space<hbm>>
      %dma_wait3A_200 = arith.constant 0 : i32
      %dma_wait3A_201 = tpu.memref_slice %arg14[%mul3A_0, %dma_wait3A_200] : memref<5128x128xf32, #tpu.memory_space<vmem_shared>> -> memref<320x128xf32, #tpu.memory_space<vmem_shared>>
      tpu.wait_dma2 semaphore(%run_scoped3A : memref<!tpu.dma_semaphore, #tpu.memory_space<semaphore_mem>>) src(%dma_wait3A_201 : memref<320x128xf32, #tpu.memory_space<vmem_shared>>) dst(%dma_wait3A_199 : memref<320x128xf32, #tpu.memory_space<hbm>>)
      tpu.yield
    }) : () -> ()
    %barrier3A_121 = arith.constant 0 : index
    tpu.barrier barrier_id(%barrier3A_121)
    %jit3A_122 = arith.constant false
    %select_n3A_123 = arith.select %jit3A_122, %scan3A_17, %sub3A_49 : i32
    %scan3A_124 = arith.constant 0 : i32
    %scan3A_125 = arith.constant 0 : i32
    %scan3A_126 = arith.constant 40 : i32
    %scan3A_127 = arith.addi %scan3A_125, %scan3A_126 : i32
    %scan3A_128 = arith.constant 1 : i32
    scf.for %scan3A_188 = %scan3A_125 to %scan3A_127 step %scan3A_128  : i32 {
      %mul3A_189 = arith.constant 8 : i32
      %mul3A_190 = arith.muli %scan3A_188, %mul3A_189 : i32
      %add3A_191 = arith.addi %mul3A_0, %mul3A_190 : i32
      "tpu.region"() ({
        %run_scoped3A = tpu.sem_alloc : memref<!tpu.dma_semaphore, #tpu.memory_space<semaphore_mem>>
        %dma_start3A = arith.constant 0 : i32
        %dma_start3A_192 = tpu.memref_slice %arg14[%add3A_191, %dma_start3A] : memref<5128x128xf32, #tpu.memory_space<vmem_shared>> -> memref<8x128xf32, #tpu.memory_space<vmem_shared>>
        %dma_start3A_193 = arith.constant 0 : i32
        %dma_start3A_194 = tpu.memref_slice %arg14[%add3A_191, %dma_start3A_193] : memref<5128x128xf32, #tpu.memory_space<vmem_shared>> -> memref<8x128xf32, #tpu.memory_space<vmem_shared>>
        tpu.enqueue_dma source(%arg11 : memref<8x128xf32, #tpu.memory_space<vmem>>) target(%dma_start3A_194 : memref<8x128xf32, #tpu.memory_space<vmem_shared>>) target_semaphore(%run_scoped3A : memref<!tpu.dma_semaphore, #tpu.memory_space<semaphore_mem>>)
        %dma_wait3A = arith.constant 0 : i32
        %dma_wait3A_195 = tpu.memref_slice %arg14[%add3A_191, %dma_wait3A] : memref<5128x128xf32, #tpu.memory_space<vmem_shared>> -> memref<8x128xf32, #tpu.memory_space<vmem_shared>>
        %dma_wait3A_196 = arith.constant 0 : i32
        %dma_wait3A_197 = tpu.memref_slice %arg14[%add3A_191, %dma_wait3A_196] : memref<5128x128xf32, #tpu.memory_space<vmem_shared>> -> memref<8x128xf32, #tpu.memory_space<vmem_shared>>
        tpu.wait_dma2 semaphore(%run_scoped3A : memref<!tpu.dma_semaphore, #tpu.memory_space<semaphore_mem>>) src(%arg11 : memref<8x128xf32, #tpu.memory_space<vmem>>) dst(%dma_wait3A_197 : memref<8x128xf32, #tpu.memory_space<vmem_shared>>)
        tpu.yield
      }) : () -> ()
    }
    %scan3A_129 = arith.constant 40 : i32
    %eq3A_130 = arith.constant 0 : i32
    %eq3A_131 = arith.cmpi eq, %arg1, %eq3A_130 : i32
    %convert_element_type3A_132 = arith.extui %eq3A_131 : i1 to i32
    %cond3A_133 = arith.constant 0 : i32
    %cond3A_134 = arith.cmpi ne, %convert_element_type3A_132, %cond3A_133 : i32
    scf.if %cond3A_134 {
      "tpu.region"() ({
        %run_scoped3A = tpu.sem_alloc : memref<!tpu.dma_semaphore, #tpu.memory_space<semaphore_mem>>
        %dma_start3A = arith.constant 0 : i32
        %dma_start3A_188 = arith.constant 0 : i32
        %dma_start3A_189 = tpu.memref_slice %arg11[%dma_start3A, %dma_start3A_188] : memref<8x128xf32, #tpu.memory_space<vmem>> -> memref<8x128xf32, #tpu.memory_space<vmem>>
        %dma_start3A_190 = arith.constant 5120 : i32
        %dma_start3A_191 = arith.constant 0 : i32
        %dma_start3A_192 = tpu.memref_slice %arg14[%dma_start3A_190, %dma_start3A_191] : memref<5128x128xf32, #tpu.memory_space<vmem_shared>> -> memref<8x128xf32, #tpu.memory_space<vmem_shared>>
        %dma_start3A_193 = arith.constant 5120 : i32
        %dma_start3A_194 = arith.constant 0 : i32
        %dma_start3A_195 = tpu.memref_slice %arg14[%dma_start3A_193, %dma_start3A_194] : memref<5128x128xf32, #tpu.memory_space<vmem_shared>> -> memref<8x128xf32, #tpu.memory_space<vmem_shared>>
        %dma_start3A_196 = arith.constant 0 : i32
        %dma_start3A_197 = arith.constant 0 : i32
        %dma_start3A_198 = tpu.memref_slice %arg11[%dma_start3A_196, %dma_start3A_197] : memref<8x128xf32, #tpu.memory_space<vmem>> -> memref<8x128xf32, #tpu.memory_space<vmem>>
        tpu.enqueue_dma source(%dma_start3A_198 : memref<8x128xf32, #tpu.memory_space<vmem>>) target(%dma_start3A_195 : memref<8x128xf32, #tpu.memory_space<vmem_shared>>) target_semaphore(%run_scoped3A : memref<!tpu.dma_semaphore, #tpu.memory_space<semaphore_mem>>)
        %dma_wait3A = arith.constant 0 : i32
        %dma_wait3A_199 = arith.constant 0 : i32
        %dma_wait3A_200 = tpu.memref_slice %arg11[%dma_wait3A, %dma_wait3A_199] : memref<8x128xf32, #tpu.memory_space<vmem>> -> memref<8x128xf32, #tpu.memory_space<vmem>>
        %dma_wait3A_201 = arith.constant 5120 : i32
        %dma_wait3A_202 = arith.constant 0 : i32
        %dma_wait3A_203 = tpu.memref_slice %arg14[%dma_wait3A_201, %dma_wait3A_202] : memref<5128x128xf32, #tpu.memory_space<vmem_shared>> -> memref<8x128xf32, #tpu.memory_space<vmem_shared>>
        %dma_wait3A_204 = arith.constant 5120 : i32
        %dma_wait3A_205 = arith.constant 0 : i32
        %dma_wait3A_206 = tpu.memref_slice %arg14[%dma_wait3A_204, %dma_wait3A_205] : memref<5128x128xf32, #tpu.memory_space<vmem_shared>> -> memref<8x128xf32, #tpu.memory_space<vmem_shared>>
        %dma_wait3A_207 = arith.constant 0 : i32
        %dma_wait3A_208 = arith.constant 0 : i32
        %dma_wait3A_209 = tpu.memref_slice %arg11[%dma_wait3A_207, %dma_wait3A_208] : memref<8x128xf32, #tpu.memory_space<vmem>> -> memref<8x128xf32, #tpu.memory_space<vmem>>
        tpu.wait_dma2 semaphore(%run_scoped3A : memref<!tpu.dma_semaphore, #tpu.memory_space<semaphore_mem>>) src(%dma_wait3A_209 : memref<8x128xf32, #tpu.memory_space<vmem>>) dst(%dma_wait3A_206 : memref<8x128xf32, #tpu.memory_space<vmem_shared>>)
        tpu.yield
      }) : () -> ()
    } else {
    }
    %barrier3A_135 = arith.constant 0 : index
    tpu.barrier barrier_id(%barrier3A_135)
    %add3A_136 = arith.constant 128 : i32
    %add3A_137 = arith.addi %select_n3A_123, %add3A_136 : i32
    %sub3A_138 = arith.constant 1 : i32
    %sub3A_139 = arith.subi %add3A_137, %sub3A_138 : i32
    %jit3A_140 = arith.constant 128 : i32
    %div3A_141 = arith.divsi %sub3A_139, %jit3A_140 : i32
    %sign3A_142 = arith.constant 0 : i32
    %sign3A_143 = arith.cmpi sgt, %sub3A_139, %sign3A_142 : i32
    %sign3A_144 = arith.extui %sign3A_143 : i1 to i32
    %sign3A_145 = arith.constant 0 : i32
    %sign3A_146 = arith.cmpi slt, %sub3A_139, %sign3A_145 : i32
    %sign3A_147 = arith.extui %sign3A_146 : i1 to i32
    %sign3A_148 = arith.subi %sign3A_144, %sign3A_147 : i32
    %sign3A_149 = arith.constant 0 : i32
    %sign3A_150 = arith.cmpi sgt, %jit3A_140, %sign3A_149 : i32
    %sign3A_151 = arith.extui %sign3A_150 : i1 to i32
    %sign3A_152 = arith.constant 0 : i32
    %sign3A_153 = arith.cmpi slt, %jit3A_140, %sign3A_152 : i32
    %sign3A_154 = arith.extui %sign3A_153 : i1 to i32
    %sign3A_155 = arith.subi %sign3A_151, %sign3A_154 : i32
    %ne3A_156 = arith.cmpi ne, %sign3A_148, %sign3A_155 : i32
    %rem3A_157 = arith.remsi %sub3A_139, %jit3A_140 : i32
    %ne3A_158 = arith.constant 0 : i32
    %ne3A_159 = arith.cmpi ne, %rem3A_157, %ne3A_158 : i32
    %and3A_160 = arith.andi %ne3A_156, %ne3A_159 : i1
    %sub3A_161 = arith.constant 1 : i32
    %sub3A_162 = arith.subi %div3A_141, %sub3A_161 : i32
    %select_n3A_163 = arith.select %and3A_160, %sub3A_162, %div3A_141 : i32
    %gt3A_164 = arith.constant 0 : i32
    %gt3A_165 = arith.cmpi sgt, %select_n3A_163, %gt3A_164 : i32
    %convert_element_type3A_166 = arith.extui %gt3A_165 : i1 to i32
    %cond3A_167 = arith.constant 0 : i32
    %cond3A_168 = arith.cmpi ne, %convert_element_type3A_166, %cond3A_167 : i32
    scf.if %cond3A_168 {
      %add3A_188 = arith.constant 0 : i32
      %add3A_189 = arith.addi %multiple_of3A, %add3A_188 : i32
      %multiple_of3A_190 = tpu.assume_multiple %add3A_189, 128 : i32
      %dma_start3A = arith.constant 0 : i32
      %dma_start3A_191 = arith.constant 0 : i32
      %dma_start3A_192 = arith.constant 0 : i32
      %dma_start3A_193 = tpu.memref_slice %arg10[%dma_start3A, %dma_start3A_191, %dma_start3A_192] : memref<2x128x128xf32, #tpu.memory_space<vmem>> -> memref<1x128x128xf32, #tpu.memory_space<vmem>>
      %dma_start3A_194 = tpu.memref_squeeze %dma_start3A_193 : memref<1x128x128xf32, #tpu.memory_space<vmem>> -> memref<128x128xf32, #tpu.memory_space<vmem>>
      %dma_start3A_195 = tpu.memref_slice %arg8[%multiple_of3A_190] : memref<10496xi32, #tpu.memory_space<vmem>> -> memref<128xi32, #tpu.memory_space<vmem>>
      %dma_start3A_196 = arith.constant 0 : i32
      %dma_start3A_197 = arith.constant 0 : i32
      %dma_start3A_198 = tpu.memref_slice %arg2[%dma_start3A_196, %dma_start3A_197] : memref<10000x128xf32, #tpu.memory_space<hbm>> -> memref<10000x128xf32, #tpu.memory_space<hbm>>
      tpu.enqueue_indirect_dma source(%dma_start3A_198 : memref<10000x128xf32, #tpu.memory_space<hbm>>) target(%dma_start3A_194 : memref<128x128xf32, #tpu.memory_space<vmem>>) offsets(%dma_start3A_195 : memref<128xi32, #tpu.memory_space<vmem>>) semaphore(%arg12 : memref<!tpu.dma_semaphore, #tpu.memory_space<semaphore_mem>>)
    } else {
    }
    %while3A_169 = arith.constant 0 : i32
    %while3A_170 = arith.constant 0 : i32
    %while3A_171 = arith.subi %select_n3A_163, %while3A_170 : i32
    %while3A_172 = arith.addi %while3A_170, %while3A_171 : i32
    %while3A_173 = arith.constant 1 : i32
    %while3A_174 = arith.divsi %while3A_171, %while3A_173 : i32
    %while3A_175 = arith.muli %while3A_174, %while3A_173 : i32
    %while3A_176 = arith.addi %while3A_170, %while3A_175 : i32
    %while3A_177 = arith.constant 1 : i32
    scf.for %while3A_188 = %while3A_170 to %while3A_176 step %while3A_177  : i32 {
      %rem3A_189 = arith.constant 2 : i32
      %rem3A_190 = arith.remsi %while3A_188, %rem3A_189 : i32
      %mul3A_191 = arith.constant 128 : i32
      %mul3A_192 = arith.muli %while3A_188, %mul3A_191 : i32
      %add3A_193 = arith.addi %multiple_of3A, %mul3A_192 : i32
      %multiple_of3A_194 = tpu.assume_multiple %add3A_193, 128 : i32
      %dma_wait3A = arith.constant 0 : i32
      %dma_wait3A_195 = arith.constant 0 : i32
      %dma_wait3A_196 = tpu.memref_slice %arg10[%rem3A_190, %dma_wait3A, %dma_wait3A_195] : memref<2x128x128xf32, #tpu.memory_space<vmem>> -> memref<1x128x128xf32, #tpu.memory_space<vmem>>
      %dma_wait3A_197 = tpu.memref_squeeze %dma_wait3A_196 : memref<1x128x128xf32, #tpu.memory_space<vmem>> -> memref<128x128xf32, #tpu.memory_space<vmem>>
      %dma_wait3A_198 = tpu.memref_slice %arg8[%multiple_of3A_194] : memref<10496xi32, #tpu.memory_space<vmem>> -> memref<128xi32, #tpu.memory_space<vmem>>
      %dma_wait3A_199 = arith.constant 0 : i32
      %dma_wait3A_200 = arith.constant 0 : i32
      %dma_wait3A_201 = tpu.memref_slice %arg2[%dma_wait3A_199, %dma_wait3A_200] : memref<10000x128xf32, #tpu.memory_space<hbm>> -> memref<10000x128xf32, #tpu.memory_space<hbm>>
      tpu.wait_indirect_dma semaphore(%arg12 : memref<!tpu.dma_semaphore, #tpu.memory_space<semaphore_mem>>) src(%dma_wait3A_201 : memref<10000x128xf32, #tpu.memory_space<hbm>>) dst(%dma_wait3A_197 : memref<128x128xf32, #tpu.memory_space<vmem>>)
      %mul3A_202 = arith.constant 128 : i32
      %mul3A_203 = arith.muli %while3A_188, %mul3A_202 : i32
      %add3A_204 = arith.addi %multiple_of3A, %mul3A_203 : i32
      %multiple_of3A_205 = tpu.assume_multiple %add3A_204, 128 : i32
      %dma_start3A = arith.constant 0 : i32
      %dma_start3A_206 = arith.constant 0 : i32
      %dma_start3A_207 = tpu.memref_slice %arg10[%rem3A_190, %dma_start3A, %dma_start3A_206] : memref<2x128x128xf32, #tpu.memory_space<vmem>> -> memref<1x128x128xf32, #tpu.memory_space<vmem>>
      %dma_start3A_208 = tpu.memref_squeeze %dma_start3A_207 : memref<1x128x128xf32, #tpu.memory_space<vmem>> -> memref<128x128xf32, #tpu.memory_space<vmem>>
      %dma_start3A_209 = tpu.memref_slice %arg9[%multiple_of3A_205] : memref<10496xi32, #tpu.memory_space<vmem>> -> memref<128xi32, #tpu.memory_space<vmem>>
      %dma_start3A_210 = arith.constant 0 : i32
      %dma_start3A_211 = arith.constant 0 : i32
      %dma_start3A_212 = tpu.memref_slice %arg14[%dma_start3A_210, %dma_start3A_211] : memref<5128x128xf32, #tpu.memory_space<vmem_shared>> -> memref<5128x128xf32, #tpu.memory_space<vmem_shared>>
      tpu.enqueue_indirect_dma source(%dma_start3A_208 : memref<128x128xf32, #tpu.memory_space<vmem>>) target(%dma_start3A_212 : memref<5128x128xf32, #tpu.memory_space<vmem_shared>>) offsets(%dma_start3A_209 : memref<128xi32, #tpu.memory_space<vmem>>) semaphore(%arg13 : memref<!tpu.dma_semaphore, #tpu.memory_space<semaphore_mem>>) {add = true}
      %ge3A = arith.constant 1 : i32
      %ge3A_213 = arith.cmpi sge, %while3A_188, %ge3A : i32
      %convert_element_type3A_214 = arith.extui %ge3A_213 : i1 to i32
      %cond3A_215 = arith.constant 0 : i32
      %cond3A_216 = arith.cmpi ne, %convert_element_type3A_214, %cond3A_215 : i32
      scf.if %cond3A_216 {
        %sub3A_223 = arith.constant 1 : i32
        %sub3A_224 = arith.subi %while3A_188, %sub3A_223 : i32
        %sub3A_225 = arith.constant 1 : i32
        %sub3A_226 = arith.subi %while3A_188, %sub3A_225 : i32
        %rem3A_227 = arith.constant 2 : i32
        %rem3A_228 = arith.remsi %sub3A_226, %rem3A_227 : i32
        %mul3A_229 = arith.constant 128 : i32
        %mul3A_230 = arith.muli %sub3A_224, %mul3A_229 : i32
        %add3A_231 = arith.addi %multiple_of3A, %mul3A_230 : i32
        %multiple_of3A_232 = tpu.assume_multiple %add3A_231, 128 : i32
        %dma_wait3A_233 = arith.constant 0 : i32
        %dma_wait3A_234 = arith.constant 0 : i32
        %dma_wait3A_235 = tpu.memref_slice %arg10[%rem3A_228, %dma_wait3A_233, %dma_wait3A_234] : memref<2x128x128xf32, #tpu.memory_space<vmem>> -> memref<1x128x128xf32, #tpu.memory_space<vmem>>
        %dma_wait3A_236 = tpu.memref_squeeze %dma_wait3A_235 : memref<1x128x128xf32, #tpu.memory_space<vmem>> -> memref<128x128xf32, #tpu.memory_space<vmem>>
        %dma_wait3A_237 = tpu.memref_slice %arg9[%multiple_of3A_232] : memref<10496xi32, #tpu.memory_space<vmem>> -> memref<128xi32, #tpu.memory_space<vmem>>
        %dma_wait3A_238 = arith.constant 0 : i32
        %dma_wait3A_239 = arith.constant 0 : i32
        %dma_wait3A_240 = tpu.memref_slice %arg14[%dma_wait3A_238, %dma_wait3A_239] : memref<5128x128xf32, #tpu.memory_space<vmem_shared>> -> memref<5128x128xf32, #tpu.memory_space<vmem_shared>>
        tpu.wait_indirect_dma semaphore(%arg13 : memref<!tpu.dma_semaphore, #tpu.memory_space<semaphore_mem>>) src(%dma_wait3A_236 : memref<128x128xf32, #tpu.memory_space<vmem>>) dst(%dma_wait3A_240 : memref<5128x128xf32, #tpu.memory_space<vmem_shared>>)
      } else {
      }
      %add3A_217 = arith.constant 1 : i32
      %add3A_218 = arith.addi %while3A_188, %add3A_217 : i32
      %lt3A_219 = arith.cmpi slt, %add3A_218, %select_n3A_163 : i32
      %convert_element_type3A_220 = arith.extui %lt3A_219 : i1 to i32
      %cond3A_221 = arith.constant 0 : i32
      %cond3A_222 = arith.cmpi ne, %convert_element_type3A_220, %cond3A_221 : i32
      scf.if %cond3A_222 {
        %add3A_223 = arith.constant 1 : i32
        %add3A_224 = arith.addi %while3A_188, %add3A_223 : i32
        %add3A_225 = arith.constant 1 : i32
        %add3A_226 = arith.addi %while3A_188, %add3A_225 : i32
        %rem3A_227 = arith.constant 2 : i32
        %rem3A_228 = arith.remsi %add3A_226, %rem3A_227 : i32
        %mul3A_229 = arith.constant 128 : i32
        %mul3A_230 = arith.muli %add3A_224, %mul3A_229 : i32
        %add3A_231 = arith.addi %multiple_of3A, %mul3A_230 : i32
        %multiple_of3A_232 = tpu.assume_multiple %add3A_231, 128 : i32
        %dma_start3A_233 = arith.constant 0 : i32
        %dma_start3A_234 = arith.constant 0 : i32
        %dma_start3A_235 = tpu.memref_slice %arg10[%rem3A_228, %dma_start3A_233, %dma_start3A_234] : memref<2x128x128xf32, #tpu.memory_space<vmem>> -> memref<1x128x128xf32, #tpu.memory_space<vmem>>
        %dma_start3A_236 = tpu.memref_squeeze %dma_start3A_235 : memref<1x128x128xf32, #tpu.memory_space<vmem>> -> memref<128x128xf32, #tpu.memory_space<vmem>>
        %dma_start3A_237 = tpu.memref_slice %arg8[%multiple_of3A_232] : memref<10496xi32, #tpu.memory_space<vmem>> -> memref<128xi32, #tpu.memory_space<vmem>>
        %dma_start3A_238 = arith.constant 0 : i32
        %dma_start3A_239 = arith.constant 0 : i32
        %dma_start3A_240 = tpu.memref_slice %arg2[%dma_start3A_238, %dma_start3A_239] : memref<10000x128xf32, #tpu.memory_space<hbm>> -> memref<10000x128xf32, #tpu.memory_space<hbm>>
        tpu.enqueue_indirect_dma source(%dma_start3A_240 : memref<10000x128xf32, #tpu.memory_space<hbm>>) target(%dma_start3A_236 : memref<128x128xf32, #tpu.memory_space<vmem>>) offsets(%dma_start3A_237 : memref<128xi32, #tpu.memory_space<vmem>>) semaphore(%arg12 : memref<!tpu.dma_semaphore, #tpu.memory_space<semaphore_mem>>)
      } else {
      }
    }
    %while3A_178 = arith.constant 1 : i32
    scf.for %while3A_188 = %while3A_176 to %while3A_172 step %while3A_178  : i32 {
      %rem3A_189 = arith.constant 2 : i32
      %rem3A_190 = arith.remsi %while3A_188, %rem3A_189 : i32
      %mul3A_191 = arith.constant 128 : i32
      %mul3A_192 = arith.muli %while3A_188, %mul3A_191 : i32
      %add3A_193 = arith.addi %multiple_of3A, %mul3A_192 : i32
      %multiple_of3A_194 = tpu.assume_multiple %add3A_193, 128 : i32
      %dma_wait3A = arith.constant 0 : i32
      %dma_wait3A_195 = arith.constant 0 : i32
      %dma_wait3A_196 = tpu.memref_slice %arg10[%rem3A_190, %dma_wait3A, %dma_wait3A_195] : memref<2x128x128xf32, #tpu.memory_space<vmem>> -> memref<1x128x128xf32, #tpu.memory_space<vmem>>
      %dma_wait3A_197 = tpu.memref_squeeze %dma_wait3A_196 : memref<1x128x128xf32, #tpu.memory_space<vmem>> -> memref<128x128xf32, #tpu.memory_space<vmem>>
      %dma_wait3A_198 = tpu.memref_slice %arg8[%multiple_of3A_194] : memref<10496xi32, #tpu.memory_space<vmem>> -> memref<128xi32, #tpu.memory_space<vmem>>
      %dma_wait3A_199 = arith.constant 0 : i32
      %dma_wait3A_200 = arith.constant 0 : i32
      %dma_wait3A_201 = tpu.memref_slice %arg2[%dma_wait3A_199, %dma_wait3A_200] : memref<10000x128xf32, #tpu.memory_space<hbm>> -> memref<10000x128xf32, #tpu.memory_space<hbm>>
      tpu.wait_indirect_dma semaphore(%arg12 : memref<!tpu.dma_semaphore, #tpu.memory_space<semaphore_mem>>) src(%dma_wait3A_201 : memref<10000x128xf32, #tpu.memory_space<hbm>>) dst(%dma_wait3A_197 : memref<128x128xf32, #tpu.memory_space<vmem>>)
      %mul3A_202 = arith.constant 128 : i32
      %mul3A_203 = arith.muli %while3A_188, %mul3A_202 : i32
      %add3A_204 = arith.addi %multiple_of3A, %mul3A_203 : i32
      %multiple_of3A_205 = tpu.assume_multiple %add3A_204, 128 : i32
      %dma_start3A = arith.constant 0 : i32
      %dma_start3A_206 = arith.constant 0 : i32
      %dma_start3A_207 = tpu.memref_slice %arg10[%rem3A_190, %dma_start3A, %dma_start3A_206] : memref<2x128x128xf32, #tpu.memory_space<vmem>> -> memref<1x128x128xf32, #tpu.memory_space<vmem>>
      %dma_start3A_208 = tpu.memref_squeeze %dma_start3A_207 : memref<1x128x128xf32, #tpu.memory_space<vmem>> -> memref<128x128xf32, #tpu.memory_space<vmem>>
      %dma_start3A_209 = tpu.memref_slice %arg9[%multiple_of3A_205] : memref<10496xi32, #tpu.memory_space<vmem>> -> memref<128xi32, #tpu.memory_space<vmem>>
      %dma_start3A_210 = arith.constant 0 : i32
      %dma_start3A_211 = arith.constant 0 : i32
      %dma_start3A_212 = tpu.memref_slice %arg14[%dma_start3A_210, %dma_start3A_211] : memref<5128x128xf32, #tpu.memory_space<vmem_shared>> -> memref<5128x128xf32, #tpu.memory_space<vmem_shared>>
      tpu.enqueue_indirect_dma source(%dma_start3A_208 : memref<128x128xf32, #tpu.memory_space<vmem>>) target(%dma_start3A_212 : memref<5128x128xf32, #tpu.memory_space<vmem_shared>>) offsets(%dma_start3A_209 : memref<128xi32, #tpu.memory_space<vmem>>) semaphore(%arg13 : memref<!tpu.dma_semaphore, #tpu.memory_space<semaphore_mem>>) {add = true}
      %ge3A = arith.constant 1 : i32
      %ge3A_213 = arith.cmpi sge, %while3A_188, %ge3A : i32
      %convert_element_type3A_214 = arith.extui %ge3A_213 : i1 to i32
      %cond3A_215 = arith.constant 0 : i32
      %cond3A_216 = arith.cmpi ne, %convert_element_type3A_214, %cond3A_215 : i32
      scf.if %cond3A_216 {
        %sub3A_223 = arith.constant 1 : i32
        %sub3A_224 = arith.subi %while3A_188, %sub3A_223 : i32
        %sub3A_225 = arith.constant 1 : i32
        %sub3A_226 = arith.subi %while3A_188, %sub3A_225 : i32
        %rem3A_227 = arith.constant 2 : i32
        %rem3A_228 = arith.remsi %sub3A_226, %rem3A_227 : i32
        %mul3A_229 = arith.constant 128 : i32
        %mul3A_230 = arith.muli %sub3A_224, %mul3A_229 : i32
        %add3A_231 = arith.addi %multiple_of3A, %mul3A_230 : i32
        %multiple_of3A_232 = tpu.assume_multiple %add3A_231, 128 : i32
        %dma_wait3A_233 = arith.constant 0 : i32
        %dma_wait3A_234 = arith.constant 0 : i32
        %dma_wait3A_235 = tpu.memref_slice %arg10[%rem3A_228, %dma_wait3A_233, %dma_wait3A_234] : memref<2x128x128xf32, #tpu.memory_space<vmem>> -> memref<1x128x128xf32, #tpu.memory_space<vmem>>
        %dma_wait3A_236 = tpu.memref_squeeze %dma_wait3A_235 : memref<1x128x128xf32, #tpu.memory_space<vmem>> -> memref<128x128xf32, #tpu.memory_space<vmem>>
        %dma_wait3A_237 = tpu.memref_slice %arg9[%multiple_of3A_232] : memref<10496xi32, #tpu.memory_space<vmem>> -> memref<128xi32, #tpu.memory_space<vmem>>
        %dma_wait3A_238 = arith.constant 0 : i32
        %dma_wait3A_239 = arith.constant 0 : i32
        %dma_wait3A_240 = tpu.memref_slice %arg14[%dma_wait3A_238, %dma_wait3A_239] : memref<5128x128xf32, #tpu.memory_space<vmem_shared>> -> memref<5128x128xf32, #tpu.memory_space<vmem_shared>>
        tpu.wait_indirect_dma semaphore(%arg13 : memref<!tpu.dma_semaphore, #tpu.memory_space<semaphore_mem>>) src(%dma_wait3A_236 : memref<128x128xf32, #tpu.memory_space<vmem>>) dst(%dma_wait3A_240 : memref<5128x128xf32, #tpu.memory_space<vmem_shared>>)
      } else {
      }
      %add3A_217 = arith.constant 1 : i32
      %add3A_218 = arith.addi %while3A_188, %add3A_217 : i32
      %lt3A_219 = arith.cmpi slt, %add3A_218, %select_n3A_163 : i32
      %convert_element_type3A_220 = arith.extui %lt3A_219 : i1 to i32
      %cond3A_221 = arith.constant 0 : i32
      %cond3A_222 = arith.cmpi ne, %convert_element_type3A_220, %cond3A_221 : i32
      scf.if %cond3A_222 {
        %add3A_223 = arith.constant 1 : i32
        %add3A_224 = arith.addi %while3A_188, %add3A_223 : i32
        %add3A_225 = arith.constant 1 : i32
        %add3A_226 = arith.addi %while3A_188, %add3A_225 : i32
        %rem3A_227 = arith.constant 2 : i32
        %rem3A_228 = arith.remsi %add3A_226, %rem3A_227 : i32
        %mul3A_229 = arith.constant 128 : i32
        %mul3A_230 = arith.muli %add3A_224, %mul3A_229 : i32
        %add3A_231 = arith.addi %multiple_of3A, %mul3A_230 : i32
        %multiple_of3A_232 = tpu.assume_multiple %add3A_231, 128 : i32
        %dma_start3A_233 = arith.constant 0 : i32
        %dma_start3A_234 = arith.constant 0 : i32
        %dma_start3A_235 = tpu.memref_slice %arg10[%rem3A_228, %dma_start3A_233, %dma_start3A_234] : memref<2x128x128xf32, #tpu.memory_space<vmem>> -> memref<1x128x128xf32, #tpu.memory_space<vmem>>
        %dma_start3A_236 = tpu.memref_squeeze %dma_start3A_235 : memref<1x128x128xf32, #tpu.memory_space<vmem>> -> memref<128x128xf32, #tpu.memory_space<vmem>>
        %dma_start3A_237 = tpu.memref_slice %arg8[%multiple_of3A_232] : memref<10496xi32, #tpu.memory_space<vmem>> -> memref<128xi32, #tpu.memory_space<vmem>>
        %dma_start3A_238 = arith.constant 0 : i32
        %dma_start3A_239 = arith.constant 0 : i32
        %dma_start3A_240 = tpu.memref_slice %arg2[%dma_start3A_238, %dma_start3A_239] : memref<10000x128xf32, #tpu.memory_space<hbm>> -> memref<10000x128xf32, #tpu.memory_space<hbm>>
        tpu.enqueue_indirect_dma source(%dma_start3A_240 : memref<10000x128xf32, #tpu.memory_space<hbm>>) target(%dma_start3A_236 : memref<128x128xf32, #tpu.memory_space<vmem>>) offsets(%dma_start3A_237 : memref<128xi32, #tpu.memory_space<vmem>>) semaphore(%arg12 : memref<!tpu.dma_semaphore, #tpu.memory_space<semaphore_mem>>)
      } else {
      }
    }
    %gt3A_179 = arith.constant 0 : i32
    %gt3A_180 = arith.cmpi sgt, %select_n3A_163, %gt3A_179 : i32
    %convert_element_type3A_181 = arith.extui %gt3A_180 : i1 to i32
    %cond3A_182 = arith.constant 0 : i32
    %cond3A_183 = arith.cmpi ne, %convert_element_type3A_181, %cond3A_182 : i32
    scf.if %cond3A_183 {
      %sub3A_188 = arith.constant 1 : i32
      %sub3A_189 = arith.subi %select_n3A_163, %sub3A_188 : i32
      %sub3A_190 = arith.constant 1 : i32
      %sub3A_191 = arith.subi %select_n3A_163, %sub3A_190 : i32
      %rem3A_192 = arith.constant 2 : i32
      %rem3A_193 = arith.remsi %sub3A_191, %rem3A_192 : i32
      %mul3A_194 = arith.constant 128 : i32
      %mul3A_195 = arith.muli %sub3A_189, %mul3A_194 : i32
      %add3A_196 = arith.addi %multiple_of3A, %mul3A_195 : i32
      %multiple_of3A_197 = tpu.assume_multiple %add3A_196, 128 : i32
      %dma_wait3A = arith.constant 0 : i32
      %dma_wait3A_198 = arith.constant 0 : i32
      %dma_wait3A_199 = tpu.memref_slice %arg10[%rem3A_193, %dma_wait3A, %dma_wait3A_198] : memref<2x128x128xf32, #tpu.memory_space<vmem>> -> memref<1x128x128xf32, #tpu.memory_space<vmem>>
      %dma_wait3A_200 = tpu.memref_squeeze %dma_wait3A_199 : memref<1x128x128xf32, #tpu.memory_space<vmem>> -> memref<128x128xf32, #tpu.memory_space<vmem>>
      %dma_wait3A_201 = tpu.memref_slice %arg9[%multiple_of3A_197] : memref<10496xi32, #tpu.memory_space<vmem>> -> memref<128xi32, #tpu.memory_space<vmem>>
      %dma_wait3A_202 = arith.constant 0 : i32
      %dma_wait3A_203 = arith.constant 0 : i32
      %dma_wait3A_204 = tpu.memref_slice %arg14[%dma_wait3A_202, %dma_wait3A_203] : memref<5128x128xf32, #tpu.memory_space<vmem_shared>> -> memref<5128x128xf32, #tpu.memory_space<vmem_shared>>
      tpu.wait_indirect_dma semaphore(%arg13 : memref<!tpu.dma_semaphore, #tpu.memory_space<semaphore_mem>>) src(%dma_wait3A_200 : memref<128x128xf32, #tpu.memory_space<vmem>>) dst(%dma_wait3A_204 : memref<5128x128xf32, #tpu.memory_space<vmem_shared>>)
    } else {
    }
    %barrier3A_184 = arith.constant 0 : index
    tpu.barrier barrier_id(%barrier3A_184)
    %add3A_185 = arith.constant 5120 : i32
    %add3A_186 = arith.addi %add3A_185, %mul3A_0 : i32
    "tpu.region"() ({
      %run_scoped3A = tpu.sem_alloc : memref<!tpu.dma_semaphore, #tpu.memory_space<semaphore_mem>>
      %dma_start3A = arith.constant 0 : i32
      %dma_start3A_188 = arith.constant 0 : i32
      %dma_start3A_189 = tpu.memref_slice %arg5[%arg0, %dma_start3A, %dma_start3A_188] : memref<2x10240x128xf32, #tpu.memory_space<hbm>> -> memref<1x10240x128xf32, #tpu.memory_space<hbm>>
      %dma_start3A_190 = tpu.memref_squeeze %dma_start3A_189 : memref<1x10240x128xf32, #tpu.memory_space<hbm>> -> memref<10240x128xf32, #tpu.memory_space<hbm>>
      %dma_start3A_191 = arith.constant 0 : i32
      %dma_start3A_192 = tpu.memref_slice %dma_start3A_190[%add3A_186, %dma_start3A_191] : memref<10240x128xf32, #tpu.memory_space<hbm>> -> memref<320x128xf32, #tpu.memory_space<hbm>>
      %dma_start3A_193 = arith.constant 0 : i32
      %dma_start3A_194 = tpu.memref_slice %arg14[%mul3A_0, %dma_start3A_193] : memref<5128x128xf32, #tpu.memory_space<vmem_shared>> -> memref<320x128xf32, #tpu.memory_space<vmem_shared>>
      tpu.enqueue_dma source(%dma_start3A_194 : memref<320x128xf32, #tpu.memory_space<vmem_shared>>) target(%dma_start3A_192 : memref<320x128xf32, #tpu.memory_space<hbm>>) target_semaphore(%run_scoped3A : memref<!tpu.dma_semaphore, #tpu.memory_space<semaphore_mem>>)
      %dma_wait3A = arith.constant 0 : i32
      %dma_wait3A_195 = arith.constant 0 : i32
      %dma_wait3A_196 = tpu.memref_slice %arg5[%arg0, %dma_wait3A, %dma_wait3A_195] : memref<2x10240x128xf32, #tpu.memory_space<hbm>> -> memref<1x10240x128xf32, #tpu.memory_space<hbm>>
      %dma_wait3A_197 = tpu.memref_squeeze %dma_wait3A_196 : memref<1x10240x128xf32, #tpu.memory_space<hbm>> -> memref<10240x128xf32, #tpu.memory_space<hbm>>
      %dma_wait3A_198 = arith.constant 0 : i32
      %dma_wait3A_199 = tpu.memref_slice %dma_wait3A_197[%add3A_186, %dma_wait3A_198] : memref<10240x128xf32, #tpu.memory_space<hbm>> -> memref<320x128xf32, #tpu.memory_space<hbm>>
      %dma_wait3A_200 = arith.constant 0 : i32
      %dma_wait3A_201 = tpu.memref_slice %arg14[%mul3A_0, %dma_wait3A_200] : memref<5128x128xf32, #tpu.memory_space<vmem_shared>> -> memref<320x128xf32, #tpu.memory_space<vmem_shared>>
      tpu.wait_dma2 semaphore(%run_scoped3A : memref<!tpu.dma_semaphore, #tpu.memory_space<semaphore_mem>>) src(%dma_wait3A_201 : memref<320x128xf32, #tpu.memory_space<vmem_shared>>) dst(%dma_wait3A_199 : memref<320x128xf32, #tpu.memory_space<hbm>>)
      tpu.yield
    }) : () -> ()
    %barrier3A_187 = arith.constant 0 : index
    tpu.barrier barrier_id(%barrier3A_187)
    return
  }
}

module attributes {stable_mosaic.version = 14 : i64} {
  func.func @_degscale_body(%arg0: i32, %arg1: memref<4x16x128xf32, #tpu.memory_space<vmem>>, %arg2: memref<128x128xf32, #tpu.memory_space<vmem>>, %arg3: memref<4x128x8xf32, #tpu.memory_space<vmem>>) attributes {dimension_semantics = [#tpu.dimension_semantics<arbitrary>], iteration_bounds = array<i64: 80>, scalar_prefetch = 0 : i64, scratch_operands = 0 : i64, tpu.core_type = #tpu.core_type<tc>, window_params = [{transform_indices = @transform_0, window_bounds = array<i64: 4, 16, 128>}, {pipeline_mode = #tpu.pipeline_mode<synchronous>, transform_indices = @transform_1, window_bounds = array<i64: 128, 128>}, {transform_indices = @transform_2, window_bounds = array<i64: 4, 128, 8>}]} {
    %get3A = arith.constant 0 : index
    %get3A_0 = arith.constant 0 : index
    %get3A_1 = arith.constant 0 : index
    %get3A_2 = vector.load %arg1[%get3A, %get3A_0, %get3A_1] : memref<4x16x128xf32, #tpu.memory_space<vmem>>, vector<4x16x128xf32>
    %reduce_sum3A = arith.constant dense<0.000000e+00> : vector<4x128xf32>
    %reduce_sum3A_3 = vector.multi_reduction <add>, %get3A_2, %reduce_sum3A [1] : vector<4x16x128xf32> to vector<4x128xf32>
    %max3A = arith.constant 1.000000e+00 : f32
    %max3A_4 = vector.broadcast %max3A : f32 to vector<4x128xf32>
    %max3A_5 = arith.maximumf %reduce_sum3A_3, %max3A_4 : vector<4x128xf32>
    %rsqrt3A = math.rsqrt %max3A_5 : vector<4x128xf32>
    %get3A_6 = arith.constant 0 : index
    %get3A_7 = arith.constant 0 : index
    %get3A_8 = vector.load %arg2[%get3A_6, %get3A_7] : memref<128x128xf32, #tpu.memory_space<vmem>>, vector<128x128xf32>
    %slice3A = vector.extract_strided_slice %rsqrt3A {offsets = [0, 0], sizes = [1, 128], strides = [1, 1]} : vector<4x128xf32> to vector<1x128xf32>
    %dot_general3A = arith.constant dense<0.000000e+00> : vector<128x1xf32>
    %dot_general3A_9 = tpu.matmul %get3A_8, %slice3A, %dot_general3A {dimension_numbers = #tpu.dot_dimension_numbers<[1], [1], [0], [0], [0, 0, 1, 0], [], []>, transpose_lhs_hint = false} : vector<128x128xf32>, vector<1x128xf32>, vector<128x1xf32> -> vector<128x1xf32>
    %broadcast_in_dim3A = vector.shape_cast %dot_general3A_9 : vector<128x1xf32> to vector<128x1xf32>
    %broadcast_in_dim3A_10 = vector.broadcast %broadcast_in_dim3A : vector<128x1xf32> to vector<128x8xf32>
    %swap3A = arith.constant 0 : index
    %swap3A_11 = arith.constant 0 : index
    %swap3A_12 = arith.constant 0 : index
    %swap3A_13 = vector.load %arg3[%swap3A, %swap3A_11, %swap3A_12] : memref<4x128x8xf32, #tpu.memory_space<vmem>>, vector<1x128x8xf32>
    %swap3A_14 = vector.shape_cast %swap3A_13 : vector<1x128x8xf32> to vector<128x8xf32>
    %swap3A_15 = vector.shape_cast %broadcast_in_dim3A_10 : vector<128x8xf32> to vector<1x128x8xf32>
    tpu.vector_store %arg3[%swap3A, %swap3A_11, %swap3A_12], %swap3A_15 {strides = array<i32>} : memref<4x128x8xf32, #tpu.memory_space<vmem>>, vector<1x128x8xf32>,
    %slice3A_16 = vector.extract_strided_slice %rsqrt3A {offsets = [1, 0], sizes = [1, 128], strides = [1, 1]} : vector<4x128xf32> to vector<1x128xf32>
    %dot_general3A_17 = arith.constant dense<0.000000e+00> : vector<128x1xf32>
    %dot_general3A_18 = tpu.matmul %get3A_8, %slice3A_16, %dot_general3A_17 {dimension_numbers = #tpu.dot_dimension_numbers<[1], [1], [0], [0], [0, 0, 1, 0], [], []>, transpose_lhs_hint = false} : vector<128x128xf32>, vector<1x128xf32>, vector<128x1xf32> -> vector<128x1xf32>
    %broadcast_in_dim3A_19 = vector.shape_cast %dot_general3A_18 : vector<128x1xf32> to vector<128x1xf32>
    %broadcast_in_dim3A_20 = vector.broadcast %broadcast_in_dim3A_19 : vector<128x1xf32> to vector<128x8xf32>
    %swap3A_21 = arith.constant 1 : index
    %swap3A_22 = arith.constant 0 : index
    %swap3A_23 = arith.constant 0 : index
    %swap3A_24 = vector.load %arg3[%swap3A_21, %swap3A_22, %swap3A_23] : memref<4x128x8xf32, #tpu.memory_space<vmem>>, vector<1x128x8xf32>
    %swap3A_25 = vector.shape_cast %swap3A_24 : vector<1x128x8xf32> to vector<128x8xf32>
    %swap3A_26 = vector.shape_cast %broadcast_in_dim3A_20 : vector<128x8xf32> to vector<1x128x8xf32>
    tpu.vector_store %arg3[%swap3A_21, %swap3A_22, %swap3A_23], %swap3A_26 {strides = array<i32>} : memref<4x128x8xf32, #tpu.memory_space<vmem>>, vector<1x128x8xf32>,
    %slice3A_27 = vector.extract_strided_slice %rsqrt3A {offsets = [2, 0], sizes = [1, 128], strides = [1, 1]} : vector<4x128xf32> to vector<1x128xf32>
    %dot_general3A_28 = arith.constant dense<0.000000e+00> : vector<128x1xf32>
    %dot_general3A_29 = tpu.matmul %get3A_8, %slice3A_27, %dot_general3A_28 {dimension_numbers = #tpu.dot_dimension_numbers<[1], [1], [0], [0], [0, 0, 1, 0], [], []>, transpose_lhs_hint = false} : vector<128x128xf32>, vector<1x128xf32>, vector<128x1xf32> -> vector<128x1xf32>
    %broadcast_in_dim3A_30 = vector.shape_cast %dot_general3A_29 : vector<128x1xf32> to vector<128x1xf32>
    %broadcast_in_dim3A_31 = vector.broadcast %broadcast_in_dim3A_30 : vector<128x1xf32> to vector<128x8xf32>
    %swap3A_32 = arith.constant 2 : index
    %swap3A_33 = arith.constant 0 : index
    %swap3A_34 = arith.constant 0 : index
    %swap3A_35 = vector.load %arg3[%swap3A_32, %swap3A_33, %swap3A_34] : memref<4x128x8xf32, #tpu.memory_space<vmem>>, vector<1x128x8xf32>
    %swap3A_36 = vector.shape_cast %swap3A_35 : vector<1x128x8xf32> to vector<128x8xf32>
    %swap3A_37 = vector.shape_cast %broadcast_in_dim3A_31 : vector<128x8xf32> to vector<1x128x8xf32>
    tpu.vector_store %arg3[%swap3A_32, %swap3A_33, %swap3A_34], %swap3A_37 {strides = array<i32>} : memref<4x128x8xf32, #tpu.memory_space<vmem>>, vector<1x128x8xf32>,
    %slice3A_38 = vector.extract_strided_slice %rsqrt3A {offsets = [3, 0], sizes = [1, 128], strides = [1, 1]} : vector<4x128xf32> to vector<1x128xf32>
    %dot_general3A_39 = arith.constant dense<0.000000e+00> : vector<128x1xf32>
    %dot_general3A_40 = tpu.matmul %get3A_8, %slice3A_38, %dot_general3A_39 {dimension_numbers = #tpu.dot_dimension_numbers<[1], [1], [0], [0], [0, 0, 1, 0], [], []>, transpose_lhs_hint = false} : vector<128x128xf32>, vector<1x128xf32>, vector<128x1xf32> -> vector<128x1xf32>
    %broadcast_in_dim3A_41 = vector.shape_cast %dot_general3A_40 : vector<128x1xf32> to vector<128x1xf32>
    %broadcast_in_dim3A_42 = vector.broadcast %broadcast_in_dim3A_41 : vector<128x1xf32> to vector<128x8xf32>
    %swap3A_43 = arith.constant 3 : index
    %swap3A_44 = arith.constant 0 : index
    %swap3A_45 = arith.constant 0 : index
    %swap3A_46 = vector.load %arg3[%swap3A_43, %swap3A_44, %swap3A_45] : memref<4x128x8xf32, #tpu.memory_space<vmem>>, vector<1x128x8xf32>
    %swap3A_47 = vector.shape_cast %swap3A_46 : vector<1x128x8xf32> to vector<128x8xf32>
    %swap3A_48 = vector.shape_cast %broadcast_in_dim3A_42 : vector<128x8xf32> to vector<1x128x8xf32>
    tpu.vector_store %arg3[%swap3A_43, %swap3A_44, %swap3A_45], %swap3A_48 {strides = array<i32>} : memref<4x128x8xf32, #tpu.memory_space<vmem>>, vector<1x128x8xf32>,
    return
  }
  func.func @transform_0(%arg0: i32) -> (i32, i32, i32) {
    %c0_i32 = arith.constant 0 : i32
    %c0_i32_0 = arith.constant 0 : i32
    %c0_i32_1 = arith.constant 0 : i32
    return %c0_i32, %c0_i32_0, %arg0 : i32, i32, i32
  }
  func.func @transform_1(%arg0: i32) -> (i32, i32) {
    %c0_i32 = arith.constant 0 : i32
    %c0_i32_0 = arith.constant 0 : i32
    %c0_i32_1 = arith.constant 0 : i32
    return %c0_i32, %c0_i32_0 : i32, i32
  }
  func.func @transform_2(%arg0: i32) -> (i32, i32, i32) {
    %c0_i32 = arith.constant 0 : i32
    %c0_i32_0 = arith.constant 0 : i32
    %c0_i32_1 = arith.constant 0 : i32
    return %c0_i32, %arg0, %c0_i32_0 : i32, i32, i32
  }
}

module attributes {stable_mosaic.version = 14 : i64} {
  func.func @_prep_body(%arg0: i32, %arg1: memref<2000x128xf32, #tpu.memory_space<vmem>>, %arg2: memref<2000x8xf32, #tpu.memory_space<vmem>>, %arg3: memref<2000x128xf32, #tpu.memory_space<vmem>>) attributes {dimension_semantics = [#tpu.dimension_semantics<arbitrary>], iteration_bounds = array<i64: 5>, scalar_prefetch = 0 : i64, scratch_operands = 0 : i64, tpu.core_type = #tpu.core_type<tc>, window_params = [{transform_indices = @transform_0, window_bounds = array<i64: 2000, 128>}, {transform_indices = @transform_1, window_bounds = array<i64: 2000, 8>}, {transform_indices = @transform_2, window_bounds = array<i64: 2000, 128>}]} {
    %get3A = arith.constant 0 : index
    %get3A_0 = arith.constant 0 : index
    %get3A_1 = vector.load %arg1[%get3A, %get3A_0] : memref<2000x128xf32, #tpu.memory_space<vmem>>, vector<2000x128xf32>
    %get3A_2 = arith.constant 0 : index
    %get3A_3 = arith.constant 0 : index
    %get3A_4 = vector.load %arg2[%get3A_2, %get3A_3] : memref<2000x8xf32, #tpu.memory_space<vmem>>, vector<2000x1xf32>
    %mul3A = vector.broadcast %get3A_4 : vector<2000x1xf32> to vector<2000x128xf32>
    %mul3A_5 = arith.mulf %get3A_1, %mul3A : vector<2000x128xf32>
    %swap3A = arith.constant 0 : index
    %swap3A_6 = arith.constant 0 : index
    %swap3A_7 = vector.load %arg3[%swap3A, %swap3A_6] : memref<2000x128xf32, #tpu.memory_space<vmem>>, vector<2000x128xf32>
    tpu.vector_store %arg3[%swap3A, %swap3A_6], %mul3A_5 {strides = array<i32>} : memref<2000x128xf32, #tpu.memory_space<vmem>>, vector<2000x128xf32>,
    return
  }
  func.func @transform_0(%arg0: i32) -> (i32, i32) {
    %c0_i32 = arith.constant 0 : i32
    %c0_i32_0 = arith.constant 0 : i32
    return %arg0, %c0_i32 : i32, i32
  }
  func.func @transform_1(%arg0: i32) -> (i32, i32) {
    %c0_i32 = arith.constant 0 : i32
    %c0_i32_0 = arith.constant 0 : i32
    return %arg0, %c0_i32 : i32, i32
  }
  func.func @transform_2(%arg0: i32) -> (i32, i32) {
    %c0_i32 = arith.constant 0 : i32
    %c0_i32_0 = arith.constant 0 : i32
    return %arg0, %c0_i32 : i32, i32
  }
}

module attributes {stable_mosaic.version = 14 : i64} {
  func.func @_mid_body(%arg0: i32, %arg1: memref<2x2000x128xf32, #tpu.memory_space<vmem>>, %arg2: memref<2000x8xf32, #tpu.memory_space<vmem>>, %arg3: memref<2000x8xf32, #tpu.memory_space<vmem>>, %arg4: memref<128x128xf32, #tpu.memory_space<vmem>>, %arg5: memref<1x128xf32, #tpu.memory_space<vmem>>, %arg6: memref<1x128xf32, #tpu.memory_space<vmem>>, %arg7: memref<1x128xf32, #tpu.memory_space<vmem>>, %arg8: memref<2000x128xf32, #tpu.memory_space<vmem>>) attributes {dimension_semantics = [#tpu.dimension_semantics<arbitrary>], iteration_bounds = array<i64: 5>, scalar_prefetch = 0 : i64, scratch_operands = 0 : i64, tpu.core_type = #tpu.core_type<tc>, window_params = [{transform_indices = @transform_0, window_bounds = array<i64: 2, 2000, 128>}, {transform_indices = @transform_1, window_bounds = array<i64: 2000, 8>}, {transform_indices = @transform_2, window_bounds = array<i64: 2000, 8>}, {pipeline_mode = #tpu.pipeline_mode<synchronous>, transform_indices = @transform_3, window_bounds = array<i64: 128, 128>}, {pipeline_mode = #tpu.pipeline_mode<synchronous>, transform_indices = @transform_4, window_bounds = array<i64: 1, 128>}, {pipeline_mode = #tpu.pipeline_mode<synchronous>, transform_indices = @transform_5, window_bounds = array<i64: 1, 128>}, {pipeline_mode = #tpu.pipeline_mode<synchronous>, transform_indices = @transform_6, window_bounds = array<i64: 1, 128>}, {transform_indices = @transform_7, window_bounds = array<i64: 2000, 128>}]} {
    %get3A = arith.constant 0 : index
    %get3A_0 = arith.constant 0 : index
    %get3A_1 = arith.constant 0 : index
    %get3A_2 = vector.load %arg1[%get3A, %get3A_0, %get3A_1] : memref<2x2000x128xf32, #tpu.memory_space<vmem>>, vector<1x2000x128xf32>
    %get3A_3 = vector.shape_cast %get3A_2 : vector<1x2000x128xf32> to vector<2000x128xf32>
    %get3A_4 = arith.constant 1 : index
    %get3A_5 = arith.constant 0 : index
    %get3A_6 = arith.constant 0 : index
    %get3A_7 = vector.load %arg1[%get3A_4, %get3A_5, %get3A_6] : memref<2x2000x128xf32, #tpu.memory_space<vmem>>, vector<1x2000x128xf32>
    %get3A_8 = vector.shape_cast %get3A_7 : vector<1x2000x128xf32> to vector<2000x128xf32>
    %add3A = arith.addf %get3A_3, %get3A_8 : vector<2000x128xf32>
    %get3A_9 = arith.constant 0 : index
    %get3A_10 = arith.constant 0 : index
    %get3A_11 = vector.load %arg2[%get3A_9, %get3A_10] : memref<2000x8xf32, #tpu.memory_space<vmem>>, vector<2000x1xf32>
    %mul3A = vector.broadcast %get3A_11 : vector<2000x1xf32> to vector<2000x128xf32>
    %mul3A_12 = arith.mulf %add3A, %mul3A : vector<2000x128xf32>
    %get3A_13 = arith.constant 0 : index
    %get3A_14 = arith.constant 0 : index
    %get3A_15 = vector.load %arg4[%get3A_13, %get3A_14] : memref<128x128xf32, #tpu.memory_space<vmem>>, vector<128x128xf32>
    %dot_general3A = arith.constant dense<0.000000e+00> : vector<2000x128xf32>
    %dot_general3A_16 = tpu.matmul %mul3A_12, %get3A_15, %dot_general3A {dimension_numbers = #tpu.dot_dimension_numbers<[1], [0], [0], [1], [0, 0, 1, 1], [], []>, transpose_lhs_hint = false} : vector<2000x128xf32>, vector<128x128xf32>, vector<2000x128xf32> -> vector<2000x128xf32>
    %get3A_17 = arith.constant 0 : index
    %get3A_18 = arith.constant 0 : index
    %get3A_19 = vector.load %arg5[%get3A_17, %get3A_18] : memref<1x128xf32, #tpu.memory_space<vmem>>, vector<1x128xf32>
    %add3A_20 = vector.broadcast %get3A_19 : vector<1x128xf32> to vector<2000x128xf32>
    %add3A_21 = arith.addf %dot_general3A_16, %add3A_20 : vector<2000x128xf32>
    %mul3A_22 = arith.constant 5.000000e-01 : f32
    %mul3A_23 = vector.broadcast %mul3A_22 : f32 to vector<2000x128xf32>
    %mul3A_24 = arith.mulf %mul3A_23, %add3A_21 : vector<2000x128xf32>
    %mul3A_25 = arith.constant 0.707106769 : f32
    %mul3A_26 = vector.broadcast %mul3A_25 : f32 to vector<2000x128xf32>
    %mul3A_27 = arith.mulf %add3A_21, %mul3A_26 : vector<2000x128xf32>
    %erf3A = math.erf %mul3A_27 : vector<2000x128xf32>
    %add3A_28 = arith.constant 1.000000e+00 : f32
    %add3A_29 = vector.broadcast %add3A_28 : f32 to vector<2000x128xf32>
    %add3A_30 = arith.addf %add3A_29, %erf3A : vector<2000x128xf32>
    %mul3A_31 = arith.mulf %mul3A_24, %add3A_30 : vector<2000x128xf32>
    %get3A_32 = arith.constant 0 : index
    %get3A_33 = arith.constant 0 : index
    %get3A_34 = vector.load %arg6[%get3A_32, %get3A_33] : memref<1x128xf32, #tpu.memory_space<vmem>>, vector<1x128xf32>
    %get3A_35 = arith.constant 0 : index
    %get3A_36 = arith.constant 0 : index
    %get3A_37 = vector.load %arg7[%get3A_35, %get3A_36] : memref<1x128xf32, #tpu.memory_space<vmem>>, vector<1x128xf32>
    %reduce_sum3A = arith.constant dense<0.000000e+00> : vector<2000xf32>
    %reduce_sum3A_38 = vector.multi_reduction <add>, %mul3A_31, %reduce_sum3A [1] : vector<2000x128xf32> to vector<2000xf32>
    %broadcast_in_dim3A = vector.shape_cast %reduce_sum3A_38 : vector<2000xf32> to vector<2000x1xf32>
    %div3A = arith.constant 1.280000e+02 : f32
    %div3A_39 = vector.broadcast %div3A : f32 to vector<2000x1xf32>
    %div3A_40 = arith.divf %broadcast_in_dim3A, %div3A_39 : vector<2000x1xf32>
    %sub3A = vector.broadcast %div3A_40 : vector<2000x1xf32> to vector<2000x128xf32>
    %sub3A_41 = arith.subf %mul3A_31, %sub3A : vector<2000x128xf32>
    %mul3A_42 = arith.mulf %sub3A_41, %sub3A_41 : vector<2000x128xf32>
    %reduce_sum3A_43 = arith.constant dense<0.000000e+00> : vector<2000xf32>
    %reduce_sum3A_44 = vector.multi_reduction <add>, %mul3A_42, %reduce_sum3A_43 [1] : vector<2000x128xf32> to vector<2000xf32>
    %broadcast_in_dim3A_45 = vector.shape_cast %reduce_sum3A_44 : vector<2000xf32> to vector<2000x1xf32>
    %div3A_46 = arith.constant 1.280000e+02 : f32
    %div3A_47 = vector.broadcast %div3A_46 : f32 to vector<2000x1xf32>
    %div3A_48 = arith.divf %broadcast_in_dim3A_45, %div3A_47 : vector<2000x1xf32>
    %add3A_49 = arith.constant 9.99999974E-6 : f32
    %add3A_50 = vector.broadcast %add3A_49 : f32 to vector<2000x1xf32>
    %add3A_51 = arith.addf %div3A_48, %add3A_50 : vector<2000x1xf32>
    %rsqrt3A = math.rsqrt %add3A_51 : vector<2000x1xf32>
    %mul3A_52 = vector.broadcast %rsqrt3A : vector<2000x1xf32> to vector<2000x128xf32>
    %mul3A_53 = arith.mulf %sub3A_41, %mul3A_52 : vector<2000x128xf32>
    %mul3A_54 = vector.broadcast %get3A_34 : vector<1x128xf32> to vector<2000x128xf32>
    %mul3A_55 = arith.mulf %mul3A_53, %mul3A_54 : vector<2000x128xf32>
    %add3A_56 = vector.broadcast %get3A_37 : vector<1x128xf32> to vector<2000x128xf32>
    %add3A_57 = arith.addf %mul3A_55, %add3A_56 : vector<2000x128xf32>
    %get3A_58 = arith.constant 0 : index
    %get3A_59 = arith.constant 0 : index
    %get3A_60 = vector.load %arg3[%get3A_58, %get3A_59] : memref<2000x8xf32, #tpu.memory_space<vmem>>, vector<2000x1xf32>
    %mul3A_61 = vector.broadcast %get3A_60 : vector<2000x1xf32> to vector<2000x128xf32>
    %mul3A_62 = arith.mulf %add3A_57, %mul3A_61 : vector<2000x128xf32>
    %swap3A = arith.constant 0 : index
    %swap3A_63 = arith.constant 0 : index
    %swap3A_64 = vector.load %arg8[%swap3A, %swap3A_63] : memref<2000x128xf32, #tpu.memory_space<vmem>>, vector<2000x128xf32>
    tpu.vector_store %arg8[%swap3A, %swap3A_63], %mul3A_62 {strides = array<i32>} : memref<2000x128xf32, #tpu.memory_space<vmem>>, vector<2000x128xf32>,
    return
  }
  func.func @transform_0(%arg0: i32) -> (i32, i32, i32) {
    %c0_i32 = arith.constant 0 : i32
    %c0_i32_0 = arith.constant 0 : i32
    %c0_i32_1 = arith.constant 0 : i32
    return %c0_i32, %arg0, %c0_i32_0 : i32, i32, i32
  }
  func.func @transform_1(%arg0: i32) -> (i32, i32) {
    %c0_i32 = arith.constant 0 : i32
    %c0_i32_0 = arith.constant 0 : i32
    return %arg0, %c0_i32 : i32, i32
  }
  func.func @transform_2(%arg0: i32) -> (i32, i32) {
    %c0_i32 = arith.constant 0 : i32
    %c0_i32_0 = arith.constant 0 : i32
    return %arg0, %c0_i32 : i32, i32
  }
  func.func @transform_3(%arg0: i32) -> (i32, i32) {
    %c0_i32 = arith.constant 0 : i32
    %c0_i32_0 = arith.constant 0 : i32
    %c0_i32_1 = arith.constant 0 : i32
    return %c0_i32, %c0_i32_0 : i32, i32
  }
  func.func @transform_4(%arg0: i32) -> (i32, i32) {
    %c0_i32 = arith.constant 0 : i32
    %c0_i32_0 = arith.constant 0 : i32
    %c0_i32_1 = arith.constant 0 : i32
    return %c0_i32, %c0_i32_0 : i32, i32
  }
  func.func @transform_5(%arg0: i32) -> (i32, i32) {
    %c0_i32 = arith.constant 0 : i32
    %c0_i32_0 = arith.constant 0 : i32
    %c0_i32_1 = arith.constant 0 : i32
    return %c0_i32, %c0_i32_0 : i32, i32
  }
  func.func @transform_6(%arg0: i32) -> (i32, i32) {
    %c0_i32 = arith.constant 0 : i32
    %c0_i32_0 = arith.constant 0 : i32
    %c0_i32_1 = arith.constant 0 : i32
    return %c0_i32, %c0_i32_0 : i32, i32
  }
  func.func @transform_7(%arg0: i32) -> (i32, i32) {
    %c0_i32 = arith.constant 0 : i32
    %c0_i32_0 = arith.constant 0 : i32
    return %arg0, %c0_i32 : i32, i32
  }
}

module attributes {stable_mosaic.version = 14 : i64} {
  func.func @_head_body(%arg0: memref<2x10000x128xf32, #tpu.memory_space<vmem>>, %arg1: memref<10000x8xf32, #tpu.memory_space<vmem>>, %arg2: memref<128x128xf32, #tpu.memory_space<vmem>>, %arg3: memref<1x128xf32, #tpu.memory_space<vmem>>, %arg4: memref<1x128xf32, #tpu.memory_space<vmem>>, %arg5: memref<1x128xf32, #tpu.memory_space<vmem>>, %arg6: memref<1x128xf32, #tpu.memory_space<vmem>>, %arg7: memref<1x128xf32, #tpu.memory_space<vmem>>, %arg8: memref<128x128xf32, #tpu.memory_space<vmem>>, %arg9: memref<1x128xf32, #tpu.memory_space<vmem>>, %arg10: memref<128x128xf32, #tpu.memory_space<vmem>>, %arg11: memref<1x128xf32, #tpu.memory_space<vmem>>, %arg12: memref<10000x128xf32, #tpu.memory_space<vmem>>) attributes {dimension_semantics = [], scalar_prefetch = 0 : i64, scratch_operands = 0 : i64, tpu.core_type = #tpu.core_type<tc>} {
    %get3A = arith.constant 0 : index
    %get3A_0 = arith.constant 0 : index
    %get3A_1 = arith.constant 0 : index
    %get3A_2 = vector.load %arg0[%get3A, %get3A_0, %get3A_1] : memref<2x10000x128xf32, #tpu.memory_space<vmem>>, vector<1x10000x128xf32>
    %get3A_3 = vector.shape_cast %get3A_2 : vector<1x10000x128xf32> to vector<10000x128xf32>
    %get3A_4 = arith.constant 1 : index
    %get3A_5 = arith.constant 0 : index
    %get3A_6 = arith.constant 0 : index
    %get3A_7 = vector.load %arg0[%get3A_4, %get3A_5, %get3A_6] : memref<2x10000x128xf32, #tpu.memory_space<vmem>>, vector<1x10000x128xf32>
    %get3A_8 = vector.shape_cast %get3A_7 : vector<1x10000x128xf32> to vector<10000x128xf32>
    %add3A = arith.addf %get3A_3, %get3A_8 : vector<10000x128xf32>
    %get3A_9 = arith.constant 0 : index
    %get3A_10 = arith.constant 0 : index
    %get3A_11 = vector.load %arg1[%get3A_9, %get3A_10] : memref<10000x8xf32, #tpu.memory_space<vmem>>, vector<10000x1xf32>
    %mul3A = vector.broadcast %get3A_11 : vector<10000x1xf32> to vector<10000x128xf32>
    %mul3A_12 = arith.mulf %add3A, %mul3A : vector<10000x128xf32>
    %get3A_13 = arith.constant 0 : index
    %get3A_14 = arith.constant 0 : index
    %get3A_15 = vector.load %arg2[%get3A_13, %get3A_14] : memref<128x128xf32, #tpu.memory_space<vmem>>, vector<128x128xf32>
    %dot_general3A = arith.constant dense<0.000000e+00> : vector<10000x128xf32>
    %dot_general3A_16 = tpu.matmul %mul3A_12, %get3A_15, %dot_general3A {dimension_numbers = #tpu.dot_dimension_numbers<[1], [0], [0], [1], [0, 0, 1, 1], [], []>, transpose_lhs_hint = false} : vector<10000x128xf32>, vector<128x128xf32>, vector<10000x128xf32> -> vector<10000x128xf32>
    %get3A_17 = arith.constant 0 : index
    %get3A_18 = arith.constant 0 : index
    %get3A_19 = vector.load %arg3[%get3A_17, %get3A_18] : memref<1x128xf32, #tpu.memory_space<vmem>>, vector<1x128xf32>
    %add3A_20 = vector.broadcast %get3A_19 : vector<1x128xf32> to vector<10000x128xf32>
    %add3A_21 = arith.addf %dot_general3A_16, %add3A_20 : vector<10000x128xf32>
    %mul3A_22 = arith.constant 5.000000e-01 : f32
    %mul3A_23 = vector.broadcast %mul3A_22 : f32 to vector<10000x128xf32>
    %mul3A_24 = arith.mulf %mul3A_23, %add3A_21 : vector<10000x128xf32>
    %mul3A_25 = arith.constant 0.707106769 : f32
    %mul3A_26 = vector.broadcast %mul3A_25 : f32 to vector<10000x128xf32>
    %mul3A_27 = arith.mulf %add3A_21, %mul3A_26 : vector<10000x128xf32>
    %erf3A = math.erf %mul3A_27 : vector<10000x128xf32>
    %add3A_28 = arith.constant 1.000000e+00 : f32
    %add3A_29 = vector.broadcast %add3A_28 : f32 to vector<10000x128xf32>
    %add3A_30 = arith.addf %add3A_29, %erf3A : vector<10000x128xf32>
    %mul3A_31 = arith.mulf %mul3A_24, %add3A_30 : vector<10000x128xf32>
    %get3A_32 = arith.constant 0 : index
    %get3A_33 = arith.constant 0 : index
    %get3A_34 = vector.load %arg4[%get3A_32, %get3A_33] : memref<1x128xf32, #tpu.memory_space<vmem>>, vector<1x128xf32>
    %get3A_35 = arith.constant 0 : index
    %get3A_36 = arith.constant 0 : index
    %get3A_37 = vector.load %arg5[%get3A_35, %get3A_36] : memref<1x128xf32, #tpu.memory_space<vmem>>, vector<1x128xf32>
    %reduce_sum3A = arith.constant dense<0.000000e+00> : vector<10000xf32>
    %reduce_sum3A_38 = vector.multi_reduction <add>, %mul3A_31, %reduce_sum3A [1] : vector<10000x128xf32> to vector<10000xf32>
    %broadcast_in_dim3A = vector.shape_cast %reduce_sum3A_38 : vector<10000xf32> to vector<10000x1xf32>
    %div3A = arith.constant 1.280000e+02 : f32
    %div3A_39 = vector.broadcast %div3A : f32 to vector<10000x1xf32>
    %div3A_40 = arith.divf %broadcast_in_dim3A, %div3A_39 : vector<10000x1xf32>
    %sub3A = vector.broadcast %div3A_40 : vector<10000x1xf32> to vector<10000x128xf32>
    %sub3A_41 = arith.subf %mul3A_31, %sub3A : vector<10000x128xf32>
    %mul3A_42 = arith.mulf %sub3A_41, %sub3A_41 : vector<10000x128xf32>
    %reduce_sum3A_43 = arith.constant dense<0.000000e+00> : vector<10000xf32>
    %reduce_sum3A_44 = vector.multi_reduction <add>, %mul3A_42, %reduce_sum3A_43 [1] : vector<10000x128xf32> to vector<10000xf32>
    %broadcast_in_dim3A_45 = vector.shape_cast %reduce_sum3A_44 : vector<10000xf32> to vector<10000x1xf32>
    %div3A_46 = arith.constant 1.280000e+02 : f32
    %div3A_47 = vector.broadcast %div3A_46 : f32 to vector<10000x1xf32>
    %div3A_48 = arith.divf %broadcast_in_dim3A_45, %div3A_47 : vector<10000x1xf32>
    %add3A_49 = arith.constant 9.99999974E-6 : f32
    %add3A_50 = vector.broadcast %add3A_49 : f32 to vector<10000x1xf32>
    %add3A_51 = arith.addf %div3A_48, %add3A_50 : vector<10000x1xf32>
    %rsqrt3A = math.rsqrt %add3A_51 : vector<10000x1xf32>
    %mul3A_52 = vector.broadcast %rsqrt3A : vector<10000x1xf32> to vector<10000x128xf32>
    %mul3A_53 = arith.mulf %sub3A_41, %mul3A_52 : vector<10000x128xf32>
    %mul3A_54 = vector.broadcast %get3A_34 : vector<1x128xf32> to vector<10000x128xf32>
    %mul3A_55 = arith.mulf %mul3A_53, %mul3A_54 : vector<10000x128xf32>
    %add3A_56 = vector.broadcast %get3A_37 : vector<1x128xf32> to vector<10000x128xf32>
    %add3A_57 = arith.addf %mul3A_55, %add3A_56 : vector<10000x128xf32>
    %reduce_sum3A_58 = arith.constant dense<0.000000e+00> : vector<128xf32>
    %reduce_sum3A_59 = vector.multi_reduction <add>, %add3A_57, %reduce_sum3A_58 [0] : vector<10000x128xf32> to vector<128xf32>
    %broadcast_in_dim3A_60 = vector.shape_cast %reduce_sum3A_59 : vector<128xf32> to vector<1x128xf32>
    %div3A_61 = arith.constant 1.000000e+04 : f32
    %div3A_62 = vector.broadcast %div3A_61 : f32 to vector<1x128xf32>
    %div3A_63 = arith.divf %broadcast_in_dim3A_60, %div3A_62 : vector<1x128xf32>
    %sub3A_64 = vector.broadcast %div3A_63 : vector<1x128xf32> to vector<10000x128xf32>
    %sub3A_65 = arith.subf %add3A_57, %sub3A_64 : vector<10000x128xf32>
    %mul3A_66 = arith.mulf %sub3A_65, %sub3A_65 : vector<10000x128xf32>
    %reduce_sum3A_67 = arith.constant dense<0.000000e+00> : vector<128xf32>
    %reduce_sum3A_68 = vector.multi_reduction <add>, %mul3A_66, %reduce_sum3A_67 [0] : vector<10000x128xf32> to vector<128xf32>
    %broadcast_in_dim3A_69 = vector.shape_cast %reduce_sum3A_68 : vector<128xf32> to vector<1x128xf32>
    %div3A_70 = arith.constant 1.000000e+04 : f32
    %div3A_71 = vector.broadcast %div3A_70 : f32 to vector<1x128xf32>
    %div3A_72 = arith.divf %broadcast_in_dim3A_69, %div3A_71 : vector<1x128xf32>
    %add3A_73 = arith.constant 9.99999974E-6 : f32
    %add3A_74 = vector.broadcast %add3A_73 : f32 to vector<1x128xf32>
    %add3A_75 = arith.addf %div3A_72, %add3A_74 : vector<1x128xf32>
    %rsqrt3A_76 = math.rsqrt %add3A_75 : vector<1x128xf32>
    %mul3A_77 = vector.broadcast %rsqrt3A_76 : vector<1x128xf32> to vector<10000x128xf32>
    %mul3A_78 = arith.mulf %sub3A_65, %mul3A_77 : vector<10000x128xf32>
    %get3A_79 = arith.constant 0 : index
    %get3A_80 = arith.constant 0 : index
    %get3A_81 = vector.load %arg6[%get3A_79, %get3A_80] : memref<1x128xf32, #tpu.memory_space<vmem>>, vector<1x128xf32>
    %mul3A_82 = vector.broadcast %get3A_81 : vector<1x128xf32> to vector<10000x128xf32>
    %mul3A_83 = arith.mulf %mul3A_78, %mul3A_82 : vector<10000x128xf32>
    %get3A_84 = arith.constant 0 : index
    %get3A_85 = arith.constant 0 : index
    %get3A_86 = vector.load %arg7[%get3A_84, %get3A_85] : memref<1x128xf32, #tpu.memory_space<vmem>>, vector<1x128xf32>
    %add3A_87 = vector.broadcast %get3A_86 : vector<1x128xf32> to vector<10000x128xf32>
    %add3A_88 = arith.addf %mul3A_83, %add3A_87 : vector<10000x128xf32>
    %get3A_89 = arith.constant 0 : index
    %get3A_90 = arith.constant 0 : index
    %get3A_91 = vector.load %arg8[%get3A_89, %get3A_90] : memref<128x128xf32, #tpu.memory_space<vmem>>, vector<128x128xf32>
    %dot_general3A_92 = arith.constant dense<0.000000e+00> : vector<10000x128xf32>
    %dot_general3A_93 = tpu.matmul %add3A_88, %get3A_91, %dot_general3A_92 {dimension_numbers = #tpu.dot_dimension_numbers<[1], [0], [0], [1], [0, 0, 1, 1], [], []>, transpose_lhs_hint = false} : vector<10000x128xf32>, vector<128x128xf32>, vector<10000x128xf32> -> vector<10000x128xf32>
    %get3A_94 = arith.constant 0 : index
    %get3A_95 = arith.constant 0 : index
    %get3A_96 = vector.load %arg9[%get3A_94, %get3A_95] : memref<1x128xf32, #tpu.memory_space<vmem>>, vector<1x128xf32>
    %add3A_97 = vector.broadcast %get3A_96 : vector<1x128xf32> to vector<10000x128xf32>
    %add3A_98 = arith.addf %dot_general3A_93, %add3A_97 : vector<10000x128xf32>
    %mul3A_99 = arith.constant 5.000000e-01 : f32
    %mul3A_100 = vector.broadcast %mul3A_99 : f32 to vector<10000x128xf32>
    %mul3A_101 = arith.mulf %mul3A_100, %add3A_98 : vector<10000x128xf32>
    %mul3A_102 = arith.constant 0.707106769 : f32
    %mul3A_103 = vector.broadcast %mul3A_102 : f32 to vector<10000x128xf32>
    %mul3A_104 = arith.mulf %add3A_98, %mul3A_103 : vector<10000x128xf32>
    %erf3A_105 = math.erf %mul3A_104 : vector<10000x128xf32>
    %add3A_106 = arith.constant 1.000000e+00 : f32
    %add3A_107 = vector.broadcast %add3A_106 : f32 to vector<10000x128xf32>
    %add3A_108 = arith.addf %add3A_107, %erf3A_105 : vector<10000x128xf32>
    %mul3A_109 = arith.mulf %mul3A_101, %add3A_108 : vector<10000x128xf32>
    %get3A_110 = arith.constant 0 : index
    %get3A_111 = arith.constant 0 : index
    %get3A_112 = vector.load %arg10[%get3A_110, %get3A_111] : memref<128x128xf32, #tpu.memory_space<vmem>>, vector<128x128xf32>
    %dot_general3A_113 = arith.constant dense<0.000000e+00> : vector<10000x128xf32>
    %dot_general3A_114 = tpu.matmul %mul3A_109, %get3A_112, %dot_general3A_113 {dimension_numbers = #tpu.dot_dimension_numbers<[1], [0], [0], [1], [0, 0, 1, 1], [], []>, transpose_lhs_hint = false} : vector<10000x128xf32>, vector<128x128xf32>, vector<10000x128xf32> -> vector<10000x128xf32>
    %get3A_115 = arith.constant 0 : index
    %get3A_116 = arith.constant 0 : index
    %get3A_117 = vector.load %arg11[%get3A_115, %get3A_116] : memref<1x128xf32, #tpu.memory_space<vmem>>, vector<1x128xf32>
    %add3A_118 = vector.broadcast %get3A_117 : vector<1x128xf32> to vector<10000x128xf32>
    %add3A_119 = arith.addf %dot_general3A_114, %add3A_118 : vector<10000x128xf32>
    %swap3A = arith.constant 0 : index
    %swap3A_120 = arith.constant 0 : index
    %swap3A_121 = vector.load %arg12[%swap3A, %swap3A_120] : memref<10000x128xf32, #tpu.memory_space<vmem>>, vector<10000x128xf32>
    tpu.vector_store %arg12[%swap3A, %swap3A_120], %add3A_119 {strides = array<i32>} : memref<10000x128xf32, #tpu.memory_space<vmem>>, vector<10000x128xf32>,
    return
  }
}

</mosaic_0001>

<sc_bundles>
// kernel: kernel.12.cloned.1.call-start
scs
__scs_entry_jumppad:
0x0: {  	(pc) =	sbr.rel $0x88, $3  }
0x1: {  	(tag) =	ssettag $0x0;
	lr =	simm.s32 $0x1  }
0x2: {  	[smem:$0x3F92] =	sst lr;
	_ =	strace $0xD0000000  }
0x3: {  	_ = 	snop  }
0x4: {  	_ = 	snop  }
0x5: {  	_ = 	snop  }
0x6: {  	_ = 	snop  }
0x7: {  	_ = 	snop  }
__scs_overlays_trampoline_lowered:
0x8: {  	[smem:$0x3FA1] =	sst s0  }
0x9: {  	[smem:$0x3FA2] =	sst s1  }
0xa: {  	[smem:$0x3FA3] =	sst s2  }
0xb: {  	[smem:$0x3FA4] =	sst s3  }
0xc: {  	[smem:$0x3FA5] =	sst s4  }
0xd: {  	[smem:$0x3FA6] =	sst s5  }
0xe: {  	[smem:$0x3FA7] =	sst s6  }
0xf: {  	[smem:$0x3FA8] =	sst s7  }
0x10: {  	[smem:$0x3FA9] =	sst s8  }
0x11: {  	[smem:$0x3FAA] =	sst s9;
	s0 =	simm.s32 @!p0 $0x0  }
0x12: {  	s1 =	sld [smem:$0x3F90];
	s0 =	simm.s32 @p0 $0x1  }
0x13: {  	[smem:$0x3FAB] =	sst s0;
	s0 =	simm.s32 @!p1 $0x0  }
0x14: {  	s2 =	sld [smem:$0x3F8F];
	s0 =	simm.s32 @p1 $0x1  }
0x15: {  	[smem:$0x3FAC] =	sst s0;
	s0 =	simm.s32 @!p2 $0x0  }
0x16: {  	s3 =	sld [smem:$0x3FDB];
	s0 =	simm.s32 @p2 $0x1  }
0x17: {  	s4 =	simm.s32 $0x1BF5;
	[smem:$0x3FAE] =	sst s0  }
0x18: {  	s0 =	sld [smem:$0x3F91];
	_ =	swait.ge [sflag:s4], $0x0  }
0x19: {  	s7 =	sld [smem:$0x3F92]  }
0x1a: {  	s8 =	sadd.s32 $0xFFFFE003, lr  }
0x1b: {  	s9 =	sadd.s32 $0xFFFFFEF7, lr;
	s5 =	simm.s32 $0xFFFFFFFF;
	p2 =	slt.u32 s8, $0xFFFFF086  }
0x1c: {  	p1 =	slt.u32 s9, $0xF7A;
	s5 =	simm.s32 @!p2 $0x0  }
0x1d: {  	s5 =	simm.s32 @p1 $0x1;
	p0 =	seq.s32 s7, s2  }
0x1e: {  	s7 =	smul.u32 @!p0 $0xF7A, s2;
	p2 =	seq.s32 @!p0 s5, $0x0  }
0x1f: {  	s9 =	smul.u32 $0xF7A, s1;
	s8 =	simm.s32 @!p0 $0x1BF5;
	p2 =	por !p2, p0  }
0x20: {  	[sflag:s8] =	ssyncset.s32 @!p0 $0xFFFFF086;
	s6 =	sadd.s32 @!p0 s3, s7;
	s7 =	simm.s32 @!p0 $0x108  }
0x21: {  	s3 =	sadd.s32 s3, s9;
	s6 =	sadd.s32 @!p0 $0x88, s6;
	s7 =	simm.s32 @p2 $0x1082  }
0x22: {  	[simem:s7], [sflag:s8] =	dma.local @!p0 [hbm:s6], $0xF7A  }
0x23: {  	s9 =	sor.u32 $0xD0000000, s2;
	s6 =	simm.s32 $0x108;
	_ =	swait.ge @!p0 [sflag:s8], $0x0  }
0x24: {  	s3 =	sadd.s32 $0x88, s3;
	s6 =	simm.s32 @!p1 $0x1082;
	[sflag:s4] =	ssyncset.s32 $0xFFFFF086  }
0x25: {  	[simem:s6], [sflag:s4] =	dma.local [hbm:s3], $0xF7A  }
0x26: {  	[smem:$0x3F92] =	sst s1;
	(tag) =	ssettag s2;
	_ =	strace s9  }
0x27: {  	s1 =	sld [smem:$0x3FA2]  }
0x28: {  	s2 =	sld [smem:$0x3FA3]  }
0x29: {  	s4 =	sld [smem:$0x3FA5]  }
0x2a: {  	p0 =	seq.s32 s5, $0x0;
	s5 =	sld [smem:$0x3FA6]  }
0x2b: {  	s6 =	sld [smem:$0x3FA7]  }
0x2c: {  	s7 =	sld [smem:$0x3FA8]  }
0x2d: {  	s3 =	simm.s32 $0x108;
	s8 =	sld [smem:$0x3FA9]  }
0x2e: {  	s3 =	simm.s32 @!p0 $0x1082;
	s9 =	sld [smem:$0x3FAA]  }
0x2f: {  	lr =	sadd.s32 s0, s3;
	s0 =	sld [smem:$0x3FA1]  }
0x30: {  	s3 =	sld [smem:$0x3FA4]  }
0x31: {  	[smem:$0x3FAD] =	sst s10  }
0x32: {  	s10 =	sld [smem:$0x3FAB];
	_ =	sdelay $0x3  }
0x33: {  	p0 =	seq.s32 s10, $0x1;
	s10 =	sld [smem:$0x3FAD];
	_ =	sdelay $0x3  }
0x34: {  	[smem:$0x3FAD] =	sst s10  }
0x35: {  	s10 =	sld [smem:$0x3FAC];
	_ =	sdelay $0x3  }
0x36: {  	p1 =	seq.s32 s10, $0x1;
	s10 =	sld [smem:$0x3FAD];
	_ =	sdelay $0x3  }
0x37: {  	[smem:$0x3FAD] =	sst s10  }
0x38: {  	s10 =	sld [smem:$0x3FAE]  }
0x39: {  	_ = 	snop;
	(pc) =	sbr.ind lr, $3  }
0x3a: {  	_ = 	snop  }
0x3b: {  	_ = 	snop  }
0x3c: {  	p2 =	seq.s32 s10, $0x1;
	s10 =	sld [smem:$0x3FAD]  }
0x3d: {  	_ =	shalt  }
0x3e: {  	_ =	shalt  }
0x3f: {  	_ =	shalt  }
0x40: {  	_ =	shalt  }
0x41: {  	_ =	shalt  }
0x42: {  	_ =	shalt  }
0x43: {  	_ =	shalt  }
0x44: {  	_ =	shalt  }
0x45: {  	_ =	shalt  }
0x46: {  	_ =	shalt  }
0x47: {  	_ =	shalt  }
0x48: {  	_ =	shalt  }
0x49: {  	_ =	shalt  }
0x4a: {  	_ =	shalt  }
0x4b: {  	_ =	shalt  }
0x4c: {  	_ =	shalt  }
0x4d: {  	_ =	shalt  }
0x4e: {  	_ =	shalt  }
0x4f: {  	_ =	shalt  }
0x50: {  	_ =	shalt  }
0x51: {  	_ =	shalt  }
0x52: {  	_ =	shalt  }
0x53: {  	_ =	shalt  }
0x54: {  	_ =	shalt  }
0x55: {  	_ =	shalt  }
0x56: {  	_ =	shalt  }
0x57: {  	_ =	shalt  }
0x58: {  	_ =	shalt  }
0x59: {  	_ =	shalt  }
0x5a: {  	_ =	shalt  }
0x5b: {  	_ =	shalt  }
0x5c: {  	_ =	shalt  }
0x5d: {  	_ =	shalt  }
0x5e: {  	_ =	shalt  }
0x5f: {  	_ =	shalt  }
0x60: {  	_ =	shalt  }
0x61: {  	_ =	shalt  }
0x62: {  	_ =	shalt  }
0x63: {  	_ =	shalt  }
0x64: {  	_ =	shalt  }
0x65: {  	_ =	shalt  }
0x66: {  	_ =	shalt  }
0x67: {  	_ =	shalt  }
0x68: {  	_ =	shalt  }
0x69: {  	_ =	shalt  }
0x6a: {  	_ =	shalt  }
0x6b: {  	_ =	shalt  }
0x6c: {  	_ =	shalt  }
0x6d: {  	_ =	shalt  }
0x6e: {  	_ =	shalt  }
0x6f: {  	_ =	shalt  }
0x70: {  	_ =	shalt  }
0x71: {  	_ =	shalt  }
0x72: {  	_ =	shalt  }
0x73: {  	_ =	shalt  }
0x74: {  	_ =	shalt  }
0x75: {  	_ =	shalt  }
0x76: {  	_ =	shalt  }
0x77: {  	_ =	shalt  }
0x78: {  	_ =	shalt  }
0x79: {  	_ =	shalt  }
0x7a: {  	_ =	shalt  }
0x7b: {  	_ =	shalt  }
0x7c: {  	_ =	shalt  }
0x7d: {  	_ =	shalt  }
0x7e: {  	_ =	shalt  }
0x7f: {  	_ =	shalt  }
0x80: {  	_ =	shalt  }
0x81: {  	_ =	shalt  }
0x82: {  	_ =	shalt  }
0x83: {  	_ =	shalt  }
0x84: {  	_ =	shalt  }
0x85: {  	_ =	shalt  }
0x86: {  	_ =	shalt  }
0x87: {  	_ =	shalt  }
.Lfunc_end0:
.L_simem_size_0:
called_computation.1_lowered:
.L_overlay_start_0:
0x88: {  	s2 =	sld [smem:$0x3FD9]  }
0x89: {  	s3 =	sld [smem:$0x3FFE];
	_ =	sdelay $0x1  }
0x8a: {  	s1 =	srdreg.scid  }
0x8b: {  	s0 =	sand.u32 $0x1, s1  }
0x8c: {  	s16 =	sshll.u32 s0, $0xA;
	s2 =	sadd.s32 s3, s2  }
0x8d: {  	s2 =	sadd.s32 s2, s16  }
0x8e: {  	[smem:$0x3FB9] =	sst s2  }
0x8f: {  	_ = 	snop  }
0x90: {  	(tm) =	ssettm $0x1  }
0x91: {  	s17 =	sld [smem:$0x3FFB];
	_ =	sdelay $0x3  }
0x92: {  	_ =	strace s17  }
0x93: {  	s2 =	sld [smem:$0x3FFC];
	_ =	sdelay $0x3  }
0x94: {  	_ =	strace s2  }
0x95: {  	s2 =	sld [smem:$0x3FFD];
	_ =	sdelay $0x3  }
0x96: {  	_ =	strace s2  }
0x97: {  	_ =	strace $0x8FFFFFFF  }
0x98: {  	s18 =	sld [smem:$0x3FDB];
	_ =	sdelay $0x1  }
0x99: {  	s19 =	simm.s32 $_scs_section_size  }
0x9a: {  	s4 =	simm.s32 $_size__tile_overlayer_lowered;
	s5 =	simm.s32 $_tile_overlayer_lowered  }
0x9b: {  	s22 =	simm.s32 $0x1BFF;
	s21 =	sshll.u32 s5, $0x1;
	s2 =	sadd.s32 s19, s18  }
0x9c: {  	s6 =	simm.s32 $0x0;
	s20 =	sshll.u32 s4, $0x1;
	s4 =	sadd.s32 s21, s2  }
0x9d: {  	[timem:s6], [sflag:s22] =	dma.local [hbm:s4], s20  }
0x9e: {  	_ =	swait.ge [sflag:s22], s20  }
0x9f: {  	s3 =	ssub.s32 $0x0, s20;
	[sflag:s22] =	ssyncset.done $0x0  }
0xa0: {  	[sflag:s22] =	ssyncadd.s32 s3;
	_ =	sdelay $0x1  }
0xa1: {  	s23 =	simm.s32 $0x1B8B  }
0xa2: {  	_ =	swait.ge [sflag:s23], $0x1  }
0xa3: {  	[sflag:s23] =	ssyncset.done $0x0  }
0xa4: {  	s25 =	simm.s32 $0x1B8E;
	s24 =	sld [smem:$0x3FFE];
	[sflag:s23] =	ssyncadd.s32 $0xFFFFFFFF  }
0xa5: {  	s26 =	simm.s32 $execute0_lowered;
	[smem:$0x3FD2] =	sst s25  }
0xa6: {  	s4 =	sshll.u32 s26, $0x1;
	_ =	strace $0x80000049;
	[dreg:$0x1] =	wrdreg $0xFFFFFFFF  }
0xa7: {  	s28 =	simm.s32 $_size_execute0_lowered;
	s2 =	sadd.s32 s2, s4;
	[dreg:$0x0] =	wrdreg $0x0  }
0xa8: {  	s4 =	sshll.u32 s28, $0x1;
	[dreg:$0x2] =	wrdreg s2  }
0xa9: {  	[dreg:$0x3] =	wrdreg s4  }
0xaa: {  	[dreg:$0x4] =	wrdreg $0xC0  }
0xab: {  	_ =	task [dreg:s6], $0x5FFFF  }
0xac: {  	[dreg:$0x1] =	wrdreg $0xFFFFFFFF  }
0xad: {  	[dreg:$0x0] =	wrdreg $0x60  }
0xae: {  	[dreg:$0x2] =	wrdreg s24  }
0xaf: {  	[dreg:$0x3] =	wrdreg $0x156000  }
0xb0: {  	[dreg:$0x4] =	wrdreg $0x9  }
0xb1: {  	_ =	task.clear_ibuf [dreg:s6], $0x5FFFF;
	_ =	strace $0x90000049  }
0xb2: {  	s29 =	simm.s32 $0x9;
	_ =	strace $0x8000004B  }
0xb3: {  	_ =	swait.ge [sflag:s29], $0x1  }
0xb4: {  	[sflag:s29] =	ssyncadd.s32 $0xFFFFFFFF  }
0xb5: {  	_ =	strace $0x9000004B  }
0xb6: {  	_ =	sfence  }
0xb7: {  	s30 =	sld [smem:$0x0];
	_ =	sdelay $0x2  }
0xb8: {  	s31 =	sshll.u32 s1, $0xD;
	s1 =	sshrl.u32 s1, $0x2  }
0xb9: {  	s3 =	sand.u32 $0x4000, s31;
	s1 =	sadd.s32 s1, s30  }
0xba: {  	s0 =	sor.u32 s3, s0;
	s1 =	sshll.u32 s1, $0x11  }
0xbb: {  	s0 =	sor.u32 s1, s0  }
0xbc: {  	s0 =	sadd.s32 $0x8F2B, s0  }
0xbd: {  	[sflag:s0] =	ssyncadd.remote.s32 $0x1  }
0xbe: {  	_ =	sfence.sel $0xFFFF  }
0xbf: {  	[dreg:$0x0] =	wrdreg $0xFFFFFFFF;
	(pc) =	sbr.abs _section_cstart, $3  }
0xc0: {  	[dreg:$0x1] =	wrdreg $0xFFFFFFFF  }
0xc1: {  	_ =	task.clear_ibuf [dreg:s6], $0x2FFFF;
	_ =	strace $0x9FFFFFFF  }
0xc2: {  	(tm) =	ssettm $0x7FFFFFFF  }
0xc3: {  	_ =	shalt  }
tec
execute0_lowered:
.L_overlay_start_1:
0x0: {  	(tag) =	ssettag $0x1  }
0x1: {  	s0 =	rddreg [dreg:$0x0]  }
0x2: {  	s1 =	rddreg [dreg:$0x1];
	s3 =	srdreg.scid;
	s2 =	simm.s32 $0x0  }
0x3: {  	s12 =	simm.s32 $0x1;
	s13 =	simm.s32 $0x15200;
	s14 =	simm.s32 $0x80  }
0x4: {  	s16 =	simm.s32 $0xD200;
	s18 =	simm.s32 $0x2;
	s23 =	simm.s32 $0x0  }
0x5: {  	s5 =	sand.u32 $0x1, s3;
	[smem:$0x7FF] =	sst s2;
	s3 =	sadd.s32 $0x2400, s0  }
0x6: {  	s4 =	sshll.u32 s5, $0xF;
	_ =	strace $0x8000004A;
	s7 =	smul.u32 $0x28000, s5  }
0x7: {  	s5 =	ssub.s32 $0x2, s5;
	s6 =	sadd.s32 s4, s0;
	s4 =	stileid.u32  }
0x8: {  	s8 =	sshrl.u32 s5, $0x1;
	s10 =	sshll.u32 s4, $0xB;
	s9 =	smul.u32 $0x28000, s4  }
0x9: {  	s0 =	sadd.s32 s7, s0;
	s8 =	ssub.s32 s5, s8;
	s31 =	smul.u32 $0xA000, s4  }
0xa: {  	s11 =	sadd.s32 $0x66400, s6;
	s7 =	sadd.s32 $0xA0000, s1;
	s15 =	smul.u32 $0x1400, s4  }
.Ltmp0:
0xb: {  	p0 =	sne.s32 s4, $0x0;
	s29 =	sadd.s32 s10, s6;
	(pc) =	sbr.rel .LBB2_1-.Ltmp0, $4  }
0xc: {  	s0 =	sadd.s32 $0x76400, s0;
	s8 =	smax.u32 s8, $0x1;
	s10 =	sadd.s32 s10, s11  }
0xd: {  	s11 =	simm.s32 $0x4000;
	s30 =	sshrl.u32 s9, $0x2;
	s9 =	sshrl.u32 s31, $0x3  }
0xe: {  	s5 =	sadd.s32 $0x56400, s29;
	s21 =	sadd.s32 s15, s0;
	s17 =	sadd.s32 $0x14000, s9  }
0xf: {  	v0 =	vimm.f32 $0.0e+00;
	v1 =	vimm.s32 $0x0;
	v2 =	vimm.s32 $0x1400;
	s6 =	sadd.s32 s30, s1;
	s9 =	simm.s32 $0x3;
	s22 =	sadd.s32 s17, s0  }
.LBB2_21:
0x10: {  	s0 =	sadd.s32 @!p1 $0xD200, s17  }
0x11: {  	[tilespmem:s0], [sflag:$0x1] =	stream.indirect.gather @!p1 [hbm4b:s3+s15], $0x80, s24, s15, $0xb8;
	[tilespmem:$0x1F640] =	vst v63  }
.LBB2_22:
0x12: {  	_ =	swait.ge [sflag:s18], $0x4000  }
0x13: {  	[sflag:s18] =	ssyncset.done $0x0  }
0x14: {  	[sflag:s18] =	ssyncadd.s32 $0xFFFFC000  }
.LBB2_23:
0x15: {  	[bflag:$0x0] =	sbarrier.arrive $0xFFFF;
	s23 =	sadd.s32 $0x1, s23  }
0x16: {  	[hbm:s22], [sflag:s26] =	dma.local [spmem:s28], $0x1400  }
0x17: {  	p1 =	sne.s32 s23, s8  }
.Ltmp1:
0x18: {  	_ =	swait.ge [sflag:s9], $0x1400;
	(pc) =	sbr.rel @!p1 .LBB2_24-.Ltmp1, $3  }
0x19: {  	[sflag:s9] =	ssyncset.done $0x0  }
0x1a: {  	[sflag:s9] =	ssyncadd.s32 $0xFFFFEC00  }
0x1b: {  	[bflag:$0x0] =	sbarrier.arrive $0xFFFF;
	_ =	sdelay $0x1  }
.LBB2_1:
0x1c: {  	[tilespmem:$0x15200] =	vst v0  }
0x1d: {  	[tilespmem:$0x15210] =	vst v0  }
0x1e: {  	[tilespmem:$0x15220] =	vst v0  }
0x1f: {  	[tilespmem:$0x15230] =	vst v0  }
0x20: {  	[tilespmem:$0x15240] =	vst v0  }
0x21: {  	[tilespmem:$0x15250] =	vst v0  }
0x22: {  	[tilespmem:$0x15260] =	vst v0  }
0x23: {  	[tilespmem:$0x15270] =	vst v0  }
0x24: {  	[tilespmem:$0x15280] =	vst v0  }
0x25: {  	[tilespmem:$0x15290] =	vst v0  }
0x26: {  	[tilespmem:$0x152A0] =	vst v0  }
0x27: {  	[tilespmem:$0x152B0] =	vst v0  }
0x28: {  	[tilespmem:$0x152C0] =	vst v0  }
0x29: {  	[tilespmem:$0x152D0] =	vst v0  }
0x2a: {  	[tilespmem:$0x152E0] =	vst v0  }
0x2b: {  	[tilespmem:$0x152F0] =	vst v0  }
0x2c: {  	[tilespmem:$0x15300] =	vst v0  }
0x2d: {  	[tilespmem:$0x15310] =	vst v0  }
0x2e: {  	[tilespmem:$0x15320] =	vst v0  }
0x2f: {  	[tilespmem:$0x15330] =	vst v0  }
0x30: {  	[tilespmem:$0x15340] =	vst v0  }
0x31: {  	[tilespmem:$0x15350] =	vst v0  }
0x32: {  	[tilespmem:$0x15360] =	vst v0  }
0x33: {  	[tilespmem:$0x15370] =	vst v0  }
0x34: {  	[tilespmem:$0x15380] =	vst v0  }
0x35: {  	[tilespmem:$0x15390] =	vst v0  }
0x36: {  	[tilespmem:$0x153A0] =	vst v0  }
0x37: {  	[tilespmem:$0x153B0] =	vst v0  }
0x38: {  	[tilespmem:$0x153C0] =	vst v0  }
0x39: {  	[tilespmem:$0x153D0] =	vst v0  }
0x3a: {  	[tilespmem:$0x153E0] =	vst v0  }
0x3b: {  	[tilespmem:$0x153F0] =	vst v0  }
0x3c: {  	[tilespmem:$0x15400] =	vst v0  }
0x3d: {  	[tilespmem:$0x15410] =	vst v0  }
0x3e: {  	[tilespmem:$0x15420] =	vst v0  }
0x3f: {  	[tilespmem:$0x15430] =	vst v0  }
0x40: {  	[tilespmem:$0x15440] =	vst v0  }
0x41: {  	[tilespmem:$0x15450] =	vst v0  }
0x42: {  	[tilespmem:$0x15460] =	vst v0  }
0x43: {  	[tilespmem:$0x15470] =	vst v0  }
0x44: {  	[tilespmem:$0x15480] =	vst v0  }
0x45: {  	[tilespmem:$0x15490] =	vst v0  }
0x46: {  	[tilespmem:$0x154A0] =	vst v0  }
0x47: {  	[tilespmem:$0x154B0] =	vst v0  }
0x48: {  	[tilespmem:$0x154C0] =	vst v0  }
0x49: {  	[tilespmem:$0x154D0] =	vst v0  }
0x4a: {  	[tilespmem:$0x154E0] =	vst v0  }
0x4b: {  	[tilespmem:$0x154F0] =	vst v0  }
0x4c: {  	[tilespmem:$0x15500] =	vst v0  }
0x4d: {  	[tilespmem:$0x15510] =	vst v0  }
0x4e: {  	[tilespmem:$0x15520] =	vst v0  }
0x4f: {  	[tilespmem:$0x15530] =	vst v0  }
0x50: {  	[tilespmem:$0x15540] =	vst v0  }
0x51: {  	[tilespmem:$0x15550] =	vst v0  }
0x52: {  	[tilespmem:$0x15560] =	vst v0  }
0x53: {  	[tilespmem:$0x15570] =	vst v0  }
0x54: {  	[tilespmem:$0x15580] =	vst v0  }
0x55: {  	[tilespmem:$0x15590] =	vst v0  }
0x56: {  	[tilespmem:$0x155A0] =	vst v0  }
0x57: {  	[tilespmem:$0x155B0] =	vst v0  }
0x58: {  	[tilespmem:$0x155C0] =	vst v0  }
0x59: {  	[tilespmem:$0x155D0] =	vst v0  }
0x5a: {  	[tilespmem:$0x155E0] =	vst v0  }
0x5b: {  	[tilespmem:$0x155F0] =	vst v0  }
0x5c: {  	[tilespmem:s2], [sflag:$0x3] =	stream.linear.gather [hbm4b:s5+s2], $0x3E80, $0x38;
	[tilespmem:$0x1F640] =	vst v63  }
0x5d: {  	_ =	swait.ge [sflag:s9], $0x3E80  }
0x5e: {  	[sflag:s9] =	ssyncset.done $0x0  }
0x5f: {  	[sflag:s9] =	ssyncadd.s32 $0xFFFFC180  }
0x60: {  	[tilespmem:s11], [sflag:$0x3] =	stream.linear.gather [hbm4b:s10+s2], $0x3E80, $0x38;
	[tilespmem:$0x1F640] =	vst v63  }
0x61: {  	_ =	swait.ge [sflag:s9], $0x3E80  }
0x62: {  	[sflag:s9] =	ssyncset.done $0x0  }
0x63: {  	s0 =	simm.s32 $0x0;
	[sflag:s9] =	ssyncadd.s32 $0xFFFFC180  }
.LBB2_2:
0x64: {  	p1 =	sne.s32 s0, $0xA3C0  }
.Ltmp2:
0x65: {  	_ = 	snop;
	(pc) =	sbr.rel @p1 .LBB2_2-.Ltmp2, $4  }
0x66: {  	_ = 	snop  }
0x67: {  	s15 =	sshra.s32 s0, $0x2  }
0x68: {  	[tilespmem:s15+$0x8000] =	vst v1  }
0x69: {  	s0 =	sadd.s32 $0x40, s0;
	[tilespmem:s15+$0xA900] =	vst v2  }
0x6a: {  	s24 =	simm.s32 $0x0  }
0x6b: {  	s0 =	smul.u32 $0xCCCD, s24  }
0x6c: {  	s15 =	simm.s32 $0x1  }
0x6d: {  	s15 =	smul.u32 $0xCCCD, s15;
	s0 =	sshrl.u32 s0, $0x12  }
0x6e: {  	s19 =	simm.s32 $0x2;
	s17 =	smul.u32 $0x5, s0  }
0x6f: {  	s19 =	smul.u32 $0xCCCD, s19;
	s15 =	sshrl.u32 s15, $0x12  }
0x70: {  	s25 =	smul.u32 $0x5, s15;
	s17 =	ssub.s32 $0x0, s17  }
0x71: {  	s19 =	sshrl.u32 s19, $0x12;
	s0 =	sshll.u32 s0, $0x7;
	s17 =	sand.u32 $0xFFFF, s17  }
0x72: {  	s26 =	smul.u32 $0x5, s19;
	s31 =	ssub.s32 $0x1, s25;
	s17 =	sshll.u32 s17, $0x4  }
0x73: {  	s20 =	simm.s32 $0x3;
	s0 =	sor.u32 s17, s0;
	s17 =	sand.u32 $0xFFFF, s31  }
0x74: {  	s15 =	sshll.u32 s15, $0x7;
	s26 =	ssub.s32 $0x2, s26;
	s17 =	sshll.u32 s17, $0x4;
	v3 =	vld [tilespmem:s0+$0x4000]  }
0x75: {  	s25 =	smul.u32 $0xCCCD, s20;
	s26 =	sand.u32 $0xFFFF, s26;
	s28 =	sor.u32 s17, s15  }
0x76: {  	s29 =	sshll.u32 s19, $0x7;
	s30 =	sshll.u32 s26, $0x4;
	v4 =	vld [tilespmem:s28+$0x4000]  }
0x77: {  	s31 =	sshrl.u32 s25, $0x12;
	s15 =	sor.u32 s30, s29  }
0x78: {  	s19 =	smul.u32 $0x5, s31;
	v5 =	vld [tilespmem:s15+$0x4000]  }
0x79: {  	vm0 =	vlt.s32 v3, $0x1400  }
0x7a: {  	s20 =	ssub.s32 $0x3, s19;
	v3 =	vsel vm0, $0x1, v1  }
0x7b: {  	s15 =	sand.u32 $0xFFFF, s20;
	vm13 =	vlt.s32 v4, $0x1400;
	(xrf0) =	vadd.scan.msk.s32 $0xffff, v3  }
0x7c: {  	s0 =	sshll.u32 s31, $0x7;
	s15 =	sshll.u32 s15, $0x4;
	v3 =	vsel vm13, $0x1, v1  }
0x7d: {  	s0 =	sor.u32 s15, s0;
	vm14 =	vlt.s32 v5, $0x1400;
	(xrf0) =	vadd.scan.msk.s32 $0xffff, v3  }
0x7e: {  	v4 =	vsel vm14, $0x1, v1;
	v3 =	vld [tilespmem:s0+$0x4000];
	_ =	sdelay $0x2  }
0x7f: {  	(xrf0) =	vadd.scan.msk.s32 $0xffff, v4;
	v4, _, _ =	vpop (xrf0)  }
0x80: {  	s25 =	simm.s32 $0x4;
	(v2sf) =	vpush v4, $0xF  }
0x81: {  	s17 =	smul.u32 $0xCCCD, s25;
	vm15 =	vlt.s32 v3, $0x1400;
	v3, _, _ =	vpop (xrf0)  }
0x82: {  	(v2sf) =	vpush v3, $0xF  }
0x83: {  	s26 =	sshrl.u32 s17, $0x12  }
0x84: {  	s28 =	smul.u32 $0x5, s26;
	_ =	sdelay $0x1  }
0x85: {  	s25 =	simm.s32 $0x5;
	s0 =	ssub.s32 $0x4, s28  }
0x86: {  	s29 =	smul.u32 $0xCCCD, s25;
	s0 =	sand.u32 $0xFFFF, s0;
	v4 =	vsel vm15, $0x1, v1  }
0x87: {  	s15 =	sshll.u32 s26, $0x7;
	s30 =	sshll.u32 s0, $0x4  }
0x88: {  	s0 =	sshrl.u32 s29, $0x12;
	s31 =	sor.u32 s30, s15  }
0x89: {  	s19 =	simm.s32 $0x6;
	s15 =	smul.u32 $0x5, s0;
	v3 =	vld [tilespmem:s31+$0x4000];
	(xrf0) =	vadd.scan.msk.s32 $0xffff, v4;
	v4, _, _ =	vpop (xrf0)  }
.LBB2_4:
0x8a: {  	s17 =	smul.u32 $0xCCCD, s19  }
0x8b: {  	s15 =	ssub.s32 s25, s15;
	(v2sf) =	vpush v4, $0xF;
	s25 =	smov.u32 s19;
	p1 =	sne.s32 s19, $0x270  }
.Ltmp3:
0x8c: {  	s19 =	sadd.s32 $0x1, s19;
	s15 =	sand.u32 $0xFFFF, s15;
	(pc) =	sbr.rel @p1 .LBB2_4-.Ltmp3, $4  }
0x8d: {  	s26 =	sshll.u32 s0, $0x7;
	s15 =	sshll.u32 s15, $0x4  }
0x8e: {  	s0 =	sshrl.u32 s17, $0x12;
	s17 =	sor.u32 s15, s26;
	vm0 =	vlt.s32 v3, $0x1400;
	s26 =	spop (v2sf)  }
0x8f: {  	s15 =	smul.u32 $0x5, s0;
	v3 =	vld [tilespmem:s17+$0x4000];
	v5 =	vsel vm0, $0x1, v1;
	s24 =	sadd.s32 s24, s26  }
0x90: {  	(xrf0) =	vadd.scan.msk.s32 $0xffff, v5;
	v4, _, _ =	vpop (xrf0)  }
0x91: {  	s15 =	ssub.s32 s25, s15  }
0x92: {  	s15 =	sand.u32 $0xFFFF, s15  }
0x93: {  	s0 =	sshll.u32 s0, $0x7;
	s15 =	sshll.u32 s15, $0x4  }
0x94: {  	s0 =	sor.u32 s15, s0  }
0x95: {  	v5 =	vld [tilespmem:s0+$0x4000];
	_ =	sdelay $0x3  }
0x96: {  	vm0 =	vlt.s32 v3, $0x1400  }
0x97: {  	v3 =	vsel vm0, $0x1, v1;
	vm0 =	vlt.s32 v5, $0x1400  }
0x98: {  	(xrf0) =	vadd.scan.msk.s32 $0xffff, v3;
	v3 =	vsel vm0, $0x1, v1  }
0x99: {  	(xrf0) =	vadd.scan.msk.s32 $0xffff, v3;
	_ =	sdelay $0x3  }
0x9a: {  	(v2sf) =	vpush v4, $0xF;
	v3, _, _ =	vpop (xrf0)  }
0x9b: {  	s0 =	simm.s32 $0x0;
	(v2sf) =	vpush v3, $0xF;
	v3, _, _ =	vpop (xrf0)  }
0x9c: {  	s20 =	smul.u32 $0xCCCD, s0;
	(v2sf) =	vpush v3, $0xF;
	v3, _, _ =	vpop (xrf0)  }
0x9d: {  	(v2sf) =	vpush v3, $0xF  }
0x9e: {  	s15 =	sshrl.u32 s20, $0x12  }
0x9f: {  	s17 =	smul.u32 $0x5, s15;
	_ =	sdelay $0x1  }
0xa0: {  	s17 =	ssub.s32 $0x0, s17  }
0xa1: {  	s15 =	sshll.u32 s15, $0x7;
	s17 =	sshll.u32 s17, $0x4  }
0xa2: {  	s15 =	sor.u32 s17, s15  }
0xa3: {  	s15 =	sand.u32 $0xFFF0, s15  }
0xa4: {  	v3 =	vld [tilespmem:s15+$0x4000];
	_ =	sdelay $0x1  }
0xa5: {  	s25 =	spop (v2sf)  }
0xa6: {  	s19 =	spop (v2sf);
	s17 =	sadd.s32 s24, s25  }
0xa7: {  	s17 =	sadd.s32 s17, s19;
	s26 =	spop (v2sf)  }
0xa8: {  	s17 =	sadd.s32 s17, s26;
	vm0 =	vlt.s32 v3, $0x1400;
	s31 =	spop (v2sf)  }
0xa9: {  	v4 =	vsel vm0, $0x1, v1;
	s17 =	sadd.s32 s17, s31;
	s20 =	spop (v2sf)  }
0xaa: {  	(xrf0) =	vadd.scan.msk.s32 $0xffff, v4;
	s17 =	sadd.s32 s17, s20;
	s24 =	spop (v2sf)  }
0xab: {  	s26 =	sadd.s32 s17, s24  }
0xac: {  	s25 =	simm.s32 $0x1;
	s17 =	sadd.s32 $0x8F, s26  }
0xad: {  	s19 =	smul.u32 $0xCCCD, s25;
	v5 =	vld [tilespmem:s15+$0x0];
	s31 =	sshra.s32 s17, $0x1F;
	s20 =	sand.u32 $0x7F, s17  }
0xae: {  	p1 =	slt.s32 s17, $0x1;
	s31 =	sshrl.u32 s31, $0x19;
	p2 =	sne.s32 s20, $0x0  }
0xaf: {  	s15 =	sadd.s32 s31, s17;
	p1 =	por !p1, !p2;
	s17 =	sshrl.u32 s19, $0x12  }
0xb0: {  	v4, _, _ =	vpop (xrf0);
	s19 =	simm.s32 $0x1;
	p1 =	por !p1, !p1;
	s20 =	smul.u32 $0x5, s17  }
0xb1: {  	(v2sf) =	vpush v4, $0xF;
	s15 =	sshra.s32 s15, $0x7;
	s19 =	simm.s32 @!p1 $0x0  }
0xb2: {  	[tilespmem:s0+$0x8000] =	vst.msk vm0, v5;
	s24 =	ssub.s32 s15, s19;
	s31 =	ssub.s32 $0x1, s20  }
0xb3: {  	vm1 =	vge.s32 v3, $0x1400;
	[tilespmem:s0+$0xA900] =	vst.msk vm0, v3;
	s17 =	sshll.u32 s17, $0x7;
	s25 =	sshll.u32 s24, $0x7;
	s15 =	sshll.u32 s31, $0x4  }
0xb4: {  	v3 =	vadd.s32 $0xFFFFEC00, v3;
	s19 =	sor.u32 s15, s17;
	[tilespmem:s25+$0x8000] =	vst.msk vm1, v5  }
0xb5: {  	s15 =	sand.u32 $0xFFF0, s19;
	[tilespmem:s25+$0xA900] =	vst.msk vm1, v3  }
0xb6: {  	v3 =	vld [tilespmem:s15+$0x4000];
	_ =	sdelay $0x4  }
0xb7: {  	vm0 =	vlt.s32 v3, $0x1400  }
0xb8: {  	v4 =	vsel vm0, $0x1, v1  }
0xb9: {  	s29 =	simm.s32 $0x2;
	(xrf0) =	vadd.scan.msk.s32 $0xffff, v4  }
0xba: {  	s20 =	smul.u32 $0xCCCD, s29  }
0xbb: {  	v4 =	vld [tilespmem:s15+$0x0]  }
0xbc: {  	s30 =	simm.s32 $0x3;
	s0 =	sshrl.u32 s20, $0x12;
	s31 =	spop (v2sf)  }
0xbd: {  	s28 =	sadd.s32 $0x0, s31;
	s17 =	ssub.s32 s25, s31;
	s15 =	smul.u32 $0x5, s0  }
.LBB2_6:
0xbe: {  	p1 =	sne.s32 s30, $0x270  }
0xbf: {  	v5, _, _ =	vpop (xrf0);
	s17 =	sadd.s32 $0x10, s17;
	s19 =	smov.u32 s30;
	s30 =	sadd.s32 $0x1, s30  }
0xc0: {  	s15 =	ssub.s32 s29, s15;
	[tilespmem:s28+$0x8000] =	vst.msk vm0, v4;
	(v2sf) =	vpush v5, $0xF;
	s29 =	smov.u32 s19  }
0xc1: {  	s0 =	sshll.u32 s0, $0x7;
	vm1 =	vge.s32 v3, $0x1400;
	s15 =	sshll.u32 s15, $0x4;
	[tilespmem:s28+$0xA900] =	vst.msk vm0, v3  }
0xc2: {  	v3 =	vadd.s32 $0xFFFFEC00, v3;
	s0 =	sor.u32 s15, s0;
	[tilespmem:s17+$0x8000] =	vst.msk vm1, v4  }
0xc3: {  	s0 =	sand.u32 $0xFFF0, s0;
	[tilespmem:s17+$0xA900] =	vst.msk vm1, v3  }
0xc4: {  	v3 =	vld [tilespmem:s0+$0x4000];
	_ =	sdelay $0x4  }
0xc5: {  	vm0 =	vlt.s32 v3, $0x1400  }
0xc6: {  	v4 =	vsel vm0, $0x1, v1  }
0xc7: {  	(xrf0) =	vadd.scan.msk.s32 $0xffff, v4  }
.Ltmp4:
0xc8: {  	(pc) =	sbr.rel @p1 .LBB2_6-.Ltmp4, $3  }
0xc9: {  	s15 =	smul.u32 $0xCCCD, s29;
	v4 =	vld [tilespmem:s0+$0x0];
	_ =	sdelay $0x1  }
0xca: {  	s0 =	sshrl.u32 s15, $0x12;
	s19 =	spop (v2sf)  }
0xcb: {  	s15 =	smul.u32 $0x5, s0;
	s28 =	sadd.s32 s28, s19;
	s17 =	ssub.s32 s17, s19  }
0xcc: {  	_ = 	snop  }
0xcd: {  	s15 =	ssub.s32 s29, s15;
	[tilespmem:s28+$0x8000] =	vst.msk vm0, v4  }
0xce: {  	s17 =	sadd.s32 $0x10, s17;
	s0 =	sshll.u32 s0, $0x7;
	vm1 =	vge.s32 v3, $0x1400;
	s15 =	sshll.u32 s15, $0x4;
	[tilespmem:s28+$0xA900] =	vst.msk vm0, v3  }
0xcf: {  	v3 =	vadd.s32 $0xFFFFEC00, v3;
	s0 =	sor.u32 s15, s0;
	[tilespmem:s17+$0x8000] =	vst.msk vm1, v4  }
0xd0: {  	s0 =	sand.u32 $0xFFF0, s0;
	[tilespmem:s17+$0xA900] =	vst.msk vm1, v3  }
0xd1: {  	v3 =	vld [tilespmem:s0+$0x4000];
	_ =	sdelay $0x4  }
0xd2: {  	vm14 =	vlt.s32 v3, $0x1400  }
0xd3: {  	v60 =	vsel vm14, $0x1, v1  }
0xd4: {  	(xrf0) =	vadd.scan.msk.s32 $0xffff, v60;
	_ =	sdelay $0x3  }
0xd5: {  	v61, _, _ =	vpop (xrf0)  }
0xd6: {  	(v2sf) =	vpush v61, $0xF  }
0xd7: {  	v62, _, _ =	vpop (xrf0)  }
0xd8: {  	(v2sf) =	vpush v62, $0xF;
	_ =	sdelay $0x9  }
0xd9: {  	v63 =	vld [tilespmem:s0+$0x0];
	_ =	sdelay $0x2  }
0xda: {  	s20 =	spop (v2sf)  }
0xdb: {  	s29 =	sadd.s32 s28, s20  }
0xdc: {  	s0 =	ssub.s32 s17, s20;
	[tilespmem:s29+$0x8000] =	vst.msk vm14, v63;
	s30 =	spop (v2sf)  }
0xdd: {  	vm15 =	vge.s32 v3, $0x1400;
	s0 =	sadd.s32 $0x10, s0;
	[tilespmem:s29+$0xA900] =	vst.msk vm14, v3;
	s15 =	sadd.s32 s29, s30  }
0xde: {  	v3 =	vadd.s32 $0xFFFFEC00, v3;
	[tilespmem:s0+$0x8000] =	vst.msk vm15, v63;
	p1 =	sge.s32 s15, s25  }
0xdf: {  	[tilespmem:s0+$0xA900] =	vst.msk vm15, v3;
	v3 =	vimm.s32 @!p1 $0x0  }
0xe0: {  	s0 =	ssub.s32 s0, s30;
	[tilespmem:s15+$0x8000] =	vst @!p1 v3;
	v3 =	vimm.s32 @!p1 $0x1400  }
0xe1: {  	s0 =	sadd.s32 $0x10, s0;
	[tilespmem:s15+$0xA900] =	vst @!p1 v3  }
0xe2: {  	[tilespmem:s0+$0x8000] =	vst v1  }
0xe3: {  	s31 =	sadd.s32 $0x0, s6;
	[tilespmem:s0+$0xA900] =	vst v2  }
0xe4: {  	[spmem:s31] =	stream.linear.scatter [tilespmem:s13], [sflag:$0x3], $0x400, $0x38;
	[tilespmem:$0x1F640] =	vst v63  }
0xe5: {  	s25 =	ssub.s32 s0, s25;
	s0 =	simm.s32 $0x1000;
	_ =	swait.ge [sflag:s9], $0x400  }
.LBB2_8:
0xe6: {  	s15 =	sshra.s32 s0, $0x2;
	[sflag:s9] =	ssyncset.done $0x0;
	p1 =	sne.s32 s0, $0x27000  }
.Ltmp5:
0xe7: {  	s15 =	sadd.s32 s15, s6;
	[sflag:s9] =	ssyncadd.s32 $0xFFFFFC00;
	(pc) =	sbr.rel @p1 .LBB2_8-.Ltmp5, $3  }
0xe8: {  	[spmem:s15] =	stream.linear.scatter [tilespmem:s13], [sflag:$0x3], $0x400, $0x38;
	[tilespmem:$0x1F640] =	vst v63  }
0xe9: {  	s0 =	sadd.s32 $0x1000, s0;
	_ =	sdelay $0x1  }
0xea: {  	_ =	swait.ge [sflag:s9], $0x400  }
0xeb: {  	[sflag:s9] =	ssyncset.done $0x0;
	s31 =	sadd.s32 $0x7F, s26  }
0xec: {  	s0 =	simm.s32 @!p0 $0x15200;
	[sflag:s9] =	ssyncadd.s32 $0xFFFFFC00;
	s15 =	sand.u32 $0x7F, s31  }
0xed: {  	[spmem:s7] =	stream.linear.scatter @!p0 [tilespmem:s0], [sflag:$0x3], $0x400, $0x38;
	[tilespmem:$0x1F640] =	vst v63  }
0xee: {  	s17 =	sshra.s32 s31, $0x1F;
	p1 =	slt.s32 s31, $0x1;
	p2 =	sne.s32 s15, $0x0  }
0xef: {  	s17 =	sshrl.u32 s17, $0x19;
	p1 =	por !p1, !p2  }
0xf0: {  	s0 =	sadd.s32 s17, s31;
	s17 =	simm.s32 $0x1;
	p1 =	por !p1, !p1  }
0xf1: {  	s0 =	sshra.s32 s0, $0x7;
	s17 =	simm.s32 @!p1 $0x0  }
0xf2: {  	s26 =	ssub.s32 s0, s17  }
0xf3: {  	s15 =	simm.s32 @!p0 $0x3;
	p2 =	slt.s32 s26, $0x1  }
.Ltmp6:
0xf4: {  	_ =	swait.ge @!p0 [sflag:s15], $0x400;
	(pc) =	sbr.rel @p2 .LBB2_15-.Ltmp6, $3  }
0xf5: {  	[sflag:s15] =	ssyncset.done @!p0 $0x0  }
0xf6: {  	[sflag:s15] =	ssyncadd.s32 @!p0 $0xFFFFFC00  }
0xf7: {  	[bflag:$0x0] =	sbarrier.arrive $0xFFFF;
	_ =	sdelay $0x1  }
0xf8: {  	s15 =	simm.s32 $0x8000;
	p2 =	seq.s32 s26, $0x1  }
0xf9: {  	[tilespmem:s16], [sflag:$0x1] =	stream.indirect.gather [hbm4b:s3+s14], $0x80, s15, s14, $0xb8;
	[tilespmem:$0x1F640] =	vst v63  }
.Ltmp7:
0xfa: {  	_ = 	snop;
	(pc) =	sbr.rel @p2 .LBB2_14-.Ltmp7, $4  }
0xfb: {  	_ =	swait.ge [sflag:s12], $0x4000  }
0xfc: {  	[sflag:s12] =	ssyncset.done $0x0  }
0xfd: {  	s31 =	simm.s32 $0xA900;
	[sflag:s12] =	ssyncadd.s32 $0xFFFFC000  }
0xfe: {  	[spmem:s1] =	stream.indirect.scatter.add.f32 [tilespmem:s16], [sflag:$0x2], $0x80, s31, s14, $0xb8;
	[tilespmem:$0x1F640] =	vst v63  }
0xff: {  	s15 =	simm.s32 $0xFFFFFFFF  }
0x100: {  	s17 =	simm.s32 $0x8080;
	s19 =	simm.s32 $0x11200;
	s29 =	simm.s32 $0x20000  }
0x101: {  	s30 =	simm.s32 $0x8100;
	s20 =	simm.s32 $0xA980;
	s15 =	simm.s32 @!p1 $0x0  }
0x102: {  	[tilespmem:s19], [sflag:$0x1] =	stream.indirect.gather [hbm4b:s3+s14], $0x80, s17, s14, $0xb8;
	[tilespmem:$0x1F640] =	vst v63  }
0x103: {  	s19 =	simm.s32 $0x10000;
	p1 =	sle.s32 s26, $0x2;
	s0 =	sadd.s32 s15, s0  }
0x104: {  	_ =	swait.ge [sflag:s12], $0x4000;
	s28 =	sadd.s32 $0xFFFFFFFF, s0;
	s0 =	sand.u32 $0x10000, s19  }
0x105: {  	[sflag:s12] =	ssyncset.done $0x0;
	s0 =	sshrl.u32 s0, $0x2;
	p2 =	sne.s32 s28, $0x1  }
.Ltmp8:
0x106: {  	[sflag:s12] =	ssyncadd.s32 $0xFFFFC000;
	s0 =	sadd.s32 $0xD200, s0;
	(pc) =	sbr.rel @!p2 .LBB2_13-.Ltmp8, $4  }
0x107: {  	[spmem:s1] =	stream.indirect.scatter.add.f32 [tilespmem:s0], [sflag:$0x2], $0x80, s20, s14, $0xb8;
	[tilespmem:$0x1F640] =	vst v63  }
0x108: {  	s31 =	simm.s32 $0x1;
	s17 =	sand.u32 @!p1 $0x10000, s29;
	_ =	swait.ge [sflag:s18], $0x4000  }
0x109: {  	s15 =	simm.s32 @!p1 $0x80;
	s17 =	sshrl.u32 @!p1 s17, $0x2;
	[sflag:s18] =	ssyncset.done $0x0  }
0x10a: {  	s19 =	simm.s32 $0x8180;
	s0 =	simm.s32 $0xAA00;
	[sflag:s18] =	ssyncadd.s32 $0xFFFFC000  }
.LBB2_12:
0x10b: {  	s17 =	sadd.s32 @!p1 $0xD200, s17  }
0x10c: {  	s29 =	sadd.s32 $0x10000, s29;
	s20 =	smov.u32 s31;
	s31 =	sadd.s32 $0x1, s31  }
0x10d: {  	[tilespmem:s17], [sflag:$0x1] =	stream.indirect.gather @!p1 [hbm4b:s3+s15], $0x80, s30, s15, $0xb8;
	[tilespmem:$0x1F640] =	vst v63  }
0x10e: {  	p2 =	sne.s32 s28, s31;
	s30 =	smov.u32 s19  }
0x10f: {  	s15 =	sadd.s32 $0xFFFF0000, s29  }
0x110: {  	s15 =	sand.u32 $0x10000, s15;
	_ =	swait.ge [sflag:s12], $0x4000  }
0x111: {  	s17 =	sadd.s32 $0x2, s20;
	s15 =	sshrl.u32 s15, $0x2;
	[sflag:s12] =	ssyncset.done $0x0  }
.Ltmp9:
0x112: {  	s15 =	sadd.s32 $0xD200, s15;
	[sflag:s12] =	ssyncadd.s32 $0xFFFFC000;
	(pc) =	sbr.rel @p2 .LBB2_12-.Ltmp9, $4  }
0x113: {  	[spmem:s1] =	stream.indirect.scatter.add.f32 [tilespmem:s15], [sflag:$0x2], $0x80, s0, s14, $0xb8;
	[tilespmem:$0x1F640] =	vst v63  }
0x114: {  	p1 =	sge.s32 s17, s26;
	s0 =	sadd.s32 $0x80, s0;
	_ =	swait.ge [sflag:s18], $0x4000  }
0x115: {  	s17 =	sand.u32 @!p1 $0x10000, s29;
	s15 =	simm.s32 @!p1 $0x80;
	[sflag:s18] =	ssyncset.done $0x0  }
0x116: {  	s19 =	sadd.s32 $0x80, s19;
	s17 =	sshrl.u32 @!p1 s17, $0x2;
	[sflag:s18] =	ssyncadd.s32 $0xFFFFC000  }
.LBB2_13:
0x117: {  	s0 =	sadd.s32 @!p1 $0xD200, s17  }
0x118: {  	[tilespmem:s0], [sflag:$0x1] =	stream.indirect.gather @!p1 [hbm4b:s3+s15], $0x80, s30, s15, $0xb8;
	[tilespmem:$0x1F640] =	vst v63  }
.LBB2_14:
0x119: {  	_ =	swait.ge [sflag:s18], $0x4000  }
0x11a: {  	[sflag:s18] =	ssyncset.done $0x0  }
0x11b: {  	[sflag:s18] =	ssyncadd.s32 $0xFFFFC000  }
.LBB2_15:
0x11c: {  	s0 =	sshll.u32 s4, $0x6  }
0x11d: {  	[bflag:$0x0] =	sbarrier.arrive $0xFFFF;
	s28 =	sshrl.u32 s6, $0x3;
	s26 =	sor.u32 $0x1C03, s0  }
0x11e: {  	[hbm:s21], [sflag:s26] =	dma.local [spmem:s28], $0x1400  }
0x11f: {  	_ =	swait.ge [sflag:s9], $0x1400  }
0x120: {  	[sflag:s9] =	ssyncset.done $0x0  }
0x121: {  	[sflag:s9] =	ssyncadd.s32 $0xFFFFEC00  }
0x122: {  	s31 =	sadd.s32 $0x0, s6;
	[bflag:$0x0] =	sbarrier.arrive $0xFFFF  }
0x123: {  	[spmem:s31] =	stream.linear.scatter [tilespmem:s13], [sflag:$0x3], $0x400, $0x38;
	[tilespmem:$0x1F640] =	vst v63  }
0x124: {  	s0 =	simm.s32 $0x1000;
	_ =	swait.ge [sflag:s9], $0x400  }
.LBB2_16:
0x125: {  	s15 =	sshra.s32 s0, $0x2;
	[sflag:s9] =	ssyncset.done $0x0;
	p1 =	sne.s32 s0, $0x27000  }
.Ltmp10:
0x126: {  	s15 =	sadd.s32 s15, s6;
	[sflag:s9] =	ssyncadd.s32 $0xFFFFFC00;
	(pc) =	sbr.rel @p1 .LBB2_16-.Ltmp10, $3  }
0x127: {  	[spmem:s15] =	stream.linear.scatter [tilespmem:s13], [sflag:$0x3], $0x400, $0x38;
	[tilespmem:$0x1F640] =	vst v63  }
0x128: {  	s0 =	sadd.s32 $0x1000, s0;
	_ =	sdelay $0x1  }
0x129: {  	_ =	swait.ge [sflag:s9], $0x400  }
0x12a: {  	[sflag:s9] =	ssyncset.done $0x0;
	s31 =	sadd.s32 $0x7F, s25  }
0x12b: {  	s0 =	simm.s32 @!p0 $0x15200;
	[sflag:s9] =	ssyncadd.s32 $0xFFFFFC00;
	s15 =	sand.u32 $0x7F, s31  }
0x12c: {  	[spmem:s7] =	stream.linear.scatter @!p0 [tilespmem:s0], [sflag:$0x3], $0x400, $0x38;
	[tilespmem:$0x1F640] =	vst v63  }
0x12d: {  	s17 =	sshra.s32 s31, $0x1F;
	p1 =	slt.s32 s31, $0x1;
	p2 =	sne.s32 s15, $0x0  }
0x12e: {  	s17 =	sshrl.u32 s17, $0x19;
	p1 =	por !p1, !p2  }
0x12f: {  	s0 =	sadd.s32 s17, s31;
	s17 =	simm.s32 $0x1;
	p1 =	por !p1, !p1  }
0x130: {  	s0 =	sshra.s32 s0, $0x7;
	s17 =	simm.s32 @!p1 $0x0  }
0x131: {  	s25 =	ssub.s32 s0, s17  }
0x132: {  	s15 =	simm.s32 @!p0 $0x3;
	p2 =	slt.s32 s25, $0x1  }
.Ltmp11:
0x133: {  	_ =	swait.ge @!p0 [sflag:s15], $0x400;
	(pc) =	sbr.rel @p2 .LBB2_23-.Ltmp11, $3  }
0x134: {  	[sflag:s15] =	ssyncset.done @!p0 $0x0  }
0x135: {  	[sflag:s15] =	ssyncadd.s32 @!p0 $0xFFFFFC00  }
0x136: {  	[bflag:$0x0] =	sbarrier.arrive $0xFFFF;
	_ =	sdelay $0x1  }
0x137: {  	s15 =	sshll.u32 s24, $0x9  }
0x138: {  	s15 =	sshra.s32 s15, $0x2  }
0x139: {  	p2 =	seq.s32 s25, $0x1;
	s17 =	sadd.s32 $0x8000, s15  }
0x13a: {  	[tilespmem:s16], [sflag:$0x1] =	stream.indirect.gather [hbm4b:s3+s14], $0x80, s17, s14, $0xb8;
	[tilespmem:$0x1F640] =	vst v63  }
.Ltmp12:
0x13b: {  	_ = 	snop;
	(pc) =	sbr.rel @p2 .LBB2_22-.Ltmp12, $4  }
0x13c: {  	_ =	swait.ge [sflag:s12], $0x4000  }
0x13d: {  	[sflag:s12] =	ssyncset.done $0x0  }
0x13e: {  	s31 =	sadd.s32 $0xA900, s15;
	[sflag:s12] =	ssyncadd.s32 $0xFFFFC000  }
0x13f: {  	[spmem:s1] =	stream.indirect.scatter.add.f32 [tilespmem:s16], [sflag:$0x2], $0x80, s31, s14, $0xb8;
	[tilespmem:$0x1F640] =	vst v63  }
0x140: {  	s17 =	simm.s32 $0xFFFFFFFF;
	s19 =	sadd.s32 $0x8080, s15  }
0x141: {  	s20 =	simm.s32 $0x11200;
	s24 =	sadd.s32 $0x8100, s15;
	s30 =	simm.s32 $0x1  }
0x142: {  	[tilespmem:s20], [sflag:$0x1] =	stream.indirect.gather [hbm4b:s3+s14], $0x80, s19, s14, $0xb8;
	[tilespmem:$0x1F640] =	vst v63  }
0x143: {  	s17 =	simm.s32 @!p1 $0x0;
	s19 =	sadd.s32 $0xA980, s15;
	s20 =	simm.s32 $0x10000  }
0x144: {  	p1 =	sle.s32 s25, $0x2;
	s0 =	sadd.s32 s17, s0;
	s17 =	simm.s32 $0x20000  }
0x145: {  	_ =	swait.ge [sflag:s12], $0x4000;
	s15 =	sand.u32 $0x10000, s20;
	s29 =	sadd.s32 $0xFFFFFFFF, s0  }
0x146: {  	[sflag:s12] =	ssyncset.done $0x0;
	s15 =	sshrl.u32 s15, $0x2;
	p2 =	sne.s32 s29, $0x1  }
.Ltmp13:
0x147: {  	[sflag:s12] =	ssyncadd.s32 $0xFFFFC000;
	s15 =	sadd.s32 $0xD200, s15;
	(pc) =	sbr.rel @!p2 .LBB2_21-.Ltmp13, $4  }
0x148: {  	[spmem:s1] =	stream.indirect.scatter.add.f32 [tilespmem:s15], [sflag:$0x2], $0x80, s19, s14, $0xb8;
	[tilespmem:$0x1F640] =	vst v63  }
0x149: {  	s31 =	sadd.s32 $0x80, s19;
	s0 =	sand.u32 @!p1 $0x10000, s17;
	_ =	swait.ge [sflag:s18], $0x4000  }
0x14a: {  	s17 =	sshrl.u32 @!p1 s0, $0x2;
	s0 =	simm.s32 $0x30000;
	[sflag:s18] =	ssyncset.done $0x0  }
0x14b: {  	s15 =	simm.s32 @!p1 $0x80;
	s19 =	smov.u32 s24;
	[sflag:s18] =	ssyncadd.s32 $0xFFFFC000  }
.LBB2_20:
0x14c: {  	s17 =	sadd.s32 @!p1 $0xD200, s17  }
0x14d: {  	s19 =	sadd.s32 $0x80, s19;
	s20 =	smov.u32 s30;
	s30 =	sadd.s32 $0x1, s30  }
0x14e: {  	[tilespmem:s17], [sflag:$0x1] =	stream.indirect.gather @!p1 [hbm4b:s3+s15], $0x80, s24, s15, $0xb8;
	[tilespmem:$0x1F640] =	vst v63  }
0x14f: {  	p2 =	sne.s32 s29, s30;
	s24 =	smov.u32 s19  }
0x150: {  	s15 =	sadd.s32 $0xFFFF0000, s0  }
0x151: {  	s15 =	sand.u32 $0x10000, s15;
	_ =	swait.ge [sflag:s12], $0x4000  }
0x152: {  	s17 =	sadd.s32 $0x2, s20;
	s15 =	sshrl.u32 s15, $0x2;
	[sflag:s12] =	ssyncset.done $0x0  }
.Ltmp14:
0x153: {  	s15 =	sadd.s32 $0xD200, s15;
	[sflag:s12] =	ssyncadd.s32 $0xFFFFC000;
	(pc) =	sbr.rel @p2 .LBB2_20-.Ltmp14, $4  }
0x154: {  	[spmem:s1] =	stream.indirect.scatter.add.f32 [tilespmem:s15], [sflag:$0x2], $0x80, s31, s14, $0xb8;
	[tilespmem:$0x1F640] =	vst v63  }
0x155: {  	p1 =	sge.s32 s17, s25;
	s31 =	sadd.s32 $0x80, s31;
	_ =	swait.ge [sflag:s18], $0x4000  }
0x156: {  	s17 =	sand.u32 @!p1 $0x10000, s0;
	s15 =	simm.s32 @!p1 $0x80;
	[sflag:s18] =	ssyncset.done $0x0  }
0x157: {  	s0 =	sadd.s32 $0x10000, s0;
	s17 =	sshrl.u32 @!p1 s17, $0x2;
	[sflag:s18] =	ssyncadd.s32 $0xFFFFC000  }
.Ltmp15:
0x158: {  	_ = 	snop;
	(pc) =	sbr.rel .LBB2_21-.Ltmp15, $1  }
0x159: {  	_ =	sdelay $0x3  }
.LBB2_24:
0x15a: {  	_ =	sfence.sel $0x180000  }
0x15b: {  	[bflag:$0x0] =	sbarrier.arrive $0xFFFF  }
0x15c: {  	_ =	strace $0x9000004A  }
0x15d: {  	[bflag:$0x2] =	sbarrier.arrive $0xFFFF  }
0x15e: {  	s0 =	rddreg [dreg:$0x2]  }
0x15f: {  	s0 =	sadd.s32 @!p0 $0x100000, s0  }
0x160: {  	[sflag:s0] =	ssyncadd.tile.s32 @!p0 $0x1;
	_ =	shalt  }
.Lfunc_end2:
_tile_overlayer_lowered:
.L_overlay_start_2:
0x161: {  	(tag) =	ssettag $0x2  }
0x162: {  	s0 =	rddreg [dreg:$0x0];
	s2 =	stileid.u32  }
0x163: {  	s1 =	rddreg [dreg:$0x1];
	p0 =	sne.s32 s2, $0x0  }
0x164: {  	s3 =	rddreg [dreg:$0x2];
	[bflag:$0x3] =	sbarrier.arrive $0xFFFF;
	s2 =	simm.s32 @!p0 $0x1C03  }
0x165: {  	[timem:s3], [sflag:s2] =	dma.local @!p0 [hbm:s0], s1  }
0x166: {  	s0 =	simm.s32 @!p0 $0x3  }
0x167: {  	_ =	swait.ge @!p0 [sflag:s0], s1  }
0x168: {  	s1 =	ssub.s32 @!p0 $0x0, s1;
	[sflag:s0] =	ssyncset.done @!p0 $0x0  }
0x169: {  	[sflag:s0] =	ssyncadd.s32 @!p0 s1  }
0x16a: {  	[bflag:$0x3] =	sbarrier.arrive $0xFFFF  }
0x16b: {  	_ =	shalt  }

// kernel: kernel.15.cloned.1.call-start
scs
__scs_entry_jumppad:
0x0: {  	(pc) =	sbr.rel $0x88, $3  }
0x1: {  	(tag) =	ssettag $0x0;
	lr =	simm.s32 $0x1  }
0x2: {  	[smem:$0x3F92] =	sst lr;
	_ =	strace $0xD0000000  }
0x3: {  	_ = 	snop  }
0x4: {  	_ = 	snop  }
0x5: {  	_ = 	snop  }
0x6: {  	_ = 	snop  }
0x7: {  	_ = 	snop  }
__scs_overlays_trampoline_lowered:
0x8: {  	[smem:$0x3FA1] =	sst s0  }
0x9: {  	[smem:$0x3FA2] =	sst s1  }
0xa: {  	[smem:$0x3FA3] =	sst s2  }
0xb: {  	[smem:$0x3FA4] =	sst s3  }
0xc: {  	[smem:$0x3FA5] =	sst s4  }
0xd: {  	[smem:$0x3FA6] =	sst s5  }
0xe: {  	[smem:$0x3FA7] =	sst s6  }
0xf: {  	[smem:$0x3FA8] =	sst s7  }
0x10: {  	[smem:$0x3FA9] =	sst s8  }
0x11: {  	[smem:$0x3FAA] =	sst s9;
	s0 =	simm.s32 @!p0 $0x0  }
0x12: {  	s1 =	sld [smem:$0x3F90];
	s0 =	simm.s32 @p0 $0x1  }
0x13: {  	[smem:$0x3FAB] =	sst s0;
	s0 =	simm.s32 @!p1 $0x0  }
0x14: {  	s2 =	sld [smem:$0x3F8F];
	s0 =	simm.s32 @p1 $0x1  }
0x15: {  	[smem:$0x3FAC] =	sst s0;
	s0 =	simm.s32 @!p2 $0x0  }
0x16: {  	s3 =	sld [smem:$0x3FDB];
	s0 =	simm.s32 @p2 $0x1  }
0x17: {  	s4 =	simm.s32 $0x1BF5;
	[smem:$0x3FAE] =	sst s0  }
0x18: {  	s0 =	sld [smem:$0x3F91];
	_ =	swait.ge [sflag:s4], $0x0  }
0x19: {  	s7 =	sld [smem:$0x3F92]  }
0x1a: {  	s8 =	sadd.s32 $0xFFFFE003, lr  }
0x1b: {  	s9 =	sadd.s32 $0xFFFFFEF7, lr;
	s5 =	simm.s32 $0xFFFFFFFF;
	p2 =	slt.u32 s8, $0xFFFFF086  }
0x1c: {  	p1 =	slt.u32 s9, $0xF7A;
	s5 =	simm.s32 @!p2 $0x0  }
0x1d: {  	s5 =	simm.s32 @p1 $0x1;
	p0 =	seq.s32 s7, s2  }
0x1e: {  	s7 =	smul.u32 @!p0 $0xF7A, s2;
	p2 =	seq.s32 @!p0 s5, $0x0  }
0x1f: {  	s9 =	smul.u32 $0xF7A, s1;
	s8 =	simm.s32 @!p0 $0x1BF5;
	p2 =	por !p2, p0  }
0x20: {  	[sflag:s8] =	ssyncset.s32 @!p0 $0xFFFFF086;
	s6 =	sadd.s32 @!p0 s3, s7;
	s7 =	simm.s32 @!p0 $0x108  }
0x21: {  	s3 =	sadd.s32 s3, s9;
	s6 =	sadd.s32 @!p0 $0x88, s6;
	s7 =	simm.s32 @p2 $0x1082  }
0x22: {  	[simem:s7], [sflag:s8] =	dma.local @!p0 [hbm:s6], $0xF7A  }
0x23: {  	s9 =	sor.u32 $0xD0000000, s2;
	s6 =	simm.s32 $0x108;
	_ =	swait.ge @!p0 [sflag:s8], $0x0  }
0x24: {  	s3 =	sadd.s32 $0x88, s3;
	s6 =	simm.s32 @!p1 $0x1082;
	[sflag:s4] =	ssyncset.s32 $0xFFFFF086  }
0x25: {  	[simem:s6], [sflag:s4] =	dma.local [hbm:s3], $0xF7A  }
0x26: {  	[smem:$0x3F92] =	sst s1;
	(tag) =	ssettag s2;
	_ =	strace s9  }
0x27: {  	s1 =	sld [smem:$0x3FA2]  }
0x28: {  	s2 =	sld [smem:$0x3FA3]  }
0x29: {  	s4 =	sld [smem:$0x3FA5]  }
0x2a: {  	p0 =	seq.s32 s5, $0x0;
	s5 =	sld [smem:$0x3FA6]  }
0x2b: {  	s6 =	sld [smem:$0x3FA7]  }
0x2c: {  	s7 =	sld [smem:$0x3FA8]  }
0x2d: {  	s3 =	simm.s32 $0x108;
	s8 =	sld [smem:$0x3FA9]  }
0x2e: {  	s3 =	simm.s32 @!p0 $0x1082;
	s9 =	sld [smem:$0x3FAA]  }
0x2f: {  	lr =	sadd.s32 s0, s3;
	s0 =	sld [smem:$0x3FA1]  }
0x30: {  	s3 =	sld [smem:$0x3FA4]  }
0x31: {  	[smem:$0x3FAD] =	sst s10  }
0x32: {  	s10 =	sld [smem:$0x3FAB];
	_ =	sdelay $0x3  }
0x33: {  	p0 =	seq.s32 s10, $0x1;
	s10 =	sld [smem:$0x3FAD];
	_ =	sdelay $0x3  }
0x34: {  	[smem:$0x3FAD] =	sst s10  }
0x35: {  	s10 =	sld [smem:$0x3FAC];
	_ =	sdelay $0x3  }
0x36: {  	p1 =	seq.s32 s10, $0x1;
	s10 =	sld [smem:$0x3FAD];
	_ =	sdelay $0x3  }
0x37: {  	[smem:$0x3FAD] =	sst s10  }
0x38: {  	s10 =	sld [smem:$0x3FAE]  }
0x39: {  	_ = 	snop;
	(pc) =	sbr.ind lr, $3  }
0x3a: {  	_ = 	snop  }
0x3b: {  	_ = 	snop  }
0x3c: {  	p2 =	seq.s32 s10, $0x1;
	s10 =	sld [smem:$0x3FAD]  }
0x3d: {  	_ =	shalt  }
0x3e: {  	_ =	shalt  }
0x3f: {  	_ =	shalt  }
0x40: {  	_ =	shalt  }
0x41: {  	_ =	shalt  }
0x42: {  	_ =	shalt  }
0x43: {  	_ =	shalt  }
0x44: {  	_ =	shalt  }
0x45: {  	_ =	shalt  }
0x46: {  	_ =	shalt  }
0x47: {  	_ =	shalt  }
0x48: {  	_ =	shalt  }
0x49: {  	_ =	shalt  }
0x4a: {  	_ =	shalt  }
0x4b: {  	_ =	shalt  }
0x4c: {  	_ =	shalt  }
0x4d: {  	_ =	shalt  }
0x4e: {  	_ =	shalt  }
0x4f: {  	_ =	shalt  }
0x50: {  	_ =	shalt  }
0x51: {  	_ =	shalt  }
0x52: {  	_ =	shalt  }
0x53: {  	_ =	shalt  }
0x54: {  	_ =	shalt  }
0x55: {  	_ =	shalt  }
0x56: {  	_ =	shalt  }
0x57: {  	_ =	shalt  }
0x58: {  	_ =	shalt  }
0x59: {  	_ =	shalt  }
0x5a: {  	_ =	shalt  }
0x5b: {  	_ =	shalt  }
0x5c: {  	_ =	shalt  }
0x5d: {  	_ =	shalt  }
0x5e: {  	_ =	shalt  }
0x5f: {  	_ =	shalt  }
0x60: {  	_ =	shalt  }
0x61: {  	_ =	shalt  }
0x62: {  	_ =	shalt  }
0x63: {  	_ =	shalt  }
0x64: {  	_ =	shalt  }
0x65: {  	_ =	shalt  }
0x66: {  	_ =	shalt  }
0x67: {  	_ =	shalt  }
0x68: {  	_ =	shalt  }
0x69: {  	_ =	shalt  }
0x6a: {  	_ =	shalt  }
0x6b: {  	_ =	shalt  }
0x6c: {  	_ =	shalt  }
0x6d: {  	_ =	shalt  }
0x6e: {  	_ =	shalt  }
0x6f: {  	_ =	shalt  }
0x70: {  	_ =	shalt  }
0x71: {  	_ =	shalt  }
0x72: {  	_ =	shalt  }
0x73: {  	_ =	shalt  }
0x74: {  	_ =	shalt  }
0x75: {  	_ =	shalt  }
0x76: {  	_ =	shalt  }
0x77: {  	_ =	shalt  }
0x78: {  	_ =	shalt  }
0x79: {  	_ =	shalt  }
0x7a: {  	_ =	shalt  }
0x7b: {  	_ =	shalt  }
0x7c: {  	_ =	shalt  }
0x7d: {  	_ =	shalt  }
0x7e: {  	_ =	shalt  }
0x7f: {  	_ =	shalt  }
0x80: {  	_ =	shalt  }
0x81: {  	_ =	shalt  }
0x82: {  	_ =	shalt  }
0x83: {  	_ =	shalt  }
0x84: {  	_ =	shalt  }
0x85: {  	_ =	shalt  }
0x86: {  	_ =	shalt  }
0x87: {  	_ =	shalt  }
.Lfunc_end0:
.L_simem_size_0:
called_computation.2_lowered:
.L_overlay_start_0:
0x88: {  	s2 =	sld [smem:$0x3FD9]  }
0x89: {  	s3 =	sld [smem:$0x3FFE];
	_ =	sdelay $0x1  }
0x8a: {  	s1 =	srdreg.scid  }
0x8b: {  	s0 =	sand.u32 $0x1, s1  }
0x8c: {  	s16 =	sshll.u32 s0, $0xA;
	s2 =	sadd.s32 s3, s2  }
0x8d: {  	s2 =	sadd.s32 s2, s16  }
0x8e: {  	[smem:$0x3FB9] =	sst s2  }
0x8f: {  	_ = 	snop  }
0x90: {  	(tm) =	ssettm $0x1  }
0x91: {  	s17 =	sld [smem:$0x3FFB];
	_ =	sdelay $0x3  }
0x92: {  	_ =	strace s17  }
0x93: {  	s2 =	sld [smem:$0x3FFC];
	_ =	sdelay $0x3  }
0x94: {  	_ =	strace s2  }
0x95: {  	s2 =	sld [smem:$0x3FFD];
	_ =	sdelay $0x3  }
0x96: {  	_ =	strace s2  }
0x97: {  	_ =	strace $0x8FFFFFFF  }
0x98: {  	s18 =	sld [smem:$0x3FDB];
	_ =	sdelay $0x1  }
0x99: {  	s19 =	simm.s32 $_scs_section_size  }
0x9a: {  	s4 =	simm.s32 $_size__tile_overlayer_lowered;
	s5 =	simm.s32 $_tile_overlayer_lowered  }
0x9b: {  	s22 =	simm.s32 $0x1BFF;
	s21 =	sshll.u32 s5, $0x1;
	s2 =	sadd.s32 s19, s18  }
0x9c: {  	s6 =	simm.s32 $0x0;
	s20 =	sshll.u32 s4, $0x1;
	s4 =	sadd.s32 s21, s2  }
0x9d: {  	[timem:s6], [sflag:s22] =	dma.local [hbm:s4], s20  }
0x9e: {  	_ =	swait.ge [sflag:s22], s20  }
0x9f: {  	s3 =	ssub.s32 $0x0, s20;
	[sflag:s22] =	ssyncset.done $0x0  }
0xa0: {  	[sflag:s22] =	ssyncadd.s32 s3;
	_ =	sdelay $0x1  }
0xa1: {  	s23 =	simm.s32 $0x1B8B  }
0xa2: {  	_ =	swait.ge [sflag:s23], $0x1  }
0xa3: {  	[sflag:s23] =	ssyncset.done $0x0  }
0xa4: {  	s25 =	simm.s32 $0x1B8E;
	s24 =	sld [smem:$0x3FFE];
	[sflag:s23] =	ssyncadd.s32 $0xFFFFFFFF  }
0xa5: {  	s26 =	simm.s32 $execute0_lowered;
	[smem:$0x3FD2] =	sst s25  }
0xa6: {  	s4 =	sshll.u32 s26, $0x1;
	_ =	strace $0x8000004C;
	[dreg:$0x1] =	wrdreg $0xFFFFFFFF  }
0xa7: {  	s28 =	simm.s32 $_size_execute0_lowered;
	s2 =	sadd.s32 s2, s4;
	[dreg:$0x0] =	wrdreg $0x0  }
0xa8: {  	s4 =	sshll.u32 s28, $0x1;
	[dreg:$0x2] =	wrdreg s2  }
0xa9: {  	[dreg:$0x3] =	wrdreg s4  }
0xaa: {  	[dreg:$0x4] =	wrdreg $0xC0  }
0xab: {  	_ =	task [dreg:s6], $0x5FFFF  }
0xac: {  	[dreg:$0x1] =	wrdreg $0xFFFFFFFF  }
0xad: {  	[dreg:$0x0] =	wrdreg $0x60  }
0xae: {  	[dreg:$0x2] =	wrdreg s24  }
0xaf: {  	[dreg:$0x3] =	wrdreg $0x156000  }
0xb0: {  	[dreg:$0x4] =	wrdreg $0x9  }
0xb1: {  	_ =	task.clear_ibuf [dreg:s6], $0x5FFFF;
	_ =	strace $0x9000004C  }
0xb2: {  	s29 =	simm.s32 $0x9;
	_ =	strace $0x8000004E  }
0xb3: {  	_ =	swait.ge [sflag:s29], $0x1  }
0xb4: {  	[sflag:s29] =	ssyncadd.s32 $0xFFFFFFFF  }
0xb5: {  	_ =	strace $0x9000004E  }
0xb6: {  	_ =	sfence  }
0xb7: {  	s30 =	sld [smem:$0x0];
	_ =	sdelay $0x2  }
0xb8: {  	s31 =	sshll.u32 s1, $0xD;
	s1 =	sshrl.u32 s1, $0x2  }
0xb9: {  	s3 =	sand.u32 $0x4000, s31;
	s1 =	sadd.s32 s1, s30  }
0xba: {  	s0 =	sor.u32 s3, s0;
	s1 =	sshll.u32 s1, $0x11  }
0xbb: {  	s0 =	sor.u32 s1, s0  }
0xbc: {  	s0 =	sadd.s32 $0x8F2B, s0  }
0xbd: {  	[sflag:s0] =	ssyncadd.remote.s32 $0x1  }
0xbe: {  	_ =	sfence.sel $0xFFFF  }
0xbf: {  	[dreg:$0x0] =	wrdreg $0xFFFFFFFF;
	(pc) =	sbr.abs _section_cstart, $3  }
0xc0: {  	[dreg:$0x1] =	wrdreg $0xFFFFFFFF  }
0xc1: {  	_ =	task.clear_ibuf [dreg:s6], $0x2FFFF;
	_ =	strace $0x9FFFFFFF  }
0xc2: {  	(tm) =	ssettm $0x7FFFFFFF  }
0xc3: {  	_ =	shalt  }
tec
execute0_lowered:
.L_overlay_start_1:
0x0: {  	(tag) =	ssettag $0x1  }
0x1: {  	s0 =	rddreg [dreg:$0x0]  }
0x2: {  	s1 =	rddreg [dreg:$0x1];
	s3 =	srdreg.scid;
	s2 =	simm.s32 $0x0  }
0x3: {  	s12 =	simm.s32 $0x1;
	s13 =	simm.s32 $0x15200;
	s14 =	simm.s32 $0x80  }
0x4: {  	s16 =	simm.s32 $0xD200;
	s18 =	simm.s32 $0x2;
	s23 =	simm.s32 $0x0  }
0x5: {  	s5 =	sand.u32 $0x1, s3;
	[smem:$0x7FF] =	sst s2;
	s3 =	sadd.s32 $0x2400, s0  }
0x6: {  	s4 =	sshll.u32 s5, $0xF;
	_ =	strace $0x8000004D;
	s7 =	smul.u32 $0x28000, s5  }
0x7: {  	s5 =	ssub.s32 $0x2, s5;
	s6 =	sadd.s32 s4, s0;
	s4 =	stileid.u32  }
0x8: {  	s8 =	sshrl.u32 s5, $0x1;
	s10 =	sshll.u32 s4, $0xB;
	s9 =	smul.u32 $0x28000, s4  }
0x9: {  	s0 =	sadd.s32 s7, s0;
	s8 =	ssub.s32 s5, s8;
	s31 =	smul.u32 $0xA000, s4  }
0xa: {  	s11 =	sadd.s32 $0x39600, s6;
	s7 =	sadd.s32 $0xA0000, s1;
	s15 =	smul.u32 $0x1400, s4  }
.Ltmp0:
0xb: {  	p0 =	sne.s32 s4, $0x0;
	s29 =	sadd.s32 s10, s6;
	(pc) =	sbr.rel .LBB2_1-.Ltmp0, $4  }
0xc: {  	s0 =	sadd.s32 $0x49600, s0;
	s8 =	smax.u32 s8, $0x1;
	s10 =	sadd.s32 s10, s11  }
0xd: {  	s11 =	simm.s32 $0x4000;
	s30 =	sshrl.u32 s9, $0x2;
	s9 =	sshrl.u32 s31, $0x3  }
0xe: {  	s5 =	sadd.s32 $0x29600, s29;
	s21 =	sadd.s32 s15, s0;
	s17 =	sadd.s32 $0x14000, s9  }
0xf: {  	v0 =	vimm.f32 $0.0e+00;
	v1 =	vimm.s32 $0x0;
	v2 =	vimm.s32 $0x1400;
	s6 =	sadd.s32 s30, s1;
	s9 =	simm.s32 $0x3;
	s22 =	sadd.s32 s17, s0  }
.LBB2_21:
0x10: {  	s0 =	sadd.s32 @!p1 $0xD200, s17  }
0x11: {  	[tilespmem:s0], [sflag:$0x1] =	stream.indirect.gather @!p1 [hbm4b:s3+s15], $0x80, s24, s15, $0xb8;
	[tilespmem:$0x1F640] =	vst v63  }
.LBB2_22:
0x12: {  	_ =	swait.ge [sflag:s18], $0x4000  }
0x13: {  	[sflag:s18] =	ssyncset.done $0x0  }
0x14: {  	[sflag:s18] =	ssyncadd.s32 $0xFFFFC000  }
.LBB2_23:
0x15: {  	[bflag:$0x0] =	sbarrier.arrive $0xFFFF;
	s23 =	sadd.s32 $0x1, s23  }
0x16: {  	[hbm:s22], [sflag:s26] =	dma.local [spmem:s28], $0x1400  }
0x17: {  	p1 =	sne.s32 s23, s8  }
.Ltmp1:
0x18: {  	_ =	swait.ge [sflag:s9], $0x1400;
	(pc) =	sbr.rel @!p1 .LBB2_24-.Ltmp1, $3  }
0x19: {  	[sflag:s9] =	ssyncset.done $0x0  }
0x1a: {  	[sflag:s9] =	ssyncadd.s32 $0xFFFFEC00  }
0x1b: {  	[bflag:$0x0] =	sbarrier.arrive $0xFFFF;
	_ =	sdelay $0x1  }
.LBB2_1:
0x1c: {  	[tilespmem:$0x15200] =	vst v0  }
0x1d: {  	[tilespmem:$0x15210] =	vst v0  }
0x1e: {  	[tilespmem:$0x15220] =	vst v0  }
0x1f: {  	[tilespmem:$0x15230] =	vst v0  }
0x20: {  	[tilespmem:$0x15240] =	vst v0  }
0x21: {  	[tilespmem:$0x15250] =	vst v0  }
0x22: {  	[tilespmem:$0x15260] =	vst v0  }
0x23: {  	[tilespmem:$0x15270] =	vst v0  }
0x24: {  	[tilespmem:$0x15280] =	vst v0  }
0x25: {  	[tilespmem:$0x15290] =	vst v0  }
0x26: {  	[tilespmem:$0x152A0] =	vst v0  }
0x27: {  	[tilespmem:$0x152B0] =	vst v0  }
0x28: {  	[tilespmem:$0x152C0] =	vst v0  }
0x29: {  	[tilespmem:$0x152D0] =	vst v0  }
0x2a: {  	[tilespmem:$0x152E0] =	vst v0  }
0x2b: {  	[tilespmem:$0x152F0] =	vst v0  }
0x2c: {  	[tilespmem:$0x15300] =	vst v0  }
0x2d: {  	[tilespmem:$0x15310] =	vst v0  }
0x2e: {  	[tilespmem:$0x15320] =	vst v0  }
0x2f: {  	[tilespmem:$0x15330] =	vst v0  }
0x30: {  	[tilespmem:$0x15340] =	vst v0  }
0x31: {  	[tilespmem:$0x15350] =	vst v0  }
0x32: {  	[tilespmem:$0x15360] =	vst v0  }
0x33: {  	[tilespmem:$0x15370] =	vst v0  }
0x34: {  	[tilespmem:$0x15380] =	vst v0  }
0x35: {  	[tilespmem:$0x15390] =	vst v0  }
0x36: {  	[tilespmem:$0x153A0] =	vst v0  }
0x37: {  	[tilespmem:$0x153B0] =	vst v0  }
0x38: {  	[tilespmem:$0x153C0] =	vst v0  }
0x39: {  	[tilespmem:$0x153D0] =	vst v0  }
0x3a: {  	[tilespmem:$0x153E0] =	vst v0  }
0x3b: {  	[tilespmem:$0x153F0] =	vst v0  }
0x3c: {  	[tilespmem:$0x15400] =	vst v0  }
0x3d: {  	[tilespmem:$0x15410] =	vst v0  }
0x3e: {  	[tilespmem:$0x15420] =	vst v0  }
0x3f: {  	[tilespmem:$0x15430] =	vst v0  }
0x40: {  	[tilespmem:$0x15440] =	vst v0  }
0x41: {  	[tilespmem:$0x15450] =	vst v0  }
0x42: {  	[tilespmem:$0x15460] =	vst v0  }
0x43: {  	[tilespmem:$0x15470] =	vst v0  }
0x44: {  	[tilespmem:$0x15480] =	vst v0  }
0x45: {  	[tilespmem:$0x15490] =	vst v0  }
0x46: {  	[tilespmem:$0x154A0] =	vst v0  }
0x47: {  	[tilespmem:$0x154B0] =	vst v0  }
0x48: {  	[tilespmem:$0x154C0] =	vst v0  }
0x49: {  	[tilespmem:$0x154D0] =	vst v0  }
0x4a: {  	[tilespmem:$0x154E0] =	vst v0  }
0x4b: {  	[tilespmem:$0x154F0] =	vst v0  }
0x4c: {  	[tilespmem:$0x15500] =	vst v0  }
0x4d: {  	[tilespmem:$0x15510] =	vst v0  }
0x4e: {  	[tilespmem:$0x15520] =	vst v0  }
0x4f: {  	[tilespmem:$0x15530] =	vst v0  }
0x50: {  	[tilespmem:$0x15540] =	vst v0  }
0x51: {  	[tilespmem:$0x15550] =	vst v0  }
0x52: {  	[tilespmem:$0x15560] =	vst v0  }
0x53: {  	[tilespmem:$0x15570] =	vst v0  }
0x54: {  	[tilespmem:$0x15580] =	vst v0  }
0x55: {  	[tilespmem:$0x15590] =	vst v0  }
0x56: {  	[tilespmem:$0x155A0] =	vst v0  }
0x57: {  	[tilespmem:$0x155B0] =	vst v0  }
0x58: {  	[tilespmem:$0x155C0] =	vst v0  }
0x59: {  	[tilespmem:$0x155D0] =	vst v0  }
0x5a: {  	[tilespmem:$0x155E0] =	vst v0  }
0x5b: {  	[tilespmem:$0x155F0] =	vst v0  }
0x5c: {  	[tilespmem:s2], [sflag:$0x3] =	stream.linear.gather [hbm4b:s5+s2], $0x3E80, $0x38;
	[tilespmem:$0x1F640] =	vst v63  }
0x5d: {  	_ =	swait.ge [sflag:s9], $0x3E80  }
0x5e: {  	[sflag:s9] =	ssyncset.done $0x0  }
0x5f: {  	[sflag:s9] =	ssyncadd.s32 $0xFFFFC180  }
0x60: {  	[tilespmem:s11], [sflag:$0x3] =	stream.linear.gather [hbm4b:s10+s2], $0x3E80, $0x38;
	[tilespmem:$0x1F640] =	vst v63  }
0x61: {  	_ =	swait.ge [sflag:s9], $0x3E80  }
0x62: {  	[sflag:s9] =	ssyncset.done $0x0  }
0x63: {  	s0 =	simm.s32 $0x0;
	[sflag:s9] =	ssyncadd.s32 $0xFFFFC180  }
.LBB2_2:
0x64: {  	p1 =	sne.s32 s0, $0xA3C0  }
.Ltmp2:
0x65: {  	_ = 	snop;
	(pc) =	sbr.rel @p1 .LBB2_2-.Ltmp2, $4  }
0x66: {  	_ = 	snop  }
0x67: {  	s15 =	sshra.s32 s0, $0x2  }
0x68: {  	[tilespmem:s15+$0x8000] =	vst v1  }
0x69: {  	s0 =	sadd.s32 $0x40, s0;
	[tilespmem:s15+$0xA900] =	vst v2  }
0x6a: {  	s24 =	simm.s32 $0x0  }
0x6b: {  	s0 =	smul.u32 $0xCCCD, s24  }
0x6c: {  	s15 =	simm.s32 $0x1  }
0x6d: {  	s15 =	smul.u32 $0xCCCD, s15;
	s0 =	sshrl.u32 s0, $0x12  }
0x6e: {  	s19 =	simm.s32 $0x2;
	s17 =	smul.u32 $0x5, s0  }
0x6f: {  	s19 =	smul.u32 $0xCCCD, s19;
	s15 =	sshrl.u32 s15, $0x12  }
0x70: {  	s25 =	smul.u32 $0x5, s15;
	s17 =	ssub.s32 $0x0, s17  }
0x71: {  	s19 =	sshrl.u32 s19, $0x12;
	s0 =	sshll.u32 s0, $0x7;
	s17 =	sand.u32 $0xFFFF, s17  }
0x72: {  	s26 =	smul.u32 $0x5, s19;
	s31 =	ssub.s32 $0x1, s25;
	s17 =	sshll.u32 s17, $0x4  }
0x73: {  	s20 =	simm.s32 $0x3;
	s0 =	sor.u32 s17, s0;
	s17 =	sand.u32 $0xFFFF, s31  }
0x74: {  	s15 =	sshll.u32 s15, $0x7;
	s26 =	ssub.s32 $0x2, s26;
	s17 =	sshll.u32 s17, $0x4;
	v3 =	vld [tilespmem:s0+$0x4000]  }
0x75: {  	s25 =	smul.u32 $0xCCCD, s20;
	s26 =	sand.u32 $0xFFFF, s26;
	s28 =	sor.u32 s17, s15  }
0x76: {  	s29 =	sshll.u32 s19, $0x7;
	s30 =	sshll.u32 s26, $0x4;
	v4 =	vld [tilespmem:s28+$0x4000]  }
0x77: {  	s31 =	sshrl.u32 s25, $0x12;
	s15 =	sor.u32 s30, s29  }
0x78: {  	s19 =	smul.u32 $0x5, s31;
	v5 =	vld [tilespmem:s15+$0x4000]  }
0x79: {  	vm0 =	vlt.s32 v3, $0x1400  }
0x7a: {  	s20 =	ssub.s32 $0x3, s19;
	v3 =	vsel vm0, $0x1, v1  }
0x7b: {  	s15 =	sand.u32 $0xFFFF, s20;
	vm13 =	vlt.s32 v4, $0x1400;
	(xrf0) =	vadd.scan.msk.s32 $0xffff, v3  }
0x7c: {  	s0 =	sshll.u32 s31, $0x7;
	s15 =	sshll.u32 s15, $0x4;
	v3 =	vsel vm13, $0x1, v1  }
0x7d: {  	s0 =	sor.u32 s15, s0;
	vm14 =	vlt.s32 v5, $0x1400;
	(xrf0) =	vadd.scan.msk.s32 $0xffff, v3  }
0x7e: {  	v4 =	vsel vm14, $0x1, v1;
	v3 =	vld [tilespmem:s0+$0x4000];
	_ =	sdelay $0x2  }
0x7f: {  	(xrf0) =	vadd.scan.msk.s32 $0xffff, v4;
	v4, _, _ =	vpop (xrf0)  }
0x80: {  	s25 =	simm.s32 $0x4;
	(v2sf) =	vpush v4, $0xF  }
0x81: {  	s17 =	smul.u32 $0xCCCD, s25;
	vm15 =	vlt.s32 v3, $0x1400;
	v3, _, _ =	vpop (xrf0)  }
0x82: {  	(v2sf) =	vpush v3, $0xF  }
0x83: {  	s26 =	sshrl.u32 s17, $0x12  }
0x84: {  	s28 =	smul.u32 $0x5, s26;
	_ =	sdelay $0x1  }
0x85: {  	s25 =	simm.s32 $0x5;
	s0 =	ssub.s32 $0x4, s28  }
0x86: {  	s29 =	smul.u32 $0xCCCD, s25;
	s0 =	sand.u32 $0xFFFF, s0;
	v4 =	vsel vm15, $0x1, v1  }
0x87: {  	s15 =	sshll.u32 s26, $0x7;
	s30 =	sshll.u32 s0, $0x4  }
0x88: {  	s0 =	sshrl.u32 s29, $0x12;
	s31 =	sor.u32 s30, s15  }
0x89: {  	s19 =	simm.s32 $0x6;
	s15 =	smul.u32 $0x5, s0;
	v3 =	vld [tilespmem:s31+$0x4000];
	(xrf0) =	vadd.scan.msk.s32 $0xffff, v4;
	v4, _, _ =	vpop (xrf0)  }
.LBB2_4:
0x8a: {  	s17 =	smul.u32 $0xCCCD, s19  }
0x8b: {  	s15 =	ssub.s32 s25, s15;
	(v2sf) =	vpush v4, $0xF;
	s25 =	smov.u32 s19;
	p1 =	sne.s32 s19, $0x270  }
.Ltmp3:
0x8c: {  	s19 =	sadd.s32 $0x1, s19;
	s15 =	sand.u32 $0xFFFF, s15;
	(pc) =	sbr.rel @p1 .LBB2_4-.Ltmp3, $4  }
0x8d: {  	s26 =	sshll.u32 s0, $0x7;
	s15 =	sshll.u32 s15, $0x4  }
0x8e: {  	s0 =	sshrl.u32 s17, $0x12;
	s17 =	sor.u32 s15, s26;
	vm0 =	vlt.s32 v3, $0x1400;
	s26 =	spop (v2sf)  }
0x8f: {  	s15 =	smul.u32 $0x5, s0;
	v3 =	vld [tilespmem:s17+$0x4000];
	v5 =	vsel vm0, $0x1, v1;
	s24 =	sadd.s32 s24, s26  }
0x90: {  	(xrf0) =	vadd.scan.msk.s32 $0xffff, v5;
	v4, _, _ =	vpop (xrf0)  }
0x91: {  	s15 =	ssub.s32 s25, s15  }
0x92: {  	s15 =	sand.u32 $0xFFFF, s15  }
0x93: {  	s0 =	sshll.u32 s0, $0x7;
	s15 =	sshll.u32 s15, $0x4  }
0x94: {  	s0 =	sor.u32 s15, s0  }
0x95: {  	v5 =	vld [tilespmem:s0+$0x4000];
	_ =	sdelay $0x3  }
0x96: {  	vm0 =	vlt.s32 v3, $0x1400  }
0x97: {  	v3 =	vsel vm0, $0x1, v1;
	vm0 =	vlt.s32 v5, $0x1400  }
0x98: {  	(xrf0) =	vadd.scan.msk.s32 $0xffff, v3;
	v3 =	vsel vm0, $0x1, v1  }
0x99: {  	(xrf0) =	vadd.scan.msk.s32 $0xffff, v3;
	_ =	sdelay $0x3  }
0x9a: {  	(v2sf) =	vpush v4, $0xF;
	v3, _, _ =	vpop (xrf0)  }
0x9b: {  	s0 =	simm.s32 $0x0;
	(v2sf) =	vpush v3, $0xF;
	v3, _, _ =	vpop (xrf0)  }
0x9c: {  	s20 =	smul.u32 $0xCCCD, s0;
	(v2sf) =	vpush v3, $0xF;
	v3, _, _ =	vpop (xrf0)  }
0x9d: {  	(v2sf) =	vpush v3, $0xF  }
0x9e: {  	s15 =	sshrl.u32 s20, $0x12  }
0x9f: {  	s17 =	smul.u32 $0x5, s15;
	_ =	sdelay $0x1  }
0xa0: {  	s17 =	ssub.s32 $0x0, s17  }
0xa1: {  	s15 =	sshll.u32 s15, $0x7;
	s17 =	sshll.u32 s17, $0x4  }
0xa2: {  	s15 =	sor.u32 s17, s15  }
0xa3: {  	s15 =	sand.u32 $0xFFF0, s15  }
0xa4: {  	v3 =	vld [tilespmem:s15+$0x4000];
	_ =	sdelay $0x1  }
0xa5: {  	s25 =	spop (v2sf)  }
0xa6: {  	s19 =	spop (v2sf);
	s17 =	sadd.s32 s24, s25  }
0xa7: {  	s17 =	sadd.s32 s17, s19;
	s26 =	spop (v2sf)  }
0xa8: {  	s17 =	sadd.s32 s17, s26;
	vm0 =	vlt.s32 v3, $0x1400;
	s31 =	spop (v2sf)  }
0xa9: {  	v4 =	vsel vm0, $0x1, v1;
	s17 =	sadd.s32 s17, s31;
	s20 =	spop (v2sf)  }
0xaa: {  	(xrf0) =	vadd.scan.msk.s32 $0xffff, v4;
	s17 =	sadd.s32 s17, s20;
	s24 =	spop (v2sf)  }
0xab: {  	s26 =	sadd.s32 s17, s24  }
0xac: {  	s25 =	simm.s32 $0x1;
	s17 =	sadd.s32 $0x8F, s26  }
0xad: {  	s19 =	smul.u32 $0xCCCD, s25;
	v5 =	vld [tilespmem:s15+$0x0];
	s31 =	sshra.s32 s17, $0x1F;
	s20 =	sand.u32 $0x7F, s17  }
0xae: {  	p1 =	slt.s32 s17, $0x1;
	s31 =	sshrl.u32 s31, $0x19;
	p2 =	sne.s32 s20, $0x0  }
0xaf: {  	s15 =	sadd.s32 s31, s17;
	p1 =	por !p1, !p2;
	s17 =	sshrl.u32 s19, $0x12  }
0xb0: {  	v4, _, _ =	vpop (xrf0);
	s19 =	simm.s32 $0x1;
	p1 =	por !p1, !p1;
	s20 =	smul.u32 $0x5, s17  }
0xb1: {  	(v2sf) =	vpush v4, $0xF;
	s15 =	sshra.s32 s15, $0x7;
	s19 =	simm.s32 @!p1 $0x0  }
0xb2: {  	[tilespmem:s0+$0x8000] =	vst.msk vm0, v5;
	s24 =	ssub.s32 s15, s19;
	s31 =	ssub.s32 $0x1, s20  }
0xb3: {  	vm1 =	vge.s32 v3, $0x1400;
	[tilespmem:s0+$0xA900] =	vst.msk vm0, v3;
	s17 =	sshll.u32 s17, $0x7;
	s25 =	sshll.u32 s24, $0x7;
	s15 =	sshll.u32 s31, $0x4  }
0xb4: {  	v3 =	vadd.s32 $0xFFFFEC00, v3;
	s19 =	sor.u32 s15, s17;
	[tilespmem:s25+$0x8000] =	vst.msk vm1, v5  }
0xb5: {  	s15 =	sand.u32 $0xFFF0, s19;
	[tilespmem:s25+$0xA900] =	vst.msk vm1, v3  }
0xb6: {  	v3 =	vld [tilespmem:s15+$0x4000];
	_ =	sdelay $0x4  }
0xb7: {  	vm0 =	vlt.s32 v3, $0x1400  }
0xb8: {  	v4 =	vsel vm0, $0x1, v1  }
0xb9: {  	s29 =	simm.s32 $0x2;
	(xrf0) =	vadd.scan.msk.s32 $0xffff, v4  }
0xba: {  	s20 =	smul.u32 $0xCCCD, s29  }
0xbb: {  	v4 =	vld [tilespmem:s15+$0x0]  }
0xbc: {  	s30 =	simm.s32 $0x3;
	s0 =	sshrl.u32 s20, $0x12;
	s31 =	spop (v2sf)  }
0xbd: {  	s28 =	sadd.s32 $0x0, s31;
	s17 =	ssub.s32 s25, s31;
	s15 =	smul.u32 $0x5, s0  }
.LBB2_6:
0xbe: {  	p1 =	sne.s32 s30, $0x270  }
0xbf: {  	v5, _, _ =	vpop (xrf0);
	s17 =	sadd.s32 $0x10, s17;
	s19 =	smov.u32 s30;
	s30 =	sadd.s32 $0x1, s30  }
0xc0: {  	s15 =	ssub.s32 s29, s15;
	[tilespmem:s28+$0x8000] =	vst.msk vm0, v4;
	(v2sf) =	vpush v5, $0xF;
	s29 =	smov.u32 s19  }
0xc1: {  	s0 =	sshll.u32 s0, $0x7;
	vm1 =	vge.s32 v3, $0x1400;
	s15 =	sshll.u32 s15, $0x4;
	[tilespmem:s28+$0xA900] =	vst.msk vm0, v3  }
0xc2: {  	v3 =	vadd.s32 $0xFFFFEC00, v3;
	s0 =	sor.u32 s15, s0;
	[tilespmem:s17+$0x8000] =	vst.msk vm1, v4  }
0xc3: {  	s0 =	sand.u32 $0xFFF0, s0;
	[tilespmem:s17+$0xA900] =	vst.msk vm1, v3  }
0xc4: {  	v3 =	vld [tilespmem:s0+$0x4000];
	_ =	sdelay $0x4  }
0xc5: {  	vm0 =	vlt.s32 v3, $0x1400  }
0xc6: {  	v4 =	vsel vm0, $0x1, v1  }
0xc7: {  	(xrf0) =	vadd.scan.msk.s32 $0xffff, v4  }
.Ltmp4:
0xc8: {  	(pc) =	sbr.rel @p1 .LBB2_6-.Ltmp4, $3  }
0xc9: {  	s15 =	smul.u32 $0xCCCD, s29;
	v4 =	vld [tilespmem:s0+$0x0];
	_ =	sdelay $0x1  }
0xca: {  	s0 =	sshrl.u32 s15, $0x12;
	s19 =	spop (v2sf)  }
0xcb: {  	s15 =	smul.u32 $0x5, s0;
	s28 =	sadd.s32 s28, s19;
	s17 =	ssub.s32 s17, s19  }
0xcc: {  	_ = 	snop  }
0xcd: {  	s15 =	ssub.s32 s29, s15;
	[tilespmem:s28+$0x8000] =	vst.msk vm0, v4  }
0xce: {  	s17 =	sadd.s32 $0x10, s17;
	s0 =	sshll.u32 s0, $0x7;
	vm1 =	vge.s32 v3, $0x1400;
	s15 =	sshll.u32 s15, $0x4;
	[tilespmem:s28+$0xA900] =	vst.msk vm0, v3  }
0xcf: {  	v3 =	vadd.s32 $0xFFFFEC00, v3;
	s0 =	sor.u32 s15, s0;
	[tilespmem:s17+$0x8000] =	vst.msk vm1, v4  }
0xd0: {  	s0 =	sand.u32 $0xFFF0, s0;
	[tilespmem:s17+$0xA900] =	vst.msk vm1, v3  }
0xd1: {  	v3 =	vld [tilespmem:s0+$0x4000];
	_ =	sdelay $0x4  }
0xd2: {  	vm14 =	vlt.s32 v3, $0x1400  }
0xd3: {  	v60 =	vsel vm14, $0x1, v1  }
0xd4: {  	(xrf0) =	vadd.scan.msk.s32 $0xffff, v60;
	_ =	sdelay $0x3  }
0xd5: {  	v61, _, _ =	vpop (xrf0)  }
0xd6: {  	(v2sf) =	vpush v61, $0xF  }
0xd7: {  	v62, _, _ =	vpop (xrf0)  }
0xd8: {  	(v2sf) =	vpush v62, $0xF;
	_ =	sdelay $0x9  }
0xd9: {  	v63 =	vld [tilespmem:s0+$0x0];
	_ =	sdelay $0x2  }
0xda: {  	s20 =	spop (v2sf)  }
0xdb: {  	s29 =	sadd.s32 s28, s20  }
0xdc: {  	s0 =	ssub.s32 s17, s20;
	[tilespmem:s29+$0x8000] =	vst.msk vm14, v63;
	s30 =	spop (v2sf)  }
0xdd: {  	vm15 =	vge.s32 v3, $0x1400;
	s0 =	sadd.s32 $0x10, s0;
	[tilespmem:s29+$0xA900] =	vst.msk vm14, v3;
	s15 =	sadd.s32 s29, s30  }
0xde: {  	v3 =	vadd.s32 $0xFFFFEC00, v3;
	[tilespmem:s0+$0x8000] =	vst.msk vm15, v63;
	p1 =	sge.s32 s15, s25  }
0xdf: {  	[tilespmem:s0+$0xA900] =	vst.msk vm15, v3;
	v3 =	vimm.s32 @!p1 $0x0  }
0xe0: {  	s0 =	ssub.s32 s0, s30;
	[tilespmem:s15+$0x8000] =	vst @!p1 v3;
	v3 =	vimm.s32 @!p1 $0x1400  }
0xe1: {  	s0 =	sadd.s32 $0x10, s0;
	[tilespmem:s15+$0xA900] =	vst @!p1 v3  }
0xe2: {  	[tilespmem:s0+$0x8000] =	vst v1  }
0xe3: {  	s31 =	sadd.s32 $0x0, s6;
	[tilespmem:s0+$0xA900] =	vst v2  }
0xe4: {  	[spmem:s31] =	stream.linear.scatter [tilespmem:s13], [sflag:$0x3], $0x400, $0x38;
	[tilespmem:$0x1F640] =	vst v63  }
0xe5: {  	s25 =	ssub.s32 s0, s25;
	s0 =	simm.s32 $0x1000;
	_ =	swait.ge [sflag:s9], $0x400  }
.LBB2_8:
0xe6: {  	s15 =	sshra.s32 s0, $0x2;
	[sflag:s9] =	ssyncset.done $0x0;
	p1 =	sne.s32 s0, $0x27000  }
.Ltmp5:
0xe7: {  	s15 =	sadd.s32 s15, s6;
	[sflag:s9] =	ssyncadd.s32 $0xFFFFFC00;
	(pc) =	sbr.rel @p1 .LBB2_8-.Ltmp5, $3  }
0xe8: {  	[spmem:s15] =	stream.linear.scatter [tilespmem:s13], [sflag:$0x3], $0x400, $0x38;
	[tilespmem:$0x1F640] =	vst v63  }
0xe9: {  	s0 =	sadd.s32 $0x1000, s0;
	_ =	sdelay $0x1  }
0xea: {  	_ =	swait.ge [sflag:s9], $0x400  }
0xeb: {  	[sflag:s9] =	ssyncset.done $0x0;
	s31 =	sadd.s32 $0x7F, s26  }
0xec: {  	s0 =	simm.s32 @!p0 $0x15200;
	[sflag:s9] =	ssyncadd.s32 $0xFFFFFC00;
	s15 =	sand.u32 $0x7F, s31  }
0xed: {  	[spmem:s7] =	stream.linear.scatter @!p0 [tilespmem:s0], [sflag:$0x3], $0x400, $0x38;
	[tilespmem:$0x1F640] =	vst v63  }
0xee: {  	s17 =	sshra.s32 s31, $0x1F;
	p1 =	slt.s32 s31, $0x1;
	p2 =	sne.s32 s15, $0x0  }
0xef: {  	s17 =	sshrl.u32 s17, $0x19;
	p1 =	por !p1, !p2  }
0xf0: {  	s0 =	sadd.s32 s17, s31;
	s17 =	simm.s32 $0x1;
	p1 =	por !p1, !p1  }
0xf1: {  	s0 =	sshra.s32 s0, $0x7;
	s17 =	simm.s32 @!p1 $0x0  }
0xf2: {  	s26 =	ssub.s32 s0, s17  }
0xf3: {  	s15 =	simm.s32 @!p0 $0x3;
	p2 =	slt.s32 s26, $0x1  }
.Ltmp6:
0xf4: {  	_ =	swait.ge @!p0 [sflag:s15], $0x400;
	(pc) =	sbr.rel @p2 .LBB2_15-.Ltmp6, $3  }
0xf5: {  	[sflag:s15] =	ssyncset.done @!p0 $0x0  }
0xf6: {  	[sflag:s15] =	ssyncadd.s32 @!p0 $0xFFFFFC00  }
0xf7: {  	[bflag:$0x0] =	sbarrier.arrive $0xFFFF;
	_ =	sdelay $0x1  }
0xf8: {  	s15 =	simm.s32 $0x8000;
	p2 =	seq.s32 s26, $0x1  }
0xf9: {  	[tilespmem:s16], [sflag:$0x1] =	stream.indirect.gather [hbm4b:s3+s14], $0x80, s15, s14, $0xb8;
	[tilespmem:$0x1F640] =	vst v63  }
.Ltmp7:
0xfa: {  	_ = 	snop;
	(pc) =	sbr.rel @p2 .LBB2_14-.Ltmp7, $4  }
0xfb: {  	_ =	swait.ge [sflag:s12], $0x4000  }
0xfc: {  	[sflag:s12] =	ssyncset.done $0x0  }
0xfd: {  	s31 =	simm.s32 $0xA900;
	[sflag:s12] =	ssyncadd.s32 $0xFFFFC000  }
0xfe: {  	[spmem:s1] =	stream.indirect.scatter.add.f32 [tilespmem:s16], [sflag:$0x2], $0x80, s31, s14, $0xb8;
	[tilespmem:$0x1F640] =	vst v63  }
0xff: {  	s15 =	simm.s32 $0xFFFFFFFF  }
0x100: {  	s17 =	simm.s32 $0x8080;
	s19 =	simm.s32 $0x11200;
	s29 =	simm.s32 $0x20000  }
0x101: {  	s30 =	simm.s32 $0x8100;
	s20 =	simm.s32 $0xA980;
	s15 =	simm.s32 @!p1 $0x0  }
0x102: {  	[tilespmem:s19], [sflag:$0x1] =	stream.indirect.gather [hbm4b:s3+s14], $0x80, s17, s14, $0xb8;
	[tilespmem:$0x1F640] =	vst v63  }
0x103: {  	s19 =	simm.s32 $0x10000;
	p1 =	sle.s32 s26, $0x2;
	s0 =	sadd.s32 s15, s0  }
0x104: {  	_ =	swait.ge [sflag:s12], $0x4000;
	s28 =	sadd.s32 $0xFFFFFFFF, s0;
	s0 =	sand.u32 $0x10000, s19  }
0x105: {  	[sflag:s12] =	ssyncset.done $0x0;
	s0 =	sshrl.u32 s0, $0x2;
	p2 =	sne.s32 s28, $0x1  }
.Ltmp8:
0x106: {  	[sflag:s12] =	ssyncadd.s32 $0xFFFFC000;
	s0 =	sadd.s32 $0xD200, s0;
	(pc) =	sbr.rel @!p2 .LBB2_13-.Ltmp8, $4  }
0x107: {  	[spmem:s1] =	stream.indirect.scatter.add.f32 [tilespmem:s0], [sflag:$0x2], $0x80, s20, s14, $0xb8;
	[tilespmem:$0x1F640] =	vst v63  }
0x108: {  	s31 =	simm.s32 $0x1;
	s17 =	sand.u32 @!p1 $0x10000, s29;
	_ =	swait.ge [sflag:s18], $0x4000  }
0x109: {  	s15 =	simm.s32 @!p1 $0x80;
	s17 =	sshrl.u32 @!p1 s17, $0x2;
	[sflag:s18] =	ssyncset.done $0x0  }
0x10a: {  	s19 =	simm.s32 $0x8180;
	s0 =	simm.s32 $0xAA00;
	[sflag:s18] =	ssyncadd.s32 $0xFFFFC000  }
.LBB2_12:
0x10b: {  	s17 =	sadd.s32 @!p1 $0xD200, s17  }
0x10c: {  	s29 =	sadd.s32 $0x10000, s29;
	s20 =	smov.u32 s31;
	s31 =	sadd.s32 $0x1, s31  }
0x10d: {  	[tilespmem:s17], [sflag:$0x1] =	stream.indirect.gather @!p1 [hbm4b:s3+s15], $0x80, s30, s15, $0xb8;
	[tilespmem:$0x1F640] =	vst v63  }
0x10e: {  	p2 =	sne.s32 s28, s31;
	s30 =	smov.u32 s19  }
0x10f: {  	s15 =	sadd.s32 $0xFFFF0000, s29  }
0x110: {  	s15 =	sand.u32 $0x10000, s15;
	_ =	swait.ge [sflag:s12], $0x4000  }
0x111: {  	s17 =	sadd.s32 $0x2, s20;
	s15 =	sshrl.u32 s15, $0x2;
	[sflag:s12] =	ssyncset.done $0x0  }
.Ltmp9:
0x112: {  	s15 =	sadd.s32 $0xD200, s15;
	[sflag:s12] =	ssyncadd.s32 $0xFFFFC000;
	(pc) =	sbr.rel @p2 .LBB2_12-.Ltmp9, $4  }
0x113: {  	[spmem:s1] =	stream.indirect.scatter.add.f32 [tilespmem:s15], [sflag:$0x2], $0x80, s0, s14, $0xb8;
	[tilespmem:$0x1F640] =	vst v63  }
0x114: {  	p1 =	sge.s32 s17, s26;
	s0 =	sadd.s32 $0x80, s0;
	_ =	swait.ge [sflag:s18], $0x4000  }
0x115: {  	s17 =	sand.u32 @!p1 $0x10000, s29;
	s15 =	simm.s32 @!p1 $0x80;
	[sflag:s18] =	ssyncset.done $0x0  }
0x116: {  	s19 =	sadd.s32 $0x80, s19;
	s17 =	sshrl.u32 @!p1 s17, $0x2;
	[sflag:s18] =	ssyncadd.s32 $0xFFFFC000  }
.LBB2_13:
0x117: {  	s0 =	sadd.s32 @!p1 $0xD200, s17  }
0x118: {  	[tilespmem:s0], [sflag:$0x1] =	stream.indirect.gather @!p1 [hbm4b:s3+s15], $0x80, s30, s15, $0xb8;
	[tilespmem:$0x1F640] =	vst v63  }
.LBB2_14:
0x119: {  	_ =	swait.ge [sflag:s18], $0x4000  }
0x11a: {  	[sflag:s18] =	ssyncset.done $0x0  }
0x11b: {  	[sflag:s18] =	ssyncadd.s32 $0xFFFFC000  }
.LBB2_15:
0x11c: {  	s0 =	sshll.u32 s4, $0x6  }
0x11d: {  	[bflag:$0x0] =	sbarrier.arrive $0xFFFF;
	s28 =	sshrl.u32 s6, $0x3;
	s26 =	sor.u32 $0x1C03, s0  }
0x11e: {  	[hbm:s21], [sflag:s26] =	dma.local [spmem:s28], $0x1400  }
0x11f: {  	_ =	swait.ge [sflag:s9], $0x1400  }
0x120: {  	[sflag:s9] =	ssyncset.done $0x0  }
0x121: {  	[sflag:s9] =	ssyncadd.s32 $0xFFFFEC00  }
0x122: {  	s31 =	sadd.s32 $0x0, s6;
	[bflag:$0x0] =	sbarrier.arrive $0xFFFF  }
0x123: {  	[spmem:s31] =	stream.linear.scatter [tilespmem:s13], [sflag:$0x3], $0x400, $0x38;
	[tilespmem:$0x1F640] =	vst v63  }
0x124: {  	s0 =	simm.s32 $0x1000;
	_ =	swait.ge [sflag:s9], $0x400  }
.LBB2_16:
0x125: {  	s15 =	sshra.s32 s0, $0x2;
	[sflag:s9] =	ssyncset.done $0x0;
	p1 =	sne.s32 s0, $0x27000  }
.Ltmp10:
0x126: {  	s15 =	sadd.s32 s15, s6;
	[sflag:s9] =	ssyncadd.s32 $0xFFFFFC00;
	(pc) =	sbr.rel @p1 .LBB2_16-.Ltmp10, $3  }
0x127: {  	[spmem:s15] =	stream.linear.scatter [tilespmem:s13], [sflag:$0x3], $0x400, $0x38;
	[tilespmem:$0x1F640] =	vst v63  }
0x128: {  	s0 =	sadd.s32 $0x1000, s0;
	_ =	sdelay $0x1  }
0x129: {  	_ =	swait.ge [sflag:s9], $0x400  }
0x12a: {  	[sflag:s9] =	ssyncset.done $0x0;
	s31 =	sadd.s32 $0x7F, s25  }
0x12b: {  	s0 =	simm.s32 @!p0 $0x15200;
	[sflag:s9] =	ssyncadd.s32 $0xFFFFFC00;
	s15 =	sand.u32 $0x7F, s31  }
0x12c: {  	[spmem:s7] =	stream.linear.scatter @!p0 [tilespmem:s0], [sflag:$0x3], $0x400, $0x38;
	[tilespmem:$0x1F640] =	vst v63  }
0x12d: {  	s17 =	sshra.s32 s31, $0x1F;
	p1 =	slt.s32 s31, $0x1;
	p2 =	sne.s32 s15, $0x0  }
0x12e: {  	s17 =	sshrl.u32 s17, $0x19;
	p1 =	por !p1, !p2  }
0x12f: {  	s0 =	sadd.s32 s17, s31;
	s17 =	simm.s32 $0x1;
	p1 =	por !p1, !p1  }
0x130: {  	s0 =	sshra.s32 s0, $0x7;
	s17 =	simm.s32 @!p1 $0x0  }
0x131: {  	s25 =	ssub.s32 s0, s17  }
0x132: {  	s15 =	simm.s32 @!p0 $0x3;
	p2 =	slt.s32 s25, $0x1  }
.Ltmp11:
0x133: {  	_ =	swait.ge @!p0 [sflag:s15], $0x400;
	(pc) =	sbr.rel @p2 .LBB2_23-.Ltmp11, $3  }
0x134: {  	[sflag:s15] =	ssyncset.done @!p0 $0x0  }
0x135: {  	[sflag:s15] =	ssyncadd.s32 @!p0 $0xFFFFFC00  }
0x136: {  	[bflag:$0x0] =	sbarrier.arrive $0xFFFF;
	_ =	sdelay $0x1  }
0x137: {  	s15 =	sshll.u32 s24, $0x9  }
0x138: {  	s15 =	sshra.s32 s15, $0x2  }
0x139: {  	p2 =	seq.s32 s25, $0x1;
	s17 =	sadd.s32 $0x8000, s15  }
0x13a: {  	[tilespmem:s16], [sflag:$0x1] =	stream.indirect.gather [hbm4b:s3+s14], $0x80, s17, s14, $0xb8;
	[tilespmem:$0x1F640] =	vst v63  }
.Ltmp12:
0x13b: {  	_ = 	snop;
	(pc) =	sbr.rel @p2 .LBB2_22-.Ltmp12, $4  }
0x13c: {  	_ =	swait.ge [sflag:s12], $0x4000  }
0x13d: {  	[sflag:s12] =	ssyncset.done $0x0  }
0x13e: {  	s31 =	sadd.s32 $0xA900, s15;
	[sflag:s12] =	ssyncadd.s32 $0xFFFFC000  }
0x13f: {  	[spmem:s1] =	stream.indirect.scatter.add.f32 [tilespmem:s16], [sflag:$0x2], $0x80, s31, s14, $0xb8;
	[tilespmem:$0x1F640] =	vst v63  }
0x140: {  	s17 =	simm.s32 $0xFFFFFFFF;
	s19 =	sadd.s32 $0x8080, s15  }
0x141: {  	s20 =	simm.s32 $0x11200;
	s24 =	sadd.s32 $0x8100, s15;
	s30 =	simm.s32 $0x1  }
0x142: {  	[tilespmem:s20], [sflag:$0x1] =	stream.indirect.gather [hbm4b:s3+s14], $0x80, s19, s14, $0xb8;
	[tilespmem:$0x1F640] =	vst v63  }
0x143: {  	s17 =	simm.s32 @!p1 $0x0;
	s19 =	sadd.s32 $0xA980, s15;
	s20 =	simm.s32 $0x10000  }
0x144: {  	p1 =	sle.s32 s25, $0x2;
	s0 =	sadd.s32 s17, s0;
	s17 =	simm.s32 $0x20000  }
0x145: {  	_ =	swait.ge [sflag:s12], $0x4000;
	s15 =	sand.u32 $0x10000, s20;
	s29 =	sadd.s32 $0xFFFFFFFF, s0  }
0x146: {  	[sflag:s12] =	ssyncset.done $0x0;
	s15 =	sshrl.u32 s15, $0x2;
	p2 =	sne.s32 s29, $0x1  }
.Ltmp13:
0x147: {  	[sflag:s12] =	ssyncadd.s32 $0xFFFFC000;
	s15 =	sadd.s32 $0xD200, s15;
	(pc) =	sbr.rel @!p2 .LBB2_21-.Ltmp13, $4  }
0x148: {  	[spmem:s1] =	stream.indirect.scatter.add.f32 [tilespmem:s15], [sflag:$0x2], $0x80, s19, s14, $0xb8;
	[tilespmem:$0x1F640] =	vst v63  }
0x149: {  	s31 =	sadd.s32 $0x80, s19;
	s0 =	sand.u32 @!p1 $0x10000, s17;
	_ =	swait.ge [sflag:s18], $0x4000  }
0x14a: {  	s17 =	sshrl.u32 @!p1 s0, $0x2;
	s0 =	simm.s32 $0x30000;
	[sflag:s18] =	ssyncset.done $0x0  }
0x14b: {  	s15 =	simm.s32 @!p1 $0x80;
	s19 =	smov.u32 s24;
	[sflag:s18] =	ssyncadd.s32 $0xFFFFC000  }
.LBB2_20:
0x14c: {  	s17 =	sadd.s32 @!p1 $0xD200, s17  }
0x14d: {  	s19 =	sadd.s32 $0x80, s19;
	s20 =	smov.u32 s30;
	s30 =	sadd.s32 $0x1, s30  }
0x14e: {  	[tilespmem:s17], [sflag:$0x1] =	stream.indirect.gather @!p1 [hbm4b:s3+s15], $0x80, s24, s15, $0xb8;
	[tilespmem:$0x1F640] =	vst v63  }
0x14f: {  	p2 =	sne.s32 s29, s30;
	s24 =	smov.u32 s19  }
0x150: {  	s15 =	sadd.s32 $0xFFFF0000, s0  }
0x151: {  	s15 =	sand.u32 $0x10000, s15;
	_ =	swait.ge [sflag:s12], $0x4000  }
0x152: {  	s17 =	sadd.s32 $0x2, s20;
	s15 =	sshrl.u32 s15, $0x2;
	[sflag:s12] =	ssyncset.done $0x0  }
.Ltmp14:
0x153: {  	s15 =	sadd.s32 $0xD200, s15;
	[sflag:s12] =	ssyncadd.s32 $0xFFFFC000;
	(pc) =	sbr.rel @p2 .LBB2_20-.Ltmp14, $4  }
0x154: {  	[spmem:s1] =	stream.indirect.scatter.add.f32 [tilespmem:s15], [sflag:$0x2], $0x80, s31, s14, $0xb8;
	[tilespmem:$0x1F640] =	vst v63  }
0x155: {  	p1 =	sge.s32 s17, s25;
	s31 =	sadd.s32 $0x80, s31;
	_ =	swait.ge [sflag:s18], $0x4000  }
0x156: {  	s17 =	sand.u32 @!p1 $0x10000, s0;
	s15 =	simm.s32 @!p1 $0x80;
	[sflag:s18] =	ssyncset.done $0x0  }
0x157: {  	s0 =	sadd.s32 $0x10000, s0;
	s17 =	sshrl.u32 @!p1 s17, $0x2;
	[sflag:s18] =	ssyncadd.s32 $0xFFFFC000  }
.Ltmp15:
0x158: {  	_ = 	snop;
	(pc) =	sbr.rel .LBB2_21-.Ltmp15, $1  }
0x159: {  	_ =	sdelay $0x3  }
.LBB2_24:
0x15a: {  	_ =	sfence.sel $0x180000  }
0x15b: {  	[bflag:$0x0] =	sbarrier.arrive $0xFFFF  }
0x15c: {  	_ =	strace $0x9000004D  }
0x15d: {  	[bflag:$0x2] =	sbarrier.arrive $0xFFFF  }
0x15e: {  	s0 =	rddreg [dreg:$0x2]  }
0x15f: {  	s0 =	sadd.s32 @!p0 $0x100000, s0  }
0x160: {  	[sflag:s0] =	ssyncadd.tile.s32 @!p0 $0x1;
	_ =	shalt  }
.Lfunc_end2:
_tile_overlayer_lowered:
.L_overlay_start_2:
0x161: {  	(tag) =	ssettag $0x2  }
0x162: {  	s0 =	rddreg [dreg:$0x0];
	s2 =	stileid.u32  }
0x163: {  	s1 =	rddreg [dreg:$0x1];
	p0 =	sne.s32 s2, $0x0  }
0x164: {  	s3 =	rddreg [dreg:$0x2];
	[bflag:$0x3] =	sbarrier.arrive $0xFFFF;
	s2 =	simm.s32 @!p0 $0x1C03  }
0x165: {  	[timem:s3], [sflag:s2] =	dma.local @!p0 [hbm:s0], s1  }
0x166: {  	s0 =	simm.s32 @!p0 $0x3  }
0x167: {  	_ =	swait.ge @!p0 [sflag:s0], s1  }
0x168: {  	s1 =	ssub.s32 @!p0 $0x0, s1;
	[sflag:s0] =	ssyncset.done @!p0 $0x0  }
0x169: {  	[sflag:s0] =	ssyncadd.s32 @!p0 s1  }
0x16a: {  	[bflag:$0x3] =	sbarrier.arrive $0xFFFF  }
0x16b: {  	_ =	shalt  }

// kernel: kernel.9.cloned.1.call-start
scs
__scs_entry_jumppad:
0x0: {  	(pc) =	sbr.rel $0x88, $3  }
0x1: {  	(tag) =	ssettag $0x0;
	lr =	simm.s32 $0x1  }
0x2: {  	[smem:$0x3F92] =	sst lr;
	_ =	strace $0xD0000000  }
0x3: {  	_ = 	snop  }
0x4: {  	_ = 	snop  }
0x5: {  	_ = 	snop  }
0x6: {  	_ = 	snop  }
0x7: {  	_ = 	snop  }
__scs_overlays_trampoline_lowered:
0x8: {  	[smem:$0x3FA1] =	sst s0  }
0x9: {  	[smem:$0x3FA2] =	sst s1  }
0xa: {  	[smem:$0x3FA3] =	sst s2  }
0xb: {  	[smem:$0x3FA4] =	sst s3  }
0xc: {  	[smem:$0x3FA5] =	sst s4  }
0xd: {  	[smem:$0x3FA6] =	sst s5  }
0xe: {  	[smem:$0x3FA7] =	sst s6  }
0xf: {  	[smem:$0x3FA8] =	sst s7  }
0x10: {  	[smem:$0x3FA9] =	sst s8  }
0x11: {  	[smem:$0x3FAA] =	sst s9;
	s0 =	simm.s32 @!p0 $0x0  }
0x12: {  	s1 =	sld [smem:$0x3F90];
	s0 =	simm.s32 @p0 $0x1  }
0x13: {  	[smem:$0x3FAB] =	sst s0;
	s0 =	simm.s32 @!p1 $0x0  }
0x14: {  	s2 =	sld [smem:$0x3F8F];
	s0 =	simm.s32 @p1 $0x1  }
0x15: {  	[smem:$0x3FAC] =	sst s0;
	s0 =	simm.s32 @!p2 $0x0  }
0x16: {  	s3 =	sld [smem:$0x3FDB];
	s0 =	simm.s32 @p2 $0x1  }
0x17: {  	s4 =	simm.s32 $0x1BF5;
	[smem:$0x3FAE] =	sst s0  }
0x18: {  	s0 =	sld [smem:$0x3F91];
	_ =	swait.ge [sflag:s4], $0x0  }
0x19: {  	s7 =	sld [smem:$0x3F92]  }
0x1a: {  	s8 =	sadd.s32 $0xFFFFE003, lr  }
0x1b: {  	s9 =	sadd.s32 $0xFFFFFEF7, lr;
	s5 =	simm.s32 $0xFFFFFFFF;
	p2 =	slt.u32 s8, $0xFFFFF086  }
0x1c: {  	p1 =	slt.u32 s9, $0xF7A;
	s5 =	simm.s32 @!p2 $0x0  }
0x1d: {  	s5 =	simm.s32 @p1 $0x1;
	p0 =	seq.s32 s7, s2  }
0x1e: {  	s7 =	smul.u32 @!p0 $0xF7A, s2;
	p2 =	seq.s32 @!p0 s5, $0x0  }
0x1f: {  	s9 =	smul.u32 $0xF7A, s1;
	s8 =	simm.s32 @!p0 $0x1BF5;
	p2 =	por !p2, p0  }
0x20: {  	[sflag:s8] =	ssyncset.s32 @!p0 $0xFFFFF086;
	s6 =	sadd.s32 @!p0 s3, s7;
	s7 =	simm.s32 @!p0 $0x108  }
0x21: {  	s3 =	sadd.s32 s3, s9;
	s6 =	sadd.s32 @!p0 $0x88, s6;
	s7 =	simm.s32 @p2 $0x1082  }
0x22: {  	[simem:s7], [sflag:s8] =	dma.local @!p0 [hbm:s6], $0xF7A  }
0x23: {  	s9 =	sor.u32 $0xD0000000, s2;
	s6 =	simm.s32 $0x108;
	_ =	swait.ge @!p0 [sflag:s8], $0x0  }
0x24: {  	s3 =	sadd.s32 $0x88, s3;
	s6 =	simm.s32 @!p1 $0x1082;
	[sflag:s4] =	ssyncset.s32 $0xFFFFF086  }
0x25: {  	[simem:s6], [sflag:s4] =	dma.local [hbm:s3], $0xF7A  }
0x26: {  	[smem:$0x3F92] =	sst s1;
	(tag) =	ssettag s2;
	_ =	strace s9  }
0x27: {  	s1 =	sld [smem:$0x3FA2]  }
0x28: {  	s2 =	sld [smem:$0x3FA3]  }
0x29: {  	s4 =	sld [smem:$0x3FA5]  }
0x2a: {  	p0 =	seq.s32 s5, $0x0;
	s5 =	sld [smem:$0x3FA6]  }
0x2b: {  	s6 =	sld [smem:$0x3FA7]  }
0x2c: {  	s7 =	sld [smem:$0x3FA8]  }
0x2d: {  	s3 =	simm.s32 $0x108;
	s8 =	sld [smem:$0x3FA9]  }
0x2e: {  	s3 =	simm.s32 @!p0 $0x1082;
	s9 =	sld [smem:$0x3FAA]  }
0x2f: {  	lr =	sadd.s32 s0, s3;
	s0 =	sld [smem:$0x3FA1]  }
0x30: {  	s3 =	sld [smem:$0x3FA4]  }
0x31: {  	[smem:$0x3FAD] =	sst s10  }
0x32: {  	s10 =	sld [smem:$0x3FAB];
	_ =	sdelay $0x3  }
0x33: {  	p0 =	seq.s32 s10, $0x1;
	s10 =	sld [smem:$0x3FAD];
	_ =	sdelay $0x3  }
0x34: {  	[smem:$0x3FAD] =	sst s10  }
0x35: {  	s10 =	sld [smem:$0x3FAC];
	_ =	sdelay $0x3  }
0x36: {  	p1 =	seq.s32 s10, $0x1;
	s10 =	sld [smem:$0x3FAD];
	_ =	sdelay $0x3  }
0x37: {  	[smem:$0x3FAD] =	sst s10  }
0x38: {  	s10 =	sld [smem:$0x3FAE]  }
0x39: {  	_ = 	snop;
	(pc) =	sbr.ind lr, $3  }
0x3a: {  	_ = 	snop  }
0x3b: {  	_ = 	snop  }
0x3c: {  	p2 =	seq.s32 s10, $0x1;
	s10 =	sld [smem:$0x3FAD]  }
0x3d: {  	_ =	shalt  }
0x3e: {  	_ =	shalt  }
0x3f: {  	_ =	shalt  }
0x40: {  	_ =	shalt  }
0x41: {  	_ =	shalt  }
0x42: {  	_ =	shalt  }
0x43: {  	_ =	shalt  }
0x44: {  	_ =	shalt  }
0x45: {  	_ =	shalt  }
0x46: {  	_ =	shalt  }
0x47: {  	_ =	shalt  }
0x48: {  	_ =	shalt  }
0x49: {  	_ =	shalt  }
0x4a: {  	_ =	shalt  }
0x4b: {  	_ =	shalt  }
0x4c: {  	_ =	shalt  }
0x4d: {  	_ =	shalt  }
0x4e: {  	_ =	shalt  }
0x4f: {  	_ =	shalt  }
0x50: {  	_ =	shalt  }
0x51: {  	_ =	shalt  }
0x52: {  	_ =	shalt  }
0x53: {  	_ =	shalt  }
0x54: {  	_ =	shalt  }
0x55: {  	_ =	shalt  }
0x56: {  	_ =	shalt  }
0x57: {  	_ =	shalt  }
0x58: {  	_ =	shalt  }
0x59: {  	_ =	shalt  }
0x5a: {  	_ =	shalt  }
0x5b: {  	_ =	shalt  }
0x5c: {  	_ =	shalt  }
0x5d: {  	_ =	shalt  }
0x5e: {  	_ =	shalt  }
0x5f: {  	_ =	shalt  }
0x60: {  	_ =	shalt  }
0x61: {  	_ =	shalt  }
0x62: {  	_ =	shalt  }
0x63: {  	_ =	shalt  }
0x64: {  	_ =	shalt  }
0x65: {  	_ =	shalt  }
0x66: {  	_ =	shalt  }
0x67: {  	_ =	shalt  }
0x68: {  	_ =	shalt  }
0x69: {  	_ =	shalt  }
0x6a: {  	_ =	shalt  }
0x6b: {  	_ =	shalt  }
0x6c: {  	_ =	shalt  }
0x6d: {  	_ =	shalt  }
0x6e: {  	_ =	shalt  }
0x6f: {  	_ =	shalt  }
0x70: {  	_ =	shalt  }
0x71: {  	_ =	shalt  }
0x72: {  	_ =	shalt  }
0x73: {  	_ =	shalt  }
0x74: {  	_ =	shalt  }
0x75: {  	_ =	shalt  }
0x76: {  	_ =	shalt  }
0x77: {  	_ =	shalt  }
0x78: {  	_ =	shalt  }
0x79: {  	_ =	shalt  }
0x7a: {  	_ =	shalt  }
0x7b: {  	_ =	shalt  }
0x7c: {  	_ =	shalt  }
0x7d: {  	_ =	shalt  }
0x7e: {  	_ =	shalt  }
0x7f: {  	_ =	shalt  }
0x80: {  	_ =	shalt  }
0x81: {  	_ =	shalt  }
0x82: {  	_ =	shalt  }
0x83: {  	_ =	shalt  }
0x84: {  	_ =	shalt  }
0x85: {  	_ =	shalt  }
0x86: {  	_ =	shalt  }
0x87: {  	_ =	shalt  }
.Lfunc_end0:
.L_simem_size_0:
called_computation_lowered:
.L_overlay_start_0:
0x88: {  	s2 =	sld [smem:$0x3FD9]  }
0x89: {  	s3 =	sld [smem:$0x3FFE];
	_ =	sdelay $0x1  }
0x8a: {  	s1 =	srdreg.scid  }
0x8b: {  	s0 =	sand.u32 $0x1, s1  }
0x8c: {  	s16 =	sshll.u32 s0, $0xA;
	s2 =	sadd.s32 s3, s2  }
0x8d: {  	s2 =	sadd.s32 s2, s16  }
0x8e: {  	[smem:$0x3FB9] =	sst s2  }
0x8f: {  	_ = 	snop  }
0x90: {  	(tm) =	ssettm $0x1  }
0x91: {  	s17 =	sld [smem:$0x3FFB];
	_ =	sdelay $0x3  }
0x92: {  	_ =	strace s17  }
0x93: {  	s2 =	sld [smem:$0x3FFC];
	_ =	sdelay $0x3  }
0x94: {  	_ =	strace s2  }
0x95: {  	s2 =	sld [smem:$0x3FFD];
	_ =	sdelay $0x3  }
0x96: {  	_ =	strace s2  }
0x97: {  	_ =	strace $0x8FFFFFFF  }
0x98: {  	s18 =	sld [smem:$0x3FDB];
	_ =	sdelay $0x1  }
0x99: {  	s19 =	simm.s32 $_scs_section_size  }
0x9a: {  	s4 =	simm.s32 $_size__tile_overlayer_lowered;
	s5 =	simm.s32 $_tile_overlayer_lowered  }
0x9b: {  	s22 =	simm.s32 $0x1BFF;
	s21 =	sshll.u32 s5, $0x1;
	s2 =	sadd.s32 s19, s18  }
0x9c: {  	s6 =	simm.s32 $0x0;
	s20 =	sshll.u32 s4, $0x1;
	s4 =	sadd.s32 s21, s2  }
0x9d: {  	[timem:s6], [sflag:s22] =	dma.local [hbm:s4], s20  }
0x9e: {  	_ =	swait.ge [sflag:s22], s20  }
0x9f: {  	s3 =	ssub.s32 $0x0, s20;
	[sflag:s22] =	ssyncset.done $0x0  }
0xa0: {  	[sflag:s22] =	ssyncadd.s32 s3;
	_ =	sdelay $0x1  }
0xa1: {  	s23 =	simm.s32 $0x1B8B  }
0xa2: {  	_ =	swait.ge [sflag:s23], $0x1  }
0xa3: {  	[sflag:s23] =	ssyncset.done $0x0  }
0xa4: {  	s25 =	simm.s32 $0x1B8E;
	s24 =	sld [smem:$0x3FFE];
	[sflag:s23] =	ssyncadd.s32 $0xFFFFFFFF  }
0xa5: {  	s26 =	simm.s32 $execute0_lowered;
	[smem:$0x3FD2] =	sst s25  }
0xa6: {  	s4 =	sshll.u32 s26, $0x1;
	_ =	strace $0x80000046;
	[dreg:$0x1] =	wrdreg $0xFFFFFFFF  }
0xa7: {  	s28 =	simm.s32 $_size_execute0_lowered;
	s2 =	sadd.s32 s2, s4;
	[dreg:$0x0] =	wrdreg $0x0  }
0xa8: {  	s4 =	sshll.u32 s28, $0x1;
	[dreg:$0x2] =	wrdreg s2  }
0xa9: {  	[dreg:$0x3] =	wrdreg s4  }
0xaa: {  	[dreg:$0x4] =	wrdreg $0xC0  }
0xab: {  	_ =	task [dreg:s6], $0x5FFFF  }
0xac: {  	[dreg:$0x1] =	wrdreg $0xFFFFFFFF  }
0xad: {  	[dreg:$0x0] =	wrdreg $0x60  }
0xae: {  	[dreg:$0x2] =	wrdreg s24  }
0xaf: {  	[dreg:$0x3] =	wrdreg $0x9  }
0xb0: {  	_ =	task.clear_ibuf [dreg:s6], $0x4FFFF;
	_ =	strace $0x90000046  }
0xb1: {  	s29 =	simm.s32 $0x9;
	_ =	strace $0x80000048  }
0xb2: {  	_ =	swait.ge [sflag:s29], $0x1  }
0xb3: {  	[sflag:s29] =	ssyncadd.s32 $0xFFFFFFFF  }
0xb4: {  	_ =	strace $0x90000048  }
0xb5: {  	_ =	sfence  }
0xb6: {  	s30 =	sld [smem:$0x0];
	_ =	sdelay $0x2  }
0xb7: {  	s31 =	sshll.u32 s1, $0xD;
	s1 =	sshrl.u32 s1, $0x2  }
0xb8: {  	s3 =	sand.u32 $0x4000, s31;
	s1 =	sadd.s32 s1, s30  }
0xb9: {  	s0 =	sor.u32 s3, s0;
	s1 =	sshll.u32 s1, $0x11  }
0xba: {  	s0 =	sor.u32 s1, s0  }
0xbb: {  	s0 =	sadd.s32 $0x8F2B, s0  }
0xbc: {  	[sflag:s0] =	ssyncadd.remote.s32 $0x1  }
0xbd: {  	_ =	sfence.sel $0xFFFF  }
0xbe: {  	[dreg:$0x0] =	wrdreg $0xFFFFFFFF;
	(pc) =	sbr.abs _section_cstart, $3  }
0xbf: {  	[dreg:$0x1] =	wrdreg $0xFFFFFFFF  }
0xc0: {  	_ =	task.clear_ibuf [dreg:s6], $0x2FFFF;
	_ =	strace $0x9FFFFFFF  }
0xc1: {  	(tm) =	ssettm $0x7FFFFFFF  }
tec
execute0_lowered:
.L_overlay_start_1:
0x0: {  	(tag) =	ssettag $0x1  }
0x1: {  	s4 =	rddreg [dreg:$0x0]  }
0x2: {  	s0 =	rddreg [dreg:$0x1];
	s2 =	simm.s32 $0x0  }
0x3: {  	s3 =	srdreg.scid;
	s1 =	stileid.u32;
	s10 =	simm.s32 $0x1  }
0x4: {  	s11 =	simm.s32 $0x80;
	s12 =	simm.s32 $0x400;
	s13 =	simm.s32 $0x0  }
0x5: {  	[smem:$0x7FF] =	sst s2;
	s5 =	sand.u32 $0x1, s3;
	s31 =	sshrl.u32 s1, $0x3  }
0x6: {  	s8 =	sshll.u32 s1, $0x7;
	s3 =	sadd.s32 $0x2400, s4;
	s4 =	sadd.s32 $0x42400, s4  }
0x7: {  	_ =	strace $0x80000047;
	s6 =	ssub.s32 $0x2, s5;
	s7 =	smul.u32 $0x14000, s31  }
0x8: {  	s8 =	sand.u32 $0x380, s8;
	s5 =	sshll.u32 s5, $0x1;
	s9 =	sshrl.u32 s6, $0x1  }
0x9: {  	s9 =	ssub.s32 s6, s9;
	s7 =	sor.u32 s8, s7;
	s6 =	sshll.u32 s1, $0xC  }
0xa: {  	v0 =	vimm.f32 $0.0e+00;
	v1 =	vimm.f32 $1.000000000e+00;
	s7 =	sshrl.u32 s7, $0x3;
	s8 =	smax.u32 s9, $0x1;
	s9 =	simm.s32 $0x2800  }
.LBB2_1:
0xb: {  	p1 =	por $0x1, $0x1;
	s14 =	simm.s32 $0x0  }
.LBB2_2:
0xc: {  	p0 =	por p1, p1;
	s15 =	simm.s32 $0x40;
	s16 =	simm.s32 $0x0  }
.LBB2_3:
0xd: {  	p1 =	sne.s32 s15, $0x9FC0;
	[tilespmem:s16+$0x0] =	vst v0;
	s16 =	smov.u32 s15;
	s15 =	sadd.s32 $0x40, s15  }
.Ltmp0:
0xe: {  	(pc) =	sbr.rel @p1 .LBB2_3-.Ltmp0, $2  }
0xf: {  	_ =	sdelay $0x2  }
0x10: {  	s16 =	sshra.s32 s16, $0x2  }
0x11: {  	s15 =	simm.s32 $0x0  }
0x12: {  	s14 =	sor.u32 s5, s14;
	s17 =	smul.u32 $0xCCCD, s15  }
0x13: {  	s18 =	sshll.u32 s14, $0x10  }
0x14: {  	s18 =	sadd.s32 s3, s18;
	s17 =	sshrl.u32 s17, $0x12  }
0x15: {  	[tilespmem:s16+$0x0] =	vst v0;
	s25 =	sadd.s32 s6, s18;
	s26 =	smul.u32 $0x5, s17  }
0x16: {  	[tilespmem:s9], [sflag:$0x1] =	stream.linear.gather [hbm4b:s25+s15], $0x7D00, $0x38;
	[tilespmem:$0xA800] =	vst v63  }
0x17: {  	s28 =	ssub.s32 $0x0, s26  }
0x18: {  	_ =	swait.ge [sflag:s10], $0x7D00;
	s15 =	sand.u32 $0xFFFF, s28  }
0x19: {  	s29 =	sshll.u32 s17, $0x7;
	[sflag:s10] =	ssyncset.done $0x0;
	s30 =	sshll.u32 s15, $0x4  }
0x1a: {  	[sflag:s10] =	ssyncadd.s32 $0xFFFF8300;
	s15 =	simm.s32 $0x1;
	s31 =	sor.u32 s30, s29  }
0x1b: {  	s16 =	simm.s32 $0x2;
	s17 =	smul.u32 $0xCCCD, s15;
	v2 =	vld [tilespmem:s31+$0x2800]  }
.LBB2_5:
0x1c: {  	p1 =	sne.s32 s16, $0x4E1  }
0x1d: {  	s17 =	sshrl.u32 s17, $0x12  }
0x1e: {  	s18 =	smul.u32 $0x5, s17;
	_ =	sdelay $0x1  }
.Ltmp1:
0x1f: {  	s18 =	ssub.s32 s15, s18;
	s15 =	smov.u32 s16;
	(pc) =	sbr.rel @p1 .LBB2_5-.Ltmp1, $4  }
0x20: {  	s18 =	sand.u32 $0xFFFF, s18  }
0x21: {  	s17 =	sshll.u32 s17, $0x7;
	s18 =	sshll.u32 s18, $0x4  }
0x22: {  	s18 =	sor.u32 s18, s17;
	[tilespmem:v2+s2+$0x0] =	vst.idx.add.f32.msk $0xffff, v1  }
0x23: {  	s16 =	sadd.s32 $0x1, s16;
	s17 =	smul.u32 $0xCCCD, s15;
	v2 =	vld [tilespmem:s18+$0x2800]  }
0x24: {  	_ =	sdelay $0x1  }
0x25: {  	s16 =	sshrl.u32 s17, $0x12  }
0x26: {  	s17 =	smul.u32 $0x5, s16;
	_ =	sdelay $0x1  }
0x27: {  	s15 =	ssub.s32 s15, s17  }
0x28: {  	s15 =	sand.u32 $0xFFFF, s15  }
0x29: {  	s16 =	sshll.u32 s16, $0x7;
	s15 =	sshll.u32 s15, $0x4  }
0x2a: {  	[tilespmem:v2+s2+$0x0] =	vst.idx.add.f32.msk $0xffff, v1;
	s15 =	sor.u32 s15, s16  }
0x2b: {  	v2 =	vld [tilespmem:s15+$0x2800];
	_ =	sdelay $0x4  }
0x2c: {  	s14 =	smul.u32 $0x5000, s14;
	_ =	sdelay $0x1  }
0x2d: {  	s14 =	sadd.s32 s4, s14  }
0x2e: {  	s14 =	sadd.s32 s7, s14;
	[tilespmem:v2+s2+$0x0] =	vst.idx.add.f32.msk $0xffff, v1  }
0x2f: {  	[hbm4b:s14+s11] =	stream.strided.scatter [tilespmem:s2], [sflag:$0x1], $0x2800, s12, s11, $0x38;
	[tilespmem:$0xA800] =	vst v63  }
.Ltmp2:
0x30: {  	_ = 	snop;
	(pc) =	sbr.rel @p0 .LBB2_2-.Ltmp2, $4  }
0x31: {  	s14 =	simm.s32 $0x1  }
0x32: {  	_ =	swait.ge [sflag:s14], $0x2800  }
0x33: {  	[sflag:s14] =	ssyncset.done $0x0  }
0x34: {  	p1 =	por $0x0, $0x0;
	[sflag:s14] =	ssyncadd.s32 $0xFFFFD800  }
0x35: {  	s13 =	sadd.s32 $0x1, s13  }
0x36: {  	p0 =	sne.s32 s13, s8  }
.Ltmp3:
0x37: {  	_ = 	snop;
	(pc) =	sbr.rel @p0 .LBB2_1-.Ltmp3, $1  }
0x38: {  	_ =	sdelay $0x3  }
0x39: {  	_ =	sfence.sel $0x180000  }
0x3a: {  	[bflag:$0x0] =	sbarrier.arrive $0xFFFF  }
0x3b: {  	p0 =	sne.s32 s1, $0x0;
	_ =	strace $0x90000047  }
0x3c: {  	s0 =	sadd.s32 @!p0 $0x100000, s0;
	[bflag:$0x2] =	sbarrier.arrive $0xFFFF  }
0x3d: {  	[sflag:s0] =	ssyncadd.tile.s32 @!p0 $0x1;
	_ =	shalt  }
.Lfunc_end2:
_tile_overlayer_lowered:
.L_overlay_start_2:
0x3e: {  	(tag) =	ssettag $0x2  }
0x3f: {  	s0 =	rddreg [dreg:$0x0];
	s2 =	stileid.u32  }
0x40: {  	s1 =	rddreg [dreg:$0x1];
	p0 =	sne.s32 s2, $0x0  }
0x41: {  	s3 =	rddreg [dreg:$0x2];
	[bflag:$0x3] =	sbarrier.arrive $0xFFFF;
	s2 =	simm.s32 @!p0 $0x1C01  }
0x42: {  	[timem:s3], [sflag:s2] =	dma.local @!p0 [hbm:s0], s1  }
0x43: {  	s0 =	simm.s32 @!p0 $0x1  }
0x44: {  	_ =	swait.ge @!p0 [sflag:s0], s1  }
0x45: {  	s1 =	ssub.s32 @!p0 $0x0, s1;
	[sflag:s0] =	ssyncset.done @!p0 $0x0  }
0x46: {  	[sflag:s0] =	ssyncadd.s32 @!p0 s1  }
0x47: {  	[bflag:$0x3] =	sbarrier.arrive $0xFFFF  }
0x48: {  	_ =	shalt  }

</sc_bundles>
